<compile_context>
chip_gen: v7x
topology: tpu7x:2x2x1
jax: 0.10.2.dev20260603
libtpu: 0.0.44.dev20260713+nightly
codegen_flags: <defaults>
</compile_context>

<pallas_src>
import jax
import jax.numpy as jnp
from jax import lax
from jax.experimental import pallas as pl
from jax.experimental.pallas import tpu as pltpu
from jax.experimental.pallas import tpu_sc as plsc

N = 10000
E = 320000
IN_C = 128
HID_C = 256
OUT_C = 128

NC = 2
NS = 16
NW = NC * NS
EPW = E // NW
CHK = 80
K = 125
G = 25
NG = K // G
NPAD = 10112
RPT = NPAD // NS
NPAD_D = 10240
RPT_D = NPAD_D // NS

_mesh = plsc.VectorSubcoreMesh(
    core_axis_name="c", subcore_axis_name="s", num_cores=NC, num_subcores=NS
)


def _seg_body(data, src3, dst3, znd,
              parts,
              sgrp, dgrp, r0, r1, r2, r3, acc,
              sg0, sg1, sg2, sg3, ss0, ss1, ss2, ss3):
    c = lax.axis_index("c")
    s = lax.axis_index("s")
    wid = s * NC + c
    rb = s * RPT
    bufs = (r0, r1, r2, r3)
    gsems = (sg0, sg1, sg2, sg3)
    ssems = (ss0, ss1, ss2, ss3)

    pltpu.sync_copy(znd.at[pl.ds(rb, RPT)], acc.at[pl.ds(rb, RPT)])
    plsc.subcore_barrier()

    def group(g, carry):
        pltpu.sync_copy(src3.at[wid, g], sgrp)
        pltpu.sync_copy(dst3.at[wid, g], dgrp)
        pend_g = {
            b: pltpu.async_copy(data.at[sgrp.at[b]], bufs[b], gsems[b])
            for b in range(4)
        }
        for u in range(G):
            b = u % 4
            pend_g[u].wait()
            pltpu.sync_copy(bufs[b], acc.at[dgrp.at[u]], add=True)
            if u + 4 < G:
                pend_g[u + 4] = pltpu.async_copy(
                    data.at[sgrp.at[u + 4]], bufs[b], gsems[b])
        return carry

    lax.fori_loop(0, NG, group, 0)
    plsc.subcore_barrier()

    pltpu.sync_copy(acc.at[pl.ds(rb, RPT)], parts.at[c, pl.ds(rb, RPT)])


_seg_sum = pl.kernel(
    _seg_body,
    out_type=jax.ShapeDtypeStruct((NC, NPAD, IN_C), jnp.float32),
    mesh=_mesh,
    scratch_types=[
        pltpu.VMEM((G, CHK), jnp.int32),
        pltpu.VMEM((G, CHK), jnp.int32),
        pltpu.VMEM((CHK, IN_C), jnp.float32),
        pltpu.VMEM((CHK, IN_C), jnp.float32),
        pltpu.VMEM((CHK, IN_C), jnp.float32),
        pltpu.VMEM((CHK, IN_C), jnp.float32),
        pltpu.VMEM_SHARED((NPAD, IN_C), jnp.float32),
        pltpu.SemaphoreType.DMA,
        pltpu.SemaphoreType.DMA,
        pltpu.SemaphoreType.DMA,
        pltpu.SemaphoreType.DMA,
        pltpu.SemaphoreType.DMA,
        pltpu.SemaphoreType.DMA,
        pltpu.SemaphoreType.DMA,
        pltpu.SemaphoreType.DMA,
    ],
)


def _deg_body(dst2, zn,
              degp,
              didx, hist, hsum, degv, dstage):
    c = lax.axis_index("c")
    s = lax.axis_index("s")
    wid = s * NC + c
    rb = s * RPT_D

    pltpu.sync_copy(zn, hist)
    pltpu.sync_copy(dst2.at[wid], didx)
    onesv = jnp.ones((16,), jnp.float32)

    def it(i, carry):
        idxv = didx[pl.ds(i * 16, 16)]
        plsc.addupdate_scatter(hist, [idxv], onesv)
        return carry

    lax.fori_loop(0, EPW // 16, it, 0)
    pltpu.sync_copy(hist, dstage.at[s])
    plsc.subcore_barrier()
    pltpu.sync_copy(dstage.at[:, pl.ds(rb, RPT_D)], hsum)

    def red(k, carry):
        v = hsum[0, pl.ds(16 * k, 16)]
        for t in range(1, NS):
            v = v + hsum[t, pl.ds(16 * k, 16)]
        degv[pl.ds(16 * k, 16)] = v
        return carry

    lax.fori_loop(0, RPT_D // 16, red, 0)
    pltpu.sync_copy(degv, degp.at[c, pl.ds(rb, RPT_D)])


_deg_sum = pl.kernel(
    _deg_body,
    out_type=jax.ShapeDtypeStruct((NC, NPAD_D), jnp.float32),
    mesh=_mesh,
    scratch_types=[
        pltpu.VMEM((EPW,), jnp.int32),
        pltpu.VMEM((NPAD_D,), jnp.float32),
        pltpu.VMEM((NS, RPT_D), jnp.float32),
        pltpu.VMEM((RPT_D,), jnp.float32),
        pltpu.VMEM_SHARED((NS, NPAD_D), jnp.float32),
    ],
    compiler_params=pltpu.CompilerParams(needs_layout_passes=False),
)

BL = 1000


def _tcr_body(x_ref, w1r_ref, b1_ref, xr_ref):
    xr_ref[...] = (jnp.dot(x_ref[...], w1r_ref[...],
                           preferred_element_type=jnp.float32) + b1_ref[...])


_tcr = pl.pallas_call(
    _tcr_body,
    grid=(N // BL,),
    in_specs=[
        pl.BlockSpec((BL, IN_C), lambda i: (i, 0)),
        pl.BlockSpec((IN_C, HID_C), lambda i: (0, 0)),
        pl.BlockSpec((1, HID_C), lambda i: (0, 0)),
    ],
    out_specs=pl.BlockSpec((BL, HID_C), lambda i: (i, 0)),
    out_shape=jax.ShapeDtypeStruct((N, HID_C), jnp.float32),
)


def _tc1_body(xr_ref, sp_ref, dp_ref, w1l_ref, w2l_ref, w2r_ref,
              p_ref, r_ref):
    deg = dp_ref[0] + dp_ref[1]
    rdeg = 1.0 / jnp.maximum(deg, 1.0)
    mean = (sp_ref[0] + sp_ref[1]) * rdeg
    h = (jnp.dot(mean, w1l_ref[...], preferred_element_type=jnp.float32)
         + xr_ref[...])
    h = jnp.maximum(h, 0.0)
    p_ref[...] = jnp.dot(h, w2l_ref[...], preferred_element_type=jnp.float32)
    r_ref[...] = jnp.dot(h, w2r_ref[...], preferred_element_type=jnp.float32)


_tc1 = pl.pallas_call(
    _tc1_body,
    grid=(N // BL,),
    in_specs=[
        pl.BlockSpec((BL, HID_C), lambda i: (i, 0)),
        pl.BlockSpec((NC, BL, IN_C), lambda i: (0, i, 0)),
        pl.BlockSpec((NC, BL, 1), lambda i: (0, i, 0)),
        pl.BlockSpec((IN_C, HID_C), lambda i: (0, 0)),
        pl.BlockSpec((HID_C, OUT_C), lambda i: (0, 0)),
        pl.BlockSpec((HID_C, OUT_C), lambda i: (0, 0)),
    ],
    out_specs=(
        pl.BlockSpec((BL, OUT_C), lambda i: (i, 0)),
        pl.BlockSpec((BL, OUT_C), lambda i: (i, 0)),
    ),
    out_shape=(
        jax.ShapeDtypeStruct((N, OUT_C), jnp.float32),
        jax.ShapeDtypeStruct((N, OUT_C), jnp.float32),
    ),
)


def _tc2_body(sp_ref, dp_ref, r_ref, b2_ref, o_ref):
    deg = dp_ref[0] + dp_ref[1]
    rdeg = 1.0 / jnp.maximum(deg, 1.0)
    o_ref[...] = (sp_ref[0] + sp_ref[1]) * rdeg + r_ref[...] + b2_ref[...]


_tc2 = pl.pallas_call(
    _tc2_body,
    grid=(N // BL,),
    in_specs=[
        pl.BlockSpec((NC, BL, OUT_C), lambda i: (0, i, 0)),
        pl.BlockSpec((NC, BL, 1), lambda i: (0, i, 0)),
        pl.BlockSpec((BL, OUT_C), lambda i: (i, 0)),
        pl.BlockSpec((1, OUT_C), lambda i: (0, 0)),
    ],
    out_specs=pl.BlockSpec((BL, OUT_C), lambda i: (i, 0)),
    out_shape=jax.ShapeDtypeStruct((N, OUT_C), jnp.float32),
)


def kernel(x, edge_index, W1_l, b1, W1_r, W2_l, b2, W2_r):
    src3 = edge_index[0].reshape(NW, NG, G, CHK)
    dst3 = edge_index[1].reshape(NW, NG, G, CHK)
    znd = jnp.zeros((NPAD, IN_C), jnp.float32)
    zn = jnp.zeros((NPAD_D,), jnp.float32)

    xr = _tcr(x, W1_r, b1.reshape(1, HID_C))
    degp = _deg_sum(edge_index[1].reshape(NW, EPW), zn).reshape(NC, NPAD_D, 1)
    s1p = _seg_sum(x, src3, dst3, znd)
    p, r = _tc1(xr, s1p, degp, W1_l, W2_l, W2_r)
    s2p = _seg_sum(p, src3, dst3, znd)
    return _tc2(s2p, degp, r, b2.reshape(1, OUT_C))

# --- scband reference (transcript-rebuilt; emitter-appended) ---
"""Pipeline reference for scband-graph-sage-1236950581709 (READ-ONLY COPY).

The authoritative reference and input builder live on the scoring server;
editing this copy changes nothing except your own understanding.
"""

import jax, jax.numpy as jnp
import numpy as np

N = 10000
E = 320000
IN_C = 128
HID_C = 256
OUT_C = 128


def _glorot(key, shape):
    fan_in = shape[0]
    s = 1.0 / np.sqrt(fan_in)
    return jax.random.uniform(key, shape, minval=-s, maxval=s, dtype=jnp.float32)


def setup_inputs(seed: int = 0) -> dict:
    key = jax.random.key(seed)
    ks = jax.random.split(key, 8)
    x = jax.random.normal(ks[0], (N, IN_C), dtype=jnp.float32)
    edge_index = jax.random.randint(ks[1], (2, E), 0, N, dtype=jnp.int32)
    W1_l = _glorot(ks[2], (IN_C, HID_C))
    b1 = jnp.zeros((HID_C,), dtype=jnp.float32)
    W1_r = _glorot(ks[3], (IN_C, HID_C))
    W2_l = _glorot(ks[4], (HID_C, OUT_C))
    b2 = jnp.zeros((OUT_C,), dtype=jnp.float32)
    W2_r = _glorot(ks[5], (HID_C, OUT_C))
    return {"x": x, "edge_index": edge_index, "W1_l": W1_l, "b1": b1, "W1_r": W1_r, "W2_l": W2_l, "b2": b2, "W2_r": W2_r}


def _sage_conv(x, src, dst, W_l, b_l, W_r):
    # PyG SAGEConv with mean aggregation:
    # out = lin_l(mean_{j in N(i)} x_j) + lin_r(x_i)
    msgs = jnp.take(x, src, axis=0)
    summed = jax.ops.segment_sum(msgs, dst, num_segments=N)
    deg = jax.ops.segment_sum(jnp.ones((src.shape[0],), dtype=x.dtype), dst, num_segments=N)
    mean = summed / jnp.clip(deg, 1.0, None)[:, None]
    return mean @ W_l + b_l + x @ W_r


def reference(x, edge_index, W1_l, b1, W1_r, W2_l, b2, W2_r):
    src = edge_index[0]
    dst = edge_index[1]
    h = jax.nn.relu(_sage_conv(x, src, dst, W1_l, b1, W1_r))
    out = _sage_conv(h, src, dst, W2_l, b2, W2_r)
    return jnp.squeeze(out)

if __name__ == "__main__":
    import jax
    _d = setup_inputs()
    print(jax.jit(kernel)(*tuple(_d.values())))

</pallas_src>

<mosaic_0001>
#map = affine_map<(d0, d1) -> (0, 0)>
#map1 = affine_map<(d0, d1) -> (0)>
module attributes {stable_mosaic.version = 14 : i64} {
  func.func @_deg_body(%arg0: i32, %arg1: i32, %arg2: memref<32x10000xi32, #tpu.memory_space<hbm>>, %arg3: memref<10240xf32, #tpu.memory_space<hbm>>, %arg4: memref<2x10240xf32, #tpu.memory_space<hbm>>, %arg5: memref<10000xi32, #tpu.memory_space<vmem>>, %arg6: memref<10240xf32, #tpu.memory_space<vmem>>, %arg7: memref<16x640xf32, #tpu.memory_space<vmem>>, %arg8: memref<640xf32, #tpu.memory_space<vmem>>, %arg9: memref<16x10240xf32, #tpu.memory_space<vmem_shared>>) attributes {dimension_semantics = [#tpu.dimension_semantics<core_parallel>, #tpu.dimension_semantics<subcore_parallel>], iteration_bounds = array<i64: 2, 16>, scalar_prefetch = 0 : i64, scratch_operands = 5 : i64, tpu.core_type = #tpu.core_type<sc_vector_subcore>, window_params = [{transform_indices = #map}, {transform_indices = #map1}, {transform_indices = #map}]} {
    %mul3A = arith.constant 2 : i32
    %mul3A_0 = arith.muli %arg1, %mul3A : i32
    %add3A = arith.addi %mul3A_0, %arg0 : i32
    %mul3A_1 = arith.constant 640 : i32
    %mul3A_2 = arith.muli %arg1, %mul3A_1 : i32
    "tpu.region"() ({
      %run_scoped3A = tpu.sem_alloc : memref<!tpu.dma_semaphore, #tpu.memory_space<semaphore_mem>>
      tpu.enqueue_dma source(%arg3 : memref<10240xf32, #tpu.memory_space<hbm>>) target(%arg6 : memref<10240xf32, #tpu.memory_space<vmem>>) target_semaphore(%run_scoped3A : memref<!tpu.dma_semaphore, #tpu.memory_space<semaphore_mem>>)
      tpu.wait_dma2 semaphore(%run_scoped3A : memref<!tpu.dma_semaphore, #tpu.memory_space<semaphore_mem>>) src(%arg3 : memref<10240xf32, #tpu.memory_space<hbm>>) dst(%arg6 : memref<10240xf32, #tpu.memory_space<vmem>>)
      tpu.yield
    }) : () -> ()
    "tpu.region"() ({
      %run_scoped3A = tpu.sem_alloc : memref<!tpu.dma_semaphore, #tpu.memory_space<semaphore_mem>>
      %dma_start3A = arith.constant 0 : i32
      %dma_start3A_15 = tpu.memref_slice %arg2[%add3A, %dma_start3A] : memref<32x10000xi32, #tpu.memory_space<hbm>> -> memref<1x10000xi32, #tpu.memory_space<hbm>>
      %dma_start3A_16 = tpu.memref_squeeze %dma_start3A_15 : memref<1x10000xi32, #tpu.memory_space<hbm>> -> memref<10000xi32, #tpu.memory_space<hbm>>
      %dma_start3A_17 = arith.constant 0 : i32
      %dma_start3A_18 = tpu.memref_slice %arg2[%add3A, %dma_start3A_17] : memref<32x10000xi32, #tpu.memory_space<hbm>> -> memref<1x10000xi32, #tpu.memory_space<hbm>>
      %dma_start3A_19 = tpu.memref_squeeze %dma_start3A_18 : memref<1x10000xi32, #tpu.memory_space<hbm>> -> memref<10000xi32, #tpu.memory_space<hbm>>
      tpu.enqueue_dma source(%dma_start3A_19 : memref<10000xi32, #tpu.memory_space<hbm>>) target(%arg5 : memref<10000xi32, #tpu.memory_space<vmem>>) target_semaphore(%run_scoped3A : memref<!tpu.dma_semaphore, #tpu.memory_space<semaphore_mem>>)
      %dma_wait3A = arith.constant 0 : i32
      %dma_wait3A_20 = tpu.memref_slice %arg2[%add3A, %dma_wait3A] : memref<32x10000xi32, #tpu.memory_space<hbm>> -> memref<1x10000xi32, #tpu.memory_space<hbm>>
      %dma_wait3A_21 = tpu.memref_squeeze %dma_wait3A_20 : memref<1x10000xi32, #tpu.memory_space<hbm>> -> memref<10000xi32, #tpu.memory_space<hbm>>
      %dma_wait3A_22 = arith.constant 0 : i32
      %dma_wait3A_23 = tpu.memref_slice %arg2[%add3A, %dma_wait3A_22] : memref<32x10000xi32, #tpu.memory_space<hbm>> -> memref<1x10000xi32, #tpu.memory_space<hbm>>
      %dma_wait3A_24 = tpu.memref_squeeze %dma_wait3A_23 : memref<1x10000xi32, #tpu.memory_space<hbm>> -> memref<10000xi32, #tpu.memory_space<hbm>>
      tpu.wait_dma2 semaphore(%run_scoped3A : memref<!tpu.dma_semaphore, #tpu.memory_space<semaphore_mem>>) src(%dma_wait3A_24 : memref<10000xi32, #tpu.memory_space<hbm>>) dst(%arg5 : memref<10000xi32, #tpu.memory_space<vmem>>)
      tpu.yield
    }) : () -> ()
    %broadcast_in_dim3A = arith.constant 1.000000e+00 : f32
    %broadcast_in_dim3A_3 = vector.broadcast %broadcast_in_dim3A : f32 to vector<16xf32>
    %scan3A = arith.constant 0 : i32
    %scan3A_4 = arith.constant 0 : i32
    %scan3A_5 = arith.constant 625 : i32
    %scan3A_6 = arith.addi %scan3A_4, %scan3A_5 : i32
    %scan3A_7 = arith.constant 1 : i32
    scf.for %scan3A_15 = %scan3A_4 to %scan3A_6 step %scan3A_7  : i32 {
      %mul3A_16 = arith.constant 16 : i32
      %mul3A_17 = arith.muli %scan3A_15, %mul3A_16 : i32
      %get3A = arith.index_cast %mul3A_17 : i32 to index
      %get3A_18 = tpu.vector_load %arg5[%get3A] {strides = array<i32>} : memref<10000xi32, #tpu.memory_space<vmem>>, vector<16xi32>,
      tpu.vector_store_idx %arg6[%get3A_18], %broadcast_in_dim3A_3 {add = true} : memref<10240xf32, #tpu.memory_space<vmem>>[vector<16xi32>], vector<16xf32>,
    }
    %scan3A_8 = arith.constant 625 : i32
    "tpu.region"() ({
      %run_scoped3A = tpu.sem_alloc : memref<!tpu.dma_semaphore, #tpu.memory_space<semaphore_mem>>
      %dma_start3A = arith.constant 0 : i32
      %dma_start3A_15 = tpu.memref_slice %arg9[%arg1, %dma_start3A] : memref<16x10240xf32, #tpu.memory_space<vmem_shared>> -> memref<1x10240xf32, #tpu.memory_space<vmem_shared>>
      %dma_start3A_16 = tpu.memref_squeeze %dma_start3A_15 : memref<1x10240xf32, #tpu.memory_space<vmem_shared>> -> memref<10240xf32, #tpu.memory_space<vmem_shared>>
      %dma_start3A_17 = arith.constant 0 : i32
      %dma_start3A_18 = tpu.memref_slice %arg9[%arg1, %dma_start3A_17] : memref<16x10240xf32, #tpu.memory_space<vmem_shared>> -> memref<1x10240xf32, #tpu.memory_space<vmem_shared>>
      %dma_start3A_19 = tpu.memref_squeeze %dma_start3A_18 : memref<1x10240xf32, #tpu.memory_space<vmem_shared>> -> memref<10240xf32, #tpu.memory_space<vmem_shared>>
      tpu.enqueue_dma source(%arg6 : memref<10240xf32, #tpu.memory_space<vmem>>) target(%dma_start3A_19 : memref<10240xf32, #tpu.memory_space<vmem_shared>>) target_semaphore(%run_scoped3A : memref<!tpu.dma_semaphore, #tpu.memory_space<semaphore_mem>>)
      %dma_wait3A = arith.constant 0 : i32
      %dma_wait3A_20 = tpu.memref_slice %arg9[%arg1, %dma_wait3A] : memref<16x10240xf32, #tpu.memory_space<vmem_shared>> -> memref<1x10240xf32, #tpu.memory_space<vmem_shared>>
      %dma_wait3A_21 = tpu.memref_squeeze %dma_wait3A_20 : memref<1x10240xf32, #tpu.memory_space<vmem_shared>> -> memref<10240xf32, #tpu.memory_space<vmem_shared>>
      %dma_wait3A_22 = arith.constant 0 : i32
      %dma_wait3A_23 = tpu.memref_slice %arg9[%arg1, %dma_wait3A_22] : memref<16x10240xf32, #tpu.memory_space<vmem_shared>> -> memref<1x10240xf32, #tpu.memory_space<vmem_shared>>
      %dma_wait3A_24 = tpu.memref_squeeze %dma_wait3A_23 : memref<1x10240xf32, #tpu.memory_space<vmem_shared>> -> memref<10240xf32, #tpu.memory_space<vmem_shared>>
      tpu.wait_dma2 semaphore(%run_scoped3A : memref<!tpu.dma_semaphore, #tpu.memory_space<semaphore_mem>>) src(%arg6 : memref<10240xf32, #tpu.memory_space<vmem>>) dst(%dma_wait3A_24 : memref<10240xf32, #tpu.memory_space<vmem_shared>>)
      tpu.yield
    }) : () -> ()
    %barrier3A = arith.constant 0 : index
    tpu.barrier barrier_id(%barrier3A)
    "tpu.region"() ({
      %run_scoped3A = tpu.sem_alloc : memref<!tpu.dma_semaphore, #tpu.memory_space<semaphore_mem>>
      %dma_start3A = arith.constant 0 : i32
      %dma_start3A_15 = tpu.memref_slice %arg9[%dma_start3A, %mul3A_2] : memref<16x10240xf32, #tpu.memory_space<vmem_shared>> -> memref<16x640xf32, #tpu.memory_space<vmem_shared>>
      %dma_start3A_16 = arith.constant 0 : i32
      %dma_start3A_17 = tpu.memref_slice %arg9[%dma_start3A_16, %mul3A_2] : memref<16x10240xf32, #tpu.memory_space<vmem_shared>> -> memref<16x640xf32, #tpu.memory_space<vmem_shared>>
      tpu.enqueue_dma source(%dma_start3A_17 : memref<16x640xf32, #tpu.memory_space<vmem_shared>>) target(%arg7 : memref<16x640xf32, #tpu.memory_space<vmem>>) target_semaphore(%run_scoped3A : memref<!tpu.dma_semaphore, #tpu.memory_space<semaphore_mem>>)
      %dma_wait3A = arith.constant 0 : i32
      %dma_wait3A_18 = tpu.memref_slice %arg9[%dma_wait3A, %mul3A_2] : memref<16x10240xf32, #tpu.memory_space<vmem_shared>> -> memref<16x640xf32, #tpu.memory_space<vmem_shared>>
      %dma_wait3A_19 = arith.constant 0 : i32
      %dma_wait3A_20 = tpu.memref_slice %arg9[%dma_wait3A_19, %mul3A_2] : memref<16x10240xf32, #tpu.memory_space<vmem_shared>> -> memref<16x640xf32, #tpu.memory_space<vmem_shared>>
      tpu.wait_dma2 semaphore(%run_scoped3A : memref<!tpu.dma_semaphore, #tpu.memory_space<semaphore_mem>>) src(%dma_wait3A_20 : memref<16x640xf32, #tpu.memory_space<vmem_shared>>) dst(%arg7 : memref<16x640xf32, #tpu.memory_space<vmem>>)
      tpu.yield
    }) : () -> ()
    %scan3A_9 = arith.constant 0 : i32
    %scan3A_10 = arith.constant 0 : i32
    %scan3A_11 = arith.constant 40 : i32
    %scan3A_12 = arith.addi %scan3A_10, %scan3A_11 : i32
    %scan3A_13 = arith.constant 1 : i32
    scf.for %scan3A_15 = %scan3A_10 to %scan3A_12 step %scan3A_13  : i32 {
      %mul3A_16 = arith.constant 16 : i32
      %mul3A_17 = arith.muli %mul3A_16, %scan3A_15 : i32
      %get3A = arith.constant 0 : i32
      %get3A_18 = arith.index_cast %get3A : i32 to index
      %get3A_19 = arith.index_cast %mul3A_17 : i32 to index
      %get3A_20 = tpu.vector_load %arg7[%get3A_18, %get3A_19] {strides = array<i32>} : memref<16x640xf32, #tpu.memory_space<vmem>>, vector<16xf32>,
      %mul3A_21 = arith.constant 16 : i32
      %mul3A_22 = arith.muli %mul3A_21, %scan3A_15 : i32
      %get3A_23 = arith.constant 1 : i32
      %get3A_24 = arith.index_cast %get3A_23 : i32 to index
      %get3A_25 = arith.index_cast %mul3A_22 : i32 to index
      %get3A_26 = tpu.vector_load %arg7[%get3A_24, %get3A_25] {strides = array<i32>} : memref<16x640xf32, #tpu.memory_space<vmem>>, vector<16xf32>,
      %add3A_27 = arith.addf %get3A_20, %get3A_26 : vector<16xf32>
      %mul3A_28 = arith.constant 16 : i32
      %mul3A_29 = arith.muli %mul3A_28, %scan3A_15 : i32
      %get3A_30 = arith.constant 2 : i32
      %get3A_31 = arith.index_cast %get3A_30 : i32 to index
      %get3A_32 = arith.index_cast %mul3A_29 : i32 to index
      %get3A_33 = tpu.vector_load %arg7[%get3A_31, %get3A_32] {strides = array<i32>} : memref<16x640xf32, #tpu.memory_space<vmem>>, vector<16xf32>,
      %add3A_34 = arith.addf %add3A_27, %get3A_33 : vector<16xf32>
      %mul3A_35 = arith.constant 16 : i32
      %mul3A_36 = arith.muli %mul3A_35, %scan3A_15 : i32
      %get3A_37 = arith.constant 3 : i32
      %get3A_38 = arith.index_cast %get3A_37 : i32 to index
      %get3A_39 = arith.index_cast %mul3A_36 : i32 to index
      %get3A_40 = tpu.vector_load %arg7[%get3A_38, %get3A_39] {strides = array<i32>} : memref<16x640xf32, #tpu.memory_space<vmem>>, vector<16xf32>,
      %add3A_41 = arith.addf %add3A_34, %get3A_40 : vector<16xf32>
      %mul3A_42 = arith.constant 16 : i32
      %mul3A_43 = arith.muli %mul3A_42, %scan3A_15 : i32
      %get3A_44 = arith.constant 4 : i32
      %get3A_45 = arith.index_cast %get3A_44 : i32 to index
      %get3A_46 = arith.index_cast %mul3A_43 : i32 to index
      %get3A_47 = tpu.vector_load %arg7[%get3A_45, %get3A_46] {strides = array<i32>} : memref<16x640xf32, #tpu.memory_space<vmem>>, vector<16xf32>,
      %add3A_48 = arith.addf %add3A_41, %get3A_47 : vector<16xf32>
      %mul3A_49 = arith.constant 16 : i32
      %mul3A_50 = arith.muli %mul3A_49, %scan3A_15 : i32
      %get3A_51 = arith.constant 5 : i32
      %get3A_52 = arith.index_cast %get3A_51 : i32 to index
      %get3A_53 = arith.index_cast %mul3A_50 : i32 to index
      %get3A_54 = tpu.vector_load %arg7[%get3A_52, %get3A_53] {strides = array<i32>} : memref<16x640xf32, #tpu.memory_space<vmem>>, vector<16xf32>,
      %add3A_55 = arith.addf %add3A_48, %get3A_54 : vector<16xf32>
      %mul3A_56 = arith.constant 16 : i32
      %mul3A_57 = arith.muli %mul3A_56, %scan3A_15 : i32
      %get3A_58 = arith.constant 6 : i32
      %get3A_59 = arith.index_cast %get3A_58 : i32 to index
      %get3A_60 = arith.index_cast %mul3A_57 : i32 to index
      %get3A_61 = tpu.vector_load %arg7[%get3A_59, %get3A_60] {strides = array<i32>} : memref<16x640xf32, #tpu.memory_space<vmem>>, vector<16xf32>,
      %add3A_62 = arith.addf %add3A_55, %get3A_61 : vector<16xf32>
      %mul3A_63 = arith.constant 16 : i32
      %mul3A_64 = arith.muli %mul3A_63, %scan3A_15 : i32
      %get3A_65 = arith.constant 7 : i32
      %get3A_66 = arith.index_cast %get3A_65 : i32 to index
      %get3A_67 = arith.index_cast %mul3A_64 : i32 to index
      %get3A_68 = tpu.vector_load %arg7[%get3A_66, %get3A_67] {strides = array<i32>} : memref<16x640xf32, #tpu.memory_space<vmem>>, vector<16xf32>,
      %add3A_69 = arith.addf %add3A_62, %get3A_68 : vector<16xf32>
      %mul3A_70 = arith.constant 16 : i32
      %mul3A_71 = arith.muli %mul3A_70, %scan3A_15 : i32
      %get3A_72 = arith.constant 8 : i32
      %get3A_73 = arith.index_cast %get3A_72 : i32 to index
      %get3A_74 = arith.index_cast %mul3A_71 : i32 to index
      %get3A_75 = tpu.vector_load %arg7[%get3A_73, %get3A_74] {strides = array<i32>} : memref<16x640xf32, #tpu.memory_space<vmem>>, vector<16xf32>,
      %add3A_76 = arith.addf %add3A_69, %get3A_75 : vector<16xf32>
      %mul3A_77 = arith.constant 16 : i32
      %mul3A_78 = arith.muli %mul3A_77, %scan3A_15 : i32
      %get3A_79 = arith.constant 9 : i32
      %get3A_80 = arith.index_cast %get3A_79 : i32 to index
      %get3A_81 = arith.index_cast %mul3A_78 : i32 to index
      %get3A_82 = tpu.vector_load %arg7[%get3A_80, %get3A_81] {strides = array<i32>} : memref<16x640xf32, #tpu.memory_space<vmem>>, vector<16xf32>,
      %add3A_83 = arith.addf %add3A_76, %get3A_82 : vector<16xf32>
      %mul3A_84 = arith.constant 16 : i32
      %mul3A_85 = arith.muli %mul3A_84, %scan3A_15 : i32
      %get3A_86 = arith.constant 10 : i32
      %get3A_87 = arith.index_cast %get3A_86 : i32 to index
      %get3A_88 = arith.index_cast %mul3A_85 : i32 to index
      %get3A_89 = tpu.vector_load %arg7[%get3A_87, %get3A_88] {strides = array<i32>} : memref<16x640xf32, #tpu.memory_space<vmem>>, vector<16xf32>,
      %add3A_90 = arith.addf %add3A_83, %get3A_89 : vector<16xf32>
      %mul3A_91 = arith.constant 16 : i32
      %mul3A_92 = arith.muli %mul3A_91, %scan3A_15 : i32
      %get3A_93 = arith.constant 11 : i32
      %get3A_94 = arith.index_cast %get3A_93 : i32 to index
      %get3A_95 = arith.index_cast %mul3A_92 : i32 to index
      %get3A_96 = tpu.vector_load %arg7[%get3A_94, %get3A_95] {strides = array<i32>} : memref<16x640xf32, #tpu.memory_space<vmem>>, vector<16xf32>,
      %add3A_97 = arith.addf %add3A_90, %get3A_96 : vector<16xf32>
      %mul3A_98 = arith.constant 16 : i32
      %mul3A_99 = arith.muli %mul3A_98, %scan3A_15 : i32
      %get3A_100 = arith.constant 12 : i32
      %get3A_101 = arith.index_cast %get3A_100 : i32 to index
      %get3A_102 = arith.index_cast %mul3A_99 : i32 to index
      %get3A_103 = tpu.vector_load %arg7[%get3A_101, %get3A_102] {strides = array<i32>} : memref<16x640xf32, #tpu.memory_space<vmem>>, vector<16xf32>,
      %add3A_104 = arith.addf %add3A_97, %get3A_103 : vector<16xf32>
      %mul3A_105 = arith.constant 16 : i32
      %mul3A_106 = arith.muli %mul3A_105, %scan3A_15 : i32
      %get3A_107 = arith.constant 13 : i32
      %get3A_108 = arith.index_cast %get3A_107 : i32 to index
      %get3A_109 = arith.index_cast %mul3A_106 : i32 to index
      %get3A_110 = tpu.vector_load %arg7[%get3A_108, %get3A_109] {strides = array<i32>} : memref<16x640xf32, #tpu.memory_space<vmem>>, vector<16xf32>,
      %add3A_111 = arith.addf %add3A_104, %get3A_110 : vector<16xf32>
      %mul3A_112 = arith.constant 16 : i32
      %mul3A_113 = arith.muli %mul3A_112, %scan3A_15 : i32
      %get3A_114 = arith.constant 14 : i32
      %get3A_115 = arith.index_cast %get3A_114 : i32 to index
      %get3A_116 = arith.index_cast %mul3A_113 : i32 to index
      %get3A_117 = tpu.vector_load %arg7[%get3A_115, %get3A_116] {strides = array<i32>} : memref<16x640xf32, #tpu.memory_space<vmem>>, vector<16xf32>,
      %add3A_118 = arith.addf %add3A_111, %get3A_117 : vector<16xf32>
      %mul3A_119 = arith.constant 16 : i32
      %mul3A_120 = arith.muli %mul3A_119, %scan3A_15 : i32
      %get3A_121 = arith.constant 15 : i32
      %get3A_122 = arith.index_cast %get3A_121 : i32 to index
      %get3A_123 = arith.index_cast %mul3A_120 : i32 to index
      %get3A_124 = tpu.vector_load %arg7[%get3A_122, %get3A_123] {strides = array<i32>} : memref<16x640xf32, #tpu.memory_space<vmem>>, vector<16xf32>,
      %add3A_125 = arith.addf %add3A_118, %get3A_124 : vector<16xf32>
      %mul3A_126 = arith.constant 16 : i32
      %mul3A_127 = arith.muli %mul3A_126, %scan3A_15 : i32
      %swap3A = arith.index_cast %mul3A_127 : i32 to index
      %swap3A_128 = tpu.vector_load %arg8[%swap3A] {strides = array<i32>} : memref<640xf32, #tpu.memory_space<vmem>>, vector<16xf32>,
      tpu.vector_store %arg8[%swap3A], %add3A_125 {strides = array<i32>} : memref<640xf32, #tpu.memory_space<vmem>>, vector<16xf32>,
    }
    %scan3A_14 = arith.constant 40 : i32
    "tpu.region"() ({
      %run_scoped3A = tpu.sem_alloc : memref<!tpu.dma_semaphore, #tpu.memory_space<semaphore_mem>>
      %dma_start3A = tpu.memref_slice %arg4[%arg0, %mul3A_2] : memref<2x10240xf32, #tpu.memory_space<hbm>> -> memref<1x640xf32, #tpu.memory_space<hbm>>
      %dma_start3A_15 = tpu.memref_squeeze %dma_start3A : memref<1x640xf32, #tpu.memory_space<hbm>> -> memref<640xf32, #tpu.memory_space<hbm>>
      %dma_start3A_16 = tpu.memref_slice %arg4[%arg0, %mul3A_2] : memref<2x10240xf32, #tpu.memory_space<hbm>> -> memref<1x640xf32, #tpu.memory_space<hbm>>
      %dma_start3A_17 = tpu.memref_squeeze %dma_start3A_16 : memref<1x640xf32, #tpu.memory_space<hbm>> -> memref<640xf32, #tpu.memory_space<hbm>>
      tpu.enqueue_dma source(%arg8 : memref<640xf32, #tpu.memory_space<vmem>>) target(%dma_start3A_17 : memref<640xf32, #tpu.memory_space<hbm>>) target_semaphore(%run_scoped3A : memref<!tpu.dma_semaphore, #tpu.memory_space<semaphore_mem>>)
      %dma_wait3A = tpu.memref_slice %arg4[%arg0, %mul3A_2] : memref<2x10240xf32, #tpu.memory_space<hbm>> -> memref<1x640xf32, #tpu.memory_space<hbm>>
      %dma_wait3A_18 = tpu.memref_squeeze %dma_wait3A : memref<1x640xf32, #tpu.memory_space<hbm>> -> memref<640xf32, #tpu.memory_space<hbm>>
      %dma_wait3A_19 = tpu.memref_slice %arg4[%arg0, %mul3A_2] : memref<2x10240xf32, #tpu.memory_space<hbm>> -> memref<1x640xf32, #tpu.memory_space<hbm>>
      %dma_wait3A_20 = tpu.memref_squeeze %dma_wait3A_19 : memref<1x640xf32, #tpu.memory_space<hbm>> -> memref<640xf32, #tpu.memory_space<hbm>>
      tpu.wait_dma2 semaphore(%run_scoped3A : memref<!tpu.dma_semaphore, #tpu.memory_space<semaphore_mem>>) src(%arg8 : memref<640xf32, #tpu.memory_space<vmem>>) dst(%dma_wait3A_20 : memref<640xf32, #tpu.memory_space<hbm>>)
      tpu.yield
    }) : () -> ()
    return
  }
}

#map = affine_map<(d0, d1) -> (0, 0)>
#map1 = affine_map<(d0, d1) -> (0, 0, 0, 0)>
#map2 = affine_map<(d0, d1) -> (0, 0, 0)>
module attributes {stable_mosaic.version = 14 : i64} {
  func.func @_seg_body(%arg0: i32, %arg1: i32, %arg2: memref<10000x128xf32, #tpu.memory_space<hbm>>, %arg3: memref<32x5x25x80xi32, #tpu.memory_space<hbm>>, %arg4: memref<32x5x25x80xi32, #tpu.memory_space<hbm>>, %arg5: memref<10112x128xf32, #tpu.memory_space<hbm>>, %arg6: memref<2x10112x128xf32, #tpu.memory_space<hbm>>, %arg7: memref<25x80xi32, #tpu.memory_space<vmem>>, %arg8: memref<25x80xi32, #tpu.memory_space<vmem>>, %arg9: memref<80x128xf32, #tpu.memory_space<vmem>>, %arg10: memref<80x128xf32, #tpu.memory_space<vmem>>, %arg11: memref<80x128xf32, #tpu.memory_space<vmem>>, %arg12: memref<80x128xf32, #tpu.memory_space<vmem>>, %arg13: memref<10112x128xf32, #tpu.memory_space<vmem_shared>>, %arg14: memref<!tpu.dma_semaphore, #tpu.memory_space<semaphore_mem>>, %arg15: memref<!tpu.dma_semaphore, #tpu.memory_space<semaphore_mem>>, %arg16: memref<!tpu.dma_semaphore, #tpu.memory_space<semaphore_mem>>, %arg17: memref<!tpu.dma_semaphore, #tpu.memory_space<semaphore_mem>>, %arg18: memref<!tpu.dma_semaphore, #tpu.memory_space<semaphore_mem>>, %arg19: memref<!tpu.dma_semaphore, #tpu.memory_space<semaphore_mem>>, %arg20: memref<!tpu.dma_semaphore, #tpu.memory_space<semaphore_mem>>, %arg21: memref<!tpu.dma_semaphore, #tpu.memory_space<semaphore_mem>>) attributes {dimension_semantics = [#tpu.dimension_semantics<core_parallel>, #tpu.dimension_semantics<subcore_parallel>], iteration_bounds = array<i64: 2, 16>, scalar_prefetch = 0 : i64, scratch_operands = 15 : i64, tpu.core_type = #tpu.core_type<sc_vector_subcore>, window_params = [{transform_indices = #map}, {transform_indices = #map1}, {transform_indices = #map1}, {transform_indices = #map}, {transform_indices = #map2}]} {
    %mul3A = arith.constant 2 : i32
    %mul3A_0 = arith.muli %arg1, %mul3A : i32
    %add3A = arith.addi %mul3A_0, %arg0 : i32
    %mul3A_1 = arith.constant 632 : i32
    %mul3A_2 = arith.muli %arg1, %mul3A_1 : i32
    "tpu.region"() ({
      %run_scoped3A = tpu.sem_alloc : memref<!tpu.dma_semaphore, #tpu.memory_space<semaphore_mem>>
      %dma_start3A = arith.constant 0 : i32
      %dma_start3A_9 = tpu.memref_slice %arg13[%mul3A_2, %dma_start3A] : memref<10112x128xf32, #tpu.memory_space<vmem_shared>> -> memref<632x128xf32, #tpu.memory_space<vmem_shared>>
      %dma_start3A_10 = arith.constant 0 : i32
      %dma_start3A_11 = tpu.memref_slice %arg5[%mul3A_2, %dma_start3A_10] : memref<10112x128xf32, #tpu.memory_space<hbm>> -> memref<632x128xf32, #tpu.memory_space<hbm>>
      tpu.enqueue_dma source(%dma_start3A_11 : memref<632x128xf32, #tpu.memory_space<hbm>>) target(%dma_start3A_9 : memref<632x128xf32, #tpu.memory_space<vmem_shared>>) target_semaphore(%run_scoped3A : memref<!tpu.dma_semaphore, #tpu.memory_space<semaphore_mem>>)
      %dma_wait3A = arith.constant 0 : i32
      %dma_wait3A_12 = tpu.memref_slice %arg13[%mul3A_2, %dma_wait3A] : memref<10112x128xf32, #tpu.memory_space<vmem_shared>> -> memref<632x128xf32, #tpu.memory_space<vmem_shared>>
      %dma_wait3A_13 = arith.constant 0 : i32
      %dma_wait3A_14 = tpu.memref_slice %arg5[%mul3A_2, %dma_wait3A_13] : memref<10112x128xf32, #tpu.memory_space<hbm>> -> memref<632x128xf32, #tpu.memory_space<hbm>>
      tpu.wait_dma2 semaphore(%run_scoped3A : memref<!tpu.dma_semaphore, #tpu.memory_space<semaphore_mem>>) src(%dma_wait3A_14 : memref<632x128xf32, #tpu.memory_space<hbm>>) dst(%dma_wait3A_12 : memref<632x128xf32, #tpu.memory_space<vmem_shared>>)
      tpu.yield
    }) : () -> ()
    %barrier3A = arith.constant 0 : index
    tpu.barrier barrier_id(%barrier3A)
    %scan3A = arith.constant 0 : i32
    %scan3A_3 = arith.constant 0 : i32
    %scan3A_4 = arith.constant 5 : i32
    %scan3A_5 = arith.addi %scan3A_3, %scan3A_4 : i32
    %scan3A_6 = arith.constant 1 : i32
    scf.for %scan3A_9 = %scan3A_3 to %scan3A_5 step %scan3A_6  : i32 {
      "tpu.region"() ({
        %run_scoped3A_382 = tpu.sem_alloc : memref<!tpu.dma_semaphore, #tpu.memory_space<semaphore_mem>>
        %dma_start3A_383 = arith.constant 0 : i32
        %dma_start3A_384 = arith.constant 0 : i32
        %dma_start3A_385 = tpu.memref_slice %arg3[%add3A, %scan3A_9, %dma_start3A_383, %dma_start3A_384] : memref<32x5x25x80xi32, #tpu.memory_space<hbm>> -> memref<1x1x25x80xi32, #tpu.memory_space<hbm>>
        %dma_start3A_386 = tpu.memref_squeeze %dma_start3A_385 : memref<1x1x25x80xi32, #tpu.memory_space<hbm>> -> memref<25x80xi32, #tpu.memory_space<hbm>>
        %dma_start3A_387 = arith.constant 0 : i32
        %dma_start3A_388 = arith.constant 0 : i32
        %dma_start3A_389 = tpu.memref_slice %arg3[%add3A, %scan3A_9, %dma_start3A_387, %dma_start3A_388] : memref<32x5x25x80xi32, #tpu.memory_space<hbm>> -> memref<1x1x25x80xi32, #tpu.memory_space<hbm>>
        %dma_start3A_390 = tpu.memref_squeeze %dma_start3A_389 : memref<1x1x25x80xi32, #tpu.memory_space<hbm>> -> memref<25x80xi32, #tpu.memory_space<hbm>>
        tpu.enqueue_dma source(%dma_start3A_390 : memref<25x80xi32, #tpu.memory_space<hbm>>) target(%arg7 : memref<25x80xi32, #tpu.memory_space<vmem>>) target_semaphore(%run_scoped3A_382 : memref<!tpu.dma_semaphore, #tpu.memory_space<semaphore_mem>>)
        %dma_wait3A_391 = arith.constant 0 : i32
        %dma_wait3A_392 = arith.constant 0 : i32
        %dma_wait3A_393 = tpu.memref_slice %arg3[%add3A, %scan3A_9, %dma_wait3A_391, %dma_wait3A_392] : memref<32x5x25x80xi32, #tpu.memory_space<hbm>> -> memref<1x1x25x80xi32, #tpu.memory_space<hbm>>
        %dma_wait3A_394 = tpu.memref_squeeze %dma_wait3A_393 : memref<1x1x25x80xi32, #tpu.memory_space<hbm>> -> memref<25x80xi32, #tpu.memory_space<hbm>>
        %dma_wait3A_395 = arith.constant 0 : i32
        %dma_wait3A_396 = arith.constant 0 : i32
        %dma_wait3A_397 = tpu.memref_slice %arg3[%add3A, %scan3A_9, %dma_wait3A_395, %dma_wait3A_396] : memref<32x5x25x80xi32, #tpu.memory_space<hbm>> -> memref<1x1x25x80xi32, #tpu.memory_space<hbm>>
        %dma_wait3A_398 = tpu.memref_squeeze %dma_wait3A_397 : memref<1x1x25x80xi32, #tpu.memory_space<hbm>> -> memref<25x80xi32, #tpu.memory_space<hbm>>
        tpu.wait_dma2 semaphore(%run_scoped3A_382 : memref<!tpu.dma_semaphore, #tpu.memory_space<semaphore_mem>>) src(%dma_wait3A_398 : memref<25x80xi32, #tpu.memory_space<hbm>>) dst(%arg7 : memref<25x80xi32, #tpu.memory_space<vmem>>)
        tpu.yield
      }) : () -> ()
      "tpu.region"() ({
        %run_scoped3A_382 = tpu.sem_alloc : memref<!tpu.dma_semaphore, #tpu.memory_space<semaphore_mem>>
        %dma_start3A_383 = arith.constant 0 : i32
        %dma_start3A_384 = arith.constant 0 : i32
        %dma_start3A_385 = tpu.memref_slice %arg4[%add3A, %scan3A_9, %dma_start3A_383, %dma_start3A_384] : memref<32x5x25x80xi32, #tpu.memory_space<hbm>> -> memref<1x1x25x80xi32, #tpu.memory_space<hbm>>
        %dma_start3A_386 = tpu.memref_squeeze %dma_start3A_385 : memref<1x1x25x80xi32, #tpu.memory_space<hbm>> -> memref<25x80xi32, #tpu.memory_space<hbm>>
        %dma_start3A_387 = arith.constant 0 : i32
        %dma_start3A_388 = arith.constant 0 : i32
        %dma_start3A_389 = tpu.memref_slice %arg4[%add3A, %scan3A_9, %dma_start3A_387, %dma_start3A_388] : memref<32x5x25x80xi32, #tpu.memory_space<hbm>> -> memref<1x1x25x80xi32, #tpu.memory_space<hbm>>
        %dma_start3A_390 = tpu.memref_squeeze %dma_start3A_389 : memref<1x1x25x80xi32, #tpu.memory_space<hbm>> -> memref<25x80xi32, #tpu.memory_space<hbm>>
        tpu.enqueue_dma source(%dma_start3A_390 : memref<25x80xi32, #tpu.memory_space<hbm>>) target(%arg8 : memref<25x80xi32, #tpu.memory_space<vmem>>) target_semaphore(%run_scoped3A_382 : memref<!tpu.dma_semaphore, #tpu.memory_space<semaphore_mem>>)
        %dma_wait3A_391 = arith.constant 0 : i32
        %dma_wait3A_392 = arith.constant 0 : i32
        %dma_wait3A_393 = tpu.memref_slice %arg4[%add3A, %scan3A_9, %dma_wait3A_391, %dma_wait3A_392] : memref<32x5x25x80xi32, #tpu.memory_space<hbm>> -> memref<1x1x25x80xi32, #tpu.memory_space<hbm>>
        %dma_wait3A_394 = tpu.memref_squeeze %dma_wait3A_393 : memref<1x1x25x80xi32, #tpu.memory_space<hbm>> -> memref<25x80xi32, #tpu.memory_space<hbm>>
        %dma_wait3A_395 = arith.constant 0 : i32
        %dma_wait3A_396 = arith.constant 0 : i32
        %dma_wait3A_397 = tpu.memref_slice %arg4[%add3A, %scan3A_9, %dma_wait3A_395, %dma_wait3A_396] : memref<32x5x25x80xi32, #tpu.memory_space<hbm>> -> memref<1x1x25x80xi32, #tpu.memory_space<hbm>>
        %dma_wait3A_398 = tpu.memref_squeeze %dma_wait3A_397 : memref<1x1x25x80xi32, #tpu.memory_space<hbm>> -> memref<25x80xi32, #tpu.memory_space<hbm>>
        tpu.wait_dma2 semaphore(%run_scoped3A_382 : memref<!tpu.dma_semaphore, #tpu.memory_space<semaphore_mem>>) src(%dma_wait3A_398 : memref<25x80xi32, #tpu.memory_space<hbm>>) dst(%arg8 : memref<25x80xi32, #tpu.memory_space<vmem>>)
        tpu.yield
      }) : () -> ()
      %dma_start3A = arith.constant 0 : i32
      %dma_start3A_10 = arith.constant 0 : i32
      %dma_start3A_11 = tpu.memref_slice %arg7[%dma_start3A, %dma_start3A_10] : memref<25x80xi32, #tpu.memory_space<vmem>> -> memref<1x80xi32, #tpu.memory_space<vmem>>
      %dma_start3A_12 = tpu.memref_squeeze %dma_start3A_11 : memref<1x80xi32, #tpu.memory_space<vmem>> -> memref<80xi32, #tpu.memory_space<vmem>>
      %dma_start3A_13 = arith.constant 0 : i32
      %dma_start3A_14 = arith.constant 0 : i32
      %dma_start3A_15 = tpu.memref_slice %arg2[%dma_start3A_13, %dma_start3A_14] : memref<10000x128xf32, #tpu.memory_space<hbm>> -> memref<10000x128xf32, #tpu.memory_space<hbm>>
      tpu.enqueue_indirect_dma source(%dma_start3A_15 : memref<10000x128xf32, #tpu.memory_space<hbm>>) target(%arg9 : memref<80x128xf32, #tpu.memory_space<vmem>>) offsets(%dma_start3A_12 : memref<80xi32, #tpu.memory_space<vmem>>) semaphore(%arg14 : memref<!tpu.dma_semaphore, #tpu.memory_space<semaphore_mem>>)
      %dma_start3A_16 = arith.constant 1 : i32
      %dma_start3A_17 = arith.constant 0 : i32
      %dma_start3A_18 = tpu.memref_slice %arg7[%dma_start3A_16, %dma_start3A_17] : memref<25x80xi32, #tpu.memory_space<vmem>> -> memref<1x80xi32, #tpu.memory_space<vmem>>
      %dma_start3A_19 = tpu.memref_squeeze %dma_start3A_18 : memref<1x80xi32, #tpu.memory_space<vmem>> -> memref<80xi32, #tpu.memory_space<vmem>>
      %dma_start3A_20 = arith.constant 0 : i32
      %dma_start3A_21 = arith.constant 0 : i32
      %dma_start3A_22 = tpu.memref_slice %arg2[%dma_start3A_20, %dma_start3A_21] : memref<10000x128xf32, #tpu.memory_space<hbm>> -> memref<10000x128xf32, #tpu.memory_space<hbm>>
      tpu.enqueue_indirect_dma source(%dma_start3A_22 : memref<10000x128xf32, #tpu.memory_space<hbm>>) target(%arg10 : memref<80x128xf32, #tpu.memory_space<vmem>>) offsets(%dma_start3A_19 : memref<80xi32, #tpu.memory_space<vmem>>) semaphore(%arg15 : memref<!tpu.dma_semaphore, #tpu.memory_space<semaphore_mem>>)
      %dma_start3A_23 = arith.constant 2 : i32
      %dma_start3A_24 = arith.constant 0 : i32
      %dma_start3A_25 = tpu.memref_slice %arg7[%dma_start3A_23, %dma_start3A_24] : memref<25x80xi32, #tpu.memory_space<vmem>> -> memref<1x80xi32, #tpu.memory_space<vmem>>
      %dma_start3A_26 = tpu.memref_squeeze %dma_start3A_25 : memref<1x80xi32, #tpu.memory_space<vmem>> -> memref<80xi32, #tpu.memory_space<vmem>>
      %dma_start3A_27 = arith.constant 0 : i32
      %dma_start3A_28 = arith.constant 0 : i32
      %dma_start3A_29 = tpu.memref_slice %arg2[%dma_start3A_27, %dma_start3A_28] : memref<10000x128xf32, #tpu.memory_space<hbm>> -> memref<10000x128xf32, #tpu.memory_space<hbm>>
      tpu.enqueue_indirect_dma source(%dma_start3A_29 : memref<10000x128xf32, #tpu.memory_space<hbm>>) target(%arg11 : memref<80x128xf32, #tpu.memory_space<vmem>>) offsets(%dma_start3A_26 : memref<80xi32, #tpu.memory_space<vmem>>) semaphore(%arg16 : memref<!tpu.dma_semaphore, #tpu.memory_space<semaphore_mem>>)
      %dma_start3A_30 = arith.constant 3 : i32
      %dma_start3A_31 = arith.constant 0 : i32
      %dma_start3A_32 = tpu.memref_slice %arg7[%dma_start3A_30, %dma_start3A_31] : memref<25x80xi32, #tpu.memory_space<vmem>> -> memref<1x80xi32, #tpu.memory_space<vmem>>
      %dma_start3A_33 = tpu.memref_squeeze %dma_start3A_32 : memref<1x80xi32, #tpu.memory_space<vmem>> -> memref<80xi32, #tpu.memory_space<vmem>>
      %dma_start3A_34 = arith.constant 0 : i32
      %dma_start3A_35 = arith.constant 0 : i32
      %dma_start3A_36 = tpu.memref_slice %arg2[%dma_start3A_34, %dma_start3A_35] : memref<10000x128xf32, #tpu.memory_space<hbm>> -> memref<10000x128xf32, #tpu.memory_space<hbm>>
      tpu.enqueue_indirect_dma source(%dma_start3A_36 : memref<10000x128xf32, #tpu.memory_space<hbm>>) target(%arg12 : memref<80x128xf32, #tpu.memory_space<vmem>>) offsets(%dma_start3A_33 : memref<80xi32, #tpu.memory_space<vmem>>) semaphore(%arg17 : memref<!tpu.dma_semaphore, #tpu.memory_space<semaphore_mem>>)
      %dma_wait3A = arith.constant 0 : i32
      %dma_wait3A_37 = arith.constant 0 : i32
      %dma_wait3A_38 = tpu.memref_slice %arg7[%dma_wait3A, %dma_wait3A_37] : memref<25x80xi32, #tpu.memory_space<vmem>> -> memref<1x80xi32, #tpu.memory_space<vmem>>
      %dma_wait3A_39 = tpu.memref_squeeze %dma_wait3A_38 : memref<1x80xi32, #tpu.memory_space<vmem>> -> memref<80xi32, #tpu.memory_space<vmem>>
      %dma_wait3A_40 = arith.constant 0 : i32
      %dma_wait3A_41 = arith.constant 0 : i32
      %dma_wait3A_42 = tpu.memref_slice %arg2[%dma_wait3A_40, %dma_wait3A_41] : memref<10000x128xf32, #tpu.memory_space<hbm>> -> memref<10000x128xf32, #tpu.memory_space<hbm>>
      tpu.wait_indirect_dma semaphore(%arg14 : memref<!tpu.dma_semaphore, #tpu.memory_space<semaphore_mem>>) src(%dma_wait3A_42 : memref<10000x128xf32, #tpu.memory_space<hbm>>) dst(%arg9 : memref<80x128xf32, #tpu.memory_space<vmem>>)
      %run_scoped3A = arith.constant 0 : i32
      "tpu.region"() ({
        %run_scoped3A_382 = tpu.sem_alloc : memref<!tpu.dma_semaphore, #tpu.memory_space<semaphore_mem>>
        %dma_start3A_383 = arith.constant 0 : i32
        %dma_start3A_384 = tpu.memref_slice %arg8[%run_scoped3A, %dma_start3A_383] : memref<25x80xi32, #tpu.memory_space<vmem>> -> memref<1x80xi32, #tpu.memory_space<vmem>>
        %dma_start3A_385 = tpu.memref_squeeze %dma_start3A_384 : memref<1x80xi32, #tpu.memory_space<vmem>> -> memref<80xi32, #tpu.memory_space<vmem>>
        %dma_start3A_386 = arith.constant 0 : i32
        %dma_start3A_387 = arith.constant 0 : i32
        %dma_start3A_388 = tpu.memref_slice %arg13[%dma_start3A_386, %dma_start3A_387] : memref<10112x128xf32, #tpu.memory_space<vmem_shared>> -> memref<10112x128xf32, #tpu.memory_space<vmem_shared>>
        tpu.enqueue_indirect_dma source(%arg9 : memref<80x128xf32, #tpu.memory_space<vmem>>) target(%dma_start3A_388 : memref<10112x128xf32, #tpu.memory_space<vmem_shared>>) offsets(%dma_start3A_385 : memref<80xi32, #tpu.memory_space<vmem>>) semaphore(%run_scoped3A_382 : memref<!tpu.dma_semaphore, #tpu.memory_space<semaphore_mem>>) {add = true}
        %dma_wait3A_389 = arith.constant 0 : i32
        %dma_wait3A_390 = tpu.memref_slice %arg8[%run_scoped3A, %dma_wait3A_389] : memref<25x80xi32, #tpu.memory_space<vmem>> -> memref<1x80xi32, #tpu.memory_space<vmem>>
        %dma_wait3A_391 = tpu.memref_squeeze %dma_wait3A_390 : memref<1x80xi32, #tpu.memory_space<vmem>> -> memref<80xi32, #tpu.memory_space<vmem>>
        %dma_wait3A_392 = arith.constant 0 : i32
        %dma_wait3A_393 = arith.constant 0 : i32
        %dma_wait3A_394 = tpu.memref_slice %arg13[%dma_wait3A_392, %dma_wait3A_393] : memref<10112x128xf32, #tpu.memory_space<vmem_shared>> -> memref<10112x128xf32, #tpu.memory_space<vmem_shared>>
        tpu.wait_indirect_dma semaphore(%run_scoped3A_382 : memref<!tpu.dma_semaphore, #tpu.memory_space<semaphore_mem>>) src(%arg9 : memref<80x128xf32, #tpu.memory_space<vmem>>) dst(%dma_wait3A_394 : memref<10112x128xf32, #tpu.memory_space<vmem_shared>>)
        tpu.yield
      }) : () -> ()
      %dma_start3A_43 = arith.constant 4 : i32
      %dma_start3A_44 = arith.constant 0 : i32
      %dma_start3A_45 = tpu.memref_slice %arg7[%dma_start3A_43, %dma_start3A_44] : memref<25x80xi32, #tpu.memory_space<vmem>> -> memref<1x80xi32, #tpu.memory_space<vmem>>
      %dma_start3A_46 = tpu.memref_squeeze %dma_start3A_45 : memref<1x80xi32, #tpu.memory_space<vmem>> -> memref<80xi32, #tpu.memory_space<vmem>>
      %dma_start3A_47 = arith.constant 0 : i32
      %dma_start3A_48 = arith.constant 0 : i32
      %dma_start3A_49 = tpu.memref_slice %arg2[%dma_start3A_47, %dma_start3A_48] : memref<10000x128xf32, #tpu.memory_space<hbm>> -> memref<10000x128xf32, #tpu.memory_space<hbm>>
      tpu.enqueue_indirect_dma source(%dma_start3A_49 : memref<10000x128xf32, #tpu.memory_space<hbm>>) target(%arg9 : memref<80x128xf32, #tpu.memory_space<vmem>>) offsets(%dma_start3A_46 : memref<80xi32, #tpu.memory_space<vmem>>) semaphore(%arg14 : memref<!tpu.dma_semaphore, #tpu.memory_space<semaphore_mem>>)
      %dma_wait3A_50 = arith.constant 1 : i32
      %dma_wait3A_51 = arith.constant 0 : i32
      %dma_wait3A_52 = tpu.memref_slice %arg7[%dma_wait3A_50, %dma_wait3A_51] : memref<25x80xi32, #tpu.memory_space<vmem>> -> memref<1x80xi32, #tpu.memory_space<vmem>>
      %dma_wait3A_53 = tpu.memref_squeeze %dma_wait3A_52 : memref<1x80xi32, #tpu.memory_space<vmem>> -> memref<80xi32, #tpu.memory_space<vmem>>
      %dma_wait3A_54 = arith.constant 0 : i32
      %dma_wait3A_55 = arith.constant 0 : i32
      %dma_wait3A_56 = tpu.memref_slice %arg2[%dma_wait3A_54, %dma_wait3A_55] : memref<10000x128xf32, #tpu.memory_space<hbm>> -> memref<10000x128xf32, #tpu.memory_space<hbm>>
      tpu.wait_indirect_dma semaphore(%arg15 : memref<!tpu.dma_semaphore, #tpu.memory_space<semaphore_mem>>) src(%dma_wait3A_56 : memref<10000x128xf32, #tpu.memory_space<hbm>>) dst(%arg10 : memref<80x128xf32, #tpu.memory_space<vmem>>)
      %run_scoped3A_57 = arith.constant 1 : i32
      "tpu.region"() ({
        %run_scoped3A_382 = tpu.sem_alloc : memref<!tpu.dma_semaphore, #tpu.memory_space<semaphore_mem>>
        %dma_start3A_383 = arith.constant 0 : i32
        %dma_start3A_384 = tpu.memref_slice %arg8[%run_scoped3A_57, %dma_start3A_383] : memref<25x80xi32, #tpu.memory_space<vmem>> -> memref<1x80xi32, #tpu.memory_space<vmem>>
        %dma_start3A_385 = tpu.memref_squeeze %dma_start3A_384 : memref<1x80xi32, #tpu.memory_space<vmem>> -> memref<80xi32, #tpu.memory_space<vmem>>
        %dma_start3A_386 = arith.constant 0 : i32
        %dma_start3A_387 = arith.constant 0 : i32
        %dma_start3A_388 = tpu.memref_slice %arg13[%dma_start3A_386, %dma_start3A_387] : memref<10112x128xf32, #tpu.memory_space<vmem_shared>> -> memref<10112x128xf32, #tpu.memory_space<vmem_shared>>
        tpu.enqueue_indirect_dma source(%arg10 : memref<80x128xf32, #tpu.memory_space<vmem>>) target(%dma_start3A_388 : memref<10112x128xf32, #tpu.memory_space<vmem_shared>>) offsets(%dma_start3A_385 : memref<80xi32, #tpu.memory_space<vmem>>) semaphore(%run_scoped3A_382 : memref<!tpu.dma_semaphore, #tpu.memory_space<semaphore_mem>>) {add = true}
        %dma_wait3A_389 = arith.constant 0 : i32
        %dma_wait3A_390 = tpu.memref_slice %arg8[%run_scoped3A_57, %dma_wait3A_389] : memref<25x80xi32, #tpu.memory_space<vmem>> -> memref<1x80xi32, #tpu.memory_space<vmem>>
        %dma_wait3A_391 = tpu.memref_squeeze %dma_wait3A_390 : memref<1x80xi32, #tpu.memory_space<vmem>> -> memref<80xi32, #tpu.memory_space<vmem>>
        %dma_wait3A_392 = arith.constant 0 : i32
        %dma_wait3A_393 = arith.constant 0 : i32
        %dma_wait3A_394 = tpu.memref_slice %arg13[%dma_wait3A_392, %dma_wait3A_393] : memref<10112x128xf32, #tpu.memory_space<vmem_shared>> -> memref<10112x128xf32, #tpu.memory_space<vmem_shared>>
        tpu.wait_indirect_dma semaphore(%run_scoped3A_382 : memref<!tpu.dma_semaphore, #tpu.memory_space<semaphore_mem>>) src(%arg10 : memref<80x128xf32, #tpu.memory_space<vmem>>) dst(%dma_wait3A_394 : memref<10112x128xf32, #tpu.memory_space<vmem_shared>>)
        tpu.yield
      }) : () -> ()
      %dma_start3A_58 = arith.constant 5 : i32
      %dma_start3A_59 = arith.constant 0 : i32
      %dma_start3A_60 = tpu.memref_slice %arg7[%dma_start3A_58, %dma_start3A_59] : memref<25x80xi32, #tpu.memory_space<vmem>> -> memref<1x80xi32, #tpu.memory_space<vmem>>
      %dma_start3A_61 = tpu.memref_squeeze %dma_start3A_60 : memref<1x80xi32, #tpu.memory_space<vmem>> -> memref<80xi32, #tpu.memory_space<vmem>>
      %dma_start3A_62 = arith.constant 0 : i32
      %dma_start3A_63 = arith.constant 0 : i32
      %dma_start3A_64 = tpu.memref_slice %arg2[%dma_start3A_62, %dma_start3A_63] : memref<10000x128xf32, #tpu.memory_space<hbm>> -> memref<10000x128xf32, #tpu.memory_space<hbm>>
      tpu.enqueue_indirect_dma source(%dma_start3A_64 : memref<10000x128xf32, #tpu.memory_space<hbm>>) target(%arg10 : memref<80x128xf32, #tpu.memory_space<vmem>>) offsets(%dma_start3A_61 : memref<80xi32, #tpu.memory_space<vmem>>) semaphore(%arg15 : memref<!tpu.dma_semaphore, #tpu.memory_space<semaphore_mem>>)
      %dma_wait3A_65 = arith.constant 2 : i32
      %dma_wait3A_66 = arith.constant 0 : i32
      %dma_wait3A_67 = tpu.memref_slice %arg7[%dma_wait3A_65, %dma_wait3A_66] : memref<25x80xi32, #tpu.memory_space<vmem>> -> memref<1x80xi32, #tpu.memory_space<vmem>>
      %dma_wait3A_68 = tpu.memref_squeeze %dma_wait3A_67 : memref<1x80xi32, #tpu.memory_space<vmem>> -> memref<80xi32, #tpu.memory_space<vmem>>
      %dma_wait3A_69 = arith.constant 0 : i32
      %dma_wait3A_70 = arith.constant 0 : i32
      %dma_wait3A_71 = tpu.memref_slice %arg2[%dma_wait3A_69, %dma_wait3A_70] : memref<10000x128xf32, #tpu.memory_space<hbm>> -> memref<10000x128xf32, #tpu.memory_space<hbm>>
      tpu.wait_indirect_dma semaphore(%arg16 : memref<!tpu.dma_semaphore, #tpu.memory_space<semaphore_mem>>) src(%dma_wait3A_71 : memref<10000x128xf32, #tpu.memory_space<hbm>>) dst(%arg11 : memref<80x128xf32, #tpu.memory_space<vmem>>)
      %run_scoped3A_72 = arith.constant 2 : i32
      "tpu.region"() ({
        %run_scoped3A_382 = tpu.sem_alloc : memref<!tpu.dma_semaphore, #tpu.memory_space<semaphore_mem>>
        %dma_start3A_383 = arith.constant 0 : i32
        %dma_start3A_384 = tpu.memref_slice %arg8[%run_scoped3A_72, %dma_start3A_383] : memref<25x80xi32, #tpu.memory_space<vmem>> -> memref<1x80xi32, #tpu.memory_space<vmem>>
        %dma_start3A_385 = tpu.memref_squeeze %dma_start3A_384 : memref<1x80xi32, #tpu.memory_space<vmem>> -> memref<80xi32, #tpu.memory_space<vmem>>
        %dma_start3A_386 = arith.constant 0 : i32
        %dma_start3A_387 = arith.constant 0 : i32
        %dma_start3A_388 = tpu.memref_slice %arg13[%dma_start3A_386, %dma_start3A_387] : memref<10112x128xf32, #tpu.memory_space<vmem_shared>> -> memref<10112x128xf32, #tpu.memory_space<vmem_shared>>
        tpu.enqueue_indirect_dma source(%arg11 : memref<80x128xf32, #tpu.memory_space<vmem>>) target(%dma_start3A_388 : memref<10112x128xf32, #tpu.memory_space<vmem_shared>>) offsets(%dma_start3A_385 : memref<80xi32, #tpu.memory_space<vmem>>) semaphore(%run_scoped3A_382 : memref<!tpu.dma_semaphore, #tpu.memory_space<semaphore_mem>>) {add = true}
        %dma_wait3A_389 = arith.constant 0 : i32
        %dma_wait3A_390 = tpu.memref_slice %arg8[%run_scoped3A_72, %dma_wait3A_389] : memref<25x80xi32, #tpu.memory_space<vmem>> -> memref<1x80xi32, #tpu.memory_space<vmem>>
        %dma_wait3A_391 = tpu.memref_squeeze %dma_wait3A_390 : memref<1x80xi32, #tpu.memory_space<vmem>> -> memref<80xi32, #tpu.memory_space<vmem>>
        %dma_wait3A_392 = arith.constant 0 : i32
        %dma_wait3A_393 = arith.constant 0 : i32
        %dma_wait3A_394 = tpu.memref_slice %arg13[%dma_wait3A_392, %dma_wait3A_393] : memref<10112x128xf32, #tpu.memory_space<vmem_shared>> -> memref<10112x128xf32, #tpu.memory_space<vmem_shared>>
        tpu.wait_indirect_dma semaphore(%run_scoped3A_382 : memref<!tpu.dma_semaphore, #tpu.memory_space<semaphore_mem>>) src(%arg11 : memref<80x128xf32, #tpu.memory_space<vmem>>) dst(%dma_wait3A_394 : memref<10112x128xf32, #tpu.memory_space<vmem_shared>>)
        tpu.yield
      }) : () -> ()
      %dma_start3A_73 = arith.constant 6 : i32
      %dma_start3A_74 = arith.constant 0 : i32
      %dma_start3A_75 = tpu.memref_slice %arg7[%dma_start3A_73, %dma_start3A_74] : memref<25x80xi32, #tpu.memory_space<vmem>> -> memref<1x80xi32, #tpu.memory_space<vmem>>
      %dma_start3A_76 = tpu.memref_squeeze %dma_start3A_75 : memref<1x80xi32, #tpu.memory_space<vmem>> -> memref<80xi32, #tpu.memory_space<vmem>>
      %dma_start3A_77 = arith.constant 0 : i32
      %dma_start3A_78 = arith.constant 0 : i32
      %dma_start3A_79 = tpu.memref_slice %arg2[%dma_start3A_77, %dma_start3A_78] : memref<10000x128xf32, #tpu.memory_space<hbm>> -> memref<10000x128xf32, #tpu.memory_space<hbm>>
      tpu.enqueue_indirect_dma source(%dma_start3A_79 : memref<10000x128xf32, #tpu.memory_space<hbm>>) target(%arg11 : memref<80x128xf32, #tpu.memory_space<vmem>>) offsets(%dma_start3A_76 : memref<80xi32, #tpu.memory_space<vmem>>) semaphore(%arg16 : memref<!tpu.dma_semaphore, #tpu.memory_space<semaphore_mem>>)
      %dma_wait3A_80 = arith.constant 3 : i32
      %dma_wait3A_81 = arith.constant 0 : i32
      %dma_wait3A_82 = tpu.memref_slice %arg7[%dma_wait3A_80, %dma_wait3A_81] : memref<25x80xi32, #tpu.memory_space<vmem>> -> memref<1x80xi32, #tpu.memory_space<vmem>>
      %dma_wait3A_83 = tpu.memref_squeeze %dma_wait3A_82 : memref<1x80xi32, #tpu.memory_space<vmem>> -> memref<80xi32, #tpu.memory_space<vmem>>
      %dma_wait3A_84 = arith.constant 0 : i32
      %dma_wait3A_85 = arith.constant 0 : i32
      %dma_wait3A_86 = tpu.memref_slice %arg2[%dma_wait3A_84, %dma_wait3A_85] : memref<10000x128xf32, #tpu.memory_space<hbm>> -> memref<10000x128xf32, #tpu.memory_space<hbm>>
      tpu.wait_indirect_dma semaphore(%arg17 : memref<!tpu.dma_semaphore, #tpu.memory_space<semaphore_mem>>) src(%dma_wait3A_86 : memref<10000x128xf32, #tpu.memory_space<hbm>>) dst(%arg12 : memref<80x128xf32, #tpu.memory_space<vmem>>)
      %run_scoped3A_87 = arith.constant 3 : i32
      "tpu.region"() ({
        %run_scoped3A_382 = tpu.sem_alloc : memref<!tpu.dma_semaphore, #tpu.memory_space<semaphore_mem>>
        %dma_start3A_383 = arith.constant 0 : i32
        %dma_start3A_384 = tpu.memref_slice %arg8[%run_scoped3A_87, %dma_start3A_383] : memref<25x80xi32, #tpu.memory_space<vmem>> -> memref<1x80xi32, #tpu.memory_space<vmem>>
        %dma_start3A_385 = tpu.memref_squeeze %dma_start3A_384 : memref<1x80xi32, #tpu.memory_space<vmem>> -> memref<80xi32, #tpu.memory_space<vmem>>
        %dma_start3A_386 = arith.constant 0 : i32
        %dma_start3A_387 = arith.constant 0 : i32
        %dma_start3A_388 = tpu.memref_slice %arg13[%dma_start3A_386, %dma_start3A_387] : memref<10112x128xf32, #tpu.memory_space<vmem_shared>> -> memref<10112x128xf32, #tpu.memory_space<vmem_shared>>
        tpu.enqueue_indirect_dma source(%arg12 : memref<80x128xf32, #tpu.memory_space<vmem>>) target(%dma_start3A_388 : memref<10112x128xf32, #tpu.memory_space<vmem_shared>>) offsets(%dma_start3A_385 : memref<80xi32, #tpu.memory_space<vmem>>) semaphore(%run_scoped3A_382 : memref<!tpu.dma_semaphore, #tpu.memory_space<semaphore_mem>>) {add = true}
        %dma_wait3A_389 = arith.constant 0 : i32
        %dma_wait3A_390 = tpu.memref_slice %arg8[%run_scoped3A_87, %dma_wait3A_389] : memref<25x80xi32, #tpu.memory_space<vmem>> -> memref<1x80xi32, #tpu.memory_space<vmem>>
        %dma_wait3A_391 = tpu.memref_squeeze %dma_wait3A_390 : memref<1x80xi32, #tpu.memory_space<vmem>> -> memref<80xi32, #tpu.memory_space<vmem>>
        %dma_wait3A_392 = arith.constant 0 : i32
        %dma_wait3A_393 = arith.constant 0 : i32
        %dma_wait3A_394 = tpu.memref_slice %arg13[%dma_wait3A_392, %dma_wait3A_393] : memref<10112x128xf32, #tpu.memory_space<vmem_shared>> -> memref<10112x128xf32, #tpu.memory_space<vmem_shared>>
        tpu.wait_indirect_dma semaphore(%run_scoped3A_382 : memref<!tpu.dma_semaphore, #tpu.memory_space<semaphore_mem>>) src(%arg12 : memref<80x128xf32, #tpu.memory_space<vmem>>) dst(%dma_wait3A_394 : memref<10112x128xf32, #tpu.memory_space<vmem_shared>>)
        tpu.yield
      }) : () -> ()
      %dma_start3A_88 = arith.constant 7 : i32
      %dma_start3A_89 = arith.constant 0 : i32
      %dma_start3A_90 = tpu.memref_slice %arg7[%dma_start3A_88, %dma_start3A_89] : memref<25x80xi32, #tpu.memory_space<vmem>> -> memref<1x80xi32, #tpu.memory_space<vmem>>
      %dma_start3A_91 = tpu.memref_squeeze %dma_start3A_90 : memref<1x80xi32, #tpu.memory_space<vmem>> -> memref<80xi32, #tpu.memory_space<vmem>>
      %dma_start3A_92 = arith.constant 0 : i32
      %dma_start3A_93 = arith.constant 0 : i32
      %dma_start3A_94 = tpu.memref_slice %arg2[%dma_start3A_92, %dma_start3A_93] : memref<10000x128xf32, #tpu.memory_space<hbm>> -> memref<10000x128xf32, #tpu.memory_space<hbm>>
      tpu.enqueue_indirect_dma source(%dma_start3A_94 : memref<10000x128xf32, #tpu.memory_space<hbm>>) target(%arg12 : memref<80x128xf32, #tpu.memory_space<vmem>>) offsets(%dma_start3A_91 : memref<80xi32, #tpu.memory_space<vmem>>) semaphore(%arg17 : memref<!tpu.dma_semaphore, #tpu.memory_space<semaphore_mem>>)
      %dma_wait3A_95 = arith.constant 4 : i32
      %dma_wait3A_96 = arith.constant 0 : i32
      %dma_wait3A_97 = tpu.memref_slice %arg7[%dma_wait3A_95, %dma_wait3A_96] : memref<25x80xi32, #tpu.memory_space<vmem>> -> memref<1x80xi32, #tpu.memory_space<vmem>>
      %dma_wait3A_98 = tpu.memref_squeeze %dma_wait3A_97 : memref<1x80xi32, #tpu.memory_space<vmem>> -> memref<80xi32, #tpu.memory_space<vmem>>
      %dma_wait3A_99 = arith.constant 0 : i32
      %dma_wait3A_100 = arith.constant 0 : i32
      %dma_wait3A_101 = tpu.memref_slice %arg2[%dma_wait3A_99, %dma_wait3A_100] : memref<10000x128xf32, #tpu.memory_space<hbm>> -> memref<10000x128xf32, #tpu.memory_space<hbm>>
      tpu.wait_indirect_dma semaphore(%arg14 : memref<!tpu.dma_semaphore, #tpu.memory_space<semaphore_mem>>) src(%dma_wait3A_101 : memref<10000x128xf32, #tpu.memory_space<hbm>>) dst(%arg9 : memref<80x128xf32, #tpu.memory_space<vmem>>)
      %run_scoped3A_102 = arith.constant 4 : i32
      "tpu.region"() ({
        %run_scoped3A_382 = tpu.sem_alloc : memref<!tpu.dma_semaphore, #tpu.memory_space<semaphore_mem>>
        %dma_start3A_383 = arith.constant 0 : i32
        %dma_start3A_384 = tpu.memref_slice %arg8[%run_scoped3A_102, %dma_start3A_383] : memref<25x80xi32, #tpu.memory_space<vmem>> -> memref<1x80xi32, #tpu.memory_space<vmem>>
        %dma_start3A_385 = tpu.memref_squeeze %dma_start3A_384 : memref<1x80xi32, #tpu.memory_space<vmem>> -> memref<80xi32, #tpu.memory_space<vmem>>
        %dma_start3A_386 = arith.constant 0 : i32
        %dma_start3A_387 = arith.constant 0 : i32
        %dma_start3A_388 = tpu.memref_slice %arg13[%dma_start3A_386, %dma_start3A_387] : memref<10112x128xf32, #tpu.memory_space<vmem_shared>> -> memref<10112x128xf32, #tpu.memory_space<vmem_shared>>
        tpu.enqueue_indirect_dma source(%arg9 : memref<80x128xf32, #tpu.memory_space<vmem>>) target(%dma_start3A_388 : memref<10112x128xf32, #tpu.memory_space<vmem_shared>>) offsets(%dma_start3A_385 : memref<80xi32, #tpu.memory_space<vmem>>) semaphore(%run_scoped3A_382 : memref<!tpu.dma_semaphore, #tpu.memory_space<semaphore_mem>>) {add = true}
        %dma_wait3A_389 = arith.constant 0 : i32
        %dma_wait3A_390 = tpu.memref_slice %arg8[%run_scoped3A_102, %dma_wait3A_389] : memref<25x80xi32, #tpu.memory_space<vmem>> -> memref<1x80xi32, #tpu.memory_space<vmem>>
        %dma_wait3A_391 = tpu.memref_squeeze %dma_wait3A_390 : memref<1x80xi32, #tpu.memory_space<vmem>> -> memref<80xi32, #tpu.memory_space<vmem>>
        %dma_wait3A_392 = arith.constant 0 : i32
        %dma_wait3A_393 = arith.constant 0 : i32
        %dma_wait3A_394 = tpu.memref_slice %arg13[%dma_wait3A_392, %dma_wait3A_393] : memref<10112x128xf32, #tpu.memory_space<vmem_shared>> -> memref<10112x128xf32, #tpu.memory_space<vmem_shared>>
        tpu.wait_indirect_dma semaphore(%run_scoped3A_382 : memref<!tpu.dma_semaphore, #tpu.memory_space<semaphore_mem>>) src(%arg9 : memref<80x128xf32, #tpu.memory_space<vmem>>) dst(%dma_wait3A_394 : memref<10112x128xf32, #tpu.memory_space<vmem_shared>>)
        tpu.yield
      }) : () -> ()
      %dma_start3A_103 = arith.constant 8 : i32
      %dma_start3A_104 = arith.constant 0 : i32
      %dma_start3A_105 = tpu.memref_slice %arg7[%dma_start3A_103, %dma_start3A_104] : memref<25x80xi32, #tpu.memory_space<vmem>> -> memref<1x80xi32, #tpu.memory_space<vmem>>
      %dma_start3A_106 = tpu.memref_squeeze %dma_start3A_105 : memref<1x80xi32, #tpu.memory_space<vmem>> -> memref<80xi32, #tpu.memory_space<vmem>>
      %dma_start3A_107 = arith.constant 0 : i32
      %dma_start3A_108 = arith.constant 0 : i32
      %dma_start3A_109 = tpu.memref_slice %arg2[%dma_start3A_107, %dma_start3A_108] : memref<10000x128xf32, #tpu.memory_space<hbm>> -> memref<10000x128xf32, #tpu.memory_space<hbm>>
      tpu.enqueue_indirect_dma source(%dma_start3A_109 : memref<10000x128xf32, #tpu.memory_space<hbm>>) target(%arg9 : memref<80x128xf32, #tpu.memory_space<vmem>>) offsets(%dma_start3A_106 : memref<80xi32, #tpu.memory_space<vmem>>) semaphore(%arg14 : memref<!tpu.dma_semaphore, #tpu.memory_space<semaphore_mem>>)
      %dma_wait3A_110 = arith.constant 5 : i32
      %dma_wait3A_111 = arith.constant 0 : i32
      %dma_wait3A_112 = tpu.memref_slice %arg7[%dma_wait3A_110, %dma_wait3A_111] : memref<25x80xi32, #tpu.memory_space<vmem>> -> memref<1x80xi32, #tpu.memory_space<vmem>>
      %dma_wait3A_113 = tpu.memref_squeeze %dma_wait3A_112 : memref<1x80xi32, #tpu.memory_space<vmem>> -> memref<80xi32, #tpu.memory_space<vmem>>
      %dma_wait3A_114 = arith.constant 0 : i32
      %dma_wait3A_115 = arith.constant 0 : i32
      %dma_wait3A_116 = tpu.memref_slice %arg2[%dma_wait3A_114, %dma_wait3A_115] : memref<10000x128xf32, #tpu.memory_space<hbm>> -> memref<10000x128xf32, #tpu.memory_space<hbm>>
      tpu.wait_indirect_dma semaphore(%arg15 : memref<!tpu.dma_semaphore, #tpu.memory_space<semaphore_mem>>) src(%dma_wait3A_116 : memref<10000x128xf32, #tpu.memory_space<hbm>>) dst(%arg10 : memref<80x128xf32, #tpu.memory_space<vmem>>)
      %run_scoped3A_117 = arith.constant 5 : i32
      "tpu.region"() ({
        %run_scoped3A_382 = tpu.sem_alloc : memref<!tpu.dma_semaphore, #tpu.memory_space<semaphore_mem>>
        %dma_start3A_383 = arith.constant 0 : i32
        %dma_start3A_384 = tpu.memref_slice %arg8[%run_scoped3A_117, %dma_start3A_383] : memref<25x80xi32, #tpu.memory_space<vmem>> -> memref<1x80xi32, #tpu.memory_space<vmem>>
        %dma_start3A_385 = tpu.memref_squeeze %dma_start3A_384 : memref<1x80xi32, #tpu.memory_space<vmem>> -> memref<80xi32, #tpu.memory_space<vmem>>
        %dma_start3A_386 = arith.constant 0 : i32
        %dma_start3A_387 = arith.constant 0 : i32
        %dma_start3A_388 = tpu.memref_slice %arg13[%dma_start3A_386, %dma_start3A_387] : memref<10112x128xf32, #tpu.memory_space<vmem_shared>> -> memref<10112x128xf32, #tpu.memory_space<vmem_shared>>
        tpu.enqueue_indirect_dma source(%arg10 : memref<80x128xf32, #tpu.memory_space<vmem>>) target(%dma_start3A_388 : memref<10112x128xf32, #tpu.memory_space<vmem_shared>>) offsets(%dma_start3A_385 : memref<80xi32, #tpu.memory_space<vmem>>) semaphore(%run_scoped3A_382 : memref<!tpu.dma_semaphore, #tpu.memory_space<semaphore_mem>>) {add = true}
        %dma_wait3A_389 = arith.constant 0 : i32
        %dma_wait3A_390 = tpu.memref_slice %arg8[%run_scoped3A_117, %dma_wait3A_389] : memref<25x80xi32, #tpu.memory_space<vmem>> -> memref<1x80xi32, #tpu.memory_space<vmem>>
        %dma_wait3A_391 = tpu.memref_squeeze %dma_wait3A_390 : memref<1x80xi32, #tpu.memory_space<vmem>> -> memref<80xi32, #tpu.memory_space<vmem>>
        %dma_wait3A_392 = arith.constant 0 : i32
        %dma_wait3A_393 = arith.constant 0 : i32
        %dma_wait3A_394 = tpu.memref_slice %arg13[%dma_wait3A_392, %dma_wait3A_393] : memref<10112x128xf32, #tpu.memory_space<vmem_shared>> -> memref<10112x128xf32, #tpu.memory_space<vmem_shared>>
        tpu.wait_indirect_dma semaphore(%run_scoped3A_382 : memref<!tpu.dma_semaphore, #tpu.memory_space<semaphore_mem>>) src(%arg10 : memref<80x128xf32, #tpu.memory_space<vmem>>) dst(%dma_wait3A_394 : memref<10112x128xf32, #tpu.memory_space<vmem_shared>>)
        tpu.yield
      }) : () -> ()
      %dma_start3A_118 = arith.constant 9 : i32
      %dma_start3A_119 = arith.constant 0 : i32
      %dma_start3A_120 = tpu.memref_slice %arg7[%dma_start3A_118, %dma_start3A_119] : memref<25x80xi32, #tpu.memory_space<vmem>> -> memref<1x80xi32, #tpu.memory_space<vmem>>
      %dma_start3A_121 = tpu.memref_squeeze %dma_start3A_120 : memref<1x80xi32, #tpu.memory_space<vmem>> -> memref<80xi32, #tpu.memory_space<vmem>>
      %dma_start3A_122 = arith.constant 0 : i32
      %dma_start3A_123 = arith.constant 0 : i32
      %dma_start3A_124 = tpu.memref_slice %arg2[%dma_start3A_122, %dma_start3A_123] : memref<10000x128xf32, #tpu.memory_space<hbm>> -> memref<10000x128xf32, #tpu.memory_space<hbm>>
      tpu.enqueue_indirect_dma source(%dma_start3A_124 : memref<10000x128xf32, #tpu.memory_space<hbm>>) target(%arg10 : memref<80x128xf32, #tpu.memory_space<vmem>>) offsets(%dma_start3A_121 : memref<80xi32, #tpu.memory_space<vmem>>) semaphore(%arg15 : memref<!tpu.dma_semaphore, #tpu.memory_space<semaphore_mem>>)
      %dma_wait3A_125 = arith.constant 6 : i32
      %dma_wait3A_126 = arith.constant 0 : i32
      %dma_wait3A_127 = tpu.memref_slice %arg7[%dma_wait3A_125, %dma_wait3A_126] : memref<25x80xi32, #tpu.memory_space<vmem>> -> memref<1x80xi32, #tpu.memory_space<vmem>>
      %dma_wait3A_128 = tpu.memref_squeeze %dma_wait3A_127 : memref<1x80xi32, #tpu.memory_space<vmem>> -> memref<80xi32, #tpu.memory_space<vmem>>
      %dma_wait3A_129 = arith.constant 0 : i32
      %dma_wait3A_130 = arith.constant 0 : i32
      %dma_wait3A_131 = tpu.memref_slice %arg2[%dma_wait3A_129, %dma_wait3A_130] : memref<10000x128xf32, #tpu.memory_space<hbm>> -> memref<10000x128xf32, #tpu.memory_space<hbm>>
      tpu.wait_indirect_dma semaphore(%arg16 : memref<!tpu.dma_semaphore, #tpu.memory_space<semaphore_mem>>) src(%dma_wait3A_131 : memref<10000x128xf32, #tpu.memory_space<hbm>>) dst(%arg11 : memref<80x128xf32, #tpu.memory_space<vmem>>)
      %run_scoped3A_132 = arith.constant 6 : i32
      "tpu.region"() ({
        %run_scoped3A_382 = tpu.sem_alloc : memref<!tpu.dma_semaphore, #tpu.memory_space<semaphore_mem>>
        %dma_start3A_383 = arith.constant 0 : i32
        %dma_start3A_384 = tpu.memref_slice %arg8[%run_scoped3A_132, %dma_start3A_383] : memref<25x80xi32, #tpu.memory_space<vmem>> -> memref<1x80xi32, #tpu.memory_space<vmem>>
        %dma_start3A_385 = tpu.memref_squeeze %dma_start3A_384 : memref<1x80xi32, #tpu.memory_space<vmem>> -> memref<80xi32, #tpu.memory_space<vmem>>
        %dma_start3A_386 = arith.constant 0 : i32
        %dma_start3A_387 = arith.constant 0 : i32
        %dma_start3A_388 = tpu.memref_slice %arg13[%dma_start3A_386, %dma_start3A_387] : memref<10112x128xf32, #tpu.memory_space<vmem_shared>> -> memref<10112x128xf32, #tpu.memory_space<vmem_shared>>
        tpu.enqueue_indirect_dma source(%arg11 : memref<80x128xf32, #tpu.memory_space<vmem>>) target(%dma_start3A_388 : memref<10112x128xf32, #tpu.memory_space<vmem_shared>>) offsets(%dma_start3A_385 : memref<80xi32, #tpu.memory_space<vmem>>) semaphore(%run_scoped3A_382 : memref<!tpu.dma_semaphore, #tpu.memory_space<semaphore_mem>>) {add = true}
        %dma_wait3A_389 = arith.constant 0 : i32
        %dma_wait3A_390 = tpu.memref_slice %arg8[%run_scoped3A_132, %dma_wait3A_389] : memref<25x80xi32, #tpu.memory_space<vmem>> -> memref<1x80xi32, #tpu.memory_space<vmem>>
        %dma_wait3A_391 = tpu.memref_squeeze %dma_wait3A_390 : memref<1x80xi32, #tpu.memory_space<vmem>> -> memref<80xi32, #tpu.memory_space<vmem>>
        %dma_wait3A_392 = arith.constant 0 : i32
        %dma_wait3A_393 = arith.constant 0 : i32
        %dma_wait3A_394 = tpu.memref_slice %arg13[%dma_wait3A_392, %dma_wait3A_393] : memref<10112x128xf32, #tpu.memory_space<vmem_shared>> -> memref<10112x128xf32, #tpu.memory_space<vmem_shared>>
        tpu.wait_indirect_dma semaphore(%run_scoped3A_382 : memref<!tpu.dma_semaphore, #tpu.memory_space<semaphore_mem>>) src(%arg11 : memref<80x128xf32, #tpu.memory_space<vmem>>) dst(%dma_wait3A_394 : memref<10112x128xf32, #tpu.memory_space<vmem_shared>>)
        tpu.yield
      }) : () -> ()
      %dma_start3A_133 = arith.constant 10 : i32
      %dma_start3A_134 = arith.constant 0 : i32
      %dma_start3A_135 = tpu.memref_slice %arg7[%dma_start3A_133, %dma_start3A_134] : memref<25x80xi32, #tpu.memory_space<vmem>> -> memref<1x80xi32, #tpu.memory_space<vmem>>
      %dma_start3A_136 = tpu.memref_squeeze %dma_start3A_135 : memref<1x80xi32, #tpu.memory_space<vmem>> -> memref<80xi32, #tpu.memory_space<vmem>>
      %dma_start3A_137 = arith.constant 0 : i32
      %dma_start3A_138 = arith.constant 0 : i32
      %dma_start3A_139 = tpu.memref_slice %arg2[%dma_start3A_137, %dma_start3A_138] : memref<10000x128xf32, #tpu.memory_space<hbm>> -> memref<10000x128xf32, #tpu.memory_space<hbm>>
      tpu.enqueue_indirect_dma source(%dma_start3A_139 : memref<10000x128xf32, #tpu.memory_space<hbm>>) target(%arg11 : memref<80x128xf32, #tpu.memory_space<vmem>>) offsets(%dma_start3A_136 : memref<80xi32, #tpu.memory_space<vmem>>) semaphore(%arg16 : memref<!tpu.dma_semaphore, #tpu.memory_space<semaphore_mem>>)
      %dma_wait3A_140 = arith.constant 7 : i32
      %dma_wait3A_141 = arith.constant 0 : i32
      %dma_wait3A_142 = tpu.memref_slice %arg7[%dma_wait3A_140, %dma_wait3A_141] : memref<25x80xi32, #tpu.memory_space<vmem>> -> memref<1x80xi32, #tpu.memory_space<vmem>>
      %dma_wait3A_143 = tpu.memref_squeeze %dma_wait3A_142 : memref<1x80xi32, #tpu.memory_space<vmem>> -> memref<80xi32, #tpu.memory_space<vmem>>
      %dma_wait3A_144 = arith.constant 0 : i32
      %dma_wait3A_145 = arith.constant 0 : i32
      %dma_wait3A_146 = tpu.memref_slice %arg2[%dma_wait3A_144, %dma_wait3A_145] : memref<10000x128xf32, #tpu.memory_space<hbm>> -> memref<10000x128xf32, #tpu.memory_space<hbm>>
      tpu.wait_indirect_dma semaphore(%arg17 : memref<!tpu.dma_semaphore, #tpu.memory_space<semaphore_mem>>) src(%dma_wait3A_146 : memref<10000x128xf32, #tpu.memory_space<hbm>>) dst(%arg12 : memref<80x128xf32, #tpu.memory_space<vmem>>)
      %run_scoped3A_147 = arith.constant 7 : i32
      "tpu.region"() ({
        %run_scoped3A_382 = tpu.sem_alloc : memref<!tpu.dma_semaphore, #tpu.memory_space<semaphore_mem>>
        %dma_start3A_383 = arith.constant 0 : i32
        %dma_start3A_384 = tpu.memref_slice %arg8[%run_scoped3A_147, %dma_start3A_383] : memref<25x80xi32, #tpu.memory_space<vmem>> -> memref<1x80xi32, #tpu.memory_space<vmem>>
        %dma_start3A_385 = tpu.memref_squeeze %dma_start3A_384 : memref<1x80xi32, #tpu.memory_space<vmem>> -> memref<80xi32, #tpu.memory_space<vmem>>
        %dma_start3A_386 = arith.constant 0 : i32
        %dma_start3A_387 = arith.constant 0 : i32
        %dma_start3A_388 = tpu.memref_slice %arg13[%dma_start3A_386, %dma_start3A_387] : memref<10112x128xf32, #tpu.memory_space<vmem_shared>> -> memref<10112x128xf32, #tpu.memory_space<vmem_shared>>
        tpu.enqueue_indirect_dma source(%arg12 : memref<80x128xf32, #tpu.memory_space<vmem>>) target(%dma_start3A_388 : memref<10112x128xf32, #tpu.memory_space<vmem_shared>>) offsets(%dma_start3A_385 : memref<80xi32, #tpu.memory_space<vmem>>) semaphore(%run_scoped3A_382 : memref<!tpu.dma_semaphore, #tpu.memory_space<semaphore_mem>>) {add = true}
        %dma_wait3A_389 = arith.constant 0 : i32
        %dma_wait3A_390 = tpu.memref_slice %arg8[%run_scoped3A_147, %dma_wait3A_389] : memref<25x80xi32, #tpu.memory_space<vmem>> -> memref<1x80xi32, #tpu.memory_space<vmem>>
        %dma_wait3A_391 = tpu.memref_squeeze %dma_wait3A_390 : memref<1x80xi32, #tpu.memory_space<vmem>> -> memref<80xi32, #tpu.memory_space<vmem>>
        %dma_wait3A_392 = arith.constant 0 : i32
        %dma_wait3A_393 = arith.constant 0 : i32
        %dma_wait3A_394 = tpu.memref_slice %arg13[%dma_wait3A_392, %dma_wait3A_393] : memref<10112x128xf32, #tpu.memory_space<vmem_shared>> -> memref<10112x128xf32, #tpu.memory_space<vmem_shared>>
        tpu.wait_indirect_dma semaphore(%run_scoped3A_382 : memref<!tpu.dma_semaphore, #tpu.memory_space<semaphore_mem>>) src(%arg12 : memref<80x128xf32, #tpu.memory_space<vmem>>) dst(%dma_wait3A_394 : memref<10112x128xf32, #tpu.memory_space<vmem_shared>>)
        tpu.yield
      }) : () -> ()
      %dma_start3A_148 = arith.constant 11 : i32
      %dma_start3A_149 = arith.constant 0 : i32
      %dma_start3A_150 = tpu.memref_slice %arg7[%dma_start3A_148, %dma_start3A_149] : memref<25x80xi32, #tpu.memory_space<vmem>> -> memref<1x80xi32, #tpu.memory_space<vmem>>
      %dma_start3A_151 = tpu.memref_squeeze %dma_start3A_150 : memref<1x80xi32, #tpu.memory_space<vmem>> -> memref<80xi32, #tpu.memory_space<vmem>>
      %dma_start3A_152 = arith.constant 0 : i32
      %dma_start3A_153 = arith.constant 0 : i32
      %dma_start3A_154 = tpu.memref_slice %arg2[%dma_start3A_152, %dma_start3A_153] : memref<10000x128xf32, #tpu.memory_space<hbm>> -> memref<10000x128xf32, #tpu.memory_space<hbm>>
      tpu.enqueue_indirect_dma source(%dma_start3A_154 : memref<10000x128xf32, #tpu.memory_space<hbm>>) target(%arg12 : memref<80x128xf32, #tpu.memory_space<vmem>>) offsets(%dma_start3A_151 : memref<80xi32, #tpu.memory_space<vmem>>) semaphore(%arg17 : memref<!tpu.dma_semaphore, #tpu.memory_space<semaphore_mem>>)
      %dma_wait3A_155 = arith.constant 8 : i32
      %dma_wait3A_156 = arith.constant 0 : i32
      %dma_wait3A_157 = tpu.memref_slice %arg7[%dma_wait3A_155, %dma_wait3A_156] : memref<25x80xi32, #tpu.memory_space<vmem>> -> memref<1x80xi32, #tpu.memory_space<vmem>>
      %dma_wait3A_158 = tpu.memref_squeeze %dma_wait3A_157 : memref<1x80xi32, #tpu.memory_space<vmem>> -> memref<80xi32, #tpu.memory_space<vmem>>
      %dma_wait3A_159 = arith.constant 0 : i32
      %dma_wait3A_160 = arith.constant 0 : i32
      %dma_wait3A_161 = tpu.memref_slice %arg2[%dma_wait3A_159, %dma_wait3A_160] : memref<10000x128xf32, #tpu.memory_space<hbm>> -> memref<10000x128xf32, #tpu.memory_space<hbm>>
      tpu.wait_indirect_dma semaphore(%arg14 : memref<!tpu.dma_semaphore, #tpu.memory_space<semaphore_mem>>) src(%dma_wait3A_161 : memref<10000x128xf32, #tpu.memory_space<hbm>>) dst(%arg9 : memref<80x128xf32, #tpu.memory_space<vmem>>)
      %run_scoped3A_162 = arith.constant 8 : i32
      "tpu.region"() ({
        %run_scoped3A_382 = tpu.sem_alloc : memref<!tpu.dma_semaphore, #tpu.memory_space<semaphore_mem>>
        %dma_start3A_383 = arith.constant 0 : i32
        %dma_start3A_384 = tpu.memref_slice %arg8[%run_scoped3A_162, %dma_start3A_383] : memref<25x80xi32, #tpu.memory_space<vmem>> -> memref<1x80xi32, #tpu.memory_space<vmem>>
        %dma_start3A_385 = tpu.memref_squeeze %dma_start3A_384 : memref<1x80xi32, #tpu.memory_space<vmem>> -> memref<80xi32, #tpu.memory_space<vmem>>
        %dma_start3A_386 = arith.constant 0 : i32
        %dma_start3A_387 = arith.constant 0 : i32
        %dma_start3A_388 = tpu.memref_slice %arg13[%dma_start3A_386, %dma_start3A_387] : memref<10112x128xf32, #tpu.memory_space<vmem_shared>> -> memref<10112x128xf32, #tpu.memory_space<vmem_shared>>
        tpu.enqueue_indirect_dma source(%arg9 : memref<80x128xf32, #tpu.memory_space<vmem>>) target(%dma_start3A_388 : memref<10112x128xf32, #tpu.memory_space<vmem_shared>>) offsets(%dma_start3A_385 : memref<80xi32, #tpu.memory_space<vmem>>) semaphore(%run_scoped3A_382 : memref<!tpu.dma_semaphore, #tpu.memory_space<semaphore_mem>>) {add = true}
        %dma_wait3A_389 = arith.constant 0 : i32
        %dma_wait3A_390 = tpu.memref_slice %arg8[%run_scoped3A_162, %dma_wait3A_389] : memref<25x80xi32, #tpu.memory_space<vmem>> -> memref<1x80xi32, #tpu.memory_space<vmem>>
        %dma_wait3A_391 = tpu.memref_squeeze %dma_wait3A_390 : memref<1x80xi32, #tpu.memory_space<vmem>> -> memref<80xi32, #tpu.memory_space<vmem>>
        %dma_wait3A_392 = arith.constant 0 : i32
        %dma_wait3A_393 = arith.constant 0 : i32
        %dma_wait3A_394 = tpu.memref_slice %arg13[%dma_wait3A_392, %dma_wait3A_393] : memref<10112x128xf32, #tpu.memory_space<vmem_shared>> -> memref<10112x128xf32, #tpu.memory_space<vmem_shared>>
        tpu.wait_indirect_dma semaphore(%run_scoped3A_382 : memref<!tpu.dma_semaphore, #tpu.memory_space<semaphore_mem>>) src(%arg9 : memref<80x128xf32, #tpu.memory_space<vmem>>) dst(%dma_wait3A_394 : memref<10112x128xf32, #tpu.memory_space<vmem_shared>>)
        tpu.yield
      }) : () -> ()
      %dma_start3A_163 = arith.constant 12 : i32
      %dma_start3A_164 = arith.constant 0 : i32
      %dma_start3A_165 = tpu.memref_slice %arg7[%dma_start3A_163, %dma_start3A_164] : memref<25x80xi32, #tpu.memory_space<vmem>> -> memref<1x80xi32, #tpu.memory_space<vmem>>
      %dma_start3A_166 = tpu.memref_squeeze %dma_start3A_165 : memref<1x80xi32, #tpu.memory_space<vmem>> -> memref<80xi32, #tpu.memory_space<vmem>>
      %dma_start3A_167 = arith.constant 0 : i32
      %dma_start3A_168 = arith.constant 0 : i32
      %dma_start3A_169 = tpu.memref_slice %arg2[%dma_start3A_167, %dma_start3A_168] : memref<10000x128xf32, #tpu.memory_space<hbm>> -> memref<10000x128xf32, #tpu.memory_space<hbm>>
      tpu.enqueue_indirect_dma source(%dma_start3A_169 : memref<10000x128xf32, #tpu.memory_space<hbm>>) target(%arg9 : memref<80x128xf32, #tpu.memory_space<vmem>>) offsets(%dma_start3A_166 : memref<80xi32, #tpu.memory_space<vmem>>) semaphore(%arg14 : memref<!tpu.dma_semaphore, #tpu.memory_space<semaphore_mem>>)
      %dma_wait3A_170 = arith.constant 9 : i32
      %dma_wait3A_171 = arith.constant 0 : i32
      %dma_wait3A_172 = tpu.memref_slice %arg7[%dma_wait3A_170, %dma_wait3A_171] : memref<25x80xi32, #tpu.memory_space<vmem>> -> memref<1x80xi32, #tpu.memory_space<vmem>>
      %dma_wait3A_173 = tpu.memref_squeeze %dma_wait3A_172 : memref<1x80xi32, #tpu.memory_space<vmem>> -> memref<80xi32, #tpu.memory_space<vmem>>
      %dma_wait3A_174 = arith.constant 0 : i32
      %dma_wait3A_175 = arith.constant 0 : i32
      %dma_wait3A_176 = tpu.memref_slice %arg2[%dma_wait3A_174, %dma_wait3A_175] : memref<10000x128xf32, #tpu.memory_space<hbm>> -> memref<10000x128xf32, #tpu.memory_space<hbm>>
      tpu.wait_indirect_dma semaphore(%arg15 : memref<!tpu.dma_semaphore, #tpu.memory_space<semaphore_mem>>) src(%dma_wait3A_176 : memref<10000x128xf32, #tpu.memory_space<hbm>>) dst(%arg10 : memref<80x128xf32, #tpu.memory_space<vmem>>)
      %run_scoped3A_177 = arith.constant 9 : i32
      "tpu.region"() ({
        %run_scoped3A_382 = tpu.sem_alloc : memref<!tpu.dma_semaphore, #tpu.memory_space<semaphore_mem>>
        %dma_start3A_383 = arith.constant 0 : i32
        %dma_start3A_384 = tpu.memref_slice %arg8[%run_scoped3A_177, %dma_start3A_383] : memref<25x80xi32, #tpu.memory_space<vmem>> -> memref<1x80xi32, #tpu.memory_space<vmem>>
        %dma_start3A_385 = tpu.memref_squeeze %dma_start3A_384 : memref<1x80xi32, #tpu.memory_space<vmem>> -> memref<80xi32, #tpu.memory_space<vmem>>
        %dma_start3A_386 = arith.constant 0 : i32
        %dma_start3A_387 = arith.constant 0 : i32
        %dma_start3A_388 = tpu.memref_slice %arg13[%dma_start3A_386, %dma_start3A_387] : memref<10112x128xf32, #tpu.memory_space<vmem_shared>> -> memref<10112x128xf32, #tpu.memory_space<vmem_shared>>
        tpu.enqueue_indirect_dma source(%arg10 : memref<80x128xf32, #tpu.memory_space<vmem>>) target(%dma_start3A_388 : memref<10112x128xf32, #tpu.memory_space<vmem_shared>>) offsets(%dma_start3A_385 : memref<80xi32, #tpu.memory_space<vmem>>) semaphore(%run_scoped3A_382 : memref<!tpu.dma_semaphore, #tpu.memory_space<semaphore_mem>>) {add = true}
        %dma_wait3A_389 = arith.constant 0 : i32
        %dma_wait3A_390 = tpu.memref_slice %arg8[%run_scoped3A_177, %dma_wait3A_389] : memref<25x80xi32, #tpu.memory_space<vmem>> -> memref<1x80xi32, #tpu.memory_space<vmem>>
        %dma_wait3A_391 = tpu.memref_squeeze %dma_wait3A_390 : memref<1x80xi32, #tpu.memory_space<vmem>> -> memref<80xi32, #tpu.memory_space<vmem>>
        %dma_wait3A_392 = arith.constant 0 : i32
        %dma_wait3A_393 = arith.constant 0 : i32
        %dma_wait3A_394 = tpu.memref_slice %arg13[%dma_wait3A_392, %dma_wait3A_393] : memref<10112x128xf32, #tpu.memory_space<vmem_shared>> -> memref<10112x128xf32, #tpu.memory_space<vmem_shared>>
        tpu.wait_indirect_dma semaphore(%run_scoped3A_382 : memref<!tpu.dma_semaphore, #tpu.memory_space<semaphore_mem>>) src(%arg10 : memref<80x128xf32, #tpu.memory_space<vmem>>) dst(%dma_wait3A_394 : memref<10112x128xf32, #tpu.memory_space<vmem_shared>>)
        tpu.yield
      }) : () -> ()
      %dma_start3A_178 = arith.constant 13 : i32
      %dma_start3A_179 = arith.constant 0 : i32
      %dma_start3A_180 = tpu.memref_slice %arg7[%dma_start3A_178, %dma_start3A_179] : memref<25x80xi32, #tpu.memory_space<vmem>> -> memref<1x80xi32, #tpu.memory_space<vmem>>
      %dma_start3A_181 = tpu.memref_squeeze %dma_start3A_180 : memref<1x80xi32, #tpu.memory_space<vmem>> -> memref<80xi32, #tpu.memory_space<vmem>>
      %dma_start3A_182 = arith.constant 0 : i32
      %dma_start3A_183 = arith.constant 0 : i32
      %dma_start3A_184 = tpu.memref_slice %arg2[%dma_start3A_182, %dma_start3A_183] : memref<10000x128xf32, #tpu.memory_space<hbm>> -> memref<10000x128xf32, #tpu.memory_space<hbm>>
      tpu.enqueue_indirect_dma source(%dma_start3A_184 : memref<10000x128xf32, #tpu.memory_space<hbm>>) target(%arg10 : memref<80x128xf32, #tpu.memory_space<vmem>>) offsets(%dma_start3A_181 : memref<80xi32, #tpu.memory_space<vmem>>) semaphore(%arg15 : memref<!tpu.dma_semaphore, #tpu.memory_space<semaphore_mem>>)
      %dma_wait3A_185 = arith.constant 10 : i32
      %dma_wait3A_186 = arith.constant 0 : i32
      %dma_wait3A_187 = tpu.memref_slice %arg7[%dma_wait3A_185, %dma_wait3A_186] : memref<25x80xi32, #tpu.memory_space<vmem>> -> memref<1x80xi32, #tpu.memory_space<vmem>>
      %dma_wait3A_188 = tpu.memref_squeeze %dma_wait3A_187 : memref<1x80xi32, #tpu.memory_space<vmem>> -> memref<80xi32, #tpu.memory_space<vmem>>
      %dma_wait3A_189 = arith.constant 0 : i32
      %dma_wait3A_190 = arith.constant 0 : i32
      %dma_wait3A_191 = tpu.memref_slice %arg2[%dma_wait3A_189, %dma_wait3A_190] : memref<10000x128xf32, #tpu.memory_space<hbm>> -> memref<10000x128xf32, #tpu.memory_space<hbm>>
      tpu.wait_indirect_dma semaphore(%arg16 : memref<!tpu.dma_semaphore, #tpu.memory_space<semaphore_mem>>) src(%dma_wait3A_191 : memref<10000x128xf32, #tpu.memory_space<hbm>>) dst(%arg11 : memref<80x128xf32, #tpu.memory_space<vmem>>)
      %run_scoped3A_192 = arith.constant 10 : i32
      "tpu.region"() ({
        %run_scoped3A_382 = tpu.sem_alloc : memref<!tpu.dma_semaphore, #tpu.memory_space<semaphore_mem>>
        %dma_start3A_383 = arith.constant 0 : i32
        %dma_start3A_384 = tpu.memref_slice %arg8[%run_scoped3A_192, %dma_start3A_383] : memref<25x80xi32, #tpu.memory_space<vmem>> -> memref<1x80xi32, #tpu.memory_space<vmem>>
        %dma_start3A_385 = tpu.memref_squeeze %dma_start3A_384 : memref<1x80xi32, #tpu.memory_space<vmem>> -> memref<80xi32, #tpu.memory_space<vmem>>
        %dma_start3A_386 = arith.constant 0 : i32
        %dma_start3A_387 = arith.constant 0 : i32
        %dma_start3A_388 = tpu.memref_slice %arg13[%dma_start3A_386, %dma_start3A_387] : memref<10112x128xf32, #tpu.memory_space<vmem_shared>> -> memref<10112x128xf32, #tpu.memory_space<vmem_shared>>
        tpu.enqueue_indirect_dma source(%arg11 : memref<80x128xf32, #tpu.memory_space<vmem>>) target(%dma_start3A_388 : memref<10112x128xf32, #tpu.memory_space<vmem_shared>>) offsets(%dma_start3A_385 : memref<80xi32, #tpu.memory_space<vmem>>) semaphore(%run_scoped3A_382 : memref<!tpu.dma_semaphore, #tpu.memory_space<semaphore_mem>>) {add = true}
        %dma_wait3A_389 = arith.constant 0 : i32
        %dma_wait3A_390 = tpu.memref_slice %arg8[%run_scoped3A_192, %dma_wait3A_389] : memref<25x80xi32, #tpu.memory_space<vmem>> -> memref<1x80xi32, #tpu.memory_space<vmem>>
        %dma_wait3A_391 = tpu.memref_squeeze %dma_wait3A_390 : memref<1x80xi32, #tpu.memory_space<vmem>> -> memref<80xi32, #tpu.memory_space<vmem>>
        %dma_wait3A_392 = arith.constant 0 : i32
        %dma_wait3A_393 = arith.constant 0 : i32
        %dma_wait3A_394 = tpu.memref_slice %arg13[%dma_wait3A_392, %dma_wait3A_393] : memref<10112x128xf32, #tpu.memory_space<vmem_shared>> -> memref<10112x128xf32, #tpu.memory_space<vmem_shared>>
        tpu.wait_indirect_dma semaphore(%run_scoped3A_382 : memref<!tpu.dma_semaphore, #tpu.memory_space<semaphore_mem>>) src(%arg11 : memref<80x128xf32, #tpu.memory_space<vmem>>) dst(%dma_wait3A_394 : memref<10112x128xf32, #tpu.memory_space<vmem_shared>>)
        tpu.yield
      }) : () -> ()
      %dma_start3A_193 = arith.constant 14 : i32
      %dma_start3A_194 = arith.constant 0 : i32
      %dma_start3A_195 = tpu.memref_slice %arg7[%dma_start3A_193, %dma_start3A_194] : memref<25x80xi32, #tpu.memory_space<vmem>> -> memref<1x80xi32, #tpu.memory_space<vmem>>
      %dma_start3A_196 = tpu.memref_squeeze %dma_start3A_195 : memref<1x80xi32, #tpu.memory_space<vmem>> -> memref<80xi32, #tpu.memory_space<vmem>>
      %dma_start3A_197 = arith.constant 0 : i32
      %dma_start3A_198 = arith.constant 0 : i32
      %dma_start3A_199 = tpu.memref_slice %arg2[%dma_start3A_197, %dma_start3A_198] : memref<10000x128xf32, #tpu.memory_space<hbm>> -> memref<10000x128xf32, #tpu.memory_space<hbm>>
      tpu.enqueue_indirect_dma source(%dma_start3A_199 : memref<10000x128xf32, #tpu.memory_space<hbm>>) target(%arg11 : memref<80x128xf32, #tpu.memory_space<vmem>>) offsets(%dma_start3A_196 : memref<80xi32, #tpu.memory_space<vmem>>) semaphore(%arg16 : memref<!tpu.dma_semaphore, #tpu.memory_space<semaphore_mem>>)
      %dma_wait3A_200 = arith.constant 11 : i32
      %dma_wait3A_201 = arith.constant 0 : i32
      %dma_wait3A_202 = tpu.memref_slice %arg7[%dma_wait3A_200, %dma_wait3A_201] : memref<25x80xi32, #tpu.memory_space<vmem>> -> memref<1x80xi32, #tpu.memory_space<vmem>>
      %dma_wait3A_203 = tpu.memref_squeeze %dma_wait3A_202 : memref<1x80xi32, #tpu.memory_space<vmem>> -> memref<80xi32, #tpu.memory_space<vmem>>
      %dma_wait3A_204 = arith.constant 0 : i32
      %dma_wait3A_205 = arith.constant 0 : i32
      %dma_wait3A_206 = tpu.memref_slice %arg2[%dma_wait3A_204, %dma_wait3A_205] : memref<10000x128xf32, #tpu.memory_space<hbm>> -> memref<10000x128xf32, #tpu.memory_space<hbm>>
      tpu.wait_indirect_dma semaphore(%arg17 : memref<!tpu.dma_semaphore, #tpu.memory_space<semaphore_mem>>) src(%dma_wait3A_206 : memref<10000x128xf32, #tpu.memory_space<hbm>>) dst(%arg12 : memref<80x128xf32, #tpu.memory_space<vmem>>)
      %run_scoped3A_207 = arith.constant 11 : i32
      "tpu.region"() ({
        %run_scoped3A_382 = tpu.sem_alloc : memref<!tpu.dma_semaphore, #tpu.memory_space<semaphore_mem>>
        %dma_start3A_383 = arith.constant 0 : i32
        %dma_start3A_384 = tpu.memref_slice %arg8[%run_scoped3A_207, %dma_start3A_383] : memref<25x80xi32, #tpu.memory_space<vmem>> -> memref<1x80xi32, #tpu.memory_space<vmem>>
        %dma_start3A_385 = tpu.memref_squeeze %dma_start3A_384 : memref<1x80xi32, #tpu.memory_space<vmem>> -> memref<80xi32, #tpu.memory_space<vmem>>
        %dma_start3A_386 = arith.constant 0 : i32
        %dma_start3A_387 = arith.constant 0 : i32
        %dma_start3A_388 = tpu.memref_slice %arg13[%dma_start3A_386, %dma_start3A_387] : memref<10112x128xf32, #tpu.memory_space<vmem_shared>> -> memref<10112x128xf32, #tpu.memory_space<vmem_shared>>
        tpu.enqueue_indirect_dma source(%arg12 : memref<80x128xf32, #tpu.memory_space<vmem>>) target(%dma_start3A_388 : memref<10112x128xf32, #tpu.memory_space<vmem_shared>>) offsets(%dma_start3A_385 : memref<80xi32, #tpu.memory_space<vmem>>) semaphore(%run_scoped3A_382 : memref<!tpu.dma_semaphore, #tpu.memory_space<semaphore_mem>>) {add = true}
        %dma_wait3A_389 = arith.constant 0 : i32
        %dma_wait3A_390 = tpu.memref_slice %arg8[%run_scoped3A_207, %dma_wait3A_389] : memref<25x80xi32, #tpu.memory_space<vmem>> -> memref<1x80xi32, #tpu.memory_space<vmem>>
        %dma_wait3A_391 = tpu.memref_squeeze %dma_wait3A_390 : memref<1x80xi32, #tpu.memory_space<vmem>> -> memref<80xi32, #tpu.memory_space<vmem>>
        %dma_wait3A_392 = arith.constant 0 : i32
        %dma_wait3A_393 = arith.constant 0 : i32
        %dma_wait3A_394 = tpu.memref_slice %arg13[%dma_wait3A_392, %dma_wait3A_393] : memref<10112x128xf32, #tpu.memory_space<vmem_shared>> -> memref<10112x128xf32, #tpu.memory_space<vmem_shared>>
        tpu.wait_indirect_dma semaphore(%run_scoped3A_382 : memref<!tpu.dma_semaphore, #tpu.memory_space<semaphore_mem>>) src(%arg12 : memref<80x128xf32, #tpu.memory_space<vmem>>) dst(%dma_wait3A_394 : memref<10112x128xf32, #tpu.memory_space<vmem_shared>>)
        tpu.yield
      }) : () -> ()
      %dma_start3A_208 = arith.constant 15 : i32
      %dma_start3A_209 = arith.constant 0 : i32
      %dma_start3A_210 = tpu.memref_slice %arg7[%dma_start3A_208, %dma_start3A_209] : memref<25x80xi32, #tpu.memory_space<vmem>> -> memref<1x80xi32, #tpu.memory_space<vmem>>
      %dma_start3A_211 = tpu.memref_squeeze %dma_start3A_210 : memref<1x80xi32, #tpu.memory_space<vmem>> -> memref<80xi32, #tpu.memory_space<vmem>>
      %dma_start3A_212 = arith.constant 0 : i32
      %dma_start3A_213 = arith.constant 0 : i32
      %dma_start3A_214 = tpu.memref_slice %arg2[%dma_start3A_212, %dma_start3A_213] : memref<10000x128xf32, #tpu.memory_space<hbm>> -> memref<10000x128xf32, #tpu.memory_space<hbm>>
      tpu.enqueue_indirect_dma source(%dma_start3A_214 : memref<10000x128xf32, #tpu.memory_space<hbm>>) target(%arg12 : memref<80x128xf32, #tpu.memory_space<vmem>>) offsets(%dma_start3A_211 : memref<80xi32, #tpu.memory_space<vmem>>) semaphore(%arg17 : memref<!tpu.dma_semaphore, #tpu.memory_space<semaphore_mem>>)
      %dma_wait3A_215 = arith.constant 12 : i32
      %dma_wait3A_216 = arith.constant 0 : i32
      %dma_wait3A_217 = tpu.memref_slice %arg7[%dma_wait3A_215, %dma_wait3A_216] : memref<25x80xi32, #tpu.memory_space<vmem>> -> memref<1x80xi32, #tpu.memory_space<vmem>>
      %dma_wait3A_218 = tpu.memref_squeeze %dma_wait3A_217 : memref<1x80xi32, #tpu.memory_space<vmem>> -> memref<80xi32, #tpu.memory_space<vmem>>
      %dma_wait3A_219 = arith.constant 0 : i32
      %dma_wait3A_220 = arith.constant 0 : i32
      %dma_wait3A_221 = tpu.memref_slice %arg2[%dma_wait3A_219, %dma_wait3A_220] : memref<10000x128xf32, #tpu.memory_space<hbm>> -> memref<10000x128xf32, #tpu.memory_space<hbm>>
      tpu.wait_indirect_dma semaphore(%arg14 : memref<!tpu.dma_semaphore, #tpu.memory_space<semaphore_mem>>) src(%dma_wait3A_221 : memref<10000x128xf32, #tpu.memory_space<hbm>>) dst(%arg9 : memref<80x128xf32, #tpu.memory_space<vmem>>)
      %run_scoped3A_222 = arith.constant 12 : i32
      "tpu.region"() ({
        %run_scoped3A_382 = tpu.sem_alloc : memref<!tpu.dma_semaphore, #tpu.memory_space<semaphore_mem>>
        %dma_start3A_383 = arith.constant 0 : i32
        %dma_start3A_384 = tpu.memref_slice %arg8[%run_scoped3A_222, %dma_start3A_383] : memref<25x80xi32, #tpu.memory_space<vmem>> -> memref<1x80xi32, #tpu.memory_space<vmem>>
        %dma_start3A_385 = tpu.memref_squeeze %dma_start3A_384 : memref<1x80xi32, #tpu.memory_space<vmem>> -> memref<80xi32, #tpu.memory_space<vmem>>
        %dma_start3A_386 = arith.constant 0 : i32
        %dma_start3A_387 = arith.constant 0 : i32
        %dma_start3A_388 = tpu.memref_slice %arg13[%dma_start3A_386, %dma_start3A_387] : memref<10112x128xf32, #tpu.memory_space<vmem_shared>> -> memref<10112x128xf32, #tpu.memory_space<vmem_shared>>
        tpu.enqueue_indirect_dma source(%arg9 : memref<80x128xf32, #tpu.memory_space<vmem>>) target(%dma_start3A_388 : memref<10112x128xf32, #tpu.memory_space<vmem_shared>>) offsets(%dma_start3A_385 : memref<80xi32, #tpu.memory_space<vmem>>) semaphore(%run_scoped3A_382 : memref<!tpu.dma_semaphore, #tpu.memory_space<semaphore_mem>>) {add = true}
        %dma_wait3A_389 = arith.constant 0 : i32
        %dma_wait3A_390 = tpu.memref_slice %arg8[%run_scoped3A_222, %dma_wait3A_389] : memref<25x80xi32, #tpu.memory_space<vmem>> -> memref<1x80xi32, #tpu.memory_space<vmem>>
        %dma_wait3A_391 = tpu.memref_squeeze %dma_wait3A_390 : memref<1x80xi32, #tpu.memory_space<vmem>> -> memref<80xi32, #tpu.memory_space<vmem>>
        %dma_wait3A_392 = arith.constant 0 : i32
        %dma_wait3A_393 = arith.constant 0 : i32
        %dma_wait3A_394 = tpu.memref_slice %arg13[%dma_wait3A_392, %dma_wait3A_393] : memref<10112x128xf32, #tpu.memory_space<vmem_shared>> -> memref<10112x128xf32, #tpu.memory_space<vmem_shared>>
        tpu.wait_indirect_dma semaphore(%run_scoped3A_382 : memref<!tpu.dma_semaphore, #tpu.memory_space<semaphore_mem>>) src(%arg9 : memref<80x128xf32, #tpu.memory_space<vmem>>) dst(%dma_wait3A_394 : memref<10112x128xf32, #tpu.memory_space<vmem_shared>>)
        tpu.yield
      }) : () -> ()
      %dma_start3A_223 = arith.constant 16 : i32
      %dma_start3A_224 = arith.constant 0 : i32
      %dma_start3A_225 = tpu.memref_slice %arg7[%dma_start3A_223, %dma_start3A_224] : memref<25x80xi32, #tpu.memory_space<vmem>> -> memref<1x80xi32, #tpu.memory_space<vmem>>
      %dma_start3A_226 = tpu.memref_squeeze %dma_start3A_225 : memref<1x80xi32, #tpu.memory_space<vmem>> -> memref<80xi32, #tpu.memory_space<vmem>>
      %dma_start3A_227 = arith.constant 0 : i32
      %dma_start3A_228 = arith.constant 0 : i32
      %dma_start3A_229 = tpu.memref_slice %arg2[%dma_start3A_227, %dma_start3A_228] : memref<10000x128xf32, #tpu.memory_space<hbm>> -> memref<10000x128xf32, #tpu.memory_space<hbm>>
      tpu.enqueue_indirect_dma source(%dma_start3A_229 : memref<10000x128xf32, #tpu.memory_space<hbm>>) target(%arg9 : memref<80x128xf32, #tpu.memory_space<vmem>>) offsets(%dma_start3A_226 : memref<80xi32, #tpu.memory_space<vmem>>) semaphore(%arg14 : memref<!tpu.dma_semaphore, #tpu.memory_space<semaphore_mem>>)
      %dma_wait3A_230 = arith.constant 13 : i32
      %dma_wait3A_231 = arith.constant 0 : i32
      %dma_wait3A_232 = tpu.memref_slice %arg7[%dma_wait3A_230, %dma_wait3A_231] : memref<25x80xi32, #tpu.memory_space<vmem>> -> memref<1x80xi32, #tpu.memory_space<vmem>>
      %dma_wait3A_233 = tpu.memref_squeeze %dma_wait3A_232 : memref<1x80xi32, #tpu.memory_space<vmem>> -> memref<80xi32, #tpu.memory_space<vmem>>
      %dma_wait3A_234 = arith.constant 0 : i32
      %dma_wait3A_235 = arith.constant 0 : i32
      %dma_wait3A_236 = tpu.memref_slice %arg2[%dma_wait3A_234, %dma_wait3A_235] : memref<10000x128xf32, #tpu.memory_space<hbm>> -> memref<10000x128xf32, #tpu.memory_space<hbm>>
      tpu.wait_indirect_dma semaphore(%arg15 : memref<!tpu.dma_semaphore, #tpu.memory_space<semaphore_mem>>) src(%dma_wait3A_236 : memref<10000x128xf32, #tpu.memory_space<hbm>>) dst(%arg10 : memref<80x128xf32, #tpu.memory_space<vmem>>)
      %run_scoped3A_237 = arith.constant 13 : i32
      "tpu.region"() ({
        %run_scoped3A_382 = tpu.sem_alloc : memref<!tpu.dma_semaphore, #tpu.memory_space<semaphore_mem>>
        %dma_start3A_383 = arith.constant 0 : i32
        %dma_start3A_384 = tpu.memref_slice %arg8[%run_scoped3A_237, %dma_start3A_383] : memref<25x80xi32, #tpu.memory_space<vmem>> -> memref<1x80xi32, #tpu.memory_space<vmem>>
        %dma_start3A_385 = tpu.memref_squeeze %dma_start3A_384 : memref<1x80xi32, #tpu.memory_space<vmem>> -> memref<80xi32, #tpu.memory_space<vmem>>
        %dma_start3A_386 = arith.constant 0 : i32
        %dma_start3A_387 = arith.constant 0 : i32
        %dma_start3A_388 = tpu.memref_slice %arg13[%dma_start3A_386, %dma_start3A_387] : memref<10112x128xf32, #tpu.memory_space<vmem_shared>> -> memref<10112x128xf32, #tpu.memory_space<vmem_shared>>
        tpu.enqueue_indirect_dma source(%arg10 : memref<80x128xf32, #tpu.memory_space<vmem>>) target(%dma_start3A_388 : memref<10112x128xf32, #tpu.memory_space<vmem_shared>>) offsets(%dma_start3A_385 : memref<80xi32, #tpu.memory_space<vmem>>) semaphore(%run_scoped3A_382 : memref<!tpu.dma_semaphore, #tpu.memory_space<semaphore_mem>>) {add = true}
        %dma_wait3A_389 = arith.constant 0 : i32
        %dma_wait3A_390 = tpu.memref_slice %arg8[%run_scoped3A_237, %dma_wait3A_389] : memref<25x80xi32, #tpu.memory_space<vmem>> -> memref<1x80xi32, #tpu.memory_space<vmem>>
        %dma_wait3A_391 = tpu.memref_squeeze %dma_wait3A_390 : memref<1x80xi32, #tpu.memory_space<vmem>> -> memref<80xi32, #tpu.memory_space<vmem>>
        %dma_wait3A_392 = arith.constant 0 : i32
        %dma_wait3A_393 = arith.constant 0 : i32
        %dma_wait3A_394 = tpu.memref_slice %arg13[%dma_wait3A_392, %dma_wait3A_393] : memref<10112x128xf32, #tpu.memory_space<vmem_shared>> -> memref<10112x128xf32, #tpu.memory_space<vmem_shared>>
        tpu.wait_indirect_dma semaphore(%run_scoped3A_382 : memref<!tpu.dma_semaphore, #tpu.memory_space<semaphore_mem>>) src(%arg10 : memref<80x128xf32, #tpu.memory_space<vmem>>) dst(%dma_wait3A_394 : memref<10112x128xf32, #tpu.memory_space<vmem_shared>>)
        tpu.yield
      }) : () -> ()
      %dma_start3A_238 = arith.constant 17 : i32
      %dma_start3A_239 = arith.constant 0 : i32
      %dma_start3A_240 = tpu.memref_slice %arg7[%dma_start3A_238, %dma_start3A_239] : memref<25x80xi32, #tpu.memory_space<vmem>> -> memref<1x80xi32, #tpu.memory_space<vmem>>
      %dma_start3A_241 = tpu.memref_squeeze %dma_start3A_240 : memref<1x80xi32, #tpu.memory_space<vmem>> -> memref<80xi32, #tpu.memory_space<vmem>>
      %dma_start3A_242 = arith.constant 0 : i32
      %dma_start3A_243 = arith.constant 0 : i32
      %dma_start3A_244 = tpu.memref_slice %arg2[%dma_start3A_242, %dma_start3A_243] : memref<10000x128xf32, #tpu.memory_space<hbm>> -> memref<10000x128xf32, #tpu.memory_space<hbm>>
      tpu.enqueue_indirect_dma source(%dma_start3A_244 : memref<10000x128xf32, #tpu.memory_space<hbm>>) target(%arg10 : memref<80x128xf32, #tpu.memory_space<vmem>>) offsets(%dma_start3A_241 : memref<80xi32, #tpu.memory_space<vmem>>) semaphore(%arg15 : memref<!tpu.dma_semaphore, #tpu.memory_space<semaphore_mem>>)
      %dma_wait3A_245 = arith.constant 14 : i32
      %dma_wait3A_246 = arith.constant 0 : i32
      %dma_wait3A_247 = tpu.memref_slice %arg7[%dma_wait3A_245, %dma_wait3A_246] : memref<25x80xi32, #tpu.memory_space<vmem>> -> memref<1x80xi32, #tpu.memory_space<vmem>>
      %dma_wait3A_248 = tpu.memref_squeeze %dma_wait3A_247 : memref<1x80xi32, #tpu.memory_space<vmem>> -> memref<80xi32, #tpu.memory_space<vmem>>
      %dma_wait3A_249 = arith.constant 0 : i32
      %dma_wait3A_250 = arith.constant 0 : i32
      %dma_wait3A_251 = tpu.memref_slice %arg2[%dma_wait3A_249, %dma_wait3A_250] : memref<10000x128xf32, #tpu.memory_space<hbm>> -> memref<10000x128xf32, #tpu.memory_space<hbm>>
      tpu.wait_indirect_dma semaphore(%arg16 : memref<!tpu.dma_semaphore, #tpu.memory_space<semaphore_mem>>) src(%dma_wait3A_251 : memref<10000x128xf32, #tpu.memory_space<hbm>>) dst(%arg11 : memref<80x128xf32, #tpu.memory_space<vmem>>)
      %run_scoped3A_252 = arith.constant 14 : i32
      "tpu.region"() ({
        %run_scoped3A_382 = tpu.sem_alloc : memref<!tpu.dma_semaphore, #tpu.memory_space<semaphore_mem>>
        %dma_start3A_383 = arith.constant 0 : i32
        %dma_start3A_384 = tpu.memref_slice %arg8[%run_scoped3A_252, %dma_start3A_383] : memref<25x80xi32, #tpu.memory_space<vmem>> -> memref<1x80xi32, #tpu.memory_space<vmem>>
        %dma_start3A_385 = tpu.memref_squeeze %dma_start3A_384 : memref<1x80xi32, #tpu.memory_space<vmem>> -> memref<80xi32, #tpu.memory_space<vmem>>
        %dma_start3A_386 = arith.constant 0 : i32
        %dma_start3A_387 = arith.constant 0 : i32
        %dma_start3A_388 = tpu.memref_slice %arg13[%dma_start3A_386, %dma_start3A_387] : memref<10112x128xf32, #tpu.memory_space<vmem_shared>> -> memref<10112x128xf32, #tpu.memory_space<vmem_shared>>
        tpu.enqueue_indirect_dma source(%arg11 : memref<80x128xf32, #tpu.memory_space<vmem>>) target(%dma_start3A_388 : memref<10112x128xf32, #tpu.memory_space<vmem_shared>>) offsets(%dma_start3A_385 : memref<80xi32, #tpu.memory_space<vmem>>) semaphore(%run_scoped3A_382 : memref<!tpu.dma_semaphore, #tpu.memory_space<semaphore_mem>>) {add = true}
        %dma_wait3A_389 = arith.constant 0 : i32
        %dma_wait3A_390 = tpu.memref_slice %arg8[%run_scoped3A_252, %dma_wait3A_389] : memref<25x80xi32, #tpu.memory_space<vmem>> -> memref<1x80xi32, #tpu.memory_space<vmem>>
        %dma_wait3A_391 = tpu.memref_squeeze %dma_wait3A_390 : memref<1x80xi32, #tpu.memory_space<vmem>> -> memref<80xi32, #tpu.memory_space<vmem>>
        %dma_wait3A_392 = arith.constant 0 : i32
        %dma_wait3A_393 = arith.constant 0 : i32
        %dma_wait3A_394 = tpu.memref_slice %arg13[%dma_wait3A_392, %dma_wait3A_393] : memref<10112x128xf32, #tpu.memory_space<vmem_shared>> -> memref<10112x128xf32, #tpu.memory_space<vmem_shared>>
        tpu.wait_indirect_dma semaphore(%run_scoped3A_382 : memref<!tpu.dma_semaphore, #tpu.memory_space<semaphore_mem>>) src(%arg11 : memref<80x128xf32, #tpu.memory_space<vmem>>) dst(%dma_wait3A_394 : memref<10112x128xf32, #tpu.memory_space<vmem_shared>>)
        tpu.yield
      }) : () -> ()
      %dma_start3A_253 = arith.constant 18 : i32
      %dma_start3A_254 = arith.constant 0 : i32
      %dma_start3A_255 = tpu.memref_slice %arg7[%dma_start3A_253, %dma_start3A_254] : memref<25x80xi32, #tpu.memory_space<vmem>> -> memref<1x80xi32, #tpu.memory_space<vmem>>
      %dma_start3A_256 = tpu.memref_squeeze %dma_start3A_255 : memref<1x80xi32, #tpu.memory_space<vmem>> -> memref<80xi32, #tpu.memory_space<vmem>>
      %dma_start3A_257 = arith.constant 0 : i32
      %dma_start3A_258 = arith.constant 0 : i32
      %dma_start3A_259 = tpu.memref_slice %arg2[%dma_start3A_257, %dma_start3A_258] : memref<10000x128xf32, #tpu.memory_space<hbm>> -> memref<10000x128xf32, #tpu.memory_space<hbm>>
      tpu.enqueue_indirect_dma source(%dma_start3A_259 : memref<10000x128xf32, #tpu.memory_space<hbm>>) target(%arg11 : memref<80x128xf32, #tpu.memory_space<vmem>>) offsets(%dma_start3A_256 : memref<80xi32, #tpu.memory_space<vmem>>) semaphore(%arg16 : memref<!tpu.dma_semaphore, #tpu.memory_space<semaphore_mem>>)
      %dma_wait3A_260 = arith.constant 15 : i32
      %dma_wait3A_261 = arith.constant 0 : i32
      %dma_wait3A_262 = tpu.memref_slice %arg7[%dma_wait3A_260, %dma_wait3A_261] : memref<25x80xi32, #tpu.memory_space<vmem>> -> memref<1x80xi32, #tpu.memory_space<vmem>>
      %dma_wait3A_263 = tpu.memref_squeeze %dma_wait3A_262 : memref<1x80xi32, #tpu.memory_space<vmem>> -> memref<80xi32, #tpu.memory_space<vmem>>
      %dma_wait3A_264 = arith.constant 0 : i32
      %dma_wait3A_265 = arith.constant 0 : i32
      %dma_wait3A_266 = tpu.memref_slice %arg2[%dma_wait3A_264, %dma_wait3A_265] : memref<10000x128xf32, #tpu.memory_space<hbm>> -> memref<10000x128xf32, #tpu.memory_space<hbm>>
      tpu.wait_indirect_dma semaphore(%arg17 : memref<!tpu.dma_semaphore, #tpu.memory_space<semaphore_mem>>) src(%dma_wait3A_266 : memref<10000x128xf32, #tpu.memory_space<hbm>>) dst(%arg12 : memref<80x128xf32, #tpu.memory_space<vmem>>)
      %run_scoped3A_267 = arith.constant 15 : i32
      "tpu.region"() ({
        %run_scoped3A_382 = tpu.sem_alloc : memref<!tpu.dma_semaphore, #tpu.memory_space<semaphore_mem>>
        %dma_start3A_383 = arith.constant 0 : i32
        %dma_start3A_384 = tpu.memref_slice %arg8[%run_scoped3A_267, %dma_start3A_383] : memref<25x80xi32, #tpu.memory_space<vmem>> -> memref<1x80xi32, #tpu.memory_space<vmem>>
        %dma_start3A_385 = tpu.memref_squeeze %dma_start3A_384 : memref<1x80xi32, #tpu.memory_space<vmem>> -> memref<80xi32, #tpu.memory_space<vmem>>
        %dma_start3A_386 = arith.constant 0 : i32
        %dma_start3A_387 = arith.constant 0 : i32
        %dma_start3A_388 = tpu.memref_slice %arg13[%dma_start3A_386, %dma_start3A_387] : memref<10112x128xf32, #tpu.memory_space<vmem_shared>> -> memref<10112x128xf32, #tpu.memory_space<vmem_shared>>
        tpu.enqueue_indirect_dma source(%arg12 : memref<80x128xf32, #tpu.memory_space<vmem>>) target(%dma_start3A_388 : memref<10112x128xf32, #tpu.memory_space<vmem_shared>>) offsets(%dma_start3A_385 : memref<80xi32, #tpu.memory_space<vmem>>) semaphore(%run_scoped3A_382 : memref<!tpu.dma_semaphore, #tpu.memory_space<semaphore_mem>>) {add = true}
        %dma_wait3A_389 = arith.constant 0 : i32
        %dma_wait3A_390 = tpu.memref_slice %arg8[%run_scoped3A_267, %dma_wait3A_389] : memref<25x80xi32, #tpu.memory_space<vmem>> -> memref<1x80xi32, #tpu.memory_space<vmem>>
        %dma_wait3A_391 = tpu.memref_squeeze %dma_wait3A_390 : memref<1x80xi32, #tpu.memory_space<vmem>> -> memref<80xi32, #tpu.memory_space<vmem>>
        %dma_wait3A_392 = arith.constant 0 : i32
        %dma_wait3A_393 = arith.constant 0 : i32
        %dma_wait3A_394 = tpu.memref_slice %arg13[%dma_wait3A_392, %dma_wait3A_393] : memref<10112x128xf32, #tpu.memory_space<vmem_shared>> -> memref<10112x128xf32, #tpu.memory_space<vmem_shared>>
        tpu.wait_indirect_dma semaphore(%run_scoped3A_382 : memref<!tpu.dma_semaphore, #tpu.memory_space<semaphore_mem>>) src(%arg12 : memref<80x128xf32, #tpu.memory_space<vmem>>) dst(%dma_wait3A_394 : memref<10112x128xf32, #tpu.memory_space<vmem_shared>>)
        tpu.yield
      }) : () -> ()
      %dma_start3A_268 = arith.constant 19 : i32
      %dma_start3A_269 = arith.constant 0 : i32
      %dma_start3A_270 = tpu.memref_slice %arg7[%dma_start3A_268, %dma_start3A_269] : memref<25x80xi32, #tpu.memory_space<vmem>> -> memref<1x80xi32, #tpu.memory_space<vmem>>
      %dma_start3A_271 = tpu.memref_squeeze %dma_start3A_270 : memref<1x80xi32, #tpu.memory_space<vmem>> -> memref<80xi32, #tpu.memory_space<vmem>>
      %dma_start3A_272 = arith.constant 0 : i32
      %dma_start3A_273 = arith.constant 0 : i32
      %dma_start3A_274 = tpu.memref_slice %arg2[%dma_start3A_272, %dma_start3A_273] : memref<10000x128xf32, #tpu.memory_space<hbm>> -> memref<10000x128xf32, #tpu.memory_space<hbm>>
      tpu.enqueue_indirect_dma source(%dma_start3A_274 : memref<10000x128xf32, #tpu.memory_space<hbm>>) target(%arg12 : memref<80x128xf32, #tpu.memory_space<vmem>>) offsets(%dma_start3A_271 : memref<80xi32, #tpu.memory_space<vmem>>) semaphore(%arg17 : memref<!tpu.dma_semaphore, #tpu.memory_space<semaphore_mem>>)
      %dma_wait3A_275 = arith.constant 16 : i32
      %dma_wait3A_276 = arith.constant 0 : i32
      %dma_wait3A_277 = tpu.memref_slice %arg7[%dma_wait3A_275, %dma_wait3A_276] : memref<25x80xi32, #tpu.memory_space<vmem>> -> memref<1x80xi32, #tpu.memory_space<vmem>>
      %dma_wait3A_278 = tpu.memref_squeeze %dma_wait3A_277 : memref<1x80xi32, #tpu.memory_space<vmem>> -> memref<80xi32, #tpu.memory_space<vmem>>
      %dma_wait3A_279 = arith.constant 0 : i32
      %dma_wait3A_280 = arith.constant 0 : i32
      %dma_wait3A_281 = tpu.memref_slice %arg2[%dma_wait3A_279, %dma_wait3A_280] : memref<10000x128xf32, #tpu.memory_space<hbm>> -> memref<10000x128xf32, #tpu.memory_space<hbm>>
      tpu.wait_indirect_dma semaphore(%arg14 : memref<!tpu.dma_semaphore, #tpu.memory_space<semaphore_mem>>) src(%dma_wait3A_281 : memref<10000x128xf32, #tpu.memory_space<hbm>>) dst(%arg9 : memref<80x128xf32, #tpu.memory_space<vmem>>)
      %run_scoped3A_282 = arith.constant 16 : i32
      "tpu.region"() ({
        %run_scoped3A_382 = tpu.sem_alloc : memref<!tpu.dma_semaphore, #tpu.memory_space<semaphore_mem>>
        %dma_start3A_383 = arith.constant 0 : i32
        %dma_start3A_384 = tpu.memref_slice %arg8[%run_scoped3A_282, %dma_start3A_383] : memref<25x80xi32, #tpu.memory_space<vmem>> -> memref<1x80xi32, #tpu.memory_space<vmem>>
        %dma_start3A_385 = tpu.memref_squeeze %dma_start3A_384 : memref<1x80xi32, #tpu.memory_space<vmem>> -> memref<80xi32, #tpu.memory_space<vmem>>
        %dma_start3A_386 = arith.constant 0 : i32
        %dma_start3A_387 = arith.constant 0 : i32
        %dma_start3A_388 = tpu.memref_slice %arg13[%dma_start3A_386, %dma_start3A_387] : memref<10112x128xf32, #tpu.memory_space<vmem_shared>> -> memref<10112x128xf32, #tpu.memory_space<vmem_shared>>
        tpu.enqueue_indirect_dma source(%arg9 : memref<80x128xf32, #tpu.memory_space<vmem>>) target(%dma_start3A_388 : memref<10112x128xf32, #tpu.memory_space<vmem_shared>>) offsets(%dma_start3A_385 : memref<80xi32, #tpu.memory_space<vmem>>) semaphore(%run_scoped3A_382 : memref<!tpu.dma_semaphore, #tpu.memory_space<semaphore_mem>>) {add = true}
        %dma_wait3A_389 = arith.constant 0 : i32
        %dma_wait3A_390 = tpu.memref_slice %arg8[%run_scoped3A_282, %dma_wait3A_389] : memref<25x80xi32, #tpu.memory_space<vmem>> -> memref<1x80xi32, #tpu.memory_space<vmem>>
        %dma_wait3A_391 = tpu.memref_squeeze %dma_wait3A_390 : memref<1x80xi32, #tpu.memory_space<vmem>> -> memref<80xi32, #tpu.memory_space<vmem>>
        %dma_wait3A_392 = arith.constant 0 : i32
        %dma_wait3A_393 = arith.constant 0 : i32
        %dma_wait3A_394 = tpu.memref_slice %arg13[%dma_wait3A_392, %dma_wait3A_393] : memref<10112x128xf32, #tpu.memory_space<vmem_shared>> -> memref<10112x128xf32, #tpu.memory_space<vmem_shared>>
        tpu.wait_indirect_dma semaphore(%run_scoped3A_382 : memref<!tpu.dma_semaphore, #tpu.memory_space<semaphore_mem>>) src(%arg9 : memref<80x128xf32, #tpu.memory_space<vmem>>) dst(%dma_wait3A_394 : memref<10112x128xf32, #tpu.memory_space<vmem_shared>>)
        tpu.yield
      }) : () -> ()
      %dma_start3A_283 = arith.constant 20 : i32
      %dma_start3A_284 = arith.constant 0 : i32
      %dma_start3A_285 = tpu.memref_slice %arg7[%dma_start3A_283, %dma_start3A_284] : memref<25x80xi32, #tpu.memory_space<vmem>> -> memref<1x80xi32, #tpu.memory_space<vmem>>
      %dma_start3A_286 = tpu.memref_squeeze %dma_start3A_285 : memref<1x80xi32, #tpu.memory_space<vmem>> -> memref<80xi32, #tpu.memory_space<vmem>>
      %dma_start3A_287 = arith.constant 0 : i32
      %dma_start3A_288 = arith.constant 0 : i32
      %dma_start3A_289 = tpu.memref_slice %arg2[%dma_start3A_287, %dma_start3A_288] : memref<10000x128xf32, #tpu.memory_space<hbm>> -> memref<10000x128xf32, #tpu.memory_space<hbm>>
      tpu.enqueue_indirect_dma source(%dma_start3A_289 : memref<10000x128xf32, #tpu.memory_space<hbm>>) target(%arg9 : memref<80x128xf32, #tpu.memory_space<vmem>>) offsets(%dma_start3A_286 : memref<80xi32, #tpu.memory_space<vmem>>) semaphore(%arg14 : memref<!tpu.dma_semaphore, #tpu.memory_space<semaphore_mem>>)
      %dma_wait3A_290 = arith.constant 17 : i32
      %dma_wait3A_291 = arith.constant 0 : i32
      %dma_wait3A_292 = tpu.memref_slice %arg7[%dma_wait3A_290, %dma_wait3A_291] : memref<25x80xi32, #tpu.memory_space<vmem>> -> memref<1x80xi32, #tpu.memory_space<vmem>>
      %dma_wait3A_293 = tpu.memref_squeeze %dma_wait3A_292 : memref<1x80xi32, #tpu.memory_space<vmem>> -> memref<80xi32, #tpu.memory_space<vmem>>
      %dma_wait3A_294 = arith.constant 0 : i32
      %dma_wait3A_295 = arith.constant 0 : i32
      %dma_wait3A_296 = tpu.memref_slice %arg2[%dma_wait3A_294, %dma_wait3A_295] : memref<10000x128xf32, #tpu.memory_space<hbm>> -> memref<10000x128xf32, #tpu.memory_space<hbm>>
      tpu.wait_indirect_dma semaphore(%arg15 : memref<!tpu.dma_semaphore, #tpu.memory_space<semaphore_mem>>) src(%dma_wait3A_296 : memref<10000x128xf32, #tpu.memory_space<hbm>>) dst(%arg10 : memref<80x128xf32, #tpu.memory_space<vmem>>)
      %run_scoped3A_297 = arith.constant 17 : i32
      "tpu.region"() ({
        %run_scoped3A_382 = tpu.sem_alloc : memref<!tpu.dma_semaphore, #tpu.memory_space<semaphore_mem>>
        %dma_start3A_383 = arith.constant 0 : i32
        %dma_start3A_384 = tpu.memref_slice %arg8[%run_scoped3A_297, %dma_start3A_383] : memref<25x80xi32, #tpu.memory_space<vmem>> -> memref<1x80xi32, #tpu.memory_space<vmem>>
        %dma_start3A_385 = tpu.memref_squeeze %dma_start3A_384 : memref<1x80xi32, #tpu.memory_space<vmem>> -> memref<80xi32, #tpu.memory_space<vmem>>
        %dma_start3A_386 = arith.constant 0 : i32
        %dma_start3A_387 = arith.constant 0 : i32
        %dma_start3A_388 = tpu.memref_slice %arg13[%dma_start3A_386, %dma_start3A_387] : memref<10112x128xf32, #tpu.memory_space<vmem_shared>> -> memref<10112x128xf32, #tpu.memory_space<vmem_shared>>
        tpu.enqueue_indirect_dma source(%arg10 : memref<80x128xf32, #tpu.memory_space<vmem>>) target(%dma_start3A_388 : memref<10112x128xf32, #tpu.memory_space<vmem_shared>>) offsets(%dma_start3A_385 : memref<80xi32, #tpu.memory_space<vmem>>) semaphore(%run_scoped3A_382 : memref<!tpu.dma_semaphore, #tpu.memory_space<semaphore_mem>>) {add = true}
        %dma_wait3A_389 = arith.constant 0 : i32
        %dma_wait3A_390 = tpu.memref_slice %arg8[%run_scoped3A_297, %dma_wait3A_389] : memref<25x80xi32, #tpu.memory_space<vmem>> -> memref<1x80xi32, #tpu.memory_space<vmem>>
        %dma_wait3A_391 = tpu.memref_squeeze %dma_wait3A_390 : memref<1x80xi32, #tpu.memory_space<vmem>> -> memref<80xi32, #tpu.memory_space<vmem>>
        %dma_wait3A_392 = arith.constant 0 : i32
        %dma_wait3A_393 = arith.constant 0 : i32
        %dma_wait3A_394 = tpu.memref_slice %arg13[%dma_wait3A_392, %dma_wait3A_393] : memref<10112x128xf32, #tpu.memory_space<vmem_shared>> -> memref<10112x128xf32, #tpu.memory_space<vmem_shared>>
        tpu.wait_indirect_dma semaphore(%run_scoped3A_382 : memref<!tpu.dma_semaphore, #tpu.memory_space<semaphore_mem>>) src(%arg10 : memref<80x128xf32, #tpu.memory_space<vmem>>) dst(%dma_wait3A_394 : memref<10112x128xf32, #tpu.memory_space<vmem_shared>>)
        tpu.yield
      }) : () -> ()
      %dma_start3A_298 = arith.constant 21 : i32
      %dma_start3A_299 = arith.constant 0 : i32
      %dma_start3A_300 = tpu.memref_slice %arg7[%dma_start3A_298, %dma_start3A_299] : memref<25x80xi32, #tpu.memory_space<vmem>> -> memref<1x80xi32, #tpu.memory_space<vmem>>
      %dma_start3A_301 = tpu.memref_squeeze %dma_start3A_300 : memref<1x80xi32, #tpu.memory_space<vmem>> -> memref<80xi32, #tpu.memory_space<vmem>>
      %dma_start3A_302 = arith.constant 0 : i32
      %dma_start3A_303 = arith.constant 0 : i32
      %dma_start3A_304 = tpu.memref_slice %arg2[%dma_start3A_302, %dma_start3A_303] : memref<10000x128xf32, #tpu.memory_space<hbm>> -> memref<10000x128xf32, #tpu.memory_space<hbm>>
      tpu.enqueue_indirect_dma source(%dma_start3A_304 : memref<10000x128xf32, #tpu.memory_space<hbm>>) target(%arg10 : memref<80x128xf32, #tpu.memory_space<vmem>>) offsets(%dma_start3A_301 : memref<80xi32, #tpu.memory_space<vmem>>) semaphore(%arg15 : memref<!tpu.dma_semaphore, #tpu.memory_space<semaphore_mem>>)
      %dma_wait3A_305 = arith.constant 18 : i32
      %dma_wait3A_306 = arith.constant 0 : i32
      %dma_wait3A_307 = tpu.memref_slice %arg7[%dma_wait3A_305, %dma_wait3A_306] : memref<25x80xi32, #tpu.memory_space<vmem>> -> memref<1x80xi32, #tpu.memory_space<vmem>>
      %dma_wait3A_308 = tpu.memref_squeeze %dma_wait3A_307 : memref<1x80xi32, #tpu.memory_space<vmem>> -> memref<80xi32, #tpu.memory_space<vmem>>
      %dma_wait3A_309 = arith.constant 0 : i32
      %dma_wait3A_310 = arith.constant 0 : i32
      %dma_wait3A_311 = tpu.memref_slice %arg2[%dma_wait3A_309, %dma_wait3A_310] : memref<10000x128xf32, #tpu.memory_space<hbm>> -> memref<10000x128xf32, #tpu.memory_space<hbm>>
      tpu.wait_indirect_dma semaphore(%arg16 : memref<!tpu.dma_semaphore, #tpu.memory_space<semaphore_mem>>) src(%dma_wait3A_311 : memref<10000x128xf32, #tpu.memory_space<hbm>>) dst(%arg11 : memref<80x128xf32, #tpu.memory_space<vmem>>)
      %run_scoped3A_312 = arith.constant 18 : i32
      "tpu.region"() ({
        %run_scoped3A_382 = tpu.sem_alloc : memref<!tpu.dma_semaphore, #tpu.memory_space<semaphore_mem>>
        %dma_start3A_383 = arith.constant 0 : i32
        %dma_start3A_384 = tpu.memref_slice %arg8[%run_scoped3A_312, %dma_start3A_383] : memref<25x80xi32, #tpu.memory_space<vmem>> -> memref<1x80xi32, #tpu.memory_space<vmem>>
        %dma_start3A_385 = tpu.memref_squeeze %dma_start3A_384 : memref<1x80xi32, #tpu.memory_space<vmem>> -> memref<80xi32, #tpu.memory_space<vmem>>
        %dma_start3A_386 = arith.constant 0 : i32
        %dma_start3A_387 = arith.constant 0 : i32
        %dma_start3A_388 = tpu.memref_slice %arg13[%dma_start3A_386, %dma_start3A_387] : memref<10112x128xf32, #tpu.memory_space<vmem_shared>> -> memref<10112x128xf32, #tpu.memory_space<vmem_shared>>
        tpu.enqueue_indirect_dma source(%arg11 : memref<80x128xf32, #tpu.memory_space<vmem>>) target(%dma_start3A_388 : memref<10112x128xf32, #tpu.memory_space<vmem_shared>>) offsets(%dma_start3A_385 : memref<80xi32, #tpu.memory_space<vmem>>) semaphore(%run_scoped3A_382 : memref<!tpu.dma_semaphore, #tpu.memory_space<semaphore_mem>>) {add = true}
        %dma_wait3A_389 = arith.constant 0 : i32
        %dma_wait3A_390 = tpu.memref_slice %arg8[%run_scoped3A_312, %dma_wait3A_389] : memref<25x80xi32, #tpu.memory_space<vmem>> -> memref<1x80xi32, #tpu.memory_space<vmem>>
        %dma_wait3A_391 = tpu.memref_squeeze %dma_wait3A_390 : memref<1x80xi32, #tpu.memory_space<vmem>> -> memref<80xi32, #tpu.memory_space<vmem>>
        %dma_wait3A_392 = arith.constant 0 : i32
        %dma_wait3A_393 = arith.constant 0 : i32
        %dma_wait3A_394 = tpu.memref_slice %arg13[%dma_wait3A_392, %dma_wait3A_393] : memref<10112x128xf32, #tpu.memory_space<vmem_shared>> -> memref<10112x128xf32, #tpu.memory_space<vmem_shared>>
        tpu.wait_indirect_dma semaphore(%run_scoped3A_382 : memref<!tpu.dma_semaphore, #tpu.memory_space<semaphore_mem>>) src(%arg11 : memref<80x128xf32, #tpu.memory_space<vmem>>) dst(%dma_wait3A_394 : memref<10112x128xf32, #tpu.memory_space<vmem_shared>>)
        tpu.yield
      }) : () -> ()
      %dma_start3A_313 = arith.constant 22 : i32
      %dma_start3A_314 = arith.constant 0 : i32
      %dma_start3A_315 = tpu.memref_slice %arg7[%dma_start3A_313, %dma_start3A_314] : memref<25x80xi32, #tpu.memory_space<vmem>> -> memref<1x80xi32, #tpu.memory_space<vmem>>
      %dma_start3A_316 = tpu.memref_squeeze %dma_start3A_315 : memref<1x80xi32, #tpu.memory_space<vmem>> -> memref<80xi32, #tpu.memory_space<vmem>>
      %dma_start3A_317 = arith.constant 0 : i32
      %dma_start3A_318 = arith.constant 0 : i32
      %dma_start3A_319 = tpu.memref_slice %arg2[%dma_start3A_317, %dma_start3A_318] : memref<10000x128xf32, #tpu.memory_space<hbm>> -> memref<10000x128xf32, #tpu.memory_space<hbm>>
      tpu.enqueue_indirect_dma source(%dma_start3A_319 : memref<10000x128xf32, #tpu.memory_space<hbm>>) target(%arg11 : memref<80x128xf32, #tpu.memory_space<vmem>>) offsets(%dma_start3A_316 : memref<80xi32, #tpu.memory_space<vmem>>) semaphore(%arg16 : memref<!tpu.dma_semaphore, #tpu.memory_space<semaphore_mem>>)
      %dma_wait3A_320 = arith.constant 19 : i32
      %dma_wait3A_321 = arith.constant 0 : i32
      %dma_wait3A_322 = tpu.memref_slice %arg7[%dma_wait3A_320, %dma_wait3A_321] : memref<25x80xi32, #tpu.memory_space<vmem>> -> memref<1x80xi32, #tpu.memory_space<vmem>>
      %dma_wait3A_323 = tpu.memref_squeeze %dma_wait3A_322 : memref<1x80xi32, #tpu.memory_space<vmem>> -> memref<80xi32, #tpu.memory_space<vmem>>
      %dma_wait3A_324 = arith.constant 0 : i32
      %dma_wait3A_325 = arith.constant 0 : i32
      %dma_wait3A_326 = tpu.memref_slice %arg2[%dma_wait3A_324, %dma_wait3A_325] : memref<10000x128xf32, #tpu.memory_space<hbm>> -> memref<10000x128xf32, #tpu.memory_space<hbm>>
      tpu.wait_indirect_dma semaphore(%arg17 : memref<!tpu.dma_semaphore, #tpu.memory_space<semaphore_mem>>) src(%dma_wait3A_326 : memref<10000x128xf32, #tpu.memory_space<hbm>>) dst(%arg12 : memref<80x128xf32, #tpu.memory_space<vmem>>)
      %run_scoped3A_327 = arith.constant 19 : i32
      "tpu.region"() ({
        %run_scoped3A_382 = tpu.sem_alloc : memref<!tpu.dma_semaphore, #tpu.memory_space<semaphore_mem>>
        %dma_start3A_383 = arith.constant 0 : i32
        %dma_start3A_384 = tpu.memref_slice %arg8[%run_scoped3A_327, %dma_start3A_383] : memref<25x80xi32, #tpu.memory_space<vmem>> -> memref<1x80xi32, #tpu.memory_space<vmem>>
        %dma_start3A_385 = tpu.memref_squeeze %dma_start3A_384 : memref<1x80xi32, #tpu.memory_space<vmem>> -> memref<80xi32, #tpu.memory_space<vmem>>
        %dma_start3A_386 = arith.constant 0 : i32
        %dma_start3A_387 = arith.constant 0 : i32
        %dma_start3A_388 = tpu.memref_slice %arg13[%dma_start3A_386, %dma_start3A_387] : memref<10112x128xf32, #tpu.memory_space<vmem_shared>> -> memref<10112x128xf32, #tpu.memory_space<vmem_shared>>
        tpu.enqueue_indirect_dma source(%arg12 : memref<80x128xf32, #tpu.memory_space<vmem>>) target(%dma_start3A_388 : memref<10112x128xf32, #tpu.memory_space<vmem_shared>>) offsets(%dma_start3A_385 : memref<80xi32, #tpu.memory_space<vmem>>) semaphore(%run_scoped3A_382 : memref<!tpu.dma_semaphore, #tpu.memory_space<semaphore_mem>>) {add = true}
        %dma_wait3A_389 = arith.constant 0 : i32
        %dma_wait3A_390 = tpu.memref_slice %arg8[%run_scoped3A_327, %dma_wait3A_389] : memref<25x80xi32, #tpu.memory_space<vmem>> -> memref<1x80xi32, #tpu.memory_space<vmem>>
        %dma_wait3A_391 = tpu.memref_squeeze %dma_wait3A_390 : memref<1x80xi32, #tpu.memory_space<vmem>> -> memref<80xi32, #tpu.memory_space<vmem>>
        %dma_wait3A_392 = arith.constant 0 : i32
        %dma_wait3A_393 = arith.constant 0 : i32
        %dma_wait3A_394 = tpu.memref_slice %arg13[%dma_wait3A_392, %dma_wait3A_393] : memref<10112x128xf32, #tpu.memory_space<vmem_shared>> -> memref<10112x128xf32, #tpu.memory_space<vmem_shared>>
        tpu.wait_indirect_dma semaphore(%run_scoped3A_382 : memref<!tpu.dma_semaphore, #tpu.memory_space<semaphore_mem>>) src(%arg12 : memref<80x128xf32, #tpu.memory_space<vmem>>) dst(%dma_wait3A_394 : memref<10112x128xf32, #tpu.memory_space<vmem_shared>>)
        tpu.yield
      }) : () -> ()
      %dma_start3A_328 = arith.constant 23 : i32
      %dma_start3A_329 = arith.constant 0 : i32
      %dma_start3A_330 = tpu.memref_slice %arg7[%dma_start3A_328, %dma_start3A_329] : memref<25x80xi32, #tpu.memory_space<vmem>> -> memref<1x80xi32, #tpu.memory_space<vmem>>
      %dma_start3A_331 = tpu.memref_squeeze %dma_start3A_330 : memref<1x80xi32, #tpu.memory_space<vmem>> -> memref<80xi32, #tpu.memory_space<vmem>>
      %dma_start3A_332 = arith.constant 0 : i32
      %dma_start3A_333 = arith.constant 0 : i32
      %dma_start3A_334 = tpu.memref_slice %arg2[%dma_start3A_332, %dma_start3A_333] : memref<10000x128xf32, #tpu.memory_space<hbm>> -> memref<10000x128xf32, #tpu.memory_space<hbm>>
      tpu.enqueue_indirect_dma source(%dma_start3A_334 : memref<10000x128xf32, #tpu.memory_space<hbm>>) target(%arg12 : memref<80x128xf32, #tpu.memory_space<vmem>>) offsets(%dma_start3A_331 : memref<80xi32, #tpu.memory_space<vmem>>) semaphore(%arg17 : memref<!tpu.dma_semaphore, #tpu.memory_space<semaphore_mem>>)
      %dma_wait3A_335 = arith.constant 20 : i32
      %dma_wait3A_336 = arith.constant 0 : i32
      %dma_wait3A_337 = tpu.memref_slice %arg7[%dma_wait3A_335, %dma_wait3A_336] : memref<25x80xi32, #tpu.memory_space<vmem>> -> memref<1x80xi32, #tpu.memory_space<vmem>>
      %dma_wait3A_338 = tpu.memref_squeeze %dma_wait3A_337 : memref<1x80xi32, #tpu.memory_space<vmem>> -> memref<80xi32, #tpu.memory_space<vmem>>
      %dma_wait3A_339 = arith.constant 0 : i32
      %dma_wait3A_340 = arith.constant 0 : i32
      %dma_wait3A_341 = tpu.memref_slice %arg2[%dma_wait3A_339, %dma_wait3A_340] : memref<10000x128xf32, #tpu.memory_space<hbm>> -> memref<10000x128xf32, #tpu.memory_space<hbm>>
      tpu.wait_indirect_dma semaphore(%arg14 : memref<!tpu.dma_semaphore, #tpu.memory_space<semaphore_mem>>) src(%dma_wait3A_341 : memref<10000x128xf32, #tpu.memory_space<hbm>>) dst(%arg9 : memref<80x128xf32, #tpu.memory_space<vmem>>)
      %run_scoped3A_342 = arith.constant 20 : i32
      "tpu.region"() ({
        %run_scoped3A_382 = tpu.sem_alloc : memref<!tpu.dma_semaphore, #tpu.memory_space<semaphore_mem>>
        %dma_start3A_383 = arith.constant 0 : i32
        %dma_start3A_384 = tpu.memref_slice %arg8[%run_scoped3A_342, %dma_start3A_383] : memref<25x80xi32, #tpu.memory_space<vmem>> -> memref<1x80xi32, #tpu.memory_space<vmem>>
        %dma_start3A_385 = tpu.memref_squeeze %dma_start3A_384 : memref<1x80xi32, #tpu.memory_space<vmem>> -> memref<80xi32, #tpu.memory_space<vmem>>
        %dma_start3A_386 = arith.constant 0 : i32
        %dma_start3A_387 = arith.constant 0 : i32
        %dma_start3A_388 = tpu.memref_slice %arg13[%dma_start3A_386, %dma_start3A_387] : memref<10112x128xf32, #tpu.memory_space<vmem_shared>> -> memref<10112x128xf32, #tpu.memory_space<vmem_shared>>
        tpu.enqueue_indirect_dma source(%arg9 : memref<80x128xf32, #tpu.memory_space<vmem>>) target(%dma_start3A_388 : memref<10112x128xf32, #tpu.memory_space<vmem_shared>>) offsets(%dma_start3A_385 : memref<80xi32, #tpu.memory_space<vmem>>) semaphore(%run_scoped3A_382 : memref<!tpu.dma_semaphore, #tpu.memory_space<semaphore_mem>>) {add = true}
        %dma_wait3A_389 = arith.constant 0 : i32
        %dma_wait3A_390 = tpu.memref_slice %arg8[%run_scoped3A_342, %dma_wait3A_389] : memref<25x80xi32, #tpu.memory_space<vmem>> -> memref<1x80xi32, #tpu.memory_space<vmem>>
        %dma_wait3A_391 = tpu.memref_squeeze %dma_wait3A_390 : memref<1x80xi32, #tpu.memory_space<vmem>> -> memref<80xi32, #tpu.memory_space<vmem>>
        %dma_wait3A_392 = arith.constant 0 : i32
        %dma_wait3A_393 = arith.constant 0 : i32
        %dma_wait3A_394 = tpu.memref_slice %arg13[%dma_wait3A_392, %dma_wait3A_393] : memref<10112x128xf32, #tpu.memory_space<vmem_shared>> -> memref<10112x128xf32, #tpu.memory_space<vmem_shared>>
        tpu.wait_indirect_dma semaphore(%run_scoped3A_382 : memref<!tpu.dma_semaphore, #tpu.memory_space<semaphore_mem>>) src(%arg9 : memref<80x128xf32, #tpu.memory_space<vmem>>) dst(%dma_wait3A_394 : memref<10112x128xf32, #tpu.memory_space<vmem_shared>>)
        tpu.yield
      }) : () -> ()
      %dma_start3A_343 = arith.constant 24 : i32
      %dma_start3A_344 = arith.constant 0 : i32
      %dma_start3A_345 = tpu.memref_slice %arg7[%dma_start3A_343, %dma_start3A_344] : memref<25x80xi32, #tpu.memory_space<vmem>> -> memref<1x80xi32, #tpu.memory_space<vmem>>
      %dma_start3A_346 = tpu.memref_squeeze %dma_start3A_345 : memref<1x80xi32, #tpu.memory_space<vmem>> -> memref<80xi32, #tpu.memory_space<vmem>>
      %dma_start3A_347 = arith.constant 0 : i32
      %dma_start3A_348 = arith.constant 0 : i32
      %dma_start3A_349 = tpu.memref_slice %arg2[%dma_start3A_347, %dma_start3A_348] : memref<10000x128xf32, #tpu.memory_space<hbm>> -> memref<10000x128xf32, #tpu.memory_space<hbm>>
      tpu.enqueue_indirect_dma source(%dma_start3A_349 : memref<10000x128xf32, #tpu.memory_space<hbm>>) target(%arg9 : memref<80x128xf32, #tpu.memory_space<vmem>>) offsets(%dma_start3A_346 : memref<80xi32, #tpu.memory_space<vmem>>) semaphore(%arg14 : memref<!tpu.dma_semaphore, #tpu.memory_space<semaphore_mem>>)
      %dma_wait3A_350 = arith.constant 21 : i32
      %dma_wait3A_351 = arith.constant 0 : i32
      %dma_wait3A_352 = tpu.memref_slice %arg7[%dma_wait3A_350, %dma_wait3A_351] : memref<25x80xi32, #tpu.memory_space<vmem>> -> memref<1x80xi32, #tpu.memory_space<vmem>>
      %dma_wait3A_353 = tpu.memref_squeeze %dma_wait3A_352 : memref<1x80xi32, #tpu.memory_space<vmem>> -> memref<80xi32, #tpu.memory_space<vmem>>
      %dma_wait3A_354 = arith.constant 0 : i32
      %dma_wait3A_355 = arith.constant 0 : i32
      %dma_wait3A_356 = tpu.memref_slice %arg2[%dma_wait3A_354, %dma_wait3A_355] : memref<10000x128xf32, #tpu.memory_space<hbm>> -> memref<10000x128xf32, #tpu.memory_space<hbm>>
      tpu.wait_indirect_dma semaphore(%arg15 : memref<!tpu.dma_semaphore, #tpu.memory_space<semaphore_mem>>) src(%dma_wait3A_356 : memref<10000x128xf32, #tpu.memory_space<hbm>>) dst(%arg10 : memref<80x128xf32, #tpu.memory_space<vmem>>)
      %run_scoped3A_357 = arith.constant 21 : i32
      "tpu.region"() ({
        %run_scoped3A_382 = tpu.sem_alloc : memref<!tpu.dma_semaphore, #tpu.memory_space<semaphore_mem>>
        %dma_start3A_383 = arith.constant 0 : i32
        %dma_start3A_384 = tpu.memref_slice %arg8[%run_scoped3A_357, %dma_start3A_383] : memref<25x80xi32, #tpu.memory_space<vmem>> -> memref<1x80xi32, #tpu.memory_space<vmem>>
        %dma_start3A_385 = tpu.memref_squeeze %dma_start3A_384 : memref<1x80xi32, #tpu.memory_space<vmem>> -> memref<80xi32, #tpu.memory_space<vmem>>
        %dma_start3A_386 = arith.constant 0 : i32
        %dma_start3A_387 = arith.constant 0 : i32
        %dma_start3A_388 = tpu.memref_slice %arg13[%dma_start3A_386, %dma_start3A_387] : memref<10112x128xf32, #tpu.memory_space<vmem_shared>> -> memref<10112x128xf32, #tpu.memory_space<vmem_shared>>
        tpu.enqueue_indirect_dma source(%arg10 : memref<80x128xf32, #tpu.memory_space<vmem>>) target(%dma_start3A_388 : memref<10112x128xf32, #tpu.memory_space<vmem_shared>>) offsets(%dma_start3A_385 : memref<80xi32, #tpu.memory_space<vmem>>) semaphore(%run_scoped3A_382 : memref<!tpu.dma_semaphore, #tpu.memory_space<semaphore_mem>>) {add = true}
        %dma_wait3A_389 = arith.constant 0 : i32
        %dma_wait3A_390 = tpu.memref_slice %arg8[%run_scoped3A_357, %dma_wait3A_389] : memref<25x80xi32, #tpu.memory_space<vmem>> -> memref<1x80xi32, #tpu.memory_space<vmem>>
        %dma_wait3A_391 = tpu.memref_squeeze %dma_wait3A_390 : memref<1x80xi32, #tpu.memory_space<vmem>> -> memref<80xi32, #tpu.memory_space<vmem>>
        %dma_wait3A_392 = arith.constant 0 : i32
        %dma_wait3A_393 = arith.constant 0 : i32
        %dma_wait3A_394 = tpu.memref_slice %arg13[%dma_wait3A_392, %dma_wait3A_393] : memref<10112x128xf32, #tpu.memory_space<vmem_shared>> -> memref<10112x128xf32, #tpu.memory_space<vmem_shared>>
        tpu.wait_indirect_dma semaphore(%run_scoped3A_382 : memref<!tpu.dma_semaphore, #tpu.memory_space<semaphore_mem>>) src(%arg10 : memref<80x128xf32, #tpu.memory_space<vmem>>) dst(%dma_wait3A_394 : memref<10112x128xf32, #tpu.memory_space<vmem_shared>>)
        tpu.yield
      }) : () -> ()
      %dma_wait3A_358 = arith.constant 22 : i32
      %dma_wait3A_359 = arith.constant 0 : i32
      %dma_wait3A_360 = tpu.memref_slice %arg7[%dma_wait3A_358, %dma_wait3A_359] : memref<25x80xi32, #tpu.memory_space<vmem>> -> memref<1x80xi32, #tpu.memory_space<vmem>>
      %dma_wait3A_361 = tpu.memref_squeeze %dma_wait3A_360 : memref<1x80xi32, #tpu.memory_space<vmem>> -> memref<80xi32, #tpu.memory_space<vmem>>
      %dma_wait3A_362 = arith.constant 0 : i32
      %dma_wait3A_363 = arith.constant 0 : i32
      %dma_wait3A_364 = tpu.memref_slice %arg2[%dma_wait3A_362, %dma_wait3A_363] : memref<10000x128xf32, #tpu.memory_space<hbm>> -> memref<10000x128xf32, #tpu.memory_space<hbm>>
      tpu.wait_indirect_dma semaphore(%arg16 : memref<!tpu.dma_semaphore, #tpu.memory_space<semaphore_mem>>) src(%dma_wait3A_364 : memref<10000x128xf32, #tpu.memory_space<hbm>>) dst(%arg11 : memref<80x128xf32, #tpu.memory_space<vmem>>)
      %run_scoped3A_365 = arith.constant 22 : i32
      "tpu.region"() ({
        %run_scoped3A_382 = tpu.sem_alloc : memref<!tpu.dma_semaphore, #tpu.memory_space<semaphore_mem>>
        %dma_start3A_383 = arith.constant 0 : i32
        %dma_start3A_384 = tpu.memref_slice %arg8[%run_scoped3A_365, %dma_start3A_383] : memref<25x80xi32, #tpu.memory_space<vmem>> -> memref<1x80xi32, #tpu.memory_space<vmem>>
        %dma_start3A_385 = tpu.memref_squeeze %dma_start3A_384 : memref<1x80xi32, #tpu.memory_space<vmem>> -> memref<80xi32, #tpu.memory_space<vmem>>
        %dma_start3A_386 = arith.constant 0 : i32
        %dma_start3A_387 = arith.constant 0 : i32
        %dma_start3A_388 = tpu.memref_slice %arg13[%dma_start3A_386, %dma_start3A_387] : memref<10112x128xf32, #tpu.memory_space<vmem_shared>> -> memref<10112x128xf32, #tpu.memory_space<vmem_shared>>
        tpu.enqueue_indirect_dma source(%arg11 : memref<80x128xf32, #tpu.memory_space<vmem>>) target(%dma_start3A_388 : memref<10112x128xf32, #tpu.memory_space<vmem_shared>>) offsets(%dma_start3A_385 : memref<80xi32, #tpu.memory_space<vmem>>) semaphore(%run_scoped3A_382 : memref<!tpu.dma_semaphore, #tpu.memory_space<semaphore_mem>>) {add = true}
        %dma_wait3A_389 = arith.constant 0 : i32
        %dma_wait3A_390 = tpu.memref_slice %arg8[%run_scoped3A_365, %dma_wait3A_389] : memref<25x80xi32, #tpu.memory_space<vmem>> -> memref<1x80xi32, #tpu.memory_space<vmem>>
        %dma_wait3A_391 = tpu.memref_squeeze %dma_wait3A_390 : memref<1x80xi32, #tpu.memory_space<vmem>> -> memref<80xi32, #tpu.memory_space<vmem>>
        %dma_wait3A_392 = arith.constant 0 : i32
        %dma_wait3A_393 = arith.constant 0 : i32
        %dma_wait3A_394 = tpu.memref_slice %arg13[%dma_wait3A_392, %dma_wait3A_393] : memref<10112x128xf32, #tpu.memory_space<vmem_shared>> -> memref<10112x128xf32, #tpu.memory_space<vmem_shared>>
        tpu.wait_indirect_dma semaphore(%run_scoped3A_382 : memref<!tpu.dma_semaphore, #tpu.memory_space<semaphore_mem>>) src(%arg11 : memref<80x128xf32, #tpu.memory_space<vmem>>) dst(%dma_wait3A_394 : memref<10112x128xf32, #tpu.memory_space<vmem_shared>>)
        tpu.yield
      }) : () -> ()
      %dma_wait3A_366 = arith.constant 23 : i32
      %dma_wait3A_367 = arith.constant 0 : i32
      %dma_wait3A_368 = tpu.memref_slice %arg7[%dma_wait3A_366, %dma_wait3A_367] : memref<25x80xi32, #tpu.memory_space<vmem>> -> memref<1x80xi32, #tpu.memory_space<vmem>>
      %dma_wait3A_369 = tpu.memref_squeeze %dma_wait3A_368 : memref<1x80xi32, #tpu.memory_space<vmem>> -> memref<80xi32, #tpu.memory_space<vmem>>
      %dma_wait3A_370 = arith.constant 0 : i32
      %dma_wait3A_371 = arith.constant 0 : i32
      %dma_wait3A_372 = tpu.memref_slice %arg2[%dma_wait3A_370, %dma_wait3A_371] : memref<10000x128xf32, #tpu.memory_space<hbm>> -> memref<10000x128xf32, #tpu.memory_space<hbm>>
      tpu.wait_indirect_dma semaphore(%arg17 : memref<!tpu.dma_semaphore, #tpu.memory_space<semaphore_mem>>) src(%dma_wait3A_372 : memref<10000x128xf32, #tpu.memory_space<hbm>>) dst(%arg12 : memref<80x128xf32, #tpu.memory_space<vmem>>)
      %run_scoped3A_373 = arith.constant 23 : i32
      "tpu.region"() ({
        %run_scoped3A_382 = tpu.sem_alloc : memref<!tpu.dma_semaphore, #tpu.memory_space<semaphore_mem>>
        %dma_start3A_383 = arith.constant 0 : i32
        %dma_start3A_384 = tpu.memref_slice %arg8[%run_scoped3A_373, %dma_start3A_383] : memref<25x80xi32, #tpu.memory_space<vmem>> -> memref<1x80xi32, #tpu.memory_space<vmem>>
        %dma_start3A_385 = tpu.memref_squeeze %dma_start3A_384 : memref<1x80xi32, #tpu.memory_space<vmem>> -> memref<80xi32, #tpu.memory_space<vmem>>
        %dma_start3A_386 = arith.constant 0 : i32
        %dma_start3A_387 = arith.constant 0 : i32
        %dma_start3A_388 = tpu.memref_slice %arg13[%dma_start3A_386, %dma_start3A_387] : memref<10112x128xf32, #tpu.memory_space<vmem_shared>> -> memref<10112x128xf32, #tpu.memory_space<vmem_shared>>
        tpu.enqueue_indirect_dma source(%arg12 : memref<80x128xf32, #tpu.memory_space<vmem>>) target(%dma_start3A_388 : memref<10112x128xf32, #tpu.memory_space<vmem_shared>>) offsets(%dma_start3A_385 : memref<80xi32, #tpu.memory_space<vmem>>) semaphore(%run_scoped3A_382 : memref<!tpu.dma_semaphore, #tpu.memory_space<semaphore_mem>>) {add = true}
        %dma_wait3A_389 = arith.constant 0 : i32
        %dma_wait3A_390 = tpu.memref_slice %arg8[%run_scoped3A_373, %dma_wait3A_389] : memref<25x80xi32, #tpu.memory_space<vmem>> -> memref<1x80xi32, #tpu.memory_space<vmem>>
        %dma_wait3A_391 = tpu.memref_squeeze %dma_wait3A_390 : memref<1x80xi32, #tpu.memory_space<vmem>> -> memref<80xi32, #tpu.memory_space<vmem>>
        %dma_wait3A_392 = arith.constant 0 : i32
        %dma_wait3A_393 = arith.constant 0 : i32
        %dma_wait3A_394 = tpu.memref_slice %arg13[%dma_wait3A_392, %dma_wait3A_393] : memref<10112x128xf32, #tpu.memory_space<vmem_shared>> -> memref<10112x128xf32, #tpu.memory_space<vmem_shared>>
        tpu.wait_indirect_dma semaphore(%run_scoped3A_382 : memref<!tpu.dma_semaphore, #tpu.memory_space<semaphore_mem>>) src(%arg12 : memref<80x128xf32, #tpu.memory_space<vmem>>) dst(%dma_wait3A_394 : memref<10112x128xf32, #tpu.memory_space<vmem_shared>>)
        tpu.yield
      }) : () -> ()
      %dma_wait3A_374 = arith.constant 24 : i32
      %dma_wait3A_375 = arith.constant 0 : i32
      %dma_wait3A_376 = tpu.memref_slice %arg7[%dma_wait3A_374, %dma_wait3A_375] : memref<25x80xi32, #tpu.memory_space<vmem>> -> memref<1x80xi32, #tpu.memory_space<vmem>>
      %dma_wait3A_377 = tpu.memref_squeeze %dma_wait3A_376 : memref<1x80xi32, #tpu.memory_space<vmem>> -> memref<80xi32, #tpu.memory_space<vmem>>
      %dma_wait3A_378 = arith.constant 0 : i32
      %dma_wait3A_379 = arith.constant 0 : i32
      %dma_wait3A_380 = tpu.memref_slice %arg2[%dma_wait3A_378, %dma_wait3A_379] : memref<10000x128xf32, #tpu.memory_space<hbm>> -> memref<10000x128xf32, #tpu.memory_space<hbm>>
      tpu.wait_indirect_dma semaphore(%arg14 : memref<!tpu.dma_semaphore, #tpu.memory_space<semaphore_mem>>) src(%dma_wait3A_380 : memref<10000x128xf32, #tpu.memory_space<hbm>>) dst(%arg9 : memref<80x128xf32, #tpu.memory_space<vmem>>)
      %run_scoped3A_381 = arith.constant 24 : i32
      "tpu.region"() ({
        %run_scoped3A_382 = tpu.sem_alloc : memref<!tpu.dma_semaphore, #tpu.memory_space<semaphore_mem>>
        %dma_start3A_383 = arith.constant 0 : i32
        %dma_start3A_384 = tpu.memref_slice %arg8[%run_scoped3A_381, %dma_start3A_383] : memref<25x80xi32, #tpu.memory_space<vmem>> -> memref<1x80xi32, #tpu.memory_space<vmem>>
        %dma_start3A_385 = tpu.memref_squeeze %dma_start3A_384 : memref<1x80xi32, #tpu.memory_space<vmem>> -> memref<80xi32, #tpu.memory_space<vmem>>
        %dma_start3A_386 = arith.constant 0 : i32
        %dma_start3A_387 = arith.constant 0 : i32
        %dma_start3A_388 = tpu.memref_slice %arg13[%dma_start3A_386, %dma_start3A_387] : memref<10112x128xf32, #tpu.memory_space<vmem_shared>> -> memref<10112x128xf32, #tpu.memory_space<vmem_shared>>
        tpu.enqueue_indirect_dma source(%arg9 : memref<80x128xf32, #tpu.memory_space<vmem>>) target(%dma_start3A_388 : memref<10112x128xf32, #tpu.memory_space<vmem_shared>>) offsets(%dma_start3A_385 : memref<80xi32, #tpu.memory_space<vmem>>) semaphore(%run_scoped3A_382 : memref<!tpu.dma_semaphore, #tpu.memory_space<semaphore_mem>>) {add = true}
        %dma_wait3A_389 = arith.constant 0 : i32
        %dma_wait3A_390 = tpu.memref_slice %arg8[%run_scoped3A_381, %dma_wait3A_389] : memref<25x80xi32, #tpu.memory_space<vmem>> -> memref<1x80xi32, #tpu.memory_space<vmem>>
        %dma_wait3A_391 = tpu.memref_squeeze %dma_wait3A_390 : memref<1x80xi32, #tpu.memory_space<vmem>> -> memref<80xi32, #tpu.memory_space<vmem>>
        %dma_wait3A_392 = arith.constant 0 : i32
        %dma_wait3A_393 = arith.constant 0 : i32
        %dma_wait3A_394 = tpu.memref_slice %arg13[%dma_wait3A_392, %dma_wait3A_393] : memref<10112x128xf32, #tpu.memory_space<vmem_shared>> -> memref<10112x128xf32, #tpu.memory_space<vmem_shared>>
        tpu.wait_indirect_dma semaphore(%run_scoped3A_382 : memref<!tpu.dma_semaphore, #tpu.memory_space<semaphore_mem>>) src(%arg9 : memref<80x128xf32, #tpu.memory_space<vmem>>) dst(%dma_wait3A_394 : memref<10112x128xf32, #tpu.memory_space<vmem_shared>>)
        tpu.yield
      }) : () -> ()
    }
    %scan3A_7 = arith.constant 5 : i32
    %barrier3A_8 = arith.constant 0 : index
    tpu.barrier barrier_id(%barrier3A_8)
    "tpu.region"() ({
      %run_scoped3A = tpu.sem_alloc : memref<!tpu.dma_semaphore, #tpu.memory_space<semaphore_mem>>
      %dma_start3A = arith.constant 0 : i32
      %dma_start3A_9 = tpu.memref_slice %arg6[%arg0, %mul3A_2, %dma_start3A] : memref<2x10112x128xf32, #tpu.memory_space<hbm>> -> memref<1x632x128xf32, #tpu.memory_space<hbm>>
      %dma_start3A_10 = tpu.memref_squeeze %dma_start3A_9 : memref<1x632x128xf32, #tpu.memory_space<hbm>> -> memref<632x128xf32, #tpu.memory_space<hbm>>
      %dma_start3A_11 = arith.constant 0 : i32
      %dma_start3A_12 = tpu.memref_slice %arg13[%mul3A_2, %dma_start3A_11] : memref<10112x128xf32, #tpu.memory_space<vmem_shared>> -> memref<632x128xf32, #tpu.memory_space<vmem_shared>>
      tpu.enqueue_dma source(%dma_start3A_12 : memref<632x128xf32, #tpu.memory_space<vmem_shared>>) target(%dma_start3A_10 : memref<632x128xf32, #tpu.memory_space<hbm>>) target_semaphore(%run_scoped3A : memref<!tpu.dma_semaphore, #tpu.memory_space<semaphore_mem>>)
      %dma_wait3A = arith.constant 0 : i32
      %dma_wait3A_13 = tpu.memref_slice %arg6[%arg0, %mul3A_2, %dma_wait3A] : memref<2x10112x128xf32, #tpu.memory_space<hbm>> -> memref<1x632x128xf32, #tpu.memory_space<hbm>>
      %dma_wait3A_14 = tpu.memref_squeeze %dma_wait3A_13 : memref<1x632x128xf32, #tpu.memory_space<hbm>> -> memref<632x128xf32, #tpu.memory_space<hbm>>
      %dma_wait3A_15 = arith.constant 0 : i32
      %dma_wait3A_16 = tpu.memref_slice %arg13[%mul3A_2, %dma_wait3A_15] : memref<10112x128xf32, #tpu.memory_space<vmem_shared>> -> memref<632x128xf32, #tpu.memory_space<vmem_shared>>
      tpu.wait_dma2 semaphore(%run_scoped3A : memref<!tpu.dma_semaphore, #tpu.memory_space<semaphore_mem>>) src(%dma_wait3A_16 : memref<632x128xf32, #tpu.memory_space<vmem_shared>>) dst(%dma_wait3A_14 : memref<632x128xf32, #tpu.memory_space<hbm>>)
      tpu.yield
    }) : () -> ()
    return
  }
}

#map = affine_map<(d0, d1) -> (0, 0)>
#map1 = affine_map<(d0, d1) -> (0, 0, 0, 0)>
#map2 = affine_map<(d0, d1) -> (0, 0, 0)>
module attributes {stable_mosaic.version = 14 : i64} {
  func.func @_seg_body(%arg0: i32, %arg1: i32, %arg2: memref<10000x128xf32, #tpu.memory_space<hbm>>, %arg3: memref<32x5x25x80xi32, #tpu.memory_space<hbm>>, %arg4: memref<32x5x25x80xi32, #tpu.memory_space<hbm>>, %arg5: memref<10112x128xf32, #tpu.memory_space<hbm>>, %arg6: memref<2x10112x128xf32, #tpu.memory_space<hbm>>, %arg7: memref<25x80xi32, #tpu.memory_space<vmem>>, %arg8: memref<25x80xi32, #tpu.memory_space<vmem>>, %arg9: memref<80x128xf32, #tpu.memory_space<vmem>>, %arg10: memref<80x128xf32, #tpu.memory_space<vmem>>, %arg11: memref<80x128xf32, #tpu.memory_space<vmem>>, %arg12: memref<80x128xf32, #tpu.memory_space<vmem>>, %arg13: memref<10112x128xf32, #tpu.memory_space<vmem_shared>>, %arg14: memref<!tpu.dma_semaphore, #tpu.memory_space<semaphore_mem>>, %arg15: memref<!tpu.dma_semaphore, #tpu.memory_space<semaphore_mem>>, %arg16: memref<!tpu.dma_semaphore, #tpu.memory_space<semaphore_mem>>, %arg17: memref<!tpu.dma_semaphore, #tpu.memory_space<semaphore_mem>>, %arg18: memref<!tpu.dma_semaphore, #tpu.memory_space<semaphore_mem>>, %arg19: memref<!tpu.dma_semaphore, #tpu.memory_space<semaphore_mem>>, %arg20: memref<!tpu.dma_semaphore, #tpu.memory_space<semaphore_mem>>, %arg21: memref<!tpu.dma_semaphore, #tpu.memory_space<semaphore_mem>>) attributes {dimension_semantics = [#tpu.dimension_semantics<core_parallel>, #tpu.dimension_semantics<subcore_parallel>], iteration_bounds = array<i64: 2, 16>, scalar_prefetch = 0 : i64, scratch_operands = 15 : i64, tpu.core_type = #tpu.core_type<sc_vector_subcore>, window_params = [{transform_indices = #map}, {transform_indices = #map1}, {transform_indices = #map1}, {transform_indices = #map}, {transform_indices = #map2}]} {
    %mul3A = arith.constant 2 : i32
    %mul3A_0 = arith.muli %arg1, %mul3A : i32
    %add3A = arith.addi %mul3A_0, %arg0 : i32
    %mul3A_1 = arith.constant 632 : i32
    %mul3A_2 = arith.muli %arg1, %mul3A_1 : i32
    "tpu.region"() ({
      %run_scoped3A = tpu.sem_alloc : memref<!tpu.dma_semaphore, #tpu.memory_space<semaphore_mem>>
      %dma_start3A = arith.constant 0 : i32
      %dma_start3A_9 = tpu.memref_slice %arg13[%mul3A_2, %dma_start3A] : memref<10112x128xf32, #tpu.memory_space<vmem_shared>> -> memref<632x128xf32, #tpu.memory_space<vmem_shared>>
      %dma_start3A_10 = arith.constant 0 : i32
      %dma_start3A_11 = tpu.memref_slice %arg5[%mul3A_2, %dma_start3A_10] : memref<10112x128xf32, #tpu.memory_space<hbm>> -> memref<632x128xf32, #tpu.memory_space<hbm>>
      tpu.enqueue_dma source(%dma_start3A_11 : memref<632x128xf32, #tpu.memory_space<hbm>>) target(%dma_start3A_9 : memref<632x128xf32, #tpu.memory_space<vmem_shared>>) target_semaphore(%run_scoped3A : memref<!tpu.dma_semaphore, #tpu.memory_space<semaphore_mem>>)
      %dma_wait3A = arith.constant 0 : i32
      %dma_wait3A_12 = tpu.memref_slice %arg13[%mul3A_2, %dma_wait3A] : memref<10112x128xf32, #tpu.memory_space<vmem_shared>> -> memref<632x128xf32, #tpu.memory_space<vmem_shared>>
      %dma_wait3A_13 = arith.constant 0 : i32
      %dma_wait3A_14 = tpu.memref_slice %arg5[%mul3A_2, %dma_wait3A_13] : memref<10112x128xf32, #tpu.memory_space<hbm>> -> memref<632x128xf32, #tpu.memory_space<hbm>>
      tpu.wait_dma2 semaphore(%run_scoped3A : memref<!tpu.dma_semaphore, #tpu.memory_space<semaphore_mem>>) src(%dma_wait3A_14 : memref<632x128xf32, #tpu.memory_space<hbm>>) dst(%dma_wait3A_12 : memref<632x128xf32, #tpu.memory_space<vmem_shared>>)
      tpu.yield
    }) : () -> ()
    %barrier3A = arith.constant 0 : index
    tpu.barrier barrier_id(%barrier3A)
    %scan3A = arith.constant 0 : i32
    %scan3A_3 = arith.constant 0 : i32
    %scan3A_4 = arith.constant 5 : i32
    %scan3A_5 = arith.addi %scan3A_3, %scan3A_4 : i32
    %scan3A_6 = arith.constant 1 : i32
    scf.for %scan3A_9 = %scan3A_3 to %scan3A_5 step %scan3A_6  : i32 {
      "tpu.region"() ({
        %run_scoped3A_382 = tpu.sem_alloc : memref<!tpu.dma_semaphore, #tpu.memory_space<semaphore_mem>>
        %dma_start3A_383 = arith.constant 0 : i32
        %dma_start3A_384 = arith.constant 0 : i32
        %dma_start3A_385 = tpu.memref_slice %arg3[%add3A, %scan3A_9, %dma_start3A_383, %dma_start3A_384] : memref<32x5x25x80xi32, #tpu.memory_space<hbm>> -> memref<1x1x25x80xi32, #tpu.memory_space<hbm>>
        %dma_start3A_386 = tpu.memref_squeeze %dma_start3A_385 : memref<1x1x25x80xi32, #tpu.memory_space<hbm>> -> memref<25x80xi32, #tpu.memory_space<hbm>>
        %dma_start3A_387 = arith.constant 0 : i32
        %dma_start3A_388 = arith.constant 0 : i32
        %dma_start3A_389 = tpu.memref_slice %arg3[%add3A, %scan3A_9, %dma_start3A_387, %dma_start3A_388] : memref<32x5x25x80xi32, #tpu.memory_space<hbm>> -> memref<1x1x25x80xi32, #tpu.memory_space<hbm>>
        %dma_start3A_390 = tpu.memref_squeeze %dma_start3A_389 : memref<1x1x25x80xi32, #tpu.memory_space<hbm>> -> memref<25x80xi32, #tpu.memory_space<hbm>>
        tpu.enqueue_dma source(%dma_start3A_390 : memref<25x80xi32, #tpu.memory_space<hbm>>) target(%arg7 : memref<25x80xi32, #tpu.memory_space<vmem>>) target_semaphore(%run_scoped3A_382 : memref<!tpu.dma_semaphore, #tpu.memory_space<semaphore_mem>>)
        %dma_wait3A_391 = arith.constant 0 : i32
        %dma_wait3A_392 = arith.constant 0 : i32
        %dma_wait3A_393 = tpu.memref_slice %arg3[%add3A, %scan3A_9, %dma_wait3A_391, %dma_wait3A_392] : memref<32x5x25x80xi32, #tpu.memory_space<hbm>> -> memref<1x1x25x80xi32, #tpu.memory_space<hbm>>
        %dma_wait3A_394 = tpu.memref_squeeze %dma_wait3A_393 : memref<1x1x25x80xi32, #tpu.memory_space<hbm>> -> memref<25x80xi32, #tpu.memory_space<hbm>>
        %dma_wait3A_395 = arith.constant 0 : i32
        %dma_wait3A_396 = arith.constant 0 : i32
        %dma_wait3A_397 = tpu.memref_slice %arg3[%add3A, %scan3A_9, %dma_wait3A_395, %dma_wait3A_396] : memref<32x5x25x80xi32, #tpu.memory_space<hbm>> -> memref<1x1x25x80xi32, #tpu.memory_space<hbm>>
        %dma_wait3A_398 = tpu.memref_squeeze %dma_wait3A_397 : memref<1x1x25x80xi32, #tpu.memory_space<hbm>> -> memref<25x80xi32, #tpu.memory_space<hbm>>
        tpu.wait_dma2 semaphore(%run_scoped3A_382 : memref<!tpu.dma_semaphore, #tpu.memory_space<semaphore_mem>>) src(%dma_wait3A_398 : memref<25x80xi32, #tpu.memory_space<hbm>>) dst(%arg7 : memref<25x80xi32, #tpu.memory_space<vmem>>)
        tpu.yield
      }) : () -> ()
      "tpu.region"() ({
        %run_scoped3A_382 = tpu.sem_alloc : memref<!tpu.dma_semaphore, #tpu.memory_space<semaphore_mem>>
        %dma_start3A_383 = arith.constant 0 : i32
        %dma_start3A_384 = arith.constant 0 : i32
        %dma_start3A_385 = tpu.memref_slice %arg4[%add3A, %scan3A_9, %dma_start3A_383, %dma_start3A_384] : memref<32x5x25x80xi32, #tpu.memory_space<hbm>> -> memref<1x1x25x80xi32, #tpu.memory_space<hbm>>
        %dma_start3A_386 = tpu.memref_squeeze %dma_start3A_385 : memref<1x1x25x80xi32, #tpu.memory_space<hbm>> -> memref<25x80xi32, #tpu.memory_space<hbm>>
        %dma_start3A_387 = arith.constant 0 : i32
        %dma_start3A_388 = arith.constant 0 : i32
        %dma_start3A_389 = tpu.memref_slice %arg4[%add3A, %scan3A_9, %dma_start3A_387, %dma_start3A_388] : memref<32x5x25x80xi32, #tpu.memory_space<hbm>> -> memref<1x1x25x80xi32, #tpu.memory_space<hbm>>
        %dma_start3A_390 = tpu.memref_squeeze %dma_start3A_389 : memref<1x1x25x80xi32, #tpu.memory_space<hbm>> -> memref<25x80xi32, #tpu.memory_space<hbm>>
        tpu.enqueue_dma source(%dma_start3A_390 : memref<25x80xi32, #tpu.memory_space<hbm>>) target(%arg8 : memref<25x80xi32, #tpu.memory_space<vmem>>) target_semaphore(%run_scoped3A_382 : memref<!tpu.dma_semaphore, #tpu.memory_space<semaphore_mem>>)
        %dma_wait3A_391 = arith.constant 0 : i32
        %dma_wait3A_392 = arith.constant 0 : i32
        %dma_wait3A_393 = tpu.memref_slice %arg4[%add3A, %scan3A_9, %dma_wait3A_391, %dma_wait3A_392] : memref<32x5x25x80xi32, #tpu.memory_space<hbm>> -> memref<1x1x25x80xi32, #tpu.memory_space<hbm>>
        %dma_wait3A_394 = tpu.memref_squeeze %dma_wait3A_393 : memref<1x1x25x80xi32, #tpu.memory_space<hbm>> -> memref<25x80xi32, #tpu.memory_space<hbm>>
        %dma_wait3A_395 = arith.constant 0 : i32
        %dma_wait3A_396 = arith.constant 0 : i32
        %dma_wait3A_397 = tpu.memref_slice %arg4[%add3A, %scan3A_9, %dma_wait3A_395, %dma_wait3A_396] : memref<32x5x25x80xi32, #tpu.memory_space<hbm>> -> memref<1x1x25x80xi32, #tpu.memory_space<hbm>>
        %dma_wait3A_398 = tpu.memref_squeeze %dma_wait3A_397 : memref<1x1x25x80xi32, #tpu.memory_space<hbm>> -> memref<25x80xi32, #tpu.memory_space<hbm>>
        tpu.wait_dma2 semaphore(%run_scoped3A_382 : memref<!tpu.dma_semaphore, #tpu.memory_space<semaphore_mem>>) src(%dma_wait3A_398 : memref<25x80xi32, #tpu.memory_space<hbm>>) dst(%arg8 : memref<25x80xi32, #tpu.memory_space<vmem>>)
        tpu.yield
      }) : () -> ()
      %dma_start3A = arith.constant 0 : i32
      %dma_start3A_10 = arith.constant 0 : i32
      %dma_start3A_11 = tpu.memref_slice %arg7[%dma_start3A, %dma_start3A_10] : memref<25x80xi32, #tpu.memory_space<vmem>> -> memref<1x80xi32, #tpu.memory_space<vmem>>
      %dma_start3A_12 = tpu.memref_squeeze %dma_start3A_11 : memref<1x80xi32, #tpu.memory_space<vmem>> -> memref<80xi32, #tpu.memory_space<vmem>>
      %dma_start3A_13 = arith.constant 0 : i32
      %dma_start3A_14 = arith.constant 0 : i32
      %dma_start3A_15 = tpu.memref_slice %arg2[%dma_start3A_13, %dma_start3A_14] : memref<10000x128xf32, #tpu.memory_space<hbm>> -> memref<10000x128xf32, #tpu.memory_space<hbm>>
      tpu.enqueue_indirect_dma source(%dma_start3A_15 : memref<10000x128xf32, #tpu.memory_space<hbm>>) target(%arg9 : memref<80x128xf32, #tpu.memory_space<vmem>>) offsets(%dma_start3A_12 : memref<80xi32, #tpu.memory_space<vmem>>) semaphore(%arg14 : memref<!tpu.dma_semaphore, #tpu.memory_space<semaphore_mem>>)
      %dma_start3A_16 = arith.constant 1 : i32
      %dma_start3A_17 = arith.constant 0 : i32
      %dma_start3A_18 = tpu.memref_slice %arg7[%dma_start3A_16, %dma_start3A_17] : memref<25x80xi32, #tpu.memory_space<vmem>> -> memref<1x80xi32, #tpu.memory_space<vmem>>
      %dma_start3A_19 = tpu.memref_squeeze %dma_start3A_18 : memref<1x80xi32, #tpu.memory_space<vmem>> -> memref<80xi32, #tpu.memory_space<vmem>>
      %dma_start3A_20 = arith.constant 0 : i32
      %dma_start3A_21 = arith.constant 0 : i32
      %dma_start3A_22 = tpu.memref_slice %arg2[%dma_start3A_20, %dma_start3A_21] : memref<10000x128xf32, #tpu.memory_space<hbm>> -> memref<10000x128xf32, #tpu.memory_space<hbm>>
      tpu.enqueue_indirect_dma source(%dma_start3A_22 : memref<10000x128xf32, #tpu.memory_space<hbm>>) target(%arg10 : memref<80x128xf32, #tpu.memory_space<vmem>>) offsets(%dma_start3A_19 : memref<80xi32, #tpu.memory_space<vmem>>) semaphore(%arg15 : memref<!tpu.dma_semaphore, #tpu.memory_space<semaphore_mem>>)
      %dma_start3A_23 = arith.constant 2 : i32
      %dma_start3A_24 = arith.constant 0 : i32
      %dma_start3A_25 = tpu.memref_slice %arg7[%dma_start3A_23, %dma_start3A_24] : memref<25x80xi32, #tpu.memory_space<vmem>> -> memref<1x80xi32, #tpu.memory_space<vmem>>
      %dma_start3A_26 = tpu.memref_squeeze %dma_start3A_25 : memref<1x80xi32, #tpu.memory_space<vmem>> -> memref<80xi32, #tpu.memory_space<vmem>>
      %dma_start3A_27 = arith.constant 0 : i32
      %dma_start3A_28 = arith.constant 0 : i32
      %dma_start3A_29 = tpu.memref_slice %arg2[%dma_start3A_27, %dma_start3A_28] : memref<10000x128xf32, #tpu.memory_space<hbm>> -> memref<10000x128xf32, #tpu.memory_space<hbm>>
      tpu.enqueue_indirect_dma source(%dma_start3A_29 : memref<10000x128xf32, #tpu.memory_space<hbm>>) target(%arg11 : memref<80x128xf32, #tpu.memory_space<vmem>>) offsets(%dma_start3A_26 : memref<80xi32, #tpu.memory_space<vmem>>) semaphore(%arg16 : memref<!tpu.dma_semaphore, #tpu.memory_space<semaphore_mem>>)
      %dma_start3A_30 = arith.constant 3 : i32
      %dma_start3A_31 = arith.constant 0 : i32
      %dma_start3A_32 = tpu.memref_slice %arg7[%dma_start3A_30, %dma_start3A_31] : memref<25x80xi32, #tpu.memory_space<vmem>> -> memref<1x80xi32, #tpu.memory_space<vmem>>
      %dma_start3A_33 = tpu.memref_squeeze %dma_start3A_32 : memref<1x80xi32, #tpu.memory_space<vmem>> -> memref<80xi32, #tpu.memory_space<vmem>>
      %dma_start3A_34 = arith.constant 0 : i32
      %dma_start3A_35 = arith.constant 0 : i32
      %dma_start3A_36 = tpu.memref_slice %arg2[%dma_start3A_34, %dma_start3A_35] : memref<10000x128xf32, #tpu.memory_space<hbm>> -> memref<10000x128xf32, #tpu.memory_space<hbm>>
      tpu.enqueue_indirect_dma source(%dma_start3A_36 : memref<10000x128xf32, #tpu.memory_space<hbm>>) target(%arg12 : memref<80x128xf32, #tpu.memory_space<vmem>>) offsets(%dma_start3A_33 : memref<80xi32, #tpu.memory_space<vmem>>) semaphore(%arg17 : memref<!tpu.dma_semaphore, #tpu.memory_space<semaphore_mem>>)
      %dma_wait3A = arith.constant 0 : i32
      %dma_wait3A_37 = arith.constant 0 : i32
      %dma_wait3A_38 = tpu.memref_slice %arg7[%dma_wait3A, %dma_wait3A_37] : memref<25x80xi32, #tpu.memory_space<vmem>> -> memref<1x80xi32, #tpu.memory_space<vmem>>
      %dma_wait3A_39 = tpu.memref_squeeze %dma_wait3A_38 : memref<1x80xi32, #tpu.memory_space<vmem>> -> memref<80xi32, #tpu.memory_space<vmem>>
      %dma_wait3A_40 = arith.constant 0 : i32
      %dma_wait3A_41 = arith.constant 0 : i32
      %dma_wait3A_42 = tpu.memref_slice %arg2[%dma_wait3A_40, %dma_wait3A_41] : memref<10000x128xf32, #tpu.memory_space<hbm>> -> memref<10000x128xf32, #tpu.memory_space<hbm>>
      tpu.wait_indirect_dma semaphore(%arg14 : memref<!tpu.dma_semaphore, #tpu.memory_space<semaphore_mem>>) src(%dma_wait3A_42 : memref<10000x128xf32, #tpu.memory_space<hbm>>) dst(%arg9 : memref<80x128xf32, #tpu.memory_space<vmem>>)
      %run_scoped3A = arith.constant 0 : i32
      "tpu.region"() ({
        %run_scoped3A_382 = tpu.sem_alloc : memref<!tpu.dma_semaphore, #tpu.memory_space<semaphore_mem>>
        %dma_start3A_383 = arith.constant 0 : i32
        %dma_start3A_384 = tpu.memref_slice %arg8[%run_scoped3A, %dma_start3A_383] : memref<25x80xi32, #tpu.memory_space<vmem>> -> memref<1x80xi32, #tpu.memory_space<vmem>>
        %dma_start3A_385 = tpu.memref_squeeze %dma_start3A_384 : memref<1x80xi32, #tpu.memory_space<vmem>> -> memref<80xi32, #tpu.memory_space<vmem>>
        %dma_start3A_386 = arith.constant 0 : i32
        %dma_start3A_387 = arith.constant 0 : i32
        %dma_start3A_388 = tpu.memref_slice %arg13[%dma_start3A_386, %dma_start3A_387] : memref<10112x128xf32, #tpu.memory_space<vmem_shared>> -> memref<10112x128xf32, #tpu.memory_space<vmem_shared>>
        tpu.enqueue_indirect_dma source(%arg9 : memref<80x128xf32, #tpu.memory_space<vmem>>) target(%dma_start3A_388 : memref<10112x128xf32, #tpu.memory_space<vmem_shared>>) offsets(%dma_start3A_385 : memref<80xi32, #tpu.memory_space<vmem>>) semaphore(%run_scoped3A_382 : memref<!tpu.dma_semaphore, #tpu.memory_space<semaphore_mem>>) {add = true}
        %dma_wait3A_389 = arith.constant 0 : i32
        %dma_wait3A_390 = tpu.memref_slice %arg8[%run_scoped3A, %dma_wait3A_389] : memref<25x80xi32, #tpu.memory_space<vmem>> -> memref<1x80xi32, #tpu.memory_space<vmem>>
        %dma_wait3A_391 = tpu.memref_squeeze %dma_wait3A_390 : memref<1x80xi32, #tpu.memory_space<vmem>> -> memref<80xi32, #tpu.memory_space<vmem>>
        %dma_wait3A_392 = arith.constant 0 : i32
        %dma_wait3A_393 = arith.constant 0 : i32
        %dma_wait3A_394 = tpu.memref_slice %arg13[%dma_wait3A_392, %dma_wait3A_393] : memref<10112x128xf32, #tpu.memory_space<vmem_shared>> -> memref<10112x128xf32, #tpu.memory_space<vmem_shared>>
        tpu.wait_indirect_dma semaphore(%run_scoped3A_382 : memref<!tpu.dma_semaphore, #tpu.memory_space<semaphore_mem>>) src(%arg9 : memref<80x128xf32, #tpu.memory_space<vmem>>) dst(%dma_wait3A_394 : memref<10112x128xf32, #tpu.memory_space<vmem_shared>>)
        tpu.yield
      }) : () -> ()
      %dma_start3A_43 = arith.constant 4 : i32
      %dma_start3A_44 = arith.constant 0 : i32
      %dma_start3A_45 = tpu.memref_slice %arg7[%dma_start3A_43, %dma_start3A_44] : memref<25x80xi32, #tpu.memory_space<vmem>> -> memref<1x80xi32, #tpu.memory_space<vmem>>
      %dma_start3A_46 = tpu.memref_squeeze %dma_start3A_45 : memref<1x80xi32, #tpu.memory_space<vmem>> -> memref<80xi32, #tpu.memory_space<vmem>>
      %dma_start3A_47 = arith.constant 0 : i32
      %dma_start3A_48 = arith.constant 0 : i32
      %dma_start3A_49 = tpu.memref_slice %arg2[%dma_start3A_47, %dma_start3A_48] : memref<10000x128xf32, #tpu.memory_space<hbm>> -> memref<10000x128xf32, #tpu.memory_space<hbm>>
      tpu.enqueue_indirect_dma source(%dma_start3A_49 : memref<10000x128xf32, #tpu.memory_space<hbm>>) target(%arg9 : memref<80x128xf32, #tpu.memory_space<vmem>>) offsets(%dma_start3A_46 : memref<80xi32, #tpu.memory_space<vmem>>) semaphore(%arg14 : memref<!tpu.dma_semaphore, #tpu.memory_space<semaphore_mem>>)
      %dma_wait3A_50 = arith.constant 1 : i32
      %dma_wait3A_51 = arith.constant 0 : i32
      %dma_wait3A_52 = tpu.memref_slice %arg7[%dma_wait3A_50, %dma_wait3A_51] : memref<25x80xi32, #tpu.memory_space<vmem>> -> memref<1x80xi32, #tpu.memory_space<vmem>>
      %dma_wait3A_53 = tpu.memref_squeeze %dma_wait3A_52 : memref<1x80xi32, #tpu.memory_space<vmem>> -> memref<80xi32, #tpu.memory_space<vmem>>
      %dma_wait3A_54 = arith.constant 0 : i32
      %dma_wait3A_55 = arith.constant 0 : i32
      %dma_wait3A_56 = tpu.memref_slice %arg2[%dma_wait3A_54, %dma_wait3A_55] : memref<10000x128xf32, #tpu.memory_space<hbm>> -> memref<10000x128xf32, #tpu.memory_space<hbm>>
      tpu.wait_indirect_dma semaphore(%arg15 : memref<!tpu.dma_semaphore, #tpu.memory_space<semaphore_mem>>) src(%dma_wait3A_56 : memref<10000x128xf32, #tpu.memory_space<hbm>>) dst(%arg10 : memref<80x128xf32, #tpu.memory_space<vmem>>)
      %run_scoped3A_57 = arith.constant 1 : i32
      "tpu.region"() ({
        %run_scoped3A_382 = tpu.sem_alloc : memref<!tpu.dma_semaphore, #tpu.memory_space<semaphore_mem>>
        %dma_start3A_383 = arith.constant 0 : i32
        %dma_start3A_384 = tpu.memref_slice %arg8[%run_scoped3A_57, %dma_start3A_383] : memref<25x80xi32, #tpu.memory_space<vmem>> -> memref<1x80xi32, #tpu.memory_space<vmem>>
        %dma_start3A_385 = tpu.memref_squeeze %dma_start3A_384 : memref<1x80xi32, #tpu.memory_space<vmem>> -> memref<80xi32, #tpu.memory_space<vmem>>
        %dma_start3A_386 = arith.constant 0 : i32
        %dma_start3A_387 = arith.constant 0 : i32
        %dma_start3A_388 = tpu.memref_slice %arg13[%dma_start3A_386, %dma_start3A_387] : memref<10112x128xf32, #tpu.memory_space<vmem_shared>> -> memref<10112x128xf32, #tpu.memory_space<vmem_shared>>
        tpu.enqueue_indirect_dma source(%arg10 : memref<80x128xf32, #tpu.memory_space<vmem>>) target(%dma_start3A_388 : memref<10112x128xf32, #tpu.memory_space<vmem_shared>>) offsets(%dma_start3A_385 : memref<80xi32, #tpu.memory_space<vmem>>) semaphore(%run_scoped3A_382 : memref<!tpu.dma_semaphore, #tpu.memory_space<semaphore_mem>>) {add = true}
        %dma_wait3A_389 = arith.constant 0 : i32
        %dma_wait3A_390 = tpu.memref_slice %arg8[%run_scoped3A_57, %dma_wait3A_389] : memref<25x80xi32, #tpu.memory_space<vmem>> -> memref<1x80xi32, #tpu.memory_space<vmem>>
        %dma_wait3A_391 = tpu.memref_squeeze %dma_wait3A_390 : memref<1x80xi32, #tpu.memory_space<vmem>> -> memref<80xi32, #tpu.memory_space<vmem>>
        %dma_wait3A_392 = arith.constant 0 : i32
        %dma_wait3A_393 = arith.constant 0 : i32
        %dma_wait3A_394 = tpu.memref_slice %arg13[%dma_wait3A_392, %dma_wait3A_393] : memref<10112x128xf32, #tpu.memory_space<vmem_shared>> -> memref<10112x128xf32, #tpu.memory_space<vmem_shared>>
        tpu.wait_indirect_dma semaphore(%run_scoped3A_382 : memref<!tpu.dma_semaphore, #tpu.memory_space<semaphore_mem>>) src(%arg10 : memref<80x128xf32, #tpu.memory_space<vmem>>) dst(%dma_wait3A_394 : memref<10112x128xf32, #tpu.memory_space<vmem_shared>>)
        tpu.yield
      }) : () -> ()
      %dma_start3A_58 = arith.constant 5 : i32
      %dma_start3A_59 = arith.constant 0 : i32
      %dma_start3A_60 = tpu.memref_slice %arg7[%dma_start3A_58, %dma_start3A_59] : memref<25x80xi32, #tpu.memory_space<vmem>> -> memref<1x80xi32, #tpu.memory_space<vmem>>
      %dma_start3A_61 = tpu.memref_squeeze %dma_start3A_60 : memref<1x80xi32, #tpu.memory_space<vmem>> -> memref<80xi32, #tpu.memory_space<vmem>>
      %dma_start3A_62 = arith.constant 0 : i32
      %dma_start3A_63 = arith.constant 0 : i32
      %dma_start3A_64 = tpu.memref_slice %arg2[%dma_start3A_62, %dma_start3A_63] : memref<10000x128xf32, #tpu.memory_space<hbm>> -> memref<10000x128xf32, #tpu.memory_space<hbm>>
      tpu.enqueue_indirect_dma source(%dma_start3A_64 : memref<10000x128xf32, #tpu.memory_space<hbm>>) target(%arg10 : memref<80x128xf32, #tpu.memory_space<vmem>>) offsets(%dma_start3A_61 : memref<80xi32, #tpu.memory_space<vmem>>) semaphore(%arg15 : memref<!tpu.dma_semaphore, #tpu.memory_space<semaphore_mem>>)
      %dma_wait3A_65 = arith.constant 2 : i32
      %dma_wait3A_66 = arith.constant 0 : i32
      %dma_wait3A_67 = tpu.memref_slice %arg7[%dma_wait3A_65, %dma_wait3A_66] : memref<25x80xi32, #tpu.memory_space<vmem>> -> memref<1x80xi32, #tpu.memory_space<vmem>>
      %dma_wait3A_68 = tpu.memref_squeeze %dma_wait3A_67 : memref<1x80xi32, #tpu.memory_space<vmem>> -> memref<80xi32, #tpu.memory_space<vmem>>
      %dma_wait3A_69 = arith.constant 0 : i32
      %dma_wait3A_70 = arith.constant 0 : i32
      %dma_wait3A_71 = tpu.memref_slice %arg2[%dma_wait3A_69, %dma_wait3A_70] : memref<10000x128xf32, #tpu.memory_space<hbm>> -> memref<10000x128xf32, #tpu.memory_space<hbm>>
      tpu.wait_indirect_dma semaphore(%arg16 : memref<!tpu.dma_semaphore, #tpu.memory_space<semaphore_mem>>) src(%dma_wait3A_71 : memref<10000x128xf32, #tpu.memory_space<hbm>>) dst(%arg11 : memref<80x128xf32, #tpu.memory_space<vmem>>)
      %run_scoped3A_72 = arith.constant 2 : i32
      "tpu.region"() ({
        %run_scoped3A_382 = tpu.sem_alloc : memref<!tpu.dma_semaphore, #tpu.memory_space<semaphore_mem>>
        %dma_start3A_383 = arith.constant 0 : i32
        %dma_start3A_384 = tpu.memref_slice %arg8[%run_scoped3A_72, %dma_start3A_383] : memref<25x80xi32, #tpu.memory_space<vmem>> -> memref<1x80xi32, #tpu.memory_space<vmem>>
        %dma_start3A_385 = tpu.memref_squeeze %dma_start3A_384 : memref<1x80xi32, #tpu.memory_space<vmem>> -> memref<80xi32, #tpu.memory_space<vmem>>
        %dma_start3A_386 = arith.constant 0 : i32
        %dma_start3A_387 = arith.constant 0 : i32
        %dma_start3A_388 = tpu.memref_slice %arg13[%dma_start3A_386, %dma_start3A_387] : memref<10112x128xf32, #tpu.memory_space<vmem_shared>> -> memref<10112x128xf32, #tpu.memory_space<vmem_shared>>
        tpu.enqueue_indirect_dma source(%arg11 : memref<80x128xf32, #tpu.memory_space<vmem>>) target(%dma_start3A_388 : memref<10112x128xf32, #tpu.memory_space<vmem_shared>>) offsets(%dma_start3A_385 : memref<80xi32, #tpu.memory_space<vmem>>) semaphore(%run_scoped3A_382 : memref<!tpu.dma_semaphore, #tpu.memory_space<semaphore_mem>>) {add = true}
        %dma_wait3A_389 = arith.constant 0 : i32
        %dma_wait3A_390 = tpu.memref_slice %arg8[%run_scoped3A_72, %dma_wait3A_389] : memref<25x80xi32, #tpu.memory_space<vmem>> -> memref<1x80xi32, #tpu.memory_space<vmem>>
        %dma_wait3A_391 = tpu.memref_squeeze %dma_wait3A_390 : memref<1x80xi32, #tpu.memory_space<vmem>> -> memref<80xi32, #tpu.memory_space<vmem>>
        %dma_wait3A_392 = arith.constant 0 : i32
        %dma_wait3A_393 = arith.constant 0 : i32
        %dma_wait3A_394 = tpu.memref_slice %arg13[%dma_wait3A_392, %dma_wait3A_393] : memref<10112x128xf32, #tpu.memory_space<vmem_shared>> -> memref<10112x128xf32, #tpu.memory_space<vmem_shared>>
        tpu.wait_indirect_dma semaphore(%run_scoped3A_382 : memref<!tpu.dma_semaphore, #tpu.memory_space<semaphore_mem>>) src(%arg11 : memref<80x128xf32, #tpu.memory_space<vmem>>) dst(%dma_wait3A_394 : memref<10112x128xf32, #tpu.memory_space<vmem_shared>>)
        tpu.yield
      }) : () -> ()
      %dma_start3A_73 = arith.constant 6 : i32
      %dma_start3A_74 = arith.constant 0 : i32
      %dma_start3A_75 = tpu.memref_slice %arg7[%dma_start3A_73, %dma_start3A_74] : memref<25x80xi32, #tpu.memory_space<vmem>> -> memref<1x80xi32, #tpu.memory_space<vmem>>
      %dma_start3A_76 = tpu.memref_squeeze %dma_start3A_75 : memref<1x80xi32, #tpu.memory_space<vmem>> -> memref<80xi32, #tpu.memory_space<vmem>>
      %dma_start3A_77 = arith.constant 0 : i32
      %dma_start3A_78 = arith.constant 0 : i32
      %dma_start3A_79 = tpu.memref_slice %arg2[%dma_start3A_77, %dma_start3A_78] : memref<10000x128xf32, #tpu.memory_space<hbm>> -> memref<10000x128xf32, #tpu.memory_space<hbm>>
      tpu.enqueue_indirect_dma source(%dma_start3A_79 : memref<10000x128xf32, #tpu.memory_space<hbm>>) target(%arg11 : memref<80x128xf32, #tpu.memory_space<vmem>>) offsets(%dma_start3A_76 : memref<80xi32, #tpu.memory_space<vmem>>) semaphore(%arg16 : memref<!tpu.dma_semaphore, #tpu.memory_space<semaphore_mem>>)
      %dma_wait3A_80 = arith.constant 3 : i32
      %dma_wait3A_81 = arith.constant 0 : i32
      %dma_wait3A_82 = tpu.memref_slice %arg7[%dma_wait3A_80, %dma_wait3A_81] : memref<25x80xi32, #tpu.memory_space<vmem>> -> memref<1x80xi32, #tpu.memory_space<vmem>>
      %dma_wait3A_83 = tpu.memref_squeeze %dma_wait3A_82 : memref<1x80xi32, #tpu.memory_space<vmem>> -> memref<80xi32, #tpu.memory_space<vmem>>
      %dma_wait3A_84 = arith.constant 0 : i32
      %dma_wait3A_85 = arith.constant 0 : i32
      %dma_wait3A_86 = tpu.memref_slice %arg2[%dma_wait3A_84, %dma_wait3A_85] : memref<10000x128xf32, #tpu.memory_space<hbm>> -> memref<10000x128xf32, #tpu.memory_space<hbm>>
      tpu.wait_indirect_dma semaphore(%arg17 : memref<!tpu.dma_semaphore, #tpu.memory_space<semaphore_mem>>) src(%dma_wait3A_86 : memref<10000x128xf32, #tpu.memory_space<hbm>>) dst(%arg12 : memref<80x128xf32, #tpu.memory_space<vmem>>)
      %run_scoped3A_87 = arith.constant 3 : i32
      "tpu.region"() ({
        %run_scoped3A_382 = tpu.sem_alloc : memref<!tpu.dma_semaphore, #tpu.memory_space<semaphore_mem>>
        %dma_start3A_383 = arith.constant 0 : i32
        %dma_start3A_384 = tpu.memref_slice %arg8[%run_scoped3A_87, %dma_start3A_383] : memref<25x80xi32, #tpu.memory_space<vmem>> -> memref<1x80xi32, #tpu.memory_space<vmem>>
        %dma_start3A_385 = tpu.memref_squeeze %dma_start3A_384 : memref<1x80xi32, #tpu.memory_space<vmem>> -> memref<80xi32, #tpu.memory_space<vmem>>
        %dma_start3A_386 = arith.constant 0 : i32
        %dma_start3A_387 = arith.constant 0 : i32
        %dma_start3A_388 = tpu.memref_slice %arg13[%dma_start3A_386, %dma_start3A_387] : memref<10112x128xf32, #tpu.memory_space<vmem_shared>> -> memref<10112x128xf32, #tpu.memory_space<vmem_shared>>
        tpu.enqueue_indirect_dma source(%arg12 : memref<80x128xf32, #tpu.memory_space<vmem>>) target(%dma_start3A_388 : memref<10112x128xf32, #tpu.memory_space<vmem_shared>>) offsets(%dma_start3A_385 : memref<80xi32, #tpu.memory_space<vmem>>) semaphore(%run_scoped3A_382 : memref<!tpu.dma_semaphore, #tpu.memory_space<semaphore_mem>>) {add = true}
        %dma_wait3A_389 = arith.constant 0 : i32
        %dma_wait3A_390 = tpu.memref_slice %arg8[%run_scoped3A_87, %dma_wait3A_389] : memref<25x80xi32, #tpu.memory_space<vmem>> -> memref<1x80xi32, #tpu.memory_space<vmem>>
        %dma_wait3A_391 = tpu.memref_squeeze %dma_wait3A_390 : memref<1x80xi32, #tpu.memory_space<vmem>> -> memref<80xi32, #tpu.memory_space<vmem>>
        %dma_wait3A_392 = arith.constant 0 : i32
        %dma_wait3A_393 = arith.constant 0 : i32
        %dma_wait3A_394 = tpu.memref_slice %arg13[%dma_wait3A_392, %dma_wait3A_393] : memref<10112x128xf32, #tpu.memory_space<vmem_shared>> -> memref<10112x128xf32, #tpu.memory_space<vmem_shared>>
        tpu.wait_indirect_dma semaphore(%run_scoped3A_382 : memref<!tpu.dma_semaphore, #tpu.memory_space<semaphore_mem>>) src(%arg12 : memref<80x128xf32, #tpu.memory_space<vmem>>) dst(%dma_wait3A_394 : memref<10112x128xf32, #tpu.memory_space<vmem_shared>>)
        tpu.yield
      }) : () -> ()
      %dma_start3A_88 = arith.constant 7 : i32
      %dma_start3A_89 = arith.constant 0 : i32
      %dma_start3A_90 = tpu.memref_slice %arg7[%dma_start3A_88, %dma_start3A_89] : memref<25x80xi32, #tpu.memory_space<vmem>> -> memref<1x80xi32, #tpu.memory_space<vmem>>
      %dma_start3A_91 = tpu.memref_squeeze %dma_start3A_90 : memref<1x80xi32, #tpu.memory_space<vmem>> -> memref<80xi32, #tpu.memory_space<vmem>>
      %dma_start3A_92 = arith.constant 0 : i32
      %dma_start3A_93 = arith.constant 0 : i32
      %dma_start3A_94 = tpu.memref_slice %arg2[%dma_start3A_92, %dma_start3A_93] : memref<10000x128xf32, #tpu.memory_space<hbm>> -> memref<10000x128xf32, #tpu.memory_space<hbm>>
      tpu.enqueue_indirect_dma source(%dma_start3A_94 : memref<10000x128xf32, #tpu.memory_space<hbm>>) target(%arg12 : memref<80x128xf32, #tpu.memory_space<vmem>>) offsets(%dma_start3A_91 : memref<80xi32, #tpu.memory_space<vmem>>) semaphore(%arg17 : memref<!tpu.dma_semaphore, #tpu.memory_space<semaphore_mem>>)
      %dma_wait3A_95 = arith.constant 4 : i32
      %dma_wait3A_96 = arith.constant 0 : i32
      %dma_wait3A_97 = tpu.memref_slice %arg7[%dma_wait3A_95, %dma_wait3A_96] : memref<25x80xi32, #tpu.memory_space<vmem>> -> memref<1x80xi32, #tpu.memory_space<vmem>>
      %dma_wait3A_98 = tpu.memref_squeeze %dma_wait3A_97 : memref<1x80xi32, #tpu.memory_space<vmem>> -> memref<80xi32, #tpu.memory_space<vmem>>
      %dma_wait3A_99 = arith.constant 0 : i32
      %dma_wait3A_100 = arith.constant 0 : i32
      %dma_wait3A_101 = tpu.memref_slice %arg2[%dma_wait3A_99, %dma_wait3A_100] : memref<10000x128xf32, #tpu.memory_space<hbm>> -> memref<10000x128xf32, #tpu.memory_space<hbm>>
      tpu.wait_indirect_dma semaphore(%arg14 : memref<!tpu.dma_semaphore, #tpu.memory_space<semaphore_mem>>) src(%dma_wait3A_101 : memref<10000x128xf32, #tpu.memory_space<hbm>>) dst(%arg9 : memref<80x128xf32, #tpu.memory_space<vmem>>)
      %run_scoped3A_102 = arith.constant 4 : i32
      "tpu.region"() ({
        %run_scoped3A_382 = tpu.sem_alloc : memref<!tpu.dma_semaphore, #tpu.memory_space<semaphore_mem>>
        %dma_start3A_383 = arith.constant 0 : i32
        %dma_start3A_384 = tpu.memref_slice %arg8[%run_scoped3A_102, %dma_start3A_383] : memref<25x80xi32, #tpu.memory_space<vmem>> -> memref<1x80xi32, #tpu.memory_space<vmem>>
        %dma_start3A_385 = tpu.memref_squeeze %dma_start3A_384 : memref<1x80xi32, #tpu.memory_space<vmem>> -> memref<80xi32, #tpu.memory_space<vmem>>
        %dma_start3A_386 = arith.constant 0 : i32
        %dma_start3A_387 = arith.constant 0 : i32
        %dma_start3A_388 = tpu.memref_slice %arg13[%dma_start3A_386, %dma_start3A_387] : memref<10112x128xf32, #tpu.memory_space<vmem_shared>> -> memref<10112x128xf32, #tpu.memory_space<vmem_shared>>
        tpu.enqueue_indirect_dma source(%arg9 : memref<80x128xf32, #tpu.memory_space<vmem>>) target(%dma_start3A_388 : memref<10112x128xf32, #tpu.memory_space<vmem_shared>>) offsets(%dma_start3A_385 : memref<80xi32, #tpu.memory_space<vmem>>) semaphore(%run_scoped3A_382 : memref<!tpu.dma_semaphore, #tpu.memory_space<semaphore_mem>>) {add = true}
        %dma_wait3A_389 = arith.constant 0 : i32
        %dma_wait3A_390 = tpu.memref_slice %arg8[%run_scoped3A_102, %dma_wait3A_389] : memref<25x80xi32, #tpu.memory_space<vmem>> -> memref<1x80xi32, #tpu.memory_space<vmem>>
        %dma_wait3A_391 = tpu.memref_squeeze %dma_wait3A_390 : memref<1x80xi32, #tpu.memory_space<vmem>> -> memref<80xi32, #tpu.memory_space<vmem>>
        %dma_wait3A_392 = arith.constant 0 : i32
        %dma_wait3A_393 = arith.constant 0 : i32
        %dma_wait3A_394 = tpu.memref_slice %arg13[%dma_wait3A_392, %dma_wait3A_393] : memref<10112x128xf32, #tpu.memory_space<vmem_shared>> -> memref<10112x128xf32, #tpu.memory_space<vmem_shared>>
        tpu.wait_indirect_dma semaphore(%run_scoped3A_382 : memref<!tpu.dma_semaphore, #tpu.memory_space<semaphore_mem>>) src(%arg9 : memref<80x128xf32, #tpu.memory_space<vmem>>) dst(%dma_wait3A_394 : memref<10112x128xf32, #tpu.memory_space<vmem_shared>>)
        tpu.yield
      }) : () -> ()
      %dma_start3A_103 = arith.constant 8 : i32
      %dma_start3A_104 = arith.constant 0 : i32
      %dma_start3A_105 = tpu.memref_slice %arg7[%dma_start3A_103, %dma_start3A_104] : memref<25x80xi32, #tpu.memory_space<vmem>> -> memref<1x80xi32, #tpu.memory_space<vmem>>
      %dma_start3A_106 = tpu.memref_squeeze %dma_start3A_105 : memref<1x80xi32, #tpu.memory_space<vmem>> -> memref<80xi32, #tpu.memory_space<vmem>>
      %dma_start3A_107 = arith.constant 0 : i32
      %dma_start3A_108 = arith.constant 0 : i32
      %dma_start3A_109 = tpu.memref_slice %arg2[%dma_start3A_107, %dma_start3A_108] : memref<10000x128xf32, #tpu.memory_space<hbm>> -> memref<10000x128xf32, #tpu.memory_space<hbm>>
      tpu.enqueue_indirect_dma source(%dma_start3A_109 : memref<10000x128xf32, #tpu.memory_space<hbm>>) target(%arg9 : memref<80x128xf32, #tpu.memory_space<vmem>>) offsets(%dma_start3A_106 : memref<80xi32, #tpu.memory_space<vmem>>) semaphore(%arg14 : memref<!tpu.dma_semaphore, #tpu.memory_space<semaphore_mem>>)
      %dma_wait3A_110 = arith.constant 5 : i32
      %dma_wait3A_111 = arith.constant 0 : i32
      %dma_wait3A_112 = tpu.memref_slice %arg7[%dma_wait3A_110, %dma_wait3A_111] : memref<25x80xi32, #tpu.memory_space<vmem>> -> memref<1x80xi32, #tpu.memory_space<vmem>>
      %dma_wait3A_113 = tpu.memref_squeeze %dma_wait3A_112 : memref<1x80xi32, #tpu.memory_space<vmem>> -> memref<80xi32, #tpu.memory_space<vmem>>
      %dma_wait3A_114 = arith.constant 0 : i32
      %dma_wait3A_115 = arith.constant 0 : i32
      %dma_wait3A_116 = tpu.memref_slice %arg2[%dma_wait3A_114, %dma_wait3A_115] : memref<10000x128xf32, #tpu.memory_space<hbm>> -> memref<10000x128xf32, #tpu.memory_space<hbm>>
      tpu.wait_indirect_dma semaphore(%arg15 : memref<!tpu.dma_semaphore, #tpu.memory_space<semaphore_mem>>) src(%dma_wait3A_116 : memref<10000x128xf32, #tpu.memory_space<hbm>>) dst(%arg10 : memref<80x128xf32, #tpu.memory_space<vmem>>)
      %run_scoped3A_117 = arith.constant 5 : i32
      "tpu.region"() ({
        %run_scoped3A_382 = tpu.sem_alloc : memref<!tpu.dma_semaphore, #tpu.memory_space<semaphore_mem>>
        %dma_start3A_383 = arith.constant 0 : i32
        %dma_start3A_384 = tpu.memref_slice %arg8[%run_scoped3A_117, %dma_start3A_383] : memref<25x80xi32, #tpu.memory_space<vmem>> -> memref<1x80xi32, #tpu.memory_space<vmem>>
        %dma_start3A_385 = tpu.memref_squeeze %dma_start3A_384 : memref<1x80xi32, #tpu.memory_space<vmem>> -> memref<80xi32, #tpu.memory_space<vmem>>
        %dma_start3A_386 = arith.constant 0 : i32
        %dma_start3A_387 = arith.constant 0 : i32
        %dma_start3A_388 = tpu.memref_slice %arg13[%dma_start3A_386, %dma_start3A_387] : memref<10112x128xf32, #tpu.memory_space<vmem_shared>> -> memref<10112x128xf32, #tpu.memory_space<vmem_shared>>
        tpu.enqueue_indirect_dma source(%arg10 : memref<80x128xf32, #tpu.memory_space<vmem>>) target(%dma_start3A_388 : memref<10112x128xf32, #tpu.memory_space<vmem_shared>>) offsets(%dma_start3A_385 : memref<80xi32, #tpu.memory_space<vmem>>) semaphore(%run_scoped3A_382 : memref<!tpu.dma_semaphore, #tpu.memory_space<semaphore_mem>>) {add = true}
        %dma_wait3A_389 = arith.constant 0 : i32
        %dma_wait3A_390 = tpu.memref_slice %arg8[%run_scoped3A_117, %dma_wait3A_389] : memref<25x80xi32, #tpu.memory_space<vmem>> -> memref<1x80xi32, #tpu.memory_space<vmem>>
        %dma_wait3A_391 = tpu.memref_squeeze %dma_wait3A_390 : memref<1x80xi32, #tpu.memory_space<vmem>> -> memref<80xi32, #tpu.memory_space<vmem>>
        %dma_wait3A_392 = arith.constant 0 : i32
        %dma_wait3A_393 = arith.constant 0 : i32
        %dma_wait3A_394 = tpu.memref_slice %arg13[%dma_wait3A_392, %dma_wait3A_393] : memref<10112x128xf32, #tpu.memory_space<vmem_shared>> -> memref<10112x128xf32, #tpu.memory_space<vmem_shared>>
        tpu.wait_indirect_dma semaphore(%run_scoped3A_382 : memref<!tpu.dma_semaphore, #tpu.memory_space<semaphore_mem>>) src(%arg10 : memref<80x128xf32, #tpu.memory_space<vmem>>) dst(%dma_wait3A_394 : memref<10112x128xf32, #tpu.memory_space<vmem_shared>>)
        tpu.yield
      }) : () -> ()
      %dma_start3A_118 = arith.constant 9 : i32
      %dma_start3A_119 = arith.constant 0 : i32
      %dma_start3A_120 = tpu.memref_slice %arg7[%dma_start3A_118, %dma_start3A_119] : memref<25x80xi32, #tpu.memory_space<vmem>> -> memref<1x80xi32, #tpu.memory_space<vmem>>
      %dma_start3A_121 = tpu.memref_squeeze %dma_start3A_120 : memref<1x80xi32, #tpu.memory_space<vmem>> -> memref<80xi32, #tpu.memory_space<vmem>>
      %dma_start3A_122 = arith.constant 0 : i32
      %dma_start3A_123 = arith.constant 0 : i32
      %dma_start3A_124 = tpu.memref_slice %arg2[%dma_start3A_122, %dma_start3A_123] : memref<10000x128xf32, #tpu.memory_space<hbm>> -> memref<10000x128xf32, #tpu.memory_space<hbm>>
      tpu.enqueue_indirect_dma source(%dma_start3A_124 : memref<10000x128xf32, #tpu.memory_space<hbm>>) target(%arg10 : memref<80x128xf32, #tpu.memory_space<vmem>>) offsets(%dma_start3A_121 : memref<80xi32, #tpu.memory_space<vmem>>) semaphore(%arg15 : memref<!tpu.dma_semaphore, #tpu.memory_space<semaphore_mem>>)
      %dma_wait3A_125 = arith.constant 6 : i32
      %dma_wait3A_126 = arith.constant 0 : i32
      %dma_wait3A_127 = tpu.memref_slice %arg7[%dma_wait3A_125, %dma_wait3A_126] : memref<25x80xi32, #tpu.memory_space<vmem>> -> memref<1x80xi32, #tpu.memory_space<vmem>>
      %dma_wait3A_128 = tpu.memref_squeeze %dma_wait3A_127 : memref<1x80xi32, #tpu.memory_space<vmem>> -> memref<80xi32, #tpu.memory_space<vmem>>
      %dma_wait3A_129 = arith.constant 0 : i32
      %dma_wait3A_130 = arith.constant 0 : i32
      %dma_wait3A_131 = tpu.memref_slice %arg2[%dma_wait3A_129, %dma_wait3A_130] : memref<10000x128xf32, #tpu.memory_space<hbm>> -> memref<10000x128xf32, #tpu.memory_space<hbm>>
      tpu.wait_indirect_dma semaphore(%arg16 : memref<!tpu.dma_semaphore, #tpu.memory_space<semaphore_mem>>) src(%dma_wait3A_131 : memref<10000x128xf32, #tpu.memory_space<hbm>>) dst(%arg11 : memref<80x128xf32, #tpu.memory_space<vmem>>)
      %run_scoped3A_132 = arith.constant 6 : i32
      "tpu.region"() ({
        %run_scoped3A_382 = tpu.sem_alloc : memref<!tpu.dma_semaphore, #tpu.memory_space<semaphore_mem>>
        %dma_start3A_383 = arith.constant 0 : i32
        %dma_start3A_384 = tpu.memref_slice %arg8[%run_scoped3A_132, %dma_start3A_383] : memref<25x80xi32, #tpu.memory_space<vmem>> -> memref<1x80xi32, #tpu.memory_space<vmem>>
        %dma_start3A_385 = tpu.memref_squeeze %dma_start3A_384 : memref<1x80xi32, #tpu.memory_space<vmem>> -> memref<80xi32, #tpu.memory_space<vmem>>
        %dma_start3A_386 = arith.constant 0 : i32
        %dma_start3A_387 = arith.constant 0 : i32
        %dma_start3A_388 = tpu.memref_slice %arg13[%dma_start3A_386, %dma_start3A_387] : memref<10112x128xf32, #tpu.memory_space<vmem_shared>> -> memref<10112x128xf32, #tpu.memory_space<vmem_shared>>
        tpu.enqueue_indirect_dma source(%arg11 : memref<80x128xf32, #tpu.memory_space<vmem>>) target(%dma_start3A_388 : memref<10112x128xf32, #tpu.memory_space<vmem_shared>>) offsets(%dma_start3A_385 : memref<80xi32, #tpu.memory_space<vmem>>) semaphore(%run_scoped3A_382 : memref<!tpu.dma_semaphore, #tpu.memory_space<semaphore_mem>>) {add = true}
        %dma_wait3A_389 = arith.constant 0 : i32
        %dma_wait3A_390 = tpu.memref_slice %arg8[%run_scoped3A_132, %dma_wait3A_389] : memref<25x80xi32, #tpu.memory_space<vmem>> -> memref<1x80xi32, #tpu.memory_space<vmem>>
        %dma_wait3A_391 = tpu.memref_squeeze %dma_wait3A_390 : memref<1x80xi32, #tpu.memory_space<vmem>> -> memref<80xi32, #tpu.memory_space<vmem>>
        %dma_wait3A_392 = arith.constant 0 : i32
        %dma_wait3A_393 = arith.constant 0 : i32
        %dma_wait3A_394 = tpu.memref_slice %arg13[%dma_wait3A_392, %dma_wait3A_393] : memref<10112x128xf32, #tpu.memory_space<vmem_shared>> -> memref<10112x128xf32, #tpu.memory_space<vmem_shared>>
        tpu.wait_indirect_dma semaphore(%run_scoped3A_382 : memref<!tpu.dma_semaphore, #tpu.memory_space<semaphore_mem>>) src(%arg11 : memref<80x128xf32, #tpu.memory_space<vmem>>) dst(%dma_wait3A_394 : memref<10112x128xf32, #tpu.memory_space<vmem_shared>>)
        tpu.yield
      }) : () -> ()
      %dma_start3A_133 = arith.constant 10 : i32
      %dma_start3A_134 = arith.constant 0 : i32
      %dma_start3A_135 = tpu.memref_slice %arg7[%dma_start3A_133, %dma_start3A_134] : memref<25x80xi32, #tpu.memory_space<vmem>> -> memref<1x80xi32, #tpu.memory_space<vmem>>
      %dma_start3A_136 = tpu.memref_squeeze %dma_start3A_135 : memref<1x80xi32, #tpu.memory_space<vmem>> -> memref<80xi32, #tpu.memory_space<vmem>>
      %dma_start3A_137 = arith.constant 0 : i32
      %dma_start3A_138 = arith.constant 0 : i32
      %dma_start3A_139 = tpu.memref_slice %arg2[%dma_start3A_137, %dma_start3A_138] : memref<10000x128xf32, #tpu.memory_space<hbm>> -> memref<10000x128xf32, #tpu.memory_space<hbm>>
      tpu.enqueue_indirect_dma source(%dma_start3A_139 : memref<10000x128xf32, #tpu.memory_space<hbm>>) target(%arg11 : memref<80x128xf32, #tpu.memory_space<vmem>>) offsets(%dma_start3A_136 : memref<80xi32, #tpu.memory_space<vmem>>) semaphore(%arg16 : memref<!tpu.dma_semaphore, #tpu.memory_space<semaphore_mem>>)
      %dma_wait3A_140 = arith.constant 7 : i32
      %dma_wait3A_141 = arith.constant 0 : i32
      %dma_wait3A_142 = tpu.memref_slice %arg7[%dma_wait3A_140, %dma_wait3A_141] : memref<25x80xi32, #tpu.memory_space<vmem>> -> memref<1x80xi32, #tpu.memory_space<vmem>>
      %dma_wait3A_143 = tpu.memref_squeeze %dma_wait3A_142 : memref<1x80xi32, #tpu.memory_space<vmem>> -> memref<80xi32, #tpu.memory_space<vmem>>
      %dma_wait3A_144 = arith.constant 0 : i32
      %dma_wait3A_145 = arith.constant 0 : i32
      %dma_wait3A_146 = tpu.memref_slice %arg2[%dma_wait3A_144, %dma_wait3A_145] : memref<10000x128xf32, #tpu.memory_space<hbm>> -> memref<10000x128xf32, #tpu.memory_space<hbm>>
      tpu.wait_indirect_dma semaphore(%arg17 : memref<!tpu.dma_semaphore, #tpu.memory_space<semaphore_mem>>) src(%dma_wait3A_146 : memref<10000x128xf32, #tpu.memory_space<hbm>>) dst(%arg12 : memref<80x128xf32, #tpu.memory_space<vmem>>)
      %run_scoped3A_147 = arith.constant 7 : i32
      "tpu.region"() ({
        %run_scoped3A_382 = tpu.sem_alloc : memref<!tpu.dma_semaphore, #tpu.memory_space<semaphore_mem>>
        %dma_start3A_383 = arith.constant 0 : i32
        %dma_start3A_384 = tpu.memref_slice %arg8[%run_scoped3A_147, %dma_start3A_383] : memref<25x80xi32, #tpu.memory_space<vmem>> -> memref<1x80xi32, #tpu.memory_space<vmem>>
        %dma_start3A_385 = tpu.memref_squeeze %dma_start3A_384 : memref<1x80xi32, #tpu.memory_space<vmem>> -> memref<80xi32, #tpu.memory_space<vmem>>
        %dma_start3A_386 = arith.constant 0 : i32
        %dma_start3A_387 = arith.constant 0 : i32
        %dma_start3A_388 = tpu.memref_slice %arg13[%dma_start3A_386, %dma_start3A_387] : memref<10112x128xf32, #tpu.memory_space<vmem_shared>> -> memref<10112x128xf32, #tpu.memory_space<vmem_shared>>
        tpu.enqueue_indirect_dma source(%arg12 : memref<80x128xf32, #tpu.memory_space<vmem>>) target(%dma_start3A_388 : memref<10112x128xf32, #tpu.memory_space<vmem_shared>>) offsets(%dma_start3A_385 : memref<80xi32, #tpu.memory_space<vmem>>) semaphore(%run_scoped3A_382 : memref<!tpu.dma_semaphore, #tpu.memory_space<semaphore_mem>>) {add = true}
        %dma_wait3A_389 = arith.constant 0 : i32
        %dma_wait3A_390 = tpu.memref_slice %arg8[%run_scoped3A_147, %dma_wait3A_389] : memref<25x80xi32, #tpu.memory_space<vmem>> -> memref<1x80xi32, #tpu.memory_space<vmem>>
        %dma_wait3A_391 = tpu.memref_squeeze %dma_wait3A_390 : memref<1x80xi32, #tpu.memory_space<vmem>> -> memref<80xi32, #tpu.memory_space<vmem>>
        %dma_wait3A_392 = arith.constant 0 : i32
        %dma_wait3A_393 = arith.constant 0 : i32
        %dma_wait3A_394 = tpu.memref_slice %arg13[%dma_wait3A_392, %dma_wait3A_393] : memref<10112x128xf32, #tpu.memory_space<vmem_shared>> -> memref<10112x128xf32, #tpu.memory_space<vmem_shared>>
        tpu.wait_indirect_dma semaphore(%run_scoped3A_382 : memref<!tpu.dma_semaphore, #tpu.memory_space<semaphore_mem>>) src(%arg12 : memref<80x128xf32, #tpu.memory_space<vmem>>) dst(%dma_wait3A_394 : memref<10112x128xf32, #tpu.memory_space<vmem_shared>>)
        tpu.yield
      }) : () -> ()
      %dma_start3A_148 = arith.constant 11 : i32
      %dma_start3A_149 = arith.constant 0 : i32
      %dma_start3A_150 = tpu.memref_slice %arg7[%dma_start3A_148, %dma_start3A_149] : memref<25x80xi32, #tpu.memory_space<vmem>> -> memref<1x80xi32, #tpu.memory_space<vmem>>
      %dma_start3A_151 = tpu.memref_squeeze %dma_start3A_150 : memref<1x80xi32, #tpu.memory_space<vmem>> -> memref<80xi32, #tpu.memory_space<vmem>>
      %dma_start3A_152 = arith.constant 0 : i32
      %dma_start3A_153 = arith.constant 0 : i32
      %dma_start3A_154 = tpu.memref_slice %arg2[%dma_start3A_152, %dma_start3A_153] : memref<10000x128xf32, #tpu.memory_space<hbm>> -> memref<10000x128xf32, #tpu.memory_space<hbm>>
      tpu.enqueue_indirect_dma source(%dma_start3A_154 : memref<10000x128xf32, #tpu.memory_space<hbm>>) target(%arg12 : memref<80x128xf32, #tpu.memory_space<vmem>>) offsets(%dma_start3A_151 : memref<80xi32, #tpu.memory_space<vmem>>) semaphore(%arg17 : memref<!tpu.dma_semaphore, #tpu.memory_space<semaphore_mem>>)
      %dma_wait3A_155 = arith.constant 8 : i32
      %dma_wait3A_156 = arith.constant 0 : i32
      %dma_wait3A_157 = tpu.memref_slice %arg7[%dma_wait3A_155, %dma_wait3A_156] : memref<25x80xi32, #tpu.memory_space<vmem>> -> memref<1x80xi32, #tpu.memory_space<vmem>>
      %dma_wait3A_158 = tpu.memref_squeeze %dma_wait3A_157 : memref<1x80xi32, #tpu.memory_space<vmem>> -> memref<80xi32, #tpu.memory_space<vmem>>
      %dma_wait3A_159 = arith.constant 0 : i32
      %dma_wait3A_160 = arith.constant 0 : i32
      %dma_wait3A_161 = tpu.memref_slice %arg2[%dma_wait3A_159, %dma_wait3A_160] : memref<10000x128xf32, #tpu.memory_space<hbm>> -> memref<10000x128xf32, #tpu.memory_space<hbm>>
      tpu.wait_indirect_dma semaphore(%arg14 : memref<!tpu.dma_semaphore, #tpu.memory_space<semaphore_mem>>) src(%dma_wait3A_161 : memref<10000x128xf32, #tpu.memory_space<hbm>>) dst(%arg9 : memref<80x128xf32, #tpu.memory_space<vmem>>)
      %run_scoped3A_162 = arith.constant 8 : i32
      "tpu.region"() ({
        %run_scoped3A_382 = tpu.sem_alloc : memref<!tpu.dma_semaphore, #tpu.memory_space<semaphore_mem>>
        %dma_start3A_383 = arith.constant 0 : i32
        %dma_start3A_384 = tpu.memref_slice %arg8[%run_scoped3A_162, %dma_start3A_383] : memref<25x80xi32, #tpu.memory_space<vmem>> -> memref<1x80xi32, #tpu.memory_space<vmem>>
        %dma_start3A_385 = tpu.memref_squeeze %dma_start3A_384 : memref<1x80xi32, #tpu.memory_space<vmem>> -> memref<80xi32, #tpu.memory_space<vmem>>
        %dma_start3A_386 = arith.constant 0 : i32
        %dma_start3A_387 = arith.constant 0 : i32
        %dma_start3A_388 = tpu.memref_slice %arg13[%dma_start3A_386, %dma_start3A_387] : memref<10112x128xf32, #tpu.memory_space<vmem_shared>> -> memref<10112x128xf32, #tpu.memory_space<vmem_shared>>
        tpu.enqueue_indirect_dma source(%arg9 : memref<80x128xf32, #tpu.memory_space<vmem>>) target(%dma_start3A_388 : memref<10112x128xf32, #tpu.memory_space<vmem_shared>>) offsets(%dma_start3A_385 : memref<80xi32, #tpu.memory_space<vmem>>) semaphore(%run_scoped3A_382 : memref<!tpu.dma_semaphore, #tpu.memory_space<semaphore_mem>>) {add = true}
        %dma_wait3A_389 = arith.constant 0 : i32
        %dma_wait3A_390 = tpu.memref_slice %arg8[%run_scoped3A_162, %dma_wait3A_389] : memref<25x80xi32, #tpu.memory_space<vmem>> -> memref<1x80xi32, #tpu.memory_space<vmem>>
        %dma_wait3A_391 = tpu.memref_squeeze %dma_wait3A_390 : memref<1x80xi32, #tpu.memory_space<vmem>> -> memref<80xi32, #tpu.memory_space<vmem>>
        %dma_wait3A_392 = arith.constant 0 : i32
        %dma_wait3A_393 = arith.constant 0 : i32
        %dma_wait3A_394 = tpu.memref_slice %arg13[%dma_wait3A_392, %dma_wait3A_393] : memref<10112x128xf32, #tpu.memory_space<vmem_shared>> -> memref<10112x128xf32, #tpu.memory_space<vmem_shared>>
        tpu.wait_indirect_dma semaphore(%run_scoped3A_382 : memref<!tpu.dma_semaphore, #tpu.memory_space<semaphore_mem>>) src(%arg9 : memref<80x128xf32, #tpu.memory_space<vmem>>) dst(%dma_wait3A_394 : memref<10112x128xf32, #tpu.memory_space<vmem_shared>>)
        tpu.yield
      }) : () -> ()
      %dma_start3A_163 = arith.constant 12 : i32
      %dma_start3A_164 = arith.constant 0 : i32
      %dma_start3A_165 = tpu.memref_slice %arg7[%dma_start3A_163, %dma_start3A_164] : memref<25x80xi32, #tpu.memory_space<vmem>> -> memref<1x80xi32, #tpu.memory_space<vmem>>
      %dma_start3A_166 = tpu.memref_squeeze %dma_start3A_165 : memref<1x80xi32, #tpu.memory_space<vmem>> -> memref<80xi32, #tpu.memory_space<vmem>>
      %dma_start3A_167 = arith.constant 0 : i32
      %dma_start3A_168 = arith.constant 0 : i32
      %dma_start3A_169 = tpu.memref_slice %arg2[%dma_start3A_167, %dma_start3A_168] : memref<10000x128xf32, #tpu.memory_space<hbm>> -> memref<10000x128xf32, #tpu.memory_space<hbm>>
      tpu.enqueue_indirect_dma source(%dma_start3A_169 : memref<10000x128xf32, #tpu.memory_space<hbm>>) target(%arg9 : memref<80x128xf32, #tpu.memory_space<vmem>>) offsets(%dma_start3A_166 : memref<80xi32, #tpu.memory_space<vmem>>) semaphore(%arg14 : memref<!tpu.dma_semaphore, #tpu.memory_space<semaphore_mem>>)
      %dma_wait3A_170 = arith.constant 9 : i32
      %dma_wait3A_171 = arith.constant 0 : i32
      %dma_wait3A_172 = tpu.memref_slice %arg7[%dma_wait3A_170, %dma_wait3A_171] : memref<25x80xi32, #tpu.memory_space<vmem>> -> memref<1x80xi32, #tpu.memory_space<vmem>>
      %dma_wait3A_173 = tpu.memref_squeeze %dma_wait3A_172 : memref<1x80xi32, #tpu.memory_space<vmem>> -> memref<80xi32, #tpu.memory_space<vmem>>
      %dma_wait3A_174 = arith.constant 0 : i32
      %dma_wait3A_175 = arith.constant 0 : i32
      %dma_wait3A_176 = tpu.memref_slice %arg2[%dma_wait3A_174, %dma_wait3A_175] : memref<10000x128xf32, #tpu.memory_space<hbm>> -> memref<10000x128xf32, #tpu.memory_space<hbm>>
      tpu.wait_indirect_dma semaphore(%arg15 : memref<!tpu.dma_semaphore, #tpu.memory_space<semaphore_mem>>) src(%dma_wait3A_176 : memref<10000x128xf32, #tpu.memory_space<hbm>>) dst(%arg10 : memref<80x128xf32, #tpu.memory_space<vmem>>)
      %run_scoped3A_177 = arith.constant 9 : i32
      "tpu.region"() ({
        %run_scoped3A_382 = tpu.sem_alloc : memref<!tpu.dma_semaphore, #tpu.memory_space<semaphore_mem>>
        %dma_start3A_383 = arith.constant 0 : i32
        %dma_start3A_384 = tpu.memref_slice %arg8[%run_scoped3A_177, %dma_start3A_383] : memref<25x80xi32, #tpu.memory_space<vmem>> -> memref<1x80xi32, #tpu.memory_space<vmem>>
        %dma_start3A_385 = tpu.memref_squeeze %dma_start3A_384 : memref<1x80xi32, #tpu.memory_space<vmem>> -> memref<80xi32, #tpu.memory_space<vmem>>
        %dma_start3A_386 = arith.constant 0 : i32
        %dma_start3A_387 = arith.constant 0 : i32
        %dma_start3A_388 = tpu.memref_slice %arg13[%dma_start3A_386, %dma_start3A_387] : memref<10112x128xf32, #tpu.memory_space<vmem_shared>> -> memref<10112x128xf32, #tpu.memory_space<vmem_shared>>
        tpu.enqueue_indirect_dma source(%arg10 : memref<80x128xf32, #tpu.memory_space<vmem>>) target(%dma_start3A_388 : memref<10112x128xf32, #tpu.memory_space<vmem_shared>>) offsets(%dma_start3A_385 : memref<80xi32, #tpu.memory_space<vmem>>) semaphore(%run_scoped3A_382 : memref<!tpu.dma_semaphore, #tpu.memory_space<semaphore_mem>>) {add = true}
        %dma_wait3A_389 = arith.constant 0 : i32
        %dma_wait3A_390 = tpu.memref_slice %arg8[%run_scoped3A_177, %dma_wait3A_389] : memref<25x80xi32, #tpu.memory_space<vmem>> -> memref<1x80xi32, #tpu.memory_space<vmem>>
        %dma_wait3A_391 = tpu.memref_squeeze %dma_wait3A_390 : memref<1x80xi32, #tpu.memory_space<vmem>> -> memref<80xi32, #tpu.memory_space<vmem>>
        %dma_wait3A_392 = arith.constant 0 : i32
        %dma_wait3A_393 = arith.constant 0 : i32
        %dma_wait3A_394 = tpu.memref_slice %arg13[%dma_wait3A_392, %dma_wait3A_393] : memref<10112x128xf32, #tpu.memory_space<vmem_shared>> -> memref<10112x128xf32, #tpu.memory_space<vmem_shared>>
        tpu.wait_indirect_dma semaphore(%run_scoped3A_382 : memref<!tpu.dma_semaphore, #tpu.memory_space<semaphore_mem>>) src(%arg10 : memref<80x128xf32, #tpu.memory_space<vmem>>) dst(%dma_wait3A_394 : memref<10112x128xf32, #tpu.memory_space<vmem_shared>>)
        tpu.yield
      }) : () -> ()
      %dma_start3A_178 = arith.constant 13 : i32
      %dma_start3A_179 = arith.constant 0 : i32
      %dma_start3A_180 = tpu.memref_slice %arg7[%dma_start3A_178, %dma_start3A_179] : memref<25x80xi32, #tpu.memory_space<vmem>> -> memref<1x80xi32, #tpu.memory_space<vmem>>
      %dma_start3A_181 = tpu.memref_squeeze %dma_start3A_180 : memref<1x80xi32, #tpu.memory_space<vmem>> -> memref<80xi32, #tpu.memory_space<vmem>>
      %dma_start3A_182 = arith.constant 0 : i32
      %dma_start3A_183 = arith.constant 0 : i32
      %dma_start3A_184 = tpu.memref_slice %arg2[%dma_start3A_182, %dma_start3A_183] : memref<10000x128xf32, #tpu.memory_space<hbm>> -> memref<10000x128xf32, #tpu.memory_space<hbm>>
      tpu.enqueue_indirect_dma source(%dma_start3A_184 : memref<10000x128xf32, #tpu.memory_space<hbm>>) target(%arg10 : memref<80x128xf32, #tpu.memory_space<vmem>>) offsets(%dma_start3A_181 : memref<80xi32, #tpu.memory_space<vmem>>) semaphore(%arg15 : memref<!tpu.dma_semaphore, #tpu.memory_space<semaphore_mem>>)
      %dma_wait3A_185 = arith.constant 10 : i32
      %dma_wait3A_186 = arith.constant 0 : i32
      %dma_wait3A_187 = tpu.memref_slice %arg7[%dma_wait3A_185, %dma_wait3A_186] : memref<25x80xi32, #tpu.memory_space<vmem>> -> memref<1x80xi32, #tpu.memory_space<vmem>>
      %dma_wait3A_188 = tpu.memref_squeeze %dma_wait3A_187 : memref<1x80xi32, #tpu.memory_space<vmem>> -> memref<80xi32, #tpu.memory_space<vmem>>
      %dma_wait3A_189 = arith.constant 0 : i32
      %dma_wait3A_190 = arith.constant 0 : i32
      %dma_wait3A_191 = tpu.memref_slice %arg2[%dma_wait3A_189, %dma_wait3A_190] : memref<10000x128xf32, #tpu.memory_space<hbm>> -> memref<10000x128xf32, #tpu.memory_space<hbm>>
      tpu.wait_indirect_dma semaphore(%arg16 : memref<!tpu.dma_semaphore, #tpu.memory_space<semaphore_mem>>) src(%dma_wait3A_191 : memref<10000x128xf32, #tpu.memory_space<hbm>>) dst(%arg11 : memref<80x128xf32, #tpu.memory_space<vmem>>)
      %run_scoped3A_192 = arith.constant 10 : i32
      "tpu.region"() ({
        %run_scoped3A_382 = tpu.sem_alloc : memref<!tpu.dma_semaphore, #tpu.memory_space<semaphore_mem>>
        %dma_start3A_383 = arith.constant 0 : i32
        %dma_start3A_384 = tpu.memref_slice %arg8[%run_scoped3A_192, %dma_start3A_383] : memref<25x80xi32, #tpu.memory_space<vmem>> -> memref<1x80xi32, #tpu.memory_space<vmem>>
        %dma_start3A_385 = tpu.memref_squeeze %dma_start3A_384 : memref<1x80xi32, #tpu.memory_space<vmem>> -> memref<80xi32, #tpu.memory_space<vmem>>
        %dma_start3A_386 = arith.constant 0 : i32
        %dma_start3A_387 = arith.constant 0 : i32
        %dma_start3A_388 = tpu.memref_slice %arg13[%dma_start3A_386, %dma_start3A_387] : memref<10112x128xf32, #tpu.memory_space<vmem_shared>> -> memref<10112x128xf32, #tpu.memory_space<vmem_shared>>
        tpu.enqueue_indirect_dma source(%arg11 : memref<80x128xf32, #tpu.memory_space<vmem>>) target(%dma_start3A_388 : memref<10112x128xf32, #tpu.memory_space<vmem_shared>>) offsets(%dma_start3A_385 : memref<80xi32, #tpu.memory_space<vmem>>) semaphore(%run_scoped3A_382 : memref<!tpu.dma_semaphore, #tpu.memory_space<semaphore_mem>>) {add = true}
        %dma_wait3A_389 = arith.constant 0 : i32
        %dma_wait3A_390 = tpu.memref_slice %arg8[%run_scoped3A_192, %dma_wait3A_389] : memref<25x80xi32, #tpu.memory_space<vmem>> -> memref<1x80xi32, #tpu.memory_space<vmem>>
        %dma_wait3A_391 = tpu.memref_squeeze %dma_wait3A_390 : memref<1x80xi32, #tpu.memory_space<vmem>> -> memref<80xi32, #tpu.memory_space<vmem>>
        %dma_wait3A_392 = arith.constant 0 : i32
        %dma_wait3A_393 = arith.constant 0 : i32
        %dma_wait3A_394 = tpu.memref_slice %arg13[%dma_wait3A_392, %dma_wait3A_393] : memref<10112x128xf32, #tpu.memory_space<vmem_shared>> -> memref<10112x128xf32, #tpu.memory_space<vmem_shared>>
        tpu.wait_indirect_dma semaphore(%run_scoped3A_382 : memref<!tpu.dma_semaphore, #tpu.memory_space<semaphore_mem>>) src(%arg11 : memref<80x128xf32, #tpu.memory_space<vmem>>) dst(%dma_wait3A_394 : memref<10112x128xf32, #tpu.memory_space<vmem_shared>>)
        tpu.yield
      }) : () -> ()
      %dma_start3A_193 = arith.constant 14 : i32
      %dma_start3A_194 = arith.constant 0 : i32
      %dma_start3A_195 = tpu.memref_slice %arg7[%dma_start3A_193, %dma_start3A_194] : memref<25x80xi32, #tpu.memory_space<vmem>> -> memref<1x80xi32, #tpu.memory_space<vmem>>
      %dma_start3A_196 = tpu.memref_squeeze %dma_start3A_195 : memref<1x80xi32, #tpu.memory_space<vmem>> -> memref<80xi32, #tpu.memory_space<vmem>>
      %dma_start3A_197 = arith.constant 0 : i32
      %dma_start3A_198 = arith.constant 0 : i32
      %dma_start3A_199 = tpu.memref_slice %arg2[%dma_start3A_197, %dma_start3A_198] : memref<10000x128xf32, #tpu.memory_space<hbm>> -> memref<10000x128xf32, #tpu.memory_space<hbm>>
      tpu.enqueue_indirect_dma source(%dma_start3A_199 : memref<10000x128xf32, #tpu.memory_space<hbm>>) target(%arg11 : memref<80x128xf32, #tpu.memory_space<vmem>>) offsets(%dma_start3A_196 : memref<80xi32, #tpu.memory_space<vmem>>) semaphore(%arg16 : memref<!tpu.dma_semaphore, #tpu.memory_space<semaphore_mem>>)
      %dma_wait3A_200 = arith.constant 11 : i32
      %dma_wait3A_201 = arith.constant 0 : i32
      %dma_wait3A_202 = tpu.memref_slice %arg7[%dma_wait3A_200, %dma_wait3A_201] : memref<25x80xi32, #tpu.memory_space<vmem>> -> memref<1x80xi32, #tpu.memory_space<vmem>>
      %dma_wait3A_203 = tpu.memref_squeeze %dma_wait3A_202 : memref<1x80xi32, #tpu.memory_space<vmem>> -> memref<80xi32, #tpu.memory_space<vmem>>
      %dma_wait3A_204 = arith.constant 0 : i32
      %dma_wait3A_205 = arith.constant 0 : i32
      %dma_wait3A_206 = tpu.memref_slice %arg2[%dma_wait3A_204, %dma_wait3A_205] : memref<10000x128xf32, #tpu.memory_space<hbm>> -> memref<10000x128xf32, #tpu.memory_space<hbm>>
      tpu.wait_indirect_dma semaphore(%arg17 : memref<!tpu.dma_semaphore, #tpu.memory_space<semaphore_mem>>) src(%dma_wait3A_206 : memref<10000x128xf32, #tpu.memory_space<hbm>>) dst(%arg12 : memref<80x128xf32, #tpu.memory_space<vmem>>)
      %run_scoped3A_207 = arith.constant 11 : i32
      "tpu.region"() ({
        %run_scoped3A_382 = tpu.sem_alloc : memref<!tpu.dma_semaphore, #tpu.memory_space<semaphore_mem>>
        %dma_start3A_383 = arith.constant 0 : i32
        %dma_start3A_384 = tpu.memref_slice %arg8[%run_scoped3A_207, %dma_start3A_383] : memref<25x80xi32, #tpu.memory_space<vmem>> -> memref<1x80xi32, #tpu.memory_space<vmem>>
        %dma_start3A_385 = tpu.memref_squeeze %dma_start3A_384 : memref<1x80xi32, #tpu.memory_space<vmem>> -> memref<80xi32, #tpu.memory_space<vmem>>
        %dma_start3A_386 = arith.constant 0 : i32
        %dma_start3A_387 = arith.constant 0 : i32
        %dma_start3A_388 = tpu.memref_slice %arg13[%dma_start3A_386, %dma_start3A_387] : memref<10112x128xf32, #tpu.memory_space<vmem_shared>> -> memref<10112x128xf32, #tpu.memory_space<vmem_shared>>
        tpu.enqueue_indirect_dma source(%arg12 : memref<80x128xf32, #tpu.memory_space<vmem>>) target(%dma_start3A_388 : memref<10112x128xf32, #tpu.memory_space<vmem_shared>>) offsets(%dma_start3A_385 : memref<80xi32, #tpu.memory_space<vmem>>) semaphore(%run_scoped3A_382 : memref<!tpu.dma_semaphore, #tpu.memory_space<semaphore_mem>>) {add = true}
        %dma_wait3A_389 = arith.constant 0 : i32
        %dma_wait3A_390 = tpu.memref_slice %arg8[%run_scoped3A_207, %dma_wait3A_389] : memref<25x80xi32, #tpu.memory_space<vmem>> -> memref<1x80xi32, #tpu.memory_space<vmem>>
        %dma_wait3A_391 = tpu.memref_squeeze %dma_wait3A_390 : memref<1x80xi32, #tpu.memory_space<vmem>> -> memref<80xi32, #tpu.memory_space<vmem>>
        %dma_wait3A_392 = arith.constant 0 : i32
        %dma_wait3A_393 = arith.constant 0 : i32
        %dma_wait3A_394 = tpu.memref_slice %arg13[%dma_wait3A_392, %dma_wait3A_393] : memref<10112x128xf32, #tpu.memory_space<vmem_shared>> -> memref<10112x128xf32, #tpu.memory_space<vmem_shared>>
        tpu.wait_indirect_dma semaphore(%run_scoped3A_382 : memref<!tpu.dma_semaphore, #tpu.memory_space<semaphore_mem>>) src(%arg12 : memref<80x128xf32, #tpu.memory_space<vmem>>) dst(%dma_wait3A_394 : memref<10112x128xf32, #tpu.memory_space<vmem_shared>>)
        tpu.yield
      }) : () -> ()
      %dma_start3A_208 = arith.constant 15 : i32
      %dma_start3A_209 = arith.constant 0 : i32
      %dma_start3A_210 = tpu.memref_slice %arg7[%dma_start3A_208, %dma_start3A_209] : memref<25x80xi32, #tpu.memory_space<vmem>> -> memref<1x80xi32, #tpu.memory_space<vmem>>
      %dma_start3A_211 = tpu.memref_squeeze %dma_start3A_210 : memref<1x80xi32, #tpu.memory_space<vmem>> -> memref<80xi32, #tpu.memory_space<vmem>>
      %dma_start3A_212 = arith.constant 0 : i32
      %dma_start3A_213 = arith.constant 0 : i32
      %dma_start3A_214 = tpu.memref_slice %arg2[%dma_start3A_212, %dma_start3A_213] : memref<10000x128xf32, #tpu.memory_space<hbm>> -> memref<10000x128xf32, #tpu.memory_space<hbm>>
      tpu.enqueue_indirect_dma source(%dma_start3A_214 : memref<10000x128xf32, #tpu.memory_space<hbm>>) target(%arg12 : memref<80x128xf32, #tpu.memory_space<vmem>>) offsets(%dma_start3A_211 : memref<80xi32, #tpu.memory_space<vmem>>) semaphore(%arg17 : memref<!tpu.dma_semaphore, #tpu.memory_space<semaphore_mem>>)
      %dma_wait3A_215 = arith.constant 12 : i32
      %dma_wait3A_216 = arith.constant 0 : i32
      %dma_wait3A_217 = tpu.memref_slice %arg7[%dma_wait3A_215, %dma_wait3A_216] : memref<25x80xi32, #tpu.memory_space<vmem>> -> memref<1x80xi32, #tpu.memory_space<vmem>>
      %dma_wait3A_218 = tpu.memref_squeeze %dma_wait3A_217 : memref<1x80xi32, #tpu.memory_space<vmem>> -> memref<80xi32, #tpu.memory_space<vmem>>
      %dma_wait3A_219 = arith.constant 0 : i32
      %dma_wait3A_220 = arith.constant 0 : i32
      %dma_wait3A_221 = tpu.memref_slice %arg2[%dma_wait3A_219, %dma_wait3A_220] : memref<10000x128xf32, #tpu.memory_space<hbm>> -> memref<10000x128xf32, #tpu.memory_space<hbm>>
      tpu.wait_indirect_dma semaphore(%arg14 : memref<!tpu.dma_semaphore, #tpu.memory_space<semaphore_mem>>) src(%dma_wait3A_221 : memref<10000x128xf32, #tpu.memory_space<hbm>>) dst(%arg9 : memref<80x128xf32, #tpu.memory_space<vmem>>)
      %run_scoped3A_222 = arith.constant 12 : i32
      "tpu.region"() ({
        %run_scoped3A_382 = tpu.sem_alloc : memref<!tpu.dma_semaphore, #tpu.memory_space<semaphore_mem>>
        %dma_start3A_383 = arith.constant 0 : i32
        %dma_start3A_384 = tpu.memref_slice %arg8[%run_scoped3A_222, %dma_start3A_383] : memref<25x80xi32, #tpu.memory_space<vmem>> -> memref<1x80xi32, #tpu.memory_space<vmem>>
        %dma_start3A_385 = tpu.memref_squeeze %dma_start3A_384 : memref<1x80xi32, #tpu.memory_space<vmem>> -> memref<80xi32, #tpu.memory_space<vmem>>
        %dma_start3A_386 = arith.constant 0 : i32
        %dma_start3A_387 = arith.constant 0 : i32
        %dma_start3A_388 = tpu.memref_slice %arg13[%dma_start3A_386, %dma_start3A_387] : memref<10112x128xf32, #tpu.memory_space<vmem_shared>> -> memref<10112x128xf32, #tpu.memory_space<vmem_shared>>
        tpu.enqueue_indirect_dma source(%arg9 : memref<80x128xf32, #tpu.memory_space<vmem>>) target(%dma_start3A_388 : memref<10112x128xf32, #tpu.memory_space<vmem_shared>>) offsets(%dma_start3A_385 : memref<80xi32, #tpu.memory_space<vmem>>) semaphore(%run_scoped3A_382 : memref<!tpu.dma_semaphore, #tpu.memory_space<semaphore_mem>>) {add = true}
        %dma_wait3A_389 = arith.constant 0 : i32
        %dma_wait3A_390 = tpu.memref_slice %arg8[%run_scoped3A_222, %dma_wait3A_389] : memref<25x80xi32, #tpu.memory_space<vmem>> -> memref<1x80xi32, #tpu.memory_space<vmem>>
        %dma_wait3A_391 = tpu.memref_squeeze %dma_wait3A_390 : memref<1x80xi32, #tpu.memory_space<vmem>> -> memref<80xi32, #tpu.memory_space<vmem>>
        %dma_wait3A_392 = arith.constant 0 : i32
        %dma_wait3A_393 = arith.constant 0 : i32
        %dma_wait3A_394 = tpu.memref_slice %arg13[%dma_wait3A_392, %dma_wait3A_393] : memref<10112x128xf32, #tpu.memory_space<vmem_shared>> -> memref<10112x128xf32, #tpu.memory_space<vmem_shared>>
        tpu.wait_indirect_dma semaphore(%run_scoped3A_382 : memref<!tpu.dma_semaphore, #tpu.memory_space<semaphore_mem>>) src(%arg9 : memref<80x128xf32, #tpu.memory_space<vmem>>) dst(%dma_wait3A_394 : memref<10112x128xf32, #tpu.memory_space<vmem_shared>>)
        tpu.yield
      }) : () -> ()
      %dma_start3A_223 = arith.constant 16 : i32
      %dma_start3A_224 = arith.constant 0 : i32
      %dma_start3A_225 = tpu.memref_slice %arg7[%dma_start3A_223, %dma_start3A_224] : memref<25x80xi32, #tpu.memory_space<vmem>> -> memref<1x80xi32, #tpu.memory_space<vmem>>
      %dma_start3A_226 = tpu.memref_squeeze %dma_start3A_225 : memref<1x80xi32, #tpu.memory_space<vmem>> -> memref<80xi32, #tpu.memory_space<vmem>>
      %dma_start3A_227 = arith.constant 0 : i32
      %dma_start3A_228 = arith.constant 0 : i32
      %dma_start3A_229 = tpu.memref_slice %arg2[%dma_start3A_227, %dma_start3A_228] : memref<10000x128xf32, #tpu.memory_space<hbm>> -> memref<10000x128xf32, #tpu.memory_space<hbm>>
      tpu.enqueue_indirect_dma source(%dma_start3A_229 : memref<10000x128xf32, #tpu.memory_space<hbm>>) target(%arg9 : memref<80x128xf32, #tpu.memory_space<vmem>>) offsets(%dma_start3A_226 : memref<80xi32, #tpu.memory_space<vmem>>) semaphore(%arg14 : memref<!tpu.dma_semaphore, #tpu.memory_space<semaphore_mem>>)
      %dma_wait3A_230 = arith.constant 13 : i32
      %dma_wait3A_231 = arith.constant 0 : i32
      %dma_wait3A_232 = tpu.memref_slice %arg7[%dma_wait3A_230, %dma_wait3A_231] : memref<25x80xi32, #tpu.memory_space<vmem>> -> memref<1x80xi32, #tpu.memory_space<vmem>>
      %dma_wait3A_233 = tpu.memref_squeeze %dma_wait3A_232 : memref<1x80xi32, #tpu.memory_space<vmem>> -> memref<80xi32, #tpu.memory_space<vmem>>
      %dma_wait3A_234 = arith.constant 0 : i32
      %dma_wait3A_235 = arith.constant 0 : i32
      %dma_wait3A_236 = tpu.memref_slice %arg2[%dma_wait3A_234, %dma_wait3A_235] : memref<10000x128xf32, #tpu.memory_space<hbm>> -> memref<10000x128xf32, #tpu.memory_space<hbm>>
      tpu.wait_indirect_dma semaphore(%arg15 : memref<!tpu.dma_semaphore, #tpu.memory_space<semaphore_mem>>) src(%dma_wait3A_236 : memref<10000x128xf32, #tpu.memory_space<hbm>>) dst(%arg10 : memref<80x128xf32, #tpu.memory_space<vmem>>)
      %run_scoped3A_237 = arith.constant 13 : i32
      "tpu.region"() ({
        %run_scoped3A_382 = tpu.sem_alloc : memref<!tpu.dma_semaphore, #tpu.memory_space<semaphore_mem>>
        %dma_start3A_383 = arith.constant 0 : i32
        %dma_start3A_384 = tpu.memref_slice %arg8[%run_scoped3A_237, %dma_start3A_383] : memref<25x80xi32, #tpu.memory_space<vmem>> -> memref<1x80xi32, #tpu.memory_space<vmem>>
        %dma_start3A_385 = tpu.memref_squeeze %dma_start3A_384 : memref<1x80xi32, #tpu.memory_space<vmem>> -> memref<80xi32, #tpu.memory_space<vmem>>
        %dma_start3A_386 = arith.constant 0 : i32
        %dma_start3A_387 = arith.constant 0 : i32
        %dma_start3A_388 = tpu.memref_slice %arg13[%dma_start3A_386, %dma_start3A_387] : memref<10112x128xf32, #tpu.memory_space<vmem_shared>> -> memref<10112x128xf32, #tpu.memory_space<vmem_shared>>
        tpu.enqueue_indirect_dma source(%arg10 : memref<80x128xf32, #tpu.memory_space<vmem>>) target(%dma_start3A_388 : memref<10112x128xf32, #tpu.memory_space<vmem_shared>>) offsets(%dma_start3A_385 : memref<80xi32, #tpu.memory_space<vmem>>) semaphore(%run_scoped3A_382 : memref<!tpu.dma_semaphore, #tpu.memory_space<semaphore_mem>>) {add = true}
        %dma_wait3A_389 = arith.constant 0 : i32
        %dma_wait3A_390 = tpu.memref_slice %arg8[%run_scoped3A_237, %dma_wait3A_389] : memref<25x80xi32, #tpu.memory_space<vmem>> -> memref<1x80xi32, #tpu.memory_space<vmem>>
        %dma_wait3A_391 = tpu.memref_squeeze %dma_wait3A_390 : memref<1x80xi32, #tpu.memory_space<vmem>> -> memref<80xi32, #tpu.memory_space<vmem>>
        %dma_wait3A_392 = arith.constant 0 : i32
        %dma_wait3A_393 = arith.constant 0 : i32
        %dma_wait3A_394 = tpu.memref_slice %arg13[%dma_wait3A_392, %dma_wait3A_393] : memref<10112x128xf32, #tpu.memory_space<vmem_shared>> -> memref<10112x128xf32, #tpu.memory_space<vmem_shared>>
        tpu.wait_indirect_dma semaphore(%run_scoped3A_382 : memref<!tpu.dma_semaphore, #tpu.memory_space<semaphore_mem>>) src(%arg10 : memref<80x128xf32, #tpu.memory_space<vmem>>) dst(%dma_wait3A_394 : memref<10112x128xf32, #tpu.memory_space<vmem_shared>>)
        tpu.yield
      }) : () -> ()
      %dma_start3A_238 = arith.constant 17 : i32
      %dma_start3A_239 = arith.constant 0 : i32
      %dma_start3A_240 = tpu.memref_slice %arg7[%dma_start3A_238, %dma_start3A_239] : memref<25x80xi32, #tpu.memory_space<vmem>> -> memref<1x80xi32, #tpu.memory_space<vmem>>
      %dma_start3A_241 = tpu.memref_squeeze %dma_start3A_240 : memref<1x80xi32, #tpu.memory_space<vmem>> -> memref<80xi32, #tpu.memory_space<vmem>>
      %dma_start3A_242 = arith.constant 0 : i32
      %dma_start3A_243 = arith.constant 0 : i32
      %dma_start3A_244 = tpu.memref_slice %arg2[%dma_start3A_242, %dma_start3A_243] : memref<10000x128xf32, #tpu.memory_space<hbm>> -> memref<10000x128xf32, #tpu.memory_space<hbm>>
      tpu.enqueue_indirect_dma source(%dma_start3A_244 : memref<10000x128xf32, #tpu.memory_space<hbm>>) target(%arg10 : memref<80x128xf32, #tpu.memory_space<vmem>>) offsets(%dma_start3A_241 : memref<80xi32, #tpu.memory_space<vmem>>) semaphore(%arg15 : memref<!tpu.dma_semaphore, #tpu.memory_space<semaphore_mem>>)
      %dma_wait3A_245 = arith.constant 14 : i32
      %dma_wait3A_246 = arith.constant 0 : i32
      %dma_wait3A_247 = tpu.memref_slice %arg7[%dma_wait3A_245, %dma_wait3A_246] : memref<25x80xi32, #tpu.memory_space<vmem>> -> memref<1x80xi32, #tpu.memory_space<vmem>>
      %dma_wait3A_248 = tpu.memref_squeeze %dma_wait3A_247 : memref<1x80xi32, #tpu.memory_space<vmem>> -> memref<80xi32, #tpu.memory_space<vmem>>
      %dma_wait3A_249 = arith.constant 0 : i32
      %dma_wait3A_250 = arith.constant 0 : i32
      %dma_wait3A_251 = tpu.memref_slice %arg2[%dma_wait3A_249, %dma_wait3A_250] : memref<10000x128xf32, #tpu.memory_space<hbm>> -> memref<10000x128xf32, #tpu.memory_space<hbm>>
      tpu.wait_indirect_dma semaphore(%arg16 : memref<!tpu.dma_semaphore, #tpu.memory_space<semaphore_mem>>) src(%dma_wait3A_251 : memref<10000x128xf32, #tpu.memory_space<hbm>>) dst(%arg11 : memref<80x128xf32, #tpu.memory_space<vmem>>)
      %run_scoped3A_252 = arith.constant 14 : i32
      "tpu.region"() ({
        %run_scoped3A_382 = tpu.sem_alloc : memref<!tpu.dma_semaphore, #tpu.memory_space<semaphore_mem>>
        %dma_start3A_383 = arith.constant 0 : i32
        %dma_start3A_384 = tpu.memref_slice %arg8[%run_scoped3A_252, %dma_start3A_383] : memref<25x80xi32, #tpu.memory_space<vmem>> -> memref<1x80xi32, #tpu.memory_space<vmem>>
        %dma_start3A_385 = tpu.memref_squeeze %dma_start3A_384 : memref<1x80xi32, #tpu.memory_space<vmem>> -> memref<80xi32, #tpu.memory_space<vmem>>
        %dma_start3A_386 = arith.constant 0 : i32
        %dma_start3A_387 = arith.constant 0 : i32
        %dma_start3A_388 = tpu.memref_slice %arg13[%dma_start3A_386, %dma_start3A_387] : memref<10112x128xf32, #tpu.memory_space<vmem_shared>> -> memref<10112x128xf32, #tpu.memory_space<vmem_shared>>
        tpu.enqueue_indirect_dma source(%arg11 : memref<80x128xf32, #tpu.memory_space<vmem>>) target(%dma_start3A_388 : memref<10112x128xf32, #tpu.memory_space<vmem_shared>>) offsets(%dma_start3A_385 : memref<80xi32, #tpu.memory_space<vmem>>) semaphore(%run_scoped3A_382 : memref<!tpu.dma_semaphore, #tpu.memory_space<semaphore_mem>>) {add = true}
        %dma_wait3A_389 = arith.constant 0 : i32
        %dma_wait3A_390 = tpu.memref_slice %arg8[%run_scoped3A_252, %dma_wait3A_389] : memref<25x80xi32, #tpu.memory_space<vmem>> -> memref<1x80xi32, #tpu.memory_space<vmem>>
        %dma_wait3A_391 = tpu.memref_squeeze %dma_wait3A_390 : memref<1x80xi32, #tpu.memory_space<vmem>> -> memref<80xi32, #tpu.memory_space<vmem>>
        %dma_wait3A_392 = arith.constant 0 : i32
        %dma_wait3A_393 = arith.constant 0 : i32
        %dma_wait3A_394 = tpu.memref_slice %arg13[%dma_wait3A_392, %dma_wait3A_393] : memref<10112x128xf32, #tpu.memory_space<vmem_shared>> -> memref<10112x128xf32, #tpu.memory_space<vmem_shared>>
        tpu.wait_indirect_dma semaphore(%run_scoped3A_382 : memref<!tpu.dma_semaphore, #tpu.memory_space<semaphore_mem>>) src(%arg11 : memref<80x128xf32, #tpu.memory_space<vmem>>) dst(%dma_wait3A_394 : memref<10112x128xf32, #tpu.memory_space<vmem_shared>>)
        tpu.yield
      }) : () -> ()
      %dma_start3A_253 = arith.constant 18 : i32
      %dma_start3A_254 = arith.constant 0 : i32
      %dma_start3A_255 = tpu.memref_slice %arg7[%dma_start3A_253, %dma_start3A_254] : memref<25x80xi32, #tpu.memory_space<vmem>> -> memref<1x80xi32, #tpu.memory_space<vmem>>
      %dma_start3A_256 = tpu.memref_squeeze %dma_start3A_255 : memref<1x80xi32, #tpu.memory_space<vmem>> -> memref<80xi32, #tpu.memory_space<vmem>>
      %dma_start3A_257 = arith.constant 0 : i32
      %dma_start3A_258 = arith.constant 0 : i32
      %dma_start3A_259 = tpu.memref_slice %arg2[%dma_start3A_257, %dma_start3A_258] : memref<10000x128xf32, #tpu.memory_space<hbm>> -> memref<10000x128xf32, #tpu.memory_space<hbm>>
      tpu.enqueue_indirect_dma source(%dma_start3A_259 : memref<10000x128xf32, #tpu.memory_space<hbm>>) target(%arg11 : memref<80x128xf32, #tpu.memory_space<vmem>>) offsets(%dma_start3A_256 : memref<80xi32, #tpu.memory_space<vmem>>) semaphore(%arg16 : memref<!tpu.dma_semaphore, #tpu.memory_space<semaphore_mem>>)
      %dma_wait3A_260 = arith.constant 15 : i32
      %dma_wait3A_261 = arith.constant 0 : i32
      %dma_wait3A_262 = tpu.memref_slice %arg7[%dma_wait3A_260, %dma_wait3A_261] : memref<25x80xi32, #tpu.memory_space<vmem>> -> memref<1x80xi32, #tpu.memory_space<vmem>>
      %dma_wait3A_263 = tpu.memref_squeeze %dma_wait3A_262 : memref<1x80xi32, #tpu.memory_space<vmem>> -> memref<80xi32, #tpu.memory_space<vmem>>
      %dma_wait3A_264 = arith.constant 0 : i32
      %dma_wait3A_265 = arith.constant 0 : i32
      %dma_wait3A_266 = tpu.memref_slice %arg2[%dma_wait3A_264, %dma_wait3A_265] : memref<10000x128xf32, #tpu.memory_space<hbm>> -> memref<10000x128xf32, #tpu.memory_space<hbm>>
      tpu.wait_indirect_dma semaphore(%arg17 : memref<!tpu.dma_semaphore, #tpu.memory_space<semaphore_mem>>) src(%dma_wait3A_266 : memref<10000x128xf32, #tpu.memory_space<hbm>>) dst(%arg12 : memref<80x128xf32, #tpu.memory_space<vmem>>)
      %run_scoped3A_267 = arith.constant 15 : i32
      "tpu.region"() ({
        %run_scoped3A_382 = tpu.sem_alloc : memref<!tpu.dma_semaphore, #tpu.memory_space<semaphore_mem>>
        %dma_start3A_383 = arith.constant 0 : i32
        %dma_start3A_384 = tpu.memref_slice %arg8[%run_scoped3A_267, %dma_start3A_383] : memref<25x80xi32, #tpu.memory_space<vmem>> -> memref<1x80xi32, #tpu.memory_space<vmem>>
        %dma_start3A_385 = tpu.memref_squeeze %dma_start3A_384 : memref<1x80xi32, #tpu.memory_space<vmem>> -> memref<80xi32, #tpu.memory_space<vmem>>
        %dma_start3A_386 = arith.constant 0 : i32
        %dma_start3A_387 = arith.constant 0 : i32
        %dma_start3A_388 = tpu.memref_slice %arg13[%dma_start3A_386, %dma_start3A_387] : memref<10112x128xf32, #tpu.memory_space<vmem_shared>> -> memref<10112x128xf32, #tpu.memory_space<vmem_shared>>
        tpu.enqueue_indirect_dma source(%arg12 : memref<80x128xf32, #tpu.memory_space<vmem>>) target(%dma_start3A_388 : memref<10112x128xf32, #tpu.memory_space<vmem_shared>>) offsets(%dma_start3A_385 : memref<80xi32, #tpu.memory_space<vmem>>) semaphore(%run_scoped3A_382 : memref<!tpu.dma_semaphore, #tpu.memory_space<semaphore_mem>>) {add = true}
        %dma_wait3A_389 = arith.constant 0 : i32
        %dma_wait3A_390 = tpu.memref_slice %arg8[%run_scoped3A_267, %dma_wait3A_389] : memref<25x80xi32, #tpu.memory_space<vmem>> -> memref<1x80xi32, #tpu.memory_space<vmem>>
        %dma_wait3A_391 = tpu.memref_squeeze %dma_wait3A_390 : memref<1x80xi32, #tpu.memory_space<vmem>> -> memref<80xi32, #tpu.memory_space<vmem>>
        %dma_wait3A_392 = arith.constant 0 : i32
        %dma_wait3A_393 = arith.constant 0 : i32
        %dma_wait3A_394 = tpu.memref_slice %arg13[%dma_wait3A_392, %dma_wait3A_393] : memref<10112x128xf32, #tpu.memory_space<vmem_shared>> -> memref<10112x128xf32, #tpu.memory_space<vmem_shared>>
        tpu.wait_indirect_dma semaphore(%run_scoped3A_382 : memref<!tpu.dma_semaphore, #tpu.memory_space<semaphore_mem>>) src(%arg12 : memref<80x128xf32, #tpu.memory_space<vmem>>) dst(%dma_wait3A_394 : memref<10112x128xf32, #tpu.memory_space<vmem_shared>>)
        tpu.yield
      }) : () -> ()
      %dma_start3A_268 = arith.constant 19 : i32
      %dma_start3A_269 = arith.constant 0 : i32
      %dma_start3A_270 = tpu.memref_slice %arg7[%dma_start3A_268, %dma_start3A_269] : memref<25x80xi32, #tpu.memory_space<vmem>> -> memref<1x80xi32, #tpu.memory_space<vmem>>
      %dma_start3A_271 = tpu.memref_squeeze %dma_start3A_270 : memref<1x80xi32, #tpu.memory_space<vmem>> -> memref<80xi32, #tpu.memory_space<vmem>>
      %dma_start3A_272 = arith.constant 0 : i32
      %dma_start3A_273 = arith.constant 0 : i32
      %dma_start3A_274 = tpu.memref_slice %arg2[%dma_start3A_272, %dma_start3A_273] : memref<10000x128xf32, #tpu.memory_space<hbm>> -> memref<10000x128xf32, #tpu.memory_space<hbm>>
      tpu.enqueue_indirect_dma source(%dma_start3A_274 : memref<10000x128xf32, #tpu.memory_space<hbm>>) target(%arg12 : memref<80x128xf32, #tpu.memory_space<vmem>>) offsets(%dma_start3A_271 : memref<80xi32, #tpu.memory_space<vmem>>) semaphore(%arg17 : memref<!tpu.dma_semaphore, #tpu.memory_space<semaphore_mem>>)
      %dma_wait3A_275 = arith.constant 16 : i32
      %dma_wait3A_276 = arith.constant 0 : i32
      %dma_wait3A_277 = tpu.memref_slice %arg7[%dma_wait3A_275, %dma_wait3A_276] : memref<25x80xi32, #tpu.memory_space<vmem>> -> memref<1x80xi32, #tpu.memory_space<vmem>>
      %dma_wait3A_278 = tpu.memref_squeeze %dma_wait3A_277 : memref<1x80xi32, #tpu.memory_space<vmem>> -> memref<80xi32, #tpu.memory_space<vmem>>
      %dma_wait3A_279 = arith.constant 0 : i32
      %dma_wait3A_280 = arith.constant 0 : i32
      %dma_wait3A_281 = tpu.memref_slice %arg2[%dma_wait3A_279, %dma_wait3A_280] : memref<10000x128xf32, #tpu.memory_space<hbm>> -> memref<10000x128xf32, #tpu.memory_space<hbm>>
      tpu.wait_indirect_dma semaphore(%arg14 : memref<!tpu.dma_semaphore, #tpu.memory_space<semaphore_mem>>) src(%dma_wait3A_281 : memref<10000x128xf32, #tpu.memory_space<hbm>>) dst(%arg9 : memref<80x128xf32, #tpu.memory_space<vmem>>)
      %run_scoped3A_282 = arith.constant 16 : i32
      "tpu.region"() ({
        %run_scoped3A_382 = tpu.sem_alloc : memref<!tpu.dma_semaphore, #tpu.memory_space<semaphore_mem>>
        %dma_start3A_383 = arith.constant 0 : i32
        %dma_start3A_384 = tpu.memref_slice %arg8[%run_scoped3A_282, %dma_start3A_383] : memref<25x80xi32, #tpu.memory_space<vmem>> -> memref<1x80xi32, #tpu.memory_space<vmem>>
        %dma_start3A_385 = tpu.memref_squeeze %dma_start3A_384 : memref<1x80xi32, #tpu.memory_space<vmem>> -> memref<80xi32, #tpu.memory_space<vmem>>
        %dma_start3A_386 = arith.constant 0 : i32
        %dma_start3A_387 = arith.constant 0 : i32
        %dma_start3A_388 = tpu.memref_slice %arg13[%dma_start3A_386, %dma_start3A_387] : memref<10112x128xf32, #tpu.memory_space<vmem_shared>> -> memref<10112x128xf32, #tpu.memory_space<vmem_shared>>
        tpu.enqueue_indirect_dma source(%arg9 : memref<80x128xf32, #tpu.memory_space<vmem>>) target(%dma_start3A_388 : memref<10112x128xf32, #tpu.memory_space<vmem_shared>>) offsets(%dma_start3A_385 : memref<80xi32, #tpu.memory_space<vmem>>) semaphore(%run_scoped3A_382 : memref<!tpu.dma_semaphore, #tpu.memory_space<semaphore_mem>>) {add = true}
        %dma_wait3A_389 = arith.constant 0 : i32
        %dma_wait3A_390 = tpu.memref_slice %arg8[%run_scoped3A_282, %dma_wait3A_389] : memref<25x80xi32, #tpu.memory_space<vmem>> -> memref<1x80xi32, #tpu.memory_space<vmem>>
        %dma_wait3A_391 = tpu.memref_squeeze %dma_wait3A_390 : memref<1x80xi32, #tpu.memory_space<vmem>> -> memref<80xi32, #tpu.memory_space<vmem>>
        %dma_wait3A_392 = arith.constant 0 : i32
        %dma_wait3A_393 = arith.constant 0 : i32
        %dma_wait3A_394 = tpu.memref_slice %arg13[%dma_wait3A_392, %dma_wait3A_393] : memref<10112x128xf32, #tpu.memory_space<vmem_shared>> -> memref<10112x128xf32, #tpu.memory_space<vmem_shared>>
        tpu.wait_indirect_dma semaphore(%run_scoped3A_382 : memref<!tpu.dma_semaphore, #tpu.memory_space<semaphore_mem>>) src(%arg9 : memref<80x128xf32, #tpu.memory_space<vmem>>) dst(%dma_wait3A_394 : memref<10112x128xf32, #tpu.memory_space<vmem_shared>>)
        tpu.yield
      }) : () -> ()
      %dma_start3A_283 = arith.constant 20 : i32
      %dma_start3A_284 = arith.constant 0 : i32
      %dma_start3A_285 = tpu.memref_slice %arg7[%dma_start3A_283, %dma_start3A_284] : memref<25x80xi32, #tpu.memory_space<vmem>> -> memref<1x80xi32, #tpu.memory_space<vmem>>
      %dma_start3A_286 = tpu.memref_squeeze %dma_start3A_285 : memref<1x80xi32, #tpu.memory_space<vmem>> -> memref<80xi32, #tpu.memory_space<vmem>>
      %dma_start3A_287 = arith.constant 0 : i32
      %dma_start3A_288 = arith.constant 0 : i32
      %dma_start3A_289 = tpu.memref_slice %arg2[%dma_start3A_287, %dma_start3A_288] : memref<10000x128xf32, #tpu.memory_space<hbm>> -> memref<10000x128xf32, #tpu.memory_space<hbm>>
      tpu.enqueue_indirect_dma source(%dma_start3A_289 : memref<10000x128xf32, #tpu.memory_space<hbm>>) target(%arg9 : memref<80x128xf32, #tpu.memory_space<vmem>>) offsets(%dma_start3A_286 : memref<80xi32, #tpu.memory_space<vmem>>) semaphore(%arg14 : memref<!tpu.dma_semaphore, #tpu.memory_space<semaphore_mem>>)
      %dma_wait3A_290 = arith.constant 17 : i32
      %dma_wait3A_291 = arith.constant 0 : i32
      %dma_wait3A_292 = tpu.memref_slice %arg7[%dma_wait3A_290, %dma_wait3A_291] : memref<25x80xi32, #tpu.memory_space<vmem>> -> memref<1x80xi32, #tpu.memory_space<vmem>>
      %dma_wait3A_293 = tpu.memref_squeeze %dma_wait3A_292 : memref<1x80xi32, #tpu.memory_space<vmem>> -> memref<80xi32, #tpu.memory_space<vmem>>
      %dma_wait3A_294 = arith.constant 0 : i32
      %dma_wait3A_295 = arith.constant 0 : i32
      %dma_wait3A_296 = tpu.memref_slice %arg2[%dma_wait3A_294, %dma_wait3A_295] : memref<10000x128xf32, #tpu.memory_space<hbm>> -> memref<10000x128xf32, #tpu.memory_space<hbm>>
      tpu.wait_indirect_dma semaphore(%arg15 : memref<!tpu.dma_semaphore, #tpu.memory_space<semaphore_mem>>) src(%dma_wait3A_296 : memref<10000x128xf32, #tpu.memory_space<hbm>>) dst(%arg10 : memref<80x128xf32, #tpu.memory_space<vmem>>)
      %run_scoped3A_297 = arith.constant 17 : i32
      "tpu.region"() ({
        %run_scoped3A_382 = tpu.sem_alloc : memref<!tpu.dma_semaphore, #tpu.memory_space<semaphore_mem>>
        %dma_start3A_383 = arith.constant 0 : i32
        %dma_start3A_384 = tpu.memref_slice %arg8[%run_scoped3A_297, %dma_start3A_383] : memref<25x80xi32, #tpu.memory_space<vmem>> -> memref<1x80xi32, #tpu.memory_space<vmem>>
        %dma_start3A_385 = tpu.memref_squeeze %dma_start3A_384 : memref<1x80xi32, #tpu.memory_space<vmem>> -> memref<80xi32, #tpu.memory_space<vmem>>
        %dma_start3A_386 = arith.constant 0 : i32
        %dma_start3A_387 = arith.constant 0 : i32
        %dma_start3A_388 = tpu.memref_slice %arg13[%dma_start3A_386, %dma_start3A_387] : memref<10112x128xf32, #tpu.memory_space<vmem_shared>> -> memref<10112x128xf32, #tpu.memory_space<vmem_shared>>
        tpu.enqueue_indirect_dma source(%arg10 : memref<80x128xf32, #tpu.memory_space<vmem>>) target(%dma_start3A_388 : memref<10112x128xf32, #tpu.memory_space<vmem_shared>>) offsets(%dma_start3A_385 : memref<80xi32, #tpu.memory_space<vmem>>) semaphore(%run_scoped3A_382 : memref<!tpu.dma_semaphore, #tpu.memory_space<semaphore_mem>>) {add = true}
        %dma_wait3A_389 = arith.constant 0 : i32
        %dma_wait3A_390 = tpu.memref_slice %arg8[%run_scoped3A_297, %dma_wait3A_389] : memref<25x80xi32, #tpu.memory_space<vmem>> -> memref<1x80xi32, #tpu.memory_space<vmem>>
        %dma_wait3A_391 = tpu.memref_squeeze %dma_wait3A_390 : memref<1x80xi32, #tpu.memory_space<vmem>> -> memref<80xi32, #tpu.memory_space<vmem>>
        %dma_wait3A_392 = arith.constant 0 : i32
        %dma_wait3A_393 = arith.constant 0 : i32
        %dma_wait3A_394 = tpu.memref_slice %arg13[%dma_wait3A_392, %dma_wait3A_393] : memref<10112x128xf32, #tpu.memory_space<vmem_shared>> -> memref<10112x128xf32, #tpu.memory_space<vmem_shared>>
        tpu.wait_indirect_dma semaphore(%run_scoped3A_382 : memref<!tpu.dma_semaphore, #tpu.memory_space<semaphore_mem>>) src(%arg10 : memref<80x128xf32, #tpu.memory_space<vmem>>) dst(%dma_wait3A_394 : memref<10112x128xf32, #tpu.memory_space<vmem_shared>>)
        tpu.yield
      }) : () -> ()
      %dma_start3A_298 = arith.constant 21 : i32
      %dma_start3A_299 = arith.constant 0 : i32
      %dma_start3A_300 = tpu.memref_slice %arg7[%dma_start3A_298, %dma_start3A_299] : memref<25x80xi32, #tpu.memory_space<vmem>> -> memref<1x80xi32, #tpu.memory_space<vmem>>
      %dma_start3A_301 = tpu.memref_squeeze %dma_start3A_300 : memref<1x80xi32, #tpu.memory_space<vmem>> -> memref<80xi32, #tpu.memory_space<vmem>>
      %dma_start3A_302 = arith.constant 0 : i32
      %dma_start3A_303 = arith.constant 0 : i32
      %dma_start3A_304 = tpu.memref_slice %arg2[%dma_start3A_302, %dma_start3A_303] : memref<10000x128xf32, #tpu.memory_space<hbm>> -> memref<10000x128xf32, #tpu.memory_space<hbm>>
      tpu.enqueue_indirect_dma source(%dma_start3A_304 : memref<10000x128xf32, #tpu.memory_space<hbm>>) target(%arg10 : memref<80x128xf32, #tpu.memory_space<vmem>>) offsets(%dma_start3A_301 : memref<80xi32, #tpu.memory_space<vmem>>) semaphore(%arg15 : memref<!tpu.dma_semaphore, #tpu.memory_space<semaphore_mem>>)
      %dma_wait3A_305 = arith.constant 18 : i32
      %dma_wait3A_306 = arith.constant 0 : i32
      %dma_wait3A_307 = tpu.memref_slice %arg7[%dma_wait3A_305, %dma_wait3A_306] : memref<25x80xi32, #tpu.memory_space<vmem>> -> memref<1x80xi32, #tpu.memory_space<vmem>>
      %dma_wait3A_308 = tpu.memref_squeeze %dma_wait3A_307 : memref<1x80xi32, #tpu.memory_space<vmem>> -> memref<80xi32, #tpu.memory_space<vmem>>
      %dma_wait3A_309 = arith.constant 0 : i32
      %dma_wait3A_310 = arith.constant 0 : i32
      %dma_wait3A_311 = tpu.memref_slice %arg2[%dma_wait3A_309, %dma_wait3A_310] : memref<10000x128xf32, #tpu.memory_space<hbm>> -> memref<10000x128xf32, #tpu.memory_space<hbm>>
      tpu.wait_indirect_dma semaphore(%arg16 : memref<!tpu.dma_semaphore, #tpu.memory_space<semaphore_mem>>) src(%dma_wait3A_311 : memref<10000x128xf32, #tpu.memory_space<hbm>>) dst(%arg11 : memref<80x128xf32, #tpu.memory_space<vmem>>)
      %run_scoped3A_312 = arith.constant 18 : i32
      "tpu.region"() ({
        %run_scoped3A_382 = tpu.sem_alloc : memref<!tpu.dma_semaphore, #tpu.memory_space<semaphore_mem>>
        %dma_start3A_383 = arith.constant 0 : i32
        %dma_start3A_384 = tpu.memref_slice %arg8[%run_scoped3A_312, %dma_start3A_383] : memref<25x80xi32, #tpu.memory_space<vmem>> -> memref<1x80xi32, #tpu.memory_space<vmem>>
        %dma_start3A_385 = tpu.memref_squeeze %dma_start3A_384 : memref<1x80xi32, #tpu.memory_space<vmem>> -> memref<80xi32, #tpu.memory_space<vmem>>
        %dma_start3A_386 = arith.constant 0 : i32
        %dma_start3A_387 = arith.constant 0 : i32
        %dma_start3A_388 = tpu.memref_slice %arg13[%dma_start3A_386, %dma_start3A_387] : memref<10112x128xf32, #tpu.memory_space<vmem_shared>> -> memref<10112x128xf32, #tpu.memory_space<vmem_shared>>
        tpu.enqueue_indirect_dma source(%arg11 : memref<80x128xf32, #tpu.memory_space<vmem>>) target(%dma_start3A_388 : memref<10112x128xf32, #tpu.memory_space<vmem_shared>>) offsets(%dma_start3A_385 : memref<80xi32, #tpu.memory_space<vmem>>) semaphore(%run_scoped3A_382 : memref<!tpu.dma_semaphore, #tpu.memory_space<semaphore_mem>>) {add = true}
        %dma_wait3A_389 = arith.constant 0 : i32
        %dma_wait3A_390 = tpu.memref_slice %arg8[%run_scoped3A_312, %dma_wait3A_389] : memref<25x80xi32, #tpu.memory_space<vmem>> -> memref<1x80xi32, #tpu.memory_space<vmem>>
        %dma_wait3A_391 = tpu.memref_squeeze %dma_wait3A_390 : memref<1x80xi32, #tpu.memory_space<vmem>> -> memref<80xi32, #tpu.memory_space<vmem>>
        %dma_wait3A_392 = arith.constant 0 : i32
        %dma_wait3A_393 = arith.constant 0 : i32
        %dma_wait3A_394 = tpu.memref_slice %arg13[%dma_wait3A_392, %dma_wait3A_393] : memref<10112x128xf32, #tpu.memory_space<vmem_shared>> -> memref<10112x128xf32, #tpu.memory_space<vmem_shared>>
        tpu.wait_indirect_dma semaphore(%run_scoped3A_382 : memref<!tpu.dma_semaphore, #tpu.memory_space<semaphore_mem>>) src(%arg11 : memref<80x128xf32, #tpu.memory_space<vmem>>) dst(%dma_wait3A_394 : memref<10112x128xf32, #tpu.memory_space<vmem_shared>>)
        tpu.yield
      }) : () -> ()
      %dma_start3A_313 = arith.constant 22 : i32
      %dma_start3A_314 = arith.constant 0 : i32
      %dma_start3A_315 = tpu.memref_slice %arg7[%dma_start3A_313, %dma_start3A_314] : memref<25x80xi32, #tpu.memory_space<vmem>> -> memref<1x80xi32, #tpu.memory_space<vmem>>
      %dma_start3A_316 = tpu.memref_squeeze %dma_start3A_315 : memref<1x80xi32, #tpu.memory_space<vmem>> -> memref<80xi32, #tpu.memory_space<vmem>>
      %dma_start3A_317 = arith.constant 0 : i32
      %dma_start3A_318 = arith.constant 0 : i32
      %dma_start3A_319 = tpu.memref_slice %arg2[%dma_start3A_317, %dma_start3A_318] : memref<10000x128xf32, #tpu.memory_space<hbm>> -> memref<10000x128xf32, #tpu.memory_space<hbm>>
      tpu.enqueue_indirect_dma source(%dma_start3A_319 : memref<10000x128xf32, #tpu.memory_space<hbm>>) target(%arg11 : memref<80x128xf32, #tpu.memory_space<vmem>>) offsets(%dma_start3A_316 : memref<80xi32, #tpu.memory_space<vmem>>) semaphore(%arg16 : memref<!tpu.dma_semaphore, #tpu.memory_space<semaphore_mem>>)
      %dma_wait3A_320 = arith.constant 19 : i32
      %dma_wait3A_321 = arith.constant 0 : i32
      %dma_wait3A_322 = tpu.memref_slice %arg7[%dma_wait3A_320, %dma_wait3A_321] : memref<25x80xi32, #tpu.memory_space<vmem>> -> memref<1x80xi32, #tpu.memory_space<vmem>>
      %dma_wait3A_323 = tpu.memref_squeeze %dma_wait3A_322 : memref<1x80xi32, #tpu.memory_space<vmem>> -> memref<80xi32, #tpu.memory_space<vmem>>
      %dma_wait3A_324 = arith.constant 0 : i32
      %dma_wait3A_325 = arith.constant 0 : i32
      %dma_wait3A_326 = tpu.memref_slice %arg2[%dma_wait3A_324, %dma_wait3A_325] : memref<10000x128xf32, #tpu.memory_space<hbm>> -> memref<10000x128xf32, #tpu.memory_space<hbm>>
      tpu.wait_indirect_dma semaphore(%arg17 : memref<!tpu.dma_semaphore, #tpu.memory_space<semaphore_mem>>) src(%dma_wait3A_326 : memref<10000x128xf32, #tpu.memory_space<hbm>>) dst(%arg12 : memref<80x128xf32, #tpu.memory_space<vmem>>)
      %run_scoped3A_327 = arith.constant 19 : i32
      "tpu.region"() ({
        %run_scoped3A_382 = tpu.sem_alloc : memref<!tpu.dma_semaphore, #tpu.memory_space<semaphore_mem>>
        %dma_start3A_383 = arith.constant 0 : i32
        %dma_start3A_384 = tpu.memref_slice %arg8[%run_scoped3A_327, %dma_start3A_383] : memref<25x80xi32, #tpu.memory_space<vmem>> -> memref<1x80xi32, #tpu.memory_space<vmem>>
        %dma_start3A_385 = tpu.memref_squeeze %dma_start3A_384 : memref<1x80xi32, #tpu.memory_space<vmem>> -> memref<80xi32, #tpu.memory_space<vmem>>
        %dma_start3A_386 = arith.constant 0 : i32
        %dma_start3A_387 = arith.constant 0 : i32
        %dma_start3A_388 = tpu.memref_slice %arg13[%dma_start3A_386, %dma_start3A_387] : memref<10112x128xf32, #tpu.memory_space<vmem_shared>> -> memref<10112x128xf32, #tpu.memory_space<vmem_shared>>
        tpu.enqueue_indirect_dma source(%arg12 : memref<80x128xf32, #tpu.memory_space<vmem>>) target(%dma_start3A_388 : memref<10112x128xf32, #tpu.memory_space<vmem_shared>>) offsets(%dma_start3A_385 : memref<80xi32, #tpu.memory_space<vmem>>) semaphore(%run_scoped3A_382 : memref<!tpu.dma_semaphore, #tpu.memory_space<semaphore_mem>>) {add = true}
        %dma_wait3A_389 = arith.constant 0 : i32
        %dma_wait3A_390 = tpu.memref_slice %arg8[%run_scoped3A_327, %dma_wait3A_389] : memref<25x80xi32, #tpu.memory_space<vmem>> -> memref<1x80xi32, #tpu.memory_space<vmem>>
        %dma_wait3A_391 = tpu.memref_squeeze %dma_wait3A_390 : memref<1x80xi32, #tpu.memory_space<vmem>> -> memref<80xi32, #tpu.memory_space<vmem>>
        %dma_wait3A_392 = arith.constant 0 : i32
        %dma_wait3A_393 = arith.constant 0 : i32
        %dma_wait3A_394 = tpu.memref_slice %arg13[%dma_wait3A_392, %dma_wait3A_393] : memref<10112x128xf32, #tpu.memory_space<vmem_shared>> -> memref<10112x128xf32, #tpu.memory_space<vmem_shared>>
        tpu.wait_indirect_dma semaphore(%run_scoped3A_382 : memref<!tpu.dma_semaphore, #tpu.memory_space<semaphore_mem>>) src(%arg12 : memref<80x128xf32, #tpu.memory_space<vmem>>) dst(%dma_wait3A_394 : memref<10112x128xf32, #tpu.memory_space<vmem_shared>>)
        tpu.yield
      }) : () -> ()
      %dma_start3A_328 = arith.constant 23 : i32
      %dma_start3A_329 = arith.constant 0 : i32
      %dma_start3A_330 = tpu.memref_slice %arg7[%dma_start3A_328, %dma_start3A_329] : memref<25x80xi32, #tpu.memory_space<vmem>> -> memref<1x80xi32, #tpu.memory_space<vmem>>
      %dma_start3A_331 = tpu.memref_squeeze %dma_start3A_330 : memref<1x80xi32, #tpu.memory_space<vmem>> -> memref<80xi32, #tpu.memory_space<vmem>>
      %dma_start3A_332 = arith.constant 0 : i32
      %dma_start3A_333 = arith.constant 0 : i32
      %dma_start3A_334 = tpu.memref_slice %arg2[%dma_start3A_332, %dma_start3A_333] : memref<10000x128xf32, #tpu.memory_space<hbm>> -> memref<10000x128xf32, #tpu.memory_space<hbm>>
      tpu.enqueue_indirect_dma source(%dma_start3A_334 : memref<10000x128xf32, #tpu.memory_space<hbm>>) target(%arg12 : memref<80x128xf32, #tpu.memory_space<vmem>>) offsets(%dma_start3A_331 : memref<80xi32, #tpu.memory_space<vmem>>) semaphore(%arg17 : memref<!tpu.dma_semaphore, #tpu.memory_space<semaphore_mem>>)
      %dma_wait3A_335 = arith.constant 20 : i32
      %dma_wait3A_336 = arith.constant 0 : i32
      %dma_wait3A_337 = tpu.memref_slice %arg7[%dma_wait3A_335, %dma_wait3A_336] : memref<25x80xi32, #tpu.memory_space<vmem>> -> memref<1x80xi32, #tpu.memory_space<vmem>>
      %dma_wait3A_338 = tpu.memref_squeeze %dma_wait3A_337 : memref<1x80xi32, #tpu.memory_space<vmem>> -> memref<80xi32, #tpu.memory_space<vmem>>
      %dma_wait3A_339 = arith.constant 0 : i32
      %dma_wait3A_340 = arith.constant 0 : i32
      %dma_wait3A_341 = tpu.memref_slice %arg2[%dma_wait3A_339, %dma_wait3A_340] : memref<10000x128xf32, #tpu.memory_space<hbm>> -> memref<10000x128xf32, #tpu.memory_space<hbm>>
      tpu.wait_indirect_dma semaphore(%arg14 : memref<!tpu.dma_semaphore, #tpu.memory_space<semaphore_mem>>) src(%dma_wait3A_341 : memref<10000x128xf32, #tpu.memory_space<hbm>>) dst(%arg9 : memref<80x128xf32, #tpu.memory_space<vmem>>)
      %run_scoped3A_342 = arith.constant 20 : i32
      "tpu.region"() ({
        %run_scoped3A_382 = tpu.sem_alloc : memref<!tpu.dma_semaphore, #tpu.memory_space<semaphore_mem>>
        %dma_start3A_383 = arith.constant 0 : i32
        %dma_start3A_384 = tpu.memref_slice %arg8[%run_scoped3A_342, %dma_start3A_383] : memref<25x80xi32, #tpu.memory_space<vmem>> -> memref<1x80xi32, #tpu.memory_space<vmem>>
        %dma_start3A_385 = tpu.memref_squeeze %dma_start3A_384 : memref<1x80xi32, #tpu.memory_space<vmem>> -> memref<80xi32, #tpu.memory_space<vmem>>
        %dma_start3A_386 = arith.constant 0 : i32
        %dma_start3A_387 = arith.constant 0 : i32
        %dma_start3A_388 = tpu.memref_slice %arg13[%dma_start3A_386, %dma_start3A_387] : memref<10112x128xf32, #tpu.memory_space<vmem_shared>> -> memref<10112x128xf32, #tpu.memory_space<vmem_shared>>
        tpu.enqueue_indirect_dma source(%arg9 : memref<80x128xf32, #tpu.memory_space<vmem>>) target(%dma_start3A_388 : memref<10112x128xf32, #tpu.memory_space<vmem_shared>>) offsets(%dma_start3A_385 : memref<80xi32, #tpu.memory_space<vmem>>) semaphore(%run_scoped3A_382 : memref<!tpu.dma_semaphore, #tpu.memory_space<semaphore_mem>>) {add = true}
        %dma_wait3A_389 = arith.constant 0 : i32
        %dma_wait3A_390 = tpu.memref_slice %arg8[%run_scoped3A_342, %dma_wait3A_389] : memref<25x80xi32, #tpu.memory_space<vmem>> -> memref<1x80xi32, #tpu.memory_space<vmem>>
        %dma_wait3A_391 = tpu.memref_squeeze %dma_wait3A_390 : memref<1x80xi32, #tpu.memory_space<vmem>> -> memref<80xi32, #tpu.memory_space<vmem>>
        %dma_wait3A_392 = arith.constant 0 : i32
        %dma_wait3A_393 = arith.constant 0 : i32
        %dma_wait3A_394 = tpu.memref_slice %arg13[%dma_wait3A_392, %dma_wait3A_393] : memref<10112x128xf32, #tpu.memory_space<vmem_shared>> -> memref<10112x128xf32, #tpu.memory_space<vmem_shared>>
        tpu.wait_indirect_dma semaphore(%run_scoped3A_382 : memref<!tpu.dma_semaphore, #tpu.memory_space<semaphore_mem>>) src(%arg9 : memref<80x128xf32, #tpu.memory_space<vmem>>) dst(%dma_wait3A_394 : memref<10112x128xf32, #tpu.memory_space<vmem_shared>>)
        tpu.yield
      }) : () -> ()
      %dma_start3A_343 = arith.constant 24 : i32
      %dma_start3A_344 = arith.constant 0 : i32
      %dma_start3A_345 = tpu.memref_slice %arg7[%dma_start3A_343, %dma_start3A_344] : memref<25x80xi32, #tpu.memory_space<vmem>> -> memref<1x80xi32, #tpu.memory_space<vmem>>
      %dma_start3A_346 = tpu.memref_squeeze %dma_start3A_345 : memref<1x80xi32, #tpu.memory_space<vmem>> -> memref<80xi32, #tpu.memory_space<vmem>>
      %dma_start3A_347 = arith.constant 0 : i32
      %dma_start3A_348 = arith.constant 0 : i32
      %dma_start3A_349 = tpu.memref_slice %arg2[%dma_start3A_347, %dma_start3A_348] : memref<10000x128xf32, #tpu.memory_space<hbm>> -> memref<10000x128xf32, #tpu.memory_space<hbm>>
      tpu.enqueue_indirect_dma source(%dma_start3A_349 : memref<10000x128xf32, #tpu.memory_space<hbm>>) target(%arg9 : memref<80x128xf32, #tpu.memory_space<vmem>>) offsets(%dma_start3A_346 : memref<80xi32, #tpu.memory_space<vmem>>) semaphore(%arg14 : memref<!tpu.dma_semaphore, #tpu.memory_space<semaphore_mem>>)
      %dma_wait3A_350 = arith.constant 21 : i32
      %dma_wait3A_351 = arith.constant 0 : i32
      %dma_wait3A_352 = tpu.memref_slice %arg7[%dma_wait3A_350, %dma_wait3A_351] : memref<25x80xi32, #tpu.memory_space<vmem>> -> memref<1x80xi32, #tpu.memory_space<vmem>>
      %dma_wait3A_353 = tpu.memref_squeeze %dma_wait3A_352 : memref<1x80xi32, #tpu.memory_space<vmem>> -> memref<80xi32, #tpu.memory_space<vmem>>
      %dma_wait3A_354 = arith.constant 0 : i32
      %dma_wait3A_355 = arith.constant 0 : i32
      %dma_wait3A_356 = tpu.memref_slice %arg2[%dma_wait3A_354, %dma_wait3A_355] : memref<10000x128xf32, #tpu.memory_space<hbm>> -> memref<10000x128xf32, #tpu.memory_space<hbm>>
      tpu.wait_indirect_dma semaphore(%arg15 : memref<!tpu.dma_semaphore, #tpu.memory_space<semaphore_mem>>) src(%dma_wait3A_356 : memref<10000x128xf32, #tpu.memory_space<hbm>>) dst(%arg10 : memref<80x128xf32, #tpu.memory_space<vmem>>)
      %run_scoped3A_357 = arith.constant 21 : i32
      "tpu.region"() ({
        %run_scoped3A_382 = tpu.sem_alloc : memref<!tpu.dma_semaphore, #tpu.memory_space<semaphore_mem>>
        %dma_start3A_383 = arith.constant 0 : i32
        %dma_start3A_384 = tpu.memref_slice %arg8[%run_scoped3A_357, %dma_start3A_383] : memref<25x80xi32, #tpu.memory_space<vmem>> -> memref<1x80xi32, #tpu.memory_space<vmem>>
        %dma_start3A_385 = tpu.memref_squeeze %dma_start3A_384 : memref<1x80xi32, #tpu.memory_space<vmem>> -> memref<80xi32, #tpu.memory_space<vmem>>
        %dma_start3A_386 = arith.constant 0 : i32
        %dma_start3A_387 = arith.constant 0 : i32
        %dma_start3A_388 = tpu.memref_slice %arg13[%dma_start3A_386, %dma_start3A_387] : memref<10112x128xf32, #tpu.memory_space<vmem_shared>> -> memref<10112x128xf32, #tpu.memory_space<vmem_shared>>
        tpu.enqueue_indirect_dma source(%arg10 : memref<80x128xf32, #tpu.memory_space<vmem>>) target(%dma_start3A_388 : memref<10112x128xf32, #tpu.memory_space<vmem_shared>>) offsets(%dma_start3A_385 : memref<80xi32, #tpu.memory_space<vmem>>) semaphore(%run_scoped3A_382 : memref<!tpu.dma_semaphore, #tpu.memory_space<semaphore_mem>>) {add = true}
        %dma_wait3A_389 = arith.constant 0 : i32
        %dma_wait3A_390 = tpu.memref_slice %arg8[%run_scoped3A_357, %dma_wait3A_389] : memref<25x80xi32, #tpu.memory_space<vmem>> -> memref<1x80xi32, #tpu.memory_space<vmem>>
        %dma_wait3A_391 = tpu.memref_squeeze %dma_wait3A_390 : memref<1x80xi32, #tpu.memory_space<vmem>> -> memref<80xi32, #tpu.memory_space<vmem>>
        %dma_wait3A_392 = arith.constant 0 : i32
        %dma_wait3A_393 = arith.constant 0 : i32
        %dma_wait3A_394 = tpu.memref_slice %arg13[%dma_wait3A_392, %dma_wait3A_393] : memref<10112x128xf32, #tpu.memory_space<vmem_shared>> -> memref<10112x128xf32, #tpu.memory_space<vmem_shared>>
        tpu.wait_indirect_dma semaphore(%run_scoped3A_382 : memref<!tpu.dma_semaphore, #tpu.memory_space<semaphore_mem>>) src(%arg10 : memref<80x128xf32, #tpu.memory_space<vmem>>) dst(%dma_wait3A_394 : memref<10112x128xf32, #tpu.memory_space<vmem_shared>>)
        tpu.yield
      }) : () -> ()
      %dma_wait3A_358 = arith.constant 22 : i32
      %dma_wait3A_359 = arith.constant 0 : i32
      %dma_wait3A_360 = tpu.memref_slice %arg7[%dma_wait3A_358, %dma_wait3A_359] : memref<25x80xi32, #tpu.memory_space<vmem>> -> memref<1x80xi32, #tpu.memory_space<vmem>>
      %dma_wait3A_361 = tpu.memref_squeeze %dma_wait3A_360 : memref<1x80xi32, #tpu.memory_space<vmem>> -> memref<80xi32, #tpu.memory_space<vmem>>
      %dma_wait3A_362 = arith.constant 0 : i32
      %dma_wait3A_363 = arith.constant 0 : i32
      %dma_wait3A_364 = tpu.memref_slice %arg2[%dma_wait3A_362, %dma_wait3A_363] : memref<10000x128xf32, #tpu.memory_space<hbm>> -> memref<10000x128xf32, #tpu.memory_space<hbm>>
      tpu.wait_indirect_dma semaphore(%arg16 : memref<!tpu.dma_semaphore, #tpu.memory_space<semaphore_mem>>) src(%dma_wait3A_364 : memref<10000x128xf32, #tpu.memory_space<hbm>>) dst(%arg11 : memref<80x128xf32, #tpu.memory_space<vmem>>)
      %run_scoped3A_365 = arith.constant 22 : i32
      "tpu.region"() ({
        %run_scoped3A_382 = tpu.sem_alloc : memref<!tpu.dma_semaphore, #tpu.memory_space<semaphore_mem>>
        %dma_start3A_383 = arith.constant 0 : i32
        %dma_start3A_384 = tpu.memref_slice %arg8[%run_scoped3A_365, %dma_start3A_383] : memref<25x80xi32, #tpu.memory_space<vmem>> -> memref<1x80xi32, #tpu.memory_space<vmem>>
        %dma_start3A_385 = tpu.memref_squeeze %dma_start3A_384 : memref<1x80xi32, #tpu.memory_space<vmem>> -> memref<80xi32, #tpu.memory_space<vmem>>
        %dma_start3A_386 = arith.constant 0 : i32
        %dma_start3A_387 = arith.constant 0 : i32
        %dma_start3A_388 = tpu.memref_slice %arg13[%dma_start3A_386, %dma_start3A_387] : memref<10112x128xf32, #tpu.memory_space<vmem_shared>> -> memref<10112x128xf32, #tpu.memory_space<vmem_shared>>
        tpu.enqueue_indirect_dma source(%arg11 : memref<80x128xf32, #tpu.memory_space<vmem>>) target(%dma_start3A_388 : memref<10112x128xf32, #tpu.memory_space<vmem_shared>>) offsets(%dma_start3A_385 : memref<80xi32, #tpu.memory_space<vmem>>) semaphore(%run_scoped3A_382 : memref<!tpu.dma_semaphore, #tpu.memory_space<semaphore_mem>>) {add = true}
        %dma_wait3A_389 = arith.constant 0 : i32
        %dma_wait3A_390 = tpu.memref_slice %arg8[%run_scoped3A_365, %dma_wait3A_389] : memref<25x80xi32, #tpu.memory_space<vmem>> -> memref<1x80xi32, #tpu.memory_space<vmem>>
        %dma_wait3A_391 = tpu.memref_squeeze %dma_wait3A_390 : memref<1x80xi32, #tpu.memory_space<vmem>> -> memref<80xi32, #tpu.memory_space<vmem>>
        %dma_wait3A_392 = arith.constant 0 : i32
        %dma_wait3A_393 = arith.constant 0 : i32
        %dma_wait3A_394 = tpu.memref_slice %arg13[%dma_wait3A_392, %dma_wait3A_393] : memref<10112x128xf32, #tpu.memory_space<vmem_shared>> -> memref<10112x128xf32, #tpu.memory_space<vmem_shared>>
        tpu.wait_indirect_dma semaphore(%run_scoped3A_382 : memref<!tpu.dma_semaphore, #tpu.memory_space<semaphore_mem>>) src(%arg11 : memref<80x128xf32, #tpu.memory_space<vmem>>) dst(%dma_wait3A_394 : memref<10112x128xf32, #tpu.memory_space<vmem_shared>>)
        tpu.yield
      }) : () -> ()
      %dma_wait3A_366 = arith.constant 23 : i32
      %dma_wait3A_367 = arith.constant 0 : i32
      %dma_wait3A_368 = tpu.memref_slice %arg7[%dma_wait3A_366, %dma_wait3A_367] : memref<25x80xi32, #tpu.memory_space<vmem>> -> memref<1x80xi32, #tpu.memory_space<vmem>>
      %dma_wait3A_369 = tpu.memref_squeeze %dma_wait3A_368 : memref<1x80xi32, #tpu.memory_space<vmem>> -> memref<80xi32, #tpu.memory_space<vmem>>
      %dma_wait3A_370 = arith.constant 0 : i32
      %dma_wait3A_371 = arith.constant 0 : i32
      %dma_wait3A_372 = tpu.memref_slice %arg2[%dma_wait3A_370, %dma_wait3A_371] : memref<10000x128xf32, #tpu.memory_space<hbm>> -> memref<10000x128xf32, #tpu.memory_space<hbm>>
      tpu.wait_indirect_dma semaphore(%arg17 : memref<!tpu.dma_semaphore, #tpu.memory_space<semaphore_mem>>) src(%dma_wait3A_372 : memref<10000x128xf32, #tpu.memory_space<hbm>>) dst(%arg12 : memref<80x128xf32, #tpu.memory_space<vmem>>)
      %run_scoped3A_373 = arith.constant 23 : i32
      "tpu.region"() ({
        %run_scoped3A_382 = tpu.sem_alloc : memref<!tpu.dma_semaphore, #tpu.memory_space<semaphore_mem>>
        %dma_start3A_383 = arith.constant 0 : i32
        %dma_start3A_384 = tpu.memref_slice %arg8[%run_scoped3A_373, %dma_start3A_383] : memref<25x80xi32, #tpu.memory_space<vmem>> -> memref<1x80xi32, #tpu.memory_space<vmem>>
        %dma_start3A_385 = tpu.memref_squeeze %dma_start3A_384 : memref<1x80xi32, #tpu.memory_space<vmem>> -> memref<80xi32, #tpu.memory_space<vmem>>
        %dma_start3A_386 = arith.constant 0 : i32
        %dma_start3A_387 = arith.constant 0 : i32
        %dma_start3A_388 = tpu.memref_slice %arg13[%dma_start3A_386, %dma_start3A_387] : memref<10112x128xf32, #tpu.memory_space<vmem_shared>> -> memref<10112x128xf32, #tpu.memory_space<vmem_shared>>
        tpu.enqueue_indirect_dma source(%arg12 : memref<80x128xf32, #tpu.memory_space<vmem>>) target(%dma_start3A_388 : memref<10112x128xf32, #tpu.memory_space<vmem_shared>>) offsets(%dma_start3A_385 : memref<80xi32, #tpu.memory_space<vmem>>) semaphore(%run_scoped3A_382 : memref<!tpu.dma_semaphore, #tpu.memory_space<semaphore_mem>>) {add = true}
        %dma_wait3A_389 = arith.constant 0 : i32
        %dma_wait3A_390 = tpu.memref_slice %arg8[%run_scoped3A_373, %dma_wait3A_389] : memref<25x80xi32, #tpu.memory_space<vmem>> -> memref<1x80xi32, #tpu.memory_space<vmem>>
        %dma_wait3A_391 = tpu.memref_squeeze %dma_wait3A_390 : memref<1x80xi32, #tpu.memory_space<vmem>> -> memref<80xi32, #tpu.memory_space<vmem>>
        %dma_wait3A_392 = arith.constant 0 : i32
        %dma_wait3A_393 = arith.constant 0 : i32
        %dma_wait3A_394 = tpu.memref_slice %arg13[%dma_wait3A_392, %dma_wait3A_393] : memref<10112x128xf32, #tpu.memory_space<vmem_shared>> -> memref<10112x128xf32, #tpu.memory_space<vmem_shared>>
        tpu.wait_indirect_dma semaphore(%run_scoped3A_382 : memref<!tpu.dma_semaphore, #tpu.memory_space<semaphore_mem>>) src(%arg12 : memref<80x128xf32, #tpu.memory_space<vmem>>) dst(%dma_wait3A_394 : memref<10112x128xf32, #tpu.memory_space<vmem_shared>>)
        tpu.yield
      }) : () -> ()
      %dma_wait3A_374 = arith.constant 24 : i32
      %dma_wait3A_375 = arith.constant 0 : i32
      %dma_wait3A_376 = tpu.memref_slice %arg7[%dma_wait3A_374, %dma_wait3A_375] : memref<25x80xi32, #tpu.memory_space<vmem>> -> memref<1x80xi32, #tpu.memory_space<vmem>>
      %dma_wait3A_377 = tpu.memref_squeeze %dma_wait3A_376 : memref<1x80xi32, #tpu.memory_space<vmem>> -> memref<80xi32, #tpu.memory_space<vmem>>
      %dma_wait3A_378 = arith.constant 0 : i32
      %dma_wait3A_379 = arith.constant 0 : i32
      %dma_wait3A_380 = tpu.memref_slice %arg2[%dma_wait3A_378, %dma_wait3A_379] : memref<10000x128xf32, #tpu.memory_space<hbm>> -> memref<10000x128xf32, #tpu.memory_space<hbm>>
      tpu.wait_indirect_dma semaphore(%arg14 : memref<!tpu.dma_semaphore, #tpu.memory_space<semaphore_mem>>) src(%dma_wait3A_380 : memref<10000x128xf32, #tpu.memory_space<hbm>>) dst(%arg9 : memref<80x128xf32, #tpu.memory_space<vmem>>)
      %run_scoped3A_381 = arith.constant 24 : i32
      "tpu.region"() ({
        %run_scoped3A_382 = tpu.sem_alloc : memref<!tpu.dma_semaphore, #tpu.memory_space<semaphore_mem>>
        %dma_start3A_383 = arith.constant 0 : i32
        %dma_start3A_384 = tpu.memref_slice %arg8[%run_scoped3A_381, %dma_start3A_383] : memref<25x80xi32, #tpu.memory_space<vmem>> -> memref<1x80xi32, #tpu.memory_space<vmem>>
        %dma_start3A_385 = tpu.memref_squeeze %dma_start3A_384 : memref<1x80xi32, #tpu.memory_space<vmem>> -> memref<80xi32, #tpu.memory_space<vmem>>
        %dma_start3A_386 = arith.constant 0 : i32
        %dma_start3A_387 = arith.constant 0 : i32
        %dma_start3A_388 = tpu.memref_slice %arg13[%dma_start3A_386, %dma_start3A_387] : memref<10112x128xf32, #tpu.memory_space<vmem_shared>> -> memref<10112x128xf32, #tpu.memory_space<vmem_shared>>
        tpu.enqueue_indirect_dma source(%arg9 : memref<80x128xf32, #tpu.memory_space<vmem>>) target(%dma_start3A_388 : memref<10112x128xf32, #tpu.memory_space<vmem_shared>>) offsets(%dma_start3A_385 : memref<80xi32, #tpu.memory_space<vmem>>) semaphore(%run_scoped3A_382 : memref<!tpu.dma_semaphore, #tpu.memory_space<semaphore_mem>>) {add = true}
        %dma_wait3A_389 = arith.constant 0 : i32
        %dma_wait3A_390 = tpu.memref_slice %arg8[%run_scoped3A_381, %dma_wait3A_389] : memref<25x80xi32, #tpu.memory_space<vmem>> -> memref<1x80xi32, #tpu.memory_space<vmem>>
        %dma_wait3A_391 = tpu.memref_squeeze %dma_wait3A_390 : memref<1x80xi32, #tpu.memory_space<vmem>> -> memref<80xi32, #tpu.memory_space<vmem>>
        %dma_wait3A_392 = arith.constant 0 : i32
        %dma_wait3A_393 = arith.constant 0 : i32
        %dma_wait3A_394 = tpu.memref_slice %arg13[%dma_wait3A_392, %dma_wait3A_393] : memref<10112x128xf32, #tpu.memory_space<vmem_shared>> -> memref<10112x128xf32, #tpu.memory_space<vmem_shared>>
        tpu.wait_indirect_dma semaphore(%run_scoped3A_382 : memref<!tpu.dma_semaphore, #tpu.memory_space<semaphore_mem>>) src(%arg9 : memref<80x128xf32, #tpu.memory_space<vmem>>) dst(%dma_wait3A_394 : memref<10112x128xf32, #tpu.memory_space<vmem_shared>>)
        tpu.yield
      }) : () -> ()
    }
    %scan3A_7 = arith.constant 5 : i32
    %barrier3A_8 = arith.constant 0 : index
    tpu.barrier barrier_id(%barrier3A_8)
    "tpu.region"() ({
      %run_scoped3A = tpu.sem_alloc : memref<!tpu.dma_semaphore, #tpu.memory_space<semaphore_mem>>
      %dma_start3A = arith.constant 0 : i32
      %dma_start3A_9 = tpu.memref_slice %arg6[%arg0, %mul3A_2, %dma_start3A] : memref<2x10112x128xf32, #tpu.memory_space<hbm>> -> memref<1x632x128xf32, #tpu.memory_space<hbm>>
      %dma_start3A_10 = tpu.memref_squeeze %dma_start3A_9 : memref<1x632x128xf32, #tpu.memory_space<hbm>> -> memref<632x128xf32, #tpu.memory_space<hbm>>
      %dma_start3A_11 = arith.constant 0 : i32
      %dma_start3A_12 = tpu.memref_slice %arg13[%mul3A_2, %dma_start3A_11] : memref<10112x128xf32, #tpu.memory_space<vmem_shared>> -> memref<632x128xf32, #tpu.memory_space<vmem_shared>>
      tpu.enqueue_dma source(%dma_start3A_12 : memref<632x128xf32, #tpu.memory_space<vmem_shared>>) target(%dma_start3A_10 : memref<632x128xf32, #tpu.memory_space<hbm>>) target_semaphore(%run_scoped3A : memref<!tpu.dma_semaphore, #tpu.memory_space<semaphore_mem>>)
      %dma_wait3A = arith.constant 0 : i32
      %dma_wait3A_13 = tpu.memref_slice %arg6[%arg0, %mul3A_2, %dma_wait3A] : memref<2x10112x128xf32, #tpu.memory_space<hbm>> -> memref<1x632x128xf32, #tpu.memory_space<hbm>>
      %dma_wait3A_14 = tpu.memref_squeeze %dma_wait3A_13 : memref<1x632x128xf32, #tpu.memory_space<hbm>> -> memref<632x128xf32, #tpu.memory_space<hbm>>
      %dma_wait3A_15 = arith.constant 0 : i32
      %dma_wait3A_16 = tpu.memref_slice %arg13[%mul3A_2, %dma_wait3A_15] : memref<10112x128xf32, #tpu.memory_space<vmem_shared>> -> memref<632x128xf32, #tpu.memory_space<vmem_shared>>
      tpu.wait_dma2 semaphore(%run_scoped3A : memref<!tpu.dma_semaphore, #tpu.memory_space<semaphore_mem>>) src(%dma_wait3A_16 : memref<632x128xf32, #tpu.memory_space<vmem_shared>>) dst(%dma_wait3A_14 : memref<632x128xf32, #tpu.memory_space<hbm>>)
      tpu.yield
    }) : () -> ()
    return
  }
}

module attributes {stable_mosaic.version = 14 : i64} {
  func.func @_tcr_body(%arg0: i32, %arg1: memref<1000x128xf32, #tpu.memory_space<vmem>>, %arg2: memref<128x256xf32, #tpu.memory_space<vmem>>, %arg3: memref<1x256xf32, #tpu.memory_space<vmem>>, %arg4: memref<1000x256xf32, #tpu.memory_space<vmem>>) attributes {dimension_semantics = [#tpu.dimension_semantics<arbitrary>], iteration_bounds = array<i64: 10>, scalar_prefetch = 0 : i64, scratch_operands = 0 : i64, tpu.core_type = #tpu.core_type<tc>, window_params = [{transform_indices = @transform_0, window_bounds = array<i64: 1000, 128>}, {pipeline_mode = #tpu.pipeline_mode<synchronous>, transform_indices = @transform_1, window_bounds = array<i64: 128, 256>}, {pipeline_mode = #tpu.pipeline_mode<synchronous>, transform_indices = @transform_2, window_bounds = array<i64: 1, 256>}, {transform_indices = @transform_3, window_bounds = array<i64: 1000, 256>}]} {
    %get3A = arith.constant 0 : index
    %get3A_0 = arith.constant 0 : index
    %get3A_1 = vector.load %arg1[%get3A, %get3A_0] : memref<1000x128xf32, #tpu.memory_space<vmem>>, vector<1000x128xf32>
    %get3A_2 = arith.constant 0 : index
    %get3A_3 = arith.constant 0 : index
    %get3A_4 = vector.load %arg2[%get3A_2, %get3A_3] : memref<128x256xf32, #tpu.memory_space<vmem>>, vector<128x256xf32>
    %dot_general3A = arith.constant dense<0.000000e+00> : vector<1000x256xf32>
    %dot_general3A_5 = tpu.matmul %get3A_1, %get3A_4, %dot_general3A {dimension_numbers = #tpu.dot_dimension_numbers<[1], [0], [0], [1], [0, 0, 1, 1], [], []>, transpose_lhs_hint = false} : vector<1000x128xf32>, vector<128x256xf32>, vector<1000x256xf32> -> vector<1000x256xf32>
    %get3A_6 = arith.constant 0 : index
    %get3A_7 = arith.constant 0 : index
    %get3A_8 = vector.load %arg3[%get3A_6, %get3A_7] : memref<1x256xf32, #tpu.memory_space<vmem>>, vector<1x256xf32>
    %add3A = vector.broadcast %get3A_8 : vector<1x256xf32> to vector<1000x256xf32>
    %add3A_9 = arith.addf %dot_general3A_5, %add3A : vector<1000x256xf32>
    %swap3A = arith.constant 0 : index
    %swap3A_10 = arith.constant 0 : index
    %swap3A_11 = vector.load %arg4[%swap3A, %swap3A_10] : memref<1000x256xf32, #tpu.memory_space<vmem>>, vector<1000x256xf32>
    tpu.vector_store %arg4[%swap3A, %swap3A_10], %add3A_9 {strides = array<i32>} : memref<1000x256xf32, #tpu.memory_space<vmem>>, vector<1000x256xf32>,
    return
  }
  func.func @transform_0(%arg0: i32) -> (i32, i32) {
    %c0_i32 = arith.constant 0 : i32
    %c0_i32_0 = arith.constant 0 : i32
    return %arg0, %c0_i32 : i32, i32
  }
  func.func @transform_1(%arg0: i32) -> (i32, i32) {
    %c0_i32 = arith.constant 0 : i32
    %c0_i32_0 = arith.constant 0 : i32
    %c0_i32_1 = arith.constant 0 : i32
    return %c0_i32, %c0_i32_0 : i32, i32
  }
  func.func @transform_2(%arg0: i32) -> (i32, i32) {
    %c0_i32 = arith.constant 0 : i32
    %c0_i32_0 = arith.constant 0 : i32
    %c0_i32_1 = arith.constant 0 : i32
    return %c0_i32, %c0_i32_0 : i32, i32
  }
  func.func @transform_3(%arg0: i32) -> (i32, i32) {
    %c0_i32 = arith.constant 0 : i32
    %c0_i32_0 = arith.constant 0 : i32
    return %arg0, %c0_i32 : i32, i32
  }
}

module attributes {stable_mosaic.version = 14 : i64} {
  func.func @_tc1_body(%arg0: i32, %arg1: memref<1000x256xf32, #tpu.memory_space<vmem>>, %arg2: memref<2x1000x128xf32, #tpu.memory_space<vmem>>, %arg3: memref<2x1000x1xf32, #tpu.memory_space<vmem>>, %arg4: memref<128x256xf32, #tpu.memory_space<vmem>>, %arg5: memref<256x128xf32, #tpu.memory_space<vmem>>, %arg6: memref<256x128xf32, #tpu.memory_space<vmem>>, %arg7: memref<1000x128xf32, #tpu.memory_space<vmem>>, %arg8: memref<1000x128xf32, #tpu.memory_space<vmem>>) attributes {dimension_semantics = [#tpu.dimension_semantics<arbitrary>], iteration_bounds = array<i64: 10>, scalar_prefetch = 0 : i64, scratch_operands = 0 : i64, tpu.core_type = #tpu.core_type<tc>, window_params = [{transform_indices = @transform_0, window_bounds = array<i64: 1000, 256>}, {transform_indices = @transform_1, window_bounds = array<i64: 2, 1000, 128>}, {transform_indices = @transform_2, window_bounds = array<i64: 2, 1000, 1>}, {pipeline_mode = #tpu.pipeline_mode<synchronous>, transform_indices = @transform_3, window_bounds = array<i64: 128, 256>}, {pipeline_mode = #tpu.pipeline_mode<synchronous>, transform_indices = @transform_4, window_bounds = array<i64: 256, 128>}, {pipeline_mode = #tpu.pipeline_mode<synchronous>, transform_indices = @transform_5, window_bounds = array<i64: 256, 128>}, {transform_indices = @transform_6, window_bounds = array<i64: 1000, 128>}, {transform_indices = @transform_7, window_bounds = array<i64: 1000, 128>}]} {
    %get3A = arith.constant 0 : index
    %get3A_0 = arith.constant 0 : index
    %get3A_1 = arith.constant 0 : index
    %get3A_2 = vector.load %arg3[%get3A, %get3A_0, %get3A_1] : memref<2x1000x1xf32, #tpu.memory_space<vmem>>, vector<1x1000x1xf32>
    %get3A_3 = vector.shape_cast %get3A_2 : vector<1x1000x1xf32> to vector<1000x1xf32>
    %get3A_4 = arith.constant 1 : index
    %get3A_5 = arith.constant 0 : index
    %get3A_6 = arith.constant 0 : index
    %get3A_7 = vector.load %arg3[%get3A_4, %get3A_5, %get3A_6] : memref<2x1000x1xf32, #tpu.memory_space<vmem>>, vector<1x1000x1xf32>
    %get3A_8 = vector.shape_cast %get3A_7 : vector<1x1000x1xf32> to vector<1000x1xf32>
    %add3A = arith.addf %get3A_3, %get3A_8 : vector<1000x1xf32>
    %max3A = arith.constant 1.000000e+00 : f32
    %max3A_9 = vector.broadcast %max3A : f32 to vector<1000x1xf32>
    %max3A_10 = arith.maximumf %add3A, %max3A_9 : vector<1000x1xf32>
    %div3A = arith.constant 1.000000e+00 : f32
    %div3A_11 = vector.broadcast %div3A : f32 to vector<1000x1xf32>
    %div3A_12 = arith.divf %div3A_11, %max3A_10 : vector<1000x1xf32>
    %get3A_13 = arith.constant 0 : index
    %get3A_14 = arith.constant 0 : index
    %get3A_15 = arith.constant 0 : index
    %get3A_16 = vector.load %arg2[%get3A_13, %get3A_14, %get3A_15] : memref<2x1000x128xf32, #tpu.memory_space<vmem>>, vector<1x1000x128xf32>
    %get3A_17 = vector.shape_cast %get3A_16 : vector<1x1000x128xf32> to vector<1000x128xf32>
    %get3A_18 = arith.constant 1 : index
    %get3A_19 = arith.constant 0 : index
    %get3A_20 = arith.constant 0 : index
    %get3A_21 = vector.load %arg2[%get3A_18, %get3A_19, %get3A_20] : memref<2x1000x128xf32, #tpu.memory_space<vmem>>, vector<1x1000x128xf32>
    %get3A_22 = vector.shape_cast %get3A_21 : vector<1x1000x128xf32> to vector<1000x128xf32>
    %add3A_23 = arith.addf %get3A_17, %get3A_22 : vector<1000x128xf32>
    %mul3A = vector.broadcast %div3A_12 : vector<1000x1xf32> to vector<1000x128xf32>
    %mul3A_24 = arith.mulf %add3A_23, %mul3A : vector<1000x128xf32>
    %get3A_25 = arith.constant 0 : index
    %get3A_26 = arith.constant 0 : index
    %get3A_27 = vector.load %arg4[%get3A_25, %get3A_26] : memref<128x256xf32, #tpu.memory_space<vmem>>, vector<128x256xf32>
    %dot_general3A = arith.constant dense<0.000000e+00> : vector<1000x256xf32>
    %dot_general3A_28 = tpu.matmul %mul3A_24, %get3A_27, %dot_general3A {dimension_numbers = #tpu.dot_dimension_numbers<[1], [0], [0], [1], [0, 0, 1, 1], [], []>, transpose_lhs_hint = false} : vector<1000x128xf32>, vector<128x256xf32>, vector<1000x256xf32> -> vector<1000x256xf32>
    %get3A_29 = arith.constant 0 : index
    %get3A_30 = arith.constant 0 : index
    %get3A_31 = vector.load %arg1[%get3A_29, %get3A_30] : memref<1000x256xf32, #tpu.memory_space<vmem>>, vector<1000x256xf32>
    %add3A_32 = arith.addf %dot_general3A_28, %get3A_31 : vector<1000x256xf32>
    %max3A_33 = arith.constant 0.000000e+00 : f32
    %max3A_34 = vector.broadcast %max3A_33 : f32 to vector<1000x256xf32>
    %max3A_35 = arith.maximumf %add3A_32, %max3A_34 : vector<1000x256xf32>
    %get3A_36 = arith.constant 0 : index
    %get3A_37 = arith.constant 0 : index
    %get3A_38 = vector.load %arg5[%get3A_36, %get3A_37] : memref<256x128xf32, #tpu.memory_space<vmem>>, vector<256x128xf32>
    %dot_general3A_39 = arith.constant dense<0.000000e+00> : vector<1000x128xf32>
    %dot_general3A_40 = tpu.matmul %max3A_35, %get3A_38, %dot_general3A_39 {dimension_numbers = #tpu.dot_dimension_numbers<[1], [0], [0], [1], [0, 0, 1, 1], [], []>, transpose_lhs_hint = false} : vector<1000x256xf32>, vector<256x128xf32>, vector<1000x128xf32> -> vector<1000x128xf32>
    %swap3A = arith.constant 0 : index
    %swap3A_41 = arith.constant 0 : index
    %swap3A_42 = vector.load %arg7[%swap3A, %swap3A_41] : memref<1000x128xf32, #tpu.memory_space<vmem>>, vector<1000x128xf32>
    tpu.vector_store %arg7[%swap3A, %swap3A_41], %dot_general3A_40 {strides = array<i32>} : memref<1000x128xf32, #tpu.memory_space<vmem>>, vector<1000x128xf32>,
    %get3A_43 = arith.constant 0 : index
    %get3A_44 = arith.constant 0 : index
    %get3A_45 = vector.load %arg6[%get3A_43, %get3A_44] : memref<256x128xf32, #tpu.memory_space<vmem>>, vector<256x128xf32>
    %dot_general3A_46 = arith.constant dense<0.000000e+00> : vector<1000x128xf32>
    %dot_general3A_47 = tpu.matmul %max3A_35, %get3A_45, %dot_general3A_46 {dimension_numbers = #tpu.dot_dimension_numbers<[1], [0], [0], [1], [0, 0, 1, 1], [], []>, transpose_lhs_hint = false} : vector<1000x256xf32>, vector<256x128xf32>, vector<1000x128xf32> -> vector<1000x128xf32>
    %swap3A_48 = arith.constant 0 : index
    %swap3A_49 = arith.constant 0 : index
    %swap3A_50 = vector.load %arg8[%swap3A_48, %swap3A_49] : memref<1000x128xf32, #tpu.memory_space<vmem>>, vector<1000x128xf32>
    tpu.vector_store %arg8[%swap3A_48, %swap3A_49], %dot_general3A_47 {strides = array<i32>} : memref<1000x128xf32, #tpu.memory_space<vmem>>, vector<1000x128xf32>,
    return
  }
  func.func @transform_0(%arg0: i32) -> (i32, i32) {
    %c0_i32 = arith.constant 0 : i32
    %c0_i32_0 = arith.constant 0 : i32
    return %arg0, %c0_i32 : i32, i32
  }
  func.func @transform_1(%arg0: i32) -> (i32, i32, i32) {
    %c0_i32 = arith.constant 0 : i32
    %c0_i32_0 = arith.constant 0 : i32
    %c0_i32_1 = arith.constant 0 : i32
    return %c0_i32, %arg0, %c0_i32_0 : i32, i32, i32
  }
  func.func @transform_2(%arg0: i32) -> (i32, i32, i32) {
    %c0_i32 = arith.constant 0 : i32
    %c0_i32_0 = arith.constant 0 : i32
    %c0_i32_1 = arith.constant 0 : i32
    return %c0_i32, %arg0, %c0_i32_0 : i32, i32, i32
  }
  func.func @transform_3(%arg0: i32) -> (i32, i32) {
    %c0_i32 = arith.constant 0 : i32
    %c0_i32_0 = arith.constant 0 : i32
    %c0_i32_1 = arith.constant 0 : i32
    return %c0_i32, %c0_i32_0 : i32, i32
  }
  func.func @transform_4(%arg0: i32) -> (i32, i32) {
    %c0_i32 = arith.constant 0 : i32
    %c0_i32_0 = arith.constant 0 : i32
    %c0_i32_1 = arith.constant 0 : i32
    return %c0_i32, %c0_i32_0 : i32, i32
  }
  func.func @transform_5(%arg0: i32) -> (i32, i32) {
    %c0_i32 = arith.constant 0 : i32
    %c0_i32_0 = arith.constant 0 : i32
    %c0_i32_1 = arith.constant 0 : i32
    return %c0_i32, %c0_i32_0 : i32, i32
  }
  func.func @transform_6(%arg0: i32) -> (i32, i32) {
    %c0_i32 = arith.constant 0 : i32
    %c0_i32_0 = arith.constant 0 : i32
    return %arg0, %c0_i32 : i32, i32
  }
  func.func @transform_7(%arg0: i32) -> (i32, i32) {
    %c0_i32 = arith.constant 0 : i32
    %c0_i32_0 = arith.constant 0 : i32
    return %arg0, %c0_i32 : i32, i32
  }
}

module attributes {stable_mosaic.version = 14 : i64} {
  func.func @_tc2_body(%arg0: i32, %arg1: memref<2x1000x128xf32, #tpu.memory_space<vmem>>, %arg2: memref<2x1000x1xf32, #tpu.memory_space<vmem>>, %arg3: memref<1000x128xf32, #tpu.memory_space<vmem>>, %arg4: memref<1x128xf32, #tpu.memory_space<vmem>>, %arg5: memref<1000x128xf32, #tpu.memory_space<vmem>>) attributes {dimension_semantics = [#tpu.dimension_semantics<arbitrary>], iteration_bounds = array<i64: 10>, scalar_prefetch = 0 : i64, scratch_operands = 0 : i64, tpu.core_type = #tpu.core_type<tc>, window_params = [{transform_indices = @transform_0, window_bounds = array<i64: 2, 1000, 128>}, {transform_indices = @transform_1, window_bounds = array<i64: 2, 1000, 1>}, {transform_indices = @transform_2, window_bounds = array<i64: 1000, 128>}, {pipeline_mode = #tpu.pipeline_mode<synchronous>, transform_indices = @transform_3, window_bounds = array<i64: 1, 128>}, {transform_indices = @transform_4, window_bounds = array<i64: 1000, 128>}]} {
    %get3A = arith.constant 0 : index
    %get3A_0 = arith.constant 0 : index
    %get3A_1 = arith.constant 0 : index
    %get3A_2 = vector.load %arg2[%get3A, %get3A_0, %get3A_1] : memref<2x1000x1xf32, #tpu.memory_space<vmem>>, vector<1x1000x1xf32>
    %get3A_3 = vector.shape_cast %get3A_2 : vector<1x1000x1xf32> to vector<1000x1xf32>
    %get3A_4 = arith.constant 1 : index
    %get3A_5 = arith.constant 0 : index
    %get3A_6 = arith.constant 0 : index
    %get3A_7 = vector.load %arg2[%get3A_4, %get3A_5, %get3A_6] : memref<2x1000x1xf32, #tpu.memory_space<vmem>>, vector<1x1000x1xf32>
    %get3A_8 = vector.shape_cast %get3A_7 : vector<1x1000x1xf32> to vector<1000x1xf32>
    %add3A = arith.addf %get3A_3, %get3A_8 : vector<1000x1xf32>
    %max3A = arith.constant 1.000000e+00 : f32
    %max3A_9 = vector.broadcast %max3A : f32 to vector<1000x1xf32>
    %max3A_10 = arith.maximumf %add3A, %max3A_9 : vector<1000x1xf32>
    %div3A = arith.constant 1.000000e+00 : f32
    %div3A_11 = vector.broadcast %div3A : f32 to vector<1000x1xf32>
    %div3A_12 = arith.divf %div3A_11, %max3A_10 : vector<1000x1xf32>
    %get3A_13 = arith.constant 0 : index
    %get3A_14 = arith.constant 0 : index
    %get3A_15 = arith.constant 0 : index
    %get3A_16 = vector.load %arg1[%get3A_13, %get3A_14, %get3A_15] : memref<2x1000x128xf32, #tpu.memory_space<vmem>>, vector<1x1000x128xf32>
    %get3A_17 = vector.shape_cast %get3A_16 : vector<1x1000x128xf32> to vector<1000x128xf32>
    %get3A_18 = arith.constant 1 : index
    %get3A_19 = arith.constant 0 : index
    %get3A_20 = arith.constant 0 : index
    %get3A_21 = vector.load %arg1[%get3A_18, %get3A_19, %get3A_20] : memref<2x1000x128xf32, #tpu.memory_space<vmem>>, vector<1x1000x128xf32>
    %get3A_22 = vector.shape_cast %get3A_21 : vector<1x1000x128xf32> to vector<1000x128xf32>
    %add3A_23 = arith.addf %get3A_17, %get3A_22 : vector<1000x128xf32>
    %mul3A = vector.broadcast %div3A_12 : vector<1000x1xf32> to vector<1000x128xf32>
    %mul3A_24 = arith.mulf %add3A_23, %mul3A : vector<1000x128xf32>
    %get3A_25 = arith.constant 0 : index
    %get3A_26 = arith.constant 0 : index
    %get3A_27 = vector.load %arg3[%get3A_25, %get3A_26] : memref<1000x128xf32, #tpu.memory_space<vmem>>, vector<1000x128xf32>
    %add3A_28 = arith.addf %mul3A_24, %get3A_27 : vector<1000x128xf32>
    %get3A_29 = arith.constant 0 : index
    %get3A_30 = arith.constant 0 : index
    %get3A_31 = vector.load %arg4[%get3A_29, %get3A_30] : memref<1x128xf32, #tpu.memory_space<vmem>>, vector<1x128xf32>
    %add3A_32 = vector.broadcast %get3A_31 : vector<1x128xf32> to vector<1000x128xf32>
    %add3A_33 = arith.addf %add3A_28, %add3A_32 : vector<1000x128xf32>
    %swap3A = arith.constant 0 : index
    %swap3A_34 = arith.constant 0 : index
    %swap3A_35 = vector.load %arg5[%swap3A, %swap3A_34] : memref<1000x128xf32, #tpu.memory_space<vmem>>, vector<1000x128xf32>
    tpu.vector_store %arg5[%swap3A, %swap3A_34], %add3A_33 {strides = array<i32>} : memref<1000x128xf32, #tpu.memory_space<vmem>>, vector<1000x128xf32>,
    return
  }
  func.func @transform_0(%arg0: i32) -> (i32, i32, i32) {
    %c0_i32 = arith.constant 0 : i32
    %c0_i32_0 = arith.constant 0 : i32
    %c0_i32_1 = arith.constant 0 : i32
    return %c0_i32, %arg0, %c0_i32_0 : i32, i32, i32
  }
  func.func @transform_1(%arg0: i32) -> (i32, i32, i32) {
    %c0_i32 = arith.constant 0 : i32
    %c0_i32_0 = arith.constant 0 : i32
    %c0_i32_1 = arith.constant 0 : i32
    return %c0_i32, %arg0, %c0_i32_0 : i32, i32, i32
  }
  func.func @transform_2(%arg0: i32) -> (i32, i32) {
    %c0_i32 = arith.constant 0 : i32
    %c0_i32_0 = arith.constant 0 : i32
    return %arg0, %c0_i32 : i32, i32
  }
  func.func @transform_3(%arg0: i32) -> (i32, i32) {
    %c0_i32 = arith.constant 0 : i32
    %c0_i32_0 = arith.constant 0 : i32
    %c0_i32_1 = arith.constant 0 : i32
    return %c0_i32, %c0_i32_0 : i32, i32
  }
  func.func @transform_4(%arg0: i32) -> (i32, i32) {
    %c0_i32 = arith.constant 0 : i32
    %c0_i32_0 = arith.constant 0 : i32
    return %arg0, %c0_i32 : i32, i32
  }
}

</mosaic_0001>

<sc_bundles>
// kernel: kernel.11.cloned.1.call-start
scs
__scs_entry_jumppad:
0x0: {  	(pc) =	sbr.rel $0x88, $3  }
0x1: {  	(tag) =	ssettag $0x0;
	lr =	simm.s32 $0x1  }
0x2: {  	[smem:$0x3F99] =	sst lr;
	_ =	strace $0xD0000000  }
0x3: {  	_ = 	snop  }
0x4: {  	_ = 	snop  }
0x5: {  	_ = 	snop  }
0x6: {  	_ = 	snop  }
0x7: {  	_ = 	snop  }
__scs_overlays_trampoline_lowered:
0x8: {  	[smem:$0x3FA8] =	sst s0  }
0x9: {  	[smem:$0x3FA9] =	sst s1  }
0xa: {  	[smem:$0x3FAA] =	sst s2  }
0xb: {  	[smem:$0x3FAB] =	sst s3  }
0xc: {  	[smem:$0x3FAC] =	sst s4  }
0xd: {  	[smem:$0x3FAD] =	sst s5  }
0xe: {  	[smem:$0x3FAE] =	sst s6  }
0xf: {  	[smem:$0x3FAF] =	sst s7  }
0x10: {  	[smem:$0x3FB0] =	sst s8  }
0x11: {  	[smem:$0x3FB1] =	sst s9;
	s0 =	simm.s32 @!p0 $0x0  }
0x12: {  	s1 =	sld [smem:$0x3F97];
	s0 =	simm.s32 @p0 $0x1  }
0x13: {  	[smem:$0x3FB2] =	sst s0;
	s0 =	simm.s32 @!p1 $0x0  }
0x14: {  	s2 =	sld [smem:$0x3F96];
	s0 =	simm.s32 @p1 $0x1  }
0x15: {  	[smem:$0x3FB3] =	sst s0;
	s0 =	simm.s32 @!p2 $0x0  }
0x16: {  	s3 =	sld [smem:$0x3FDB];
	s0 =	simm.s32 @p2 $0x1  }
0x17: {  	s4 =	simm.s32 $0x1BF5;
	[smem:$0x3FB5] =	sst s0  }
0x18: {  	s0 =	sld [smem:$0x3F98];
	_ =	swait.ge [sflag:s4], $0x0  }
0x19: {  	s7 =	sld [smem:$0x3F99]  }
0x1a: {  	s8 =	sadd.s32 $0xFFFFE003, lr  }
0x1b: {  	s9 =	sadd.s32 $0xFFFFFEF7, lr;
	s5 =	simm.s32 $0xFFFFFFFF;
	p2 =	slt.u32 s8, $0xFFFFF086  }
0x1c: {  	p1 =	slt.u32 s9, $0xF7A;
	s5 =	simm.s32 @!p2 $0x0  }
0x1d: {  	s5 =	simm.s32 @p1 $0x1;
	p0 =	seq.s32 s7, s2  }
0x1e: {  	s7 =	smul.u32 @!p0 $0xF7A, s2;
	p2 =	seq.s32 @!p0 s5, $0x0  }
0x1f: {  	s9 =	smul.u32 $0xF7A, s1;
	s8 =	simm.s32 @!p0 $0x1BF5;
	p2 =	por !p2, p0  }
0x20: {  	[sflag:s8] =	ssyncset.s32 @!p0 $0xFFFFF086;
	s6 =	sadd.s32 @!p0 s3, s7;
	s7 =	simm.s32 @!p0 $0x108  }
0x21: {  	s3 =	sadd.s32 s3, s9;
	s6 =	sadd.s32 @!p0 $0x88, s6;
	s7 =	simm.s32 @p2 $0x1082  }
0x22: {  	[simem:s7], [sflag:s8] =	dma.local @!p0 [hbm:s6], $0xF7A  }
0x23: {  	s9 =	sor.u32 $0xD0000000, s2;
	s6 =	simm.s32 $0x108;
	_ =	swait.ge @!p0 [sflag:s8], $0x0  }
0x24: {  	s3 =	sadd.s32 $0x88, s3;
	s6 =	simm.s32 @!p1 $0x1082;
	[sflag:s4] =	ssyncset.s32 $0xFFFFF086  }
0x25: {  	[simem:s6], [sflag:s4] =	dma.local [hbm:s3], $0xF7A  }
0x26: {  	[smem:$0x3F99] =	sst s1;
	(tag) =	ssettag s2;
	_ =	strace s9  }
0x27: {  	s1 =	sld [smem:$0x3FA9]  }
0x28: {  	s2 =	sld [smem:$0x3FAA]  }
0x29: {  	s4 =	sld [smem:$0x3FAC]  }
0x2a: {  	p0 =	seq.s32 s5, $0x0;
	s5 =	sld [smem:$0x3FAD]  }
0x2b: {  	s6 =	sld [smem:$0x3FAE]  }
0x2c: {  	s7 =	sld [smem:$0x3FAF]  }
0x2d: {  	s3 =	simm.s32 $0x108;
	s8 =	sld [smem:$0x3FB0]  }
0x2e: {  	s3 =	simm.s32 @!p0 $0x1082;
	s9 =	sld [smem:$0x3FB1]  }
0x2f: {  	lr =	sadd.s32 s0, s3;
	s0 =	sld [smem:$0x3FA8]  }
0x30: {  	s3 =	sld [smem:$0x3FAB]  }
0x31: {  	[smem:$0x3FB4] =	sst s10  }
0x32: {  	s10 =	sld [smem:$0x3FB2];
	_ =	sdelay $0x3  }
0x33: {  	p0 =	seq.s32 s10, $0x1;
	s10 =	sld [smem:$0x3FB4];
	_ =	sdelay $0x3  }
0x34: {  	[smem:$0x3FB4] =	sst s10  }
0x35: {  	s10 =	sld [smem:$0x3FB3];
	_ =	sdelay $0x3  }
0x36: {  	p1 =	seq.s32 s10, $0x1;
	s10 =	sld [smem:$0x3FB4];
	_ =	sdelay $0x3  }
0x37: {  	[smem:$0x3FB4] =	sst s10  }
0x38: {  	s10 =	sld [smem:$0x3FB5]  }
0x39: {  	_ = 	snop;
	(pc) =	sbr.ind lr, $3  }
0x3a: {  	_ = 	snop  }
0x3b: {  	_ = 	snop  }
0x3c: {  	p2 =	seq.s32 s10, $0x1;
	s10 =	sld [smem:$0x3FB4]  }
0x3d: {  	_ =	shalt  }
0x3e: {  	_ =	shalt  }
0x3f: {  	_ =	shalt  }
0x40: {  	_ =	shalt  }
0x41: {  	_ =	shalt  }
0x42: {  	_ =	shalt  }
0x43: {  	_ =	shalt  }
0x44: {  	_ =	shalt  }
0x45: {  	_ =	shalt  }
0x46: {  	_ =	shalt  }
0x47: {  	_ =	shalt  }
0x48: {  	_ =	shalt  }
0x49: {  	_ =	shalt  }
0x4a: {  	_ =	shalt  }
0x4b: {  	_ =	shalt  }
0x4c: {  	_ =	shalt  }
0x4d: {  	_ =	shalt  }
0x4e: {  	_ =	shalt  }
0x4f: {  	_ =	shalt  }
0x50: {  	_ =	shalt  }
0x51: {  	_ =	shalt  }
0x52: {  	_ =	shalt  }
0x53: {  	_ =	shalt  }
0x54: {  	_ =	shalt  }
0x55: {  	_ =	shalt  }
0x56: {  	_ =	shalt  }
0x57: {  	_ =	shalt  }
0x58: {  	_ =	shalt  }
0x59: {  	_ =	shalt  }
0x5a: {  	_ =	shalt  }
0x5b: {  	_ =	shalt  }
0x5c: {  	_ =	shalt  }
0x5d: {  	_ =	shalt  }
0x5e: {  	_ =	shalt  }
0x5f: {  	_ =	shalt  }
0x60: {  	_ =	shalt  }
0x61: {  	_ =	shalt  }
0x62: {  	_ =	shalt  }
0x63: {  	_ =	shalt  }
0x64: {  	_ =	shalt  }
0x65: {  	_ =	shalt  }
0x66: {  	_ =	shalt  }
0x67: {  	_ =	shalt  }
0x68: {  	_ =	shalt  }
0x69: {  	_ =	shalt  }
0x6a: {  	_ =	shalt  }
0x6b: {  	_ =	shalt  }
0x6c: {  	_ =	shalt  }
0x6d: {  	_ =	shalt  }
0x6e: {  	_ =	shalt  }
0x6f: {  	_ =	shalt  }
0x70: {  	_ =	shalt  }
0x71: {  	_ =	shalt  }
0x72: {  	_ =	shalt  }
0x73: {  	_ =	shalt  }
0x74: {  	_ =	shalt  }
0x75: {  	_ =	shalt  }
0x76: {  	_ =	shalt  }
0x77: {  	_ =	shalt  }
0x78: {  	_ =	shalt  }
0x79: {  	_ =	shalt  }
0x7a: {  	_ =	shalt  }
0x7b: {  	_ =	shalt  }
0x7c: {  	_ =	shalt  }
0x7d: {  	_ =	shalt  }
0x7e: {  	_ =	shalt  }
0x7f: {  	_ =	shalt  }
0x80: {  	_ =	shalt  }
0x81: {  	_ =	shalt  }
0x82: {  	_ =	shalt  }
0x83: {  	_ =	shalt  }
0x84: {  	_ =	shalt  }
0x85: {  	_ =	shalt  }
0x86: {  	_ =	shalt  }
0x87: {  	_ =	shalt  }
.Lfunc_end0:
.L_simem_size_0:
called_computation.1_lowered:
.L_overlay_start_0:
0x88: {  	s2 =	sld [smem:$0x3FD9]  }
0x89: {  	s3 =	sld [smem:$0x3FFE];
	_ =	sdelay $0x1  }
0x8a: {  	s1 =	srdreg.scid  }
0x8b: {  	s0 =	sand.u32 $0x1, s1  }
0x8c: {  	s17 =	sshll.u32 s0, $0xA;
	s2 =	sadd.s32 s3, s2  }
0x8d: {  	s2 =	sadd.s32 s2, s17  }
0x8e: {  	[smem:$0x3FC0] =	sst s2  }
0x8f: {  	_ = 	snop  }
0x90: {  	s18 =	sld [smem:$0x3FC9];
	(tm) =	ssettm $0x1  }
0x91: {  	s19 =	sld [smem:$0x3FFB];
	_ =	sdelay $0x3  }
0x92: {  	_ =	strace s19  }
0x93: {  	s2 =	sld [smem:$0x3FFC];
	_ =	sdelay $0x3  }
0x94: {  	_ =	strace s2  }
0x95: {  	s2 =	sld [smem:$0x3FFD];
	_ =	sdelay $0x3  }
0x96: {  	_ =	strace s2  }
0x97: {  	_ =	strace $0x8FFFFFFF  }
0x98: {  	s20 =	sld [smem:$0x3FDB];
	_ =	sdelay $0x1  }
0x99: {  	s4 =	simm.s32 $_scs_section_size  }
0x9a: {  	s5 =	simm.s32 $_size__tile_overlayer_lowered;
	s6 =	simm.s32 $_tile_overlayer_lowered  }
0x9b: {  	s7 =	simm.s32 $0x1BFF;
	s21 =	sshll.u32 s6, $0x1;
	s4 =	sadd.s32 s4, s20  }
0x9c: {  	s22 =	simm.s32 $0x0;
	s5 =	sshll.u32 s5, $0x1;
	s6 =	sadd.s32 s21, s4  }
0x9d: {  	[timem:s22], [sflag:s7] =	dma.local [hbm:s6], s5  }
0x9e: {  	_ =	swait.ge [sflag:s7], s5  }
0x9f: {  	s5 =	ssub.s32 $0x0, s5;
	[sflag:s7] =	ssyncset.done $0x0  }
0xa0: {  	[sflag:s7] =	ssyncadd.s32 s5;
	_ =	sdelay $0x1  }
0xa1: {  	s23 =	simm.s32 $0x1B8B  }
0xa2: {  	_ =	swait.ge [sflag:s23], $0x1  }
0xa3: {  	[sflag:s23] =	ssyncset.done $0x0  }
0xa4: {  	[sflag:s23] =	ssyncadd.s32 $0xFFFFFFFF  }
0xa5: {  	s5 =	sld [smem:$0x0]  }
0xa6: {  	s6 =	sand.u32 $0xFFFFFFFE, s1  }
0xa7: {  	p0 =	sne.s32 s1, s6  }
0xa8: {  	s6 =	sshll.u32 @p0 s6, $0xE  }
0xa9: {  	s6 =	sadd.s32 @p0 $0x11B8D, s6;
	s7 =	sshll.u32 @p0 s5, $0x11  }
0xaa: {  	s6 =	sor.u32 @p0 s7, s6  }
0xab: {  	[sflag:s6] =	ssyncadd.remote.s32 @p0 $0x1;
	_ =	sdelay $0x1  }
0xac: {  	s6 =	simm.s32 @p0 $0x1B8D  }
0xad: {  	_ =	swait.eq @p0 [sflag:s6], $0x1  }
0xae: {  	[sflag:s6] =	ssyncadd.s32 @p0 $0xFFFFFFFF  }
0xaf: {  	s7 =	sshll.u32 @!p0 s1, $0xE  }
0xb0: {  	s7 =	sor.u32 @!p0 $0x4000, s7;
	s6 =	simm.s32 @!p0 $0x1B8D  }
0xb1: {  	s5 =	sshll.u32 @!p0 s5, $0x11;
	s7 =	sadd.s32 @!p0 $0x11B8D, s7;
	_ =	swait.eq @!p0 [sflag:s6], $0x1  }
0xb2: {  	s5 =	sor.u32 @!p0 s5, s7;
	[sflag:s6] =	ssyncadd.s32 @!p0 $0xFFFFFFFF  }
0xb3: {  	s25 =	simm.s32 $0x1B8E;
	s24 =	sld [smem:$0x3FFE];
	[sflag:s5] =	ssyncadd.remote.s32 @!p0 $0x1  }
0xb4: {  	s26 =	simm.s32 $execute0_lowered;
	[smem:$0x3FD2] =	sst s25  }
0xb5: {  	s6 =	sshll.u32 s26, $0x1;
	_ =	strace $0x80000049;
	[dreg:$0x1] =	wrdreg $0xFFFFFFFF  }
0xb6: {  	s28 =	simm.s32 $_size_execute0_lowered;
	s4 =	sadd.s32 s4, s6;
	[dreg:$0x0] =	wrdreg $0x0  }
0xb7: {  	s6 =	sshll.u32 s28, $0x1;
	[dreg:$0x2] =	wrdreg s4  }
0xb8: {  	[dreg:$0x3] =	wrdreg s6  }
0xb9: {  	[dreg:$0x4] =	wrdreg $0xC0  }
0xba: {  	_ =	task [dreg:s22], $0x5FFFF  }
0xbb: {  	[dreg:$0x1] =	wrdreg $0xFFFFFFFF  }
0xbc: {  	[dreg:$0x0] =	wrdreg $0x60  }
0xbd: {  	[dreg:$0x2] =	wrdreg s18  }
0xbe: {  	[dreg:$0x3] =	wrdreg s24  }
0xbf: {  	[dreg:$0x4] =	wrdreg $0xC0000  }
0xc0: {  	[dreg:$0x5] =	wrdreg $0xA  }
0xc1: {  	_ =	task.clear_ibuf [dreg:s22], $0x6FFFF;
	_ =	strace $0x90000049  }
0xc2: {  	s29 =	simm.s32 $0xA;
	_ =	strace $0x8000004B  }
0xc3: {  	_ =	swait.ge [sflag:s29], $0x1  }
0xc4: {  	[sflag:s29] =	ssyncadd.s32 $0xFFFFFFFF  }
0xc5: {  	_ =	strace $0x9000004B  }
0xc6: {  	_ =	sfence  }
0xc7: {  	s30 =	sld [smem:$0x0];
	_ =	sdelay $0x2  }
0xc8: {  	s31 =	sshll.u32 s1, $0xD;
	s1 =	sshrl.u32 s1, $0x2  }
0xc9: {  	s4 =	sand.u32 $0x4000, s31;
	s1 =	sadd.s32 s1, s30  }
0xca: {  	s0 =	sor.u32 s4, s0;
	s1 =	sshll.u32 s1, $0x11  }
0xcb: {  	s0 =	sor.u32 s1, s0  }
0xcc: {  	s0 =	sadd.s32 $0x8F2B, s0  }
0xcd: {  	[sflag:s0] =	ssyncadd.remote.s32 $0x1  }
0xce: {  	_ =	sfence.sel $0xFFFF  }
0xcf: {  	[dreg:$0x0] =	wrdreg $0xFFFFFFFF;
	(pc) =	sbr.abs _section_cstart, $3  }
0xd0: {  	[dreg:$0x1] =	wrdreg $0xFFFFFFFF  }
0xd1: {  	_ =	task.clear_ibuf [dreg:s22], $0x2FFFF;
	_ =	strace $0x9FFFFFFF  }
0xd2: {  	(tm) =	ssettm $0x7FFFFFFF  }
0xd3: {  	_ =	shalt  }
tec
execute0_lowered:
.L_overlay_start_1:
0x0: {  	(tag) =	ssettag $0x1  }
0x1: {  	s0 =	srdreg.scid;
	s9 =	stileid.u32  }
0x2: {  	s0 =	sand.u32 $0x1, s0;
	s1 =	smul.u32 $0xA000, s9  }
0x3: {  	s2 =	rddreg [dreg:$0x0];
	s4 =	smul.u32 $0x5000, s0  }
0x4: {  	s5 =	rddreg [dreg:$0x1]  }
0x5: {  	s3 =	rddreg [dreg:$0x2];
	s1 =	sadd.s32 s4, s1;
	s4 =	simm.s32 $0x0  }
0x6: {  	s22 =	simm.s32 $0x80;
	[smem:$0x7FF] =	sst s4  }
0x7: {  	s23 =	simm.s32 $0x100;
	_ =	strace $0x8000004A;
	[dreg:$0x6] =	wrdreg s22  }
0x8: {  	s24 =	simm.s32 $0x180;
	[dreg:$0x7] =	wrdreg s23  }
0x9: {  	s25 =	simm.s32 $0x200;
	s10 =	simm.s32 $0x1080;
	[dreg:$0x8] =	wrdreg s24  }
0xa: {  	s11 =	simm.s32 $0x280;
	s12 =	simm.s32 $0x1100;
	[dreg:$0x9] =	wrdreg s25  }
0xb: {  	s13 =	simm.s32 $0x300;
	s14 =	simm.s32 $0x1180;
	[dreg:$0xa] =	wrdreg s10  }
0xc: {  	s15 =	simm.s32 $0x380;
	s16 =	simm.s32 $0x1200;
	[dreg:$0xb] =	wrdreg s11  }
0xd: {  	s17 =	simm.s32 $0x400;
	s18 =	simm.s32 $0x1280;
	[dreg:$0xc] =	wrdreg s12  }
0xe: {  	s20 =	simm.s32 $0x480;
	s28 =	simm.s32 $0xB80;
	[dreg:$0xd] =	wrdreg s13  }
0xf: {  	s29 =	simm.s32 $0x1A00;
	s26 =	smul.u32 $0x13C00, s9;
	[dreg:$0xe] =	wrdreg s14  }
0x10: {  	s30 =	simm.s32 $0xC00;
	s21 =	smul.u32 $0x4F000, s9;
	[dreg:$0xf] =	wrdreg s15  }
0x11: {  	s31 =	simm.s32 $0x1A80;
	s8 =	smul.u32 $0x13C000, s0;
	[dreg:$0x10] =	wrdreg s16  }
0x12: {  	s0 =	ssub.s32 $0x2, s0;
	s7 =	sshrl.u32 s26, $0x3;
	[dreg:$0x11] =	wrdreg s17  }
0x13: {  	s19 =	sshrl.u32 s0, $0x1;
	s7 =	sadd.s32 s7, s5;
	[dreg:$0x12] =	wrdreg s18  }
0x14: {  	s0 =	ssub.s32 s0, s19;
	s7 =	sadd.s32 $0x2AE00, s7;
	[dreg:$0x13] =	wrdreg s20  }
0x15: {  	s1 =	sshrl.u32 s1, $0x3;
	s0 =	smax.u32 s0, $0x1;
	[smem:$0x7F0] =	sst s7  }
0x16: {  	s19 =	simm.s32 $0x800;
	s1 =	sadd.s32 s1, s5;
	[smem:$0x7F2] =	sst s0  }
0x17: {  	s22 =	simm.s32 $0x1300;
	s23 =	simm.s32 $0x500;
	[smem:$0x7F4] =	sst s19  }
0x18: {  	s24 =	sshrl.u32 s21, $0x2;
	s25 =	simm.s32 $0x1380;
	[dreg:$0x14] =	wrdreg s22  }
0x19: {  	s10 =	sshll.u32 s9, $0x6;
	s11 =	simm.s32 $0x600;
	[dreg:$0x15] =	wrdreg s23  }
0x1a: {  	s12 =	simm.s32 $0x1480;
	s13 =	simm.s32 $0x680;
	[dreg:$0x16] =	wrdreg s25  }
0x1b: {  	s14 =	simm.s32 $0x1500;
	s15 =	simm.s32 $0x700;
	[dreg:$0x19] =	wrdreg s11  }
0x1c: {  	s16 =	simm.s32 $0x1580;
	s17 =	simm.s32 $0x780;
	[dreg:$0x1a] =	wrdreg s12  }
0x1d: {  	s18 =	simm.s32 $0x1600;
	s20 =	simm.s32 $0x1680;
	[dreg:$0x1b] =	wrdreg s13  }
0x1e: {  	s21 =	simm.s32 $0x880;
	s19 =	simm.s32 $0x3;
	[dreg:$0x1c] =	wrdreg s14  }
0x1f: {  	s0 =	simm.s32 $0x1B80;
	s9 =	simm.s32 $0x0;
	[dreg:$0x1d] =	wrdreg s15  }
0x20: {  	s6 =	sadd.s32 $0x2E00, s1;
	s1 =	sadd.s32 $0x16E00, s1;
	[dreg:$0x1e] =	wrdreg s16  }
0x21: {  	s7 =	sor.u32 $0x1C05, s10;
	s10 =	simm.s32 $0x5;
	[dreg:$0x1f] =	wrdreg s17  }
0x22: {  	s11 =	simm.s32 $0x1000;
	s12 =	simm.s32 $0x50;
	[smem:$0x7F3] =	sst s18  }
0x23: {  	s13 =	simm.s32 $0x2000;
	s14 =	simm.s32 $0x4800;
	[smem:$0x7F5] =	sst s20  }
0x24: {  	s15 =	simm.s32 $0x7000;
	s16 =	simm.s32 $0x9800;
	[smem:$0x7F6] =	sst s21  }
0x25: {  	s22 =	simm.s32 $0x1700;
	s17 =	simm.s32 $0x1;
	[dreg:$0x4] =	wrdreg s6  }
0x26: {  	s23 =	simm.s32 $0x900;
	s18 =	simm.s32 $0x2;
	[dreg:$0x5] =	wrdreg s1  }
0x27: {  	s25 =	simm.s32 $0x980;
	s20 =	simm.s32 $0x4;
	[smem:$0x7F7] =	sst s22  }
0x28: {  	s21 =	simm.s32 $0xA00;
	s6 =	sadd.s32 s26, s8;
	[smem:$0x7F8] =	sst s23  }
0x29: {  	s26 =	simm.s32 $0x580;
	s8 =	simm.s32 $0x1400;
	[smem:$0x7FA] =	sst s25  }
0x2a: {  	s22 =	simm.s32 $0x1880;
	s23 =	simm.s32 $0xA80;
	[smem:$0x7FC] =	sst s7  }
0x2b: {  	s25 =	simm.s32 $0xB00;
	s6 =	sshrl.u32 s6, $0x3;
	[dreg:$0x17] =	wrdreg s26  }
0x2c: {  	[dreg:$0x18] =	wrdreg s8;
	s26 =	simm.s32 $0x1800;
	s5 =	sadd.s32 s6, s5  }
0x2d: {  	s6 =	sadd.s32 s24, s3;
	s24 =	simm.s32 $0x1780;
	[smem:$0x7FB] =	sst s26  }
0x2e: {  	s1 =	simm.s32 $0x1B00;
	s5 =	sadd.s32 $0x52600, s5;
	[smem:$0x7F9] =	sst s24  }
0x2f: {  	s26 =	simm.s32 $0x1980;
	s8 =	sshrl.u32 s6, $0x3;
	[smem:$0x7F1] =	sst s5  }
0x30: {  	s24 =	simm.s32 $0x1900;
	s5 =	simm.s32 $0x1C00;
	[smem:$0x7FD] =	sst s8  }
.LBB2_1:
0x31: {  	s6 =	sld [smem:$0x7F0];
	_ =	sdelay $0x1  }
0x32: {  	[smem:$0x7EF] =	sst s9  }
0x33: {  	[spmem:s8], [sflag:s7] =	dma.local [hbm:s6], $0x2780  }
0x34: {  	_ =	swait.ge [sflag:s10], $0x2780  }
0x35: {  	[sflag:s10] =	ssyncset.done $0x0  }
0x36: {  	[sflag:s10] =	ssyncadd.s32 $0xFFFFD880  }
0x37: {  	[bflag:$0x0] =	sbarrier.arrive $0xFFFF  }
0x38: {  	s9 =	rddreg [dreg:$0x5]  }
0x39: {  	s6 =	sadd.s32 $0x0, s9  }
0x3a: {  	[tilespmem:s4], [sflag:$0x5] =	stream.linear.gather [hbm4b:s6+s4], $0xC80, $0x38;
	[tilespmem:$0x1FC00] =	vst v63  }
0x3b: {  	_ =	swait.ge [sflag:s10], $0xC80  }
0x3c: {  	s7 =	rddreg [dreg:$0x4];
	[sflag:s10] =	ssyncset.done $0x0  }
0x3d: {  	[sflag:s10] =	ssyncadd.s32 $0xFFFFF380;
	s6 =	sadd.s32 $0x0, s7  }
0x3e: {  	[tilespmem:s11], [sflag:$0x5] =	stream.linear.gather [hbm4b:s6+s4], $0xC80, $0x38;
	[tilespmem:$0x1FC00] =	vst v63  }
0x3f: {  	_ =	swait.ge [sflag:s10], $0xC80  }
0x40: {  	[sflag:s10] =	ssyncset.done $0x0  }
0x41: {  	[sflag:s10] =	ssyncadd.s32 $0xFFFFF380  }
0x42: {  	[tilespmem:s13], [sflag:$0x1] =	stream.indirect.gather [hbm4b:s2+s12], $0x80, s4, s12, $0xb8;
	[tilespmem:$0x1FC00] =	vst v63  }
0x43: {  	s8 =	rddreg [dreg:$0x6]  }
0x44: {  	[tilespmem:s14], [sflag:$0x2] =	stream.indirect.gather [hbm4b:s2+s12], $0x80, s8, s12, $0xb8;
	[tilespmem:$0x1FC00] =	vst v63  }
0x45: {  	s9 =	rddreg [dreg:$0x7]  }
0x46: {  	[tilespmem:s15], [sflag:$0x3] =	stream.indirect.gather [hbm4b:s2+s12], $0x80, s9, s12, $0xb8;
	[tilespmem:$0x1FC00] =	vst v63  }
0x47: {  	s7 =	rddreg [dreg:$0x8]  }
0x48: {  	[tilespmem:s16], [sflag:$0x4] =	stream.indirect.gather [hbm4b:s2+s12], $0x80, s7, s12, $0xb8;
	[tilespmem:$0x1FC00] =	vst v63  }
0x49: {  	_ =	swait.ge [sflag:s17], $0x2800  }
0x4a: {  	[sflag:s17] =	ssyncset.done $0x0  }
0x4b: {  	[sflag:s17] =	ssyncadd.s32 $0xFFFFD800  }
0x4c: {  	[spmem:s3] =	stream.indirect.scatter.add.f32 [tilespmem:s13], [sflag:$0x5], $0x80, s11, s12, $0xb8;
	[tilespmem:$0x1FC00] =	vst v63  }
0x4d: {  	_ =	swait.ge [sflag:s10], $0x2800  }
0x4e: {  	[sflag:s10] =	ssyncset.done $0x0  }
0x4f: {  	s8 =	rddreg [dreg:$0x9];
	[sflag:s10] =	ssyncadd.s32 $0xFFFFD800  }
0x50: {  	[tilespmem:s13], [sflag:$0x1] =	stream.indirect.gather [hbm4b:s2+s12], $0x80, s8, s12, $0xb8;
	[tilespmem:$0x1FC00] =	vst v63  }
0x51: {  	_ =	swait.ge [sflag:s18], $0x2800  }
0x52: {  	[sflag:s18] =	ssyncset.done $0x0  }
0x53: {  	s9 =	rddreg [dreg:$0xa];
	[sflag:s18] =	ssyncadd.s32 $0xFFFFD800  }
0x54: {  	[spmem:s3] =	stream.indirect.scatter.add.f32 [tilespmem:s14], [sflag:$0x5], $0x80, s9, s12, $0xb8;
	[tilespmem:$0x1FC00] =	vst v63  }
0x55: {  	_ =	swait.ge [sflag:s10], $0x2800  }
0x56: {  	[sflag:s10] =	ssyncset.done $0x0  }
0x57: {  	s7 =	rddreg [dreg:$0xb];
	[sflag:s10] =	ssyncadd.s32 $0xFFFFD800  }
0x58: {  	[tilespmem:s14], [sflag:$0x2] =	stream.indirect.gather [hbm4b:s2+s12], $0x80, s7, s12, $0xb8;
	[tilespmem:$0x1FC00] =	vst v63  }
0x59: {  	_ =	swait.ge [sflag:s19], $0x2800  }
0x5a: {  	[sflag:s19] =	ssyncset.done $0x0  }
0x5b: {  	s8 =	rddreg [dreg:$0xc];
	[sflag:s19] =	ssyncadd.s32 $0xFFFFD800  }
0x5c: {  	[spmem:s3] =	stream.indirect.scatter.add.f32 [tilespmem:s15], [sflag:$0x5], $0x80, s8, s12, $0xb8;
	[tilespmem:$0x1FC00] =	vst v63  }
0x5d: {  	_ =	swait.ge [sflag:s10], $0x2800  }
0x5e: {  	[sflag:s10] =	ssyncset.done $0x0  }
0x5f: {  	s9 =	rddreg [dreg:$0xd];
	[sflag:s10] =	ssyncadd.s32 $0xFFFFD800  }
0x60: {  	[tilespmem:s15], [sflag:$0x3] =	stream.indirect.gather [hbm4b:s2+s12], $0x80, s9, s12, $0xb8;
	[tilespmem:$0x1FC00] =	vst v63  }
0x61: {  	_ =	swait.ge [sflag:s20], $0x2800  }
0x62: {  	[sflag:s20] =	ssyncset.done $0x0  }
0x63: {  	s7 =	rddreg [dreg:$0xe];
	[sflag:s20] =	ssyncadd.s32 $0xFFFFD800  }
0x64: {  	[spmem:s3] =	stream.indirect.scatter.add.f32 [tilespmem:s16], [sflag:$0x5], $0x80, s7, s12, $0xb8;
	[tilespmem:$0x1FC00] =	vst v63  }
0x65: {  	_ =	swait.ge [sflag:s10], $0x2800  }
0x66: {  	[sflag:s10] =	ssyncset.done $0x0  }
0x67: {  	s8 =	rddreg [dreg:$0xf];
	[sflag:s10] =	ssyncadd.s32 $0xFFFFD800  }
0x68: {  	[tilespmem:s16], [sflag:$0x4] =	stream.indirect.gather [hbm4b:s2+s12], $0x80, s8, s12, $0xb8;
	[tilespmem:$0x1FC00] =	vst v63  }
0x69: {  	_ =	swait.ge [sflag:s17], $0x2800  }
0x6a: {  	[sflag:s17] =	ssyncset.done $0x0  }
0x6b: {  	s9 =	rddreg [dreg:$0x10];
	[sflag:s17] =	ssyncadd.s32 $0xFFFFD800  }
0x6c: {  	[spmem:s3] =	stream.indirect.scatter.add.f32 [tilespmem:s13], [sflag:$0x5], $0x80, s9, s12, $0xb8;
	[tilespmem:$0x1FC00] =	vst v63  }
0x6d: {  	_ =	swait.ge [sflag:s10], $0x2800  }
0x6e: {  	[sflag:s10] =	ssyncset.done $0x0  }
0x6f: {  	s7 =	rddreg [dreg:$0x11];
	[sflag:s10] =	ssyncadd.s32 $0xFFFFD800  }
0x70: {  	[tilespmem:s13], [sflag:$0x1] =	stream.indirect.gather [hbm4b:s2+s12], $0x80, s7, s12, $0xb8;
	[tilespmem:$0x1FC00] =	vst v63  }
0x71: {  	_ =	swait.ge [sflag:s18], $0x2800  }
0x72: {  	[sflag:s18] =	ssyncset.done $0x0  }
0x73: {  	s8 =	rddreg [dreg:$0x12];
	[sflag:s18] =	ssyncadd.s32 $0xFFFFD800  }
0x74: {  	[spmem:s3] =	stream.indirect.scatter.add.f32 [tilespmem:s14], [sflag:$0x5], $0x80, s8, s12, $0xb8;
	[tilespmem:$0x1FC00] =	vst v63  }
0x75: {  	_ =	swait.ge [sflag:s10], $0x2800  }
0x76: {  	[sflag:s10] =	ssyncset.done $0x0  }
0x77: {  	s9 =	rddreg [dreg:$0x13];
	[sflag:s10] =	ssyncadd.s32 $0xFFFFD800  }
0x78: {  	[tilespmem:s14], [sflag:$0x2] =	stream.indirect.gather [hbm4b:s2+s12], $0x80, s9, s12, $0xb8;
	[tilespmem:$0x1FC00] =	vst v63  }
0x79: {  	_ =	swait.ge [sflag:s19], $0x2800  }
0x7a: {  	[sflag:s19] =	ssyncset.done $0x0  }
0x7b: {  	s7 =	rddreg [dreg:$0x14];
	[sflag:s19] =	ssyncadd.s32 $0xFFFFD800  }
0x7c: {  	[spmem:s3] =	stream.indirect.scatter.add.f32 [tilespmem:s15], [sflag:$0x5], $0x80, s7, s12, $0xb8;
	[tilespmem:$0x1FC00] =	vst v63  }
0x7d: {  	_ =	swait.ge [sflag:s10], $0x2800  }
0x7e: {  	[sflag:s10] =	ssyncset.done $0x0  }
0x7f: {  	s8 =	rddreg [dreg:$0x15];
	[sflag:s10] =	ssyncadd.s32 $0xFFFFD800  }
0x80: {  	[tilespmem:s15], [sflag:$0x3] =	stream.indirect.gather [hbm4b:s2+s12], $0x80, s8, s12, $0xb8;
	[tilespmem:$0x1FC00] =	vst v63  }
0x81: {  	_ =	swait.ge [sflag:s20], $0x2800  }
0x82: {  	[sflag:s20] =	ssyncset.done $0x0  }
0x83: {  	s9 =	rddreg [dreg:$0x16];
	[sflag:s20] =	ssyncadd.s32 $0xFFFFD800  }
0x84: {  	[spmem:s3] =	stream.indirect.scatter.add.f32 [tilespmem:s16], [sflag:$0x5], $0x80, s9, s12, $0xb8;
	[tilespmem:$0x1FC00] =	vst v63  }
0x85: {  	_ =	swait.ge [sflag:s10], $0x2800  }
0x86: {  	[sflag:s10] =	ssyncset.done $0x0  }
0x87: {  	s7 =	rddreg [dreg:$0x17];
	[sflag:s10] =	ssyncadd.s32 $0xFFFFD800  }
0x88: {  	[tilespmem:s16], [sflag:$0x4] =	stream.indirect.gather [hbm4b:s2+s12], $0x80, s7, s12, $0xb8;
	[tilespmem:$0x1FC00] =	vst v63  }
0x89: {  	_ =	swait.ge [sflag:s17], $0x2800  }
0x8a: {  	[sflag:s17] =	ssyncset.done $0x0  }
0x8b: {  	s8 =	rddreg [dreg:$0x18];
	[sflag:s17] =	ssyncadd.s32 $0xFFFFD800  }
0x8c: {  	[spmem:s3] =	stream.indirect.scatter.add.f32 [tilespmem:s13], [sflag:$0x5], $0x80, s8, s12, $0xb8;
	[tilespmem:$0x1FC00] =	vst v63  }
0x8d: {  	_ =	swait.ge [sflag:s10], $0x2800  }
0x8e: {  	[sflag:s10] =	ssyncset.done $0x0  }
0x8f: {  	s9 =	rddreg [dreg:$0x19];
	[sflag:s10] =	ssyncadd.s32 $0xFFFFD800  }
0x90: {  	[tilespmem:s13], [sflag:$0x1] =	stream.indirect.gather [hbm4b:s2+s12], $0x80, s9, s12, $0xb8;
	[tilespmem:$0x1FC00] =	vst v63  }
0x91: {  	_ =	swait.ge [sflag:s18], $0x2800  }
0x92: {  	[sflag:s18] =	ssyncset.done $0x0  }
0x93: {  	s7 =	rddreg [dreg:$0x1a];
	[sflag:s18] =	ssyncadd.s32 $0xFFFFD800  }
0x94: {  	[spmem:s3] =	stream.indirect.scatter.add.f32 [tilespmem:s14], [sflag:$0x5], $0x80, s7, s12, $0xb8;
	[tilespmem:$0x1FC00] =	vst v63  }
0x95: {  	_ =	swait.ge [sflag:s10], $0x2800  }
0x96: {  	[sflag:s10] =	ssyncset.done $0x0  }
0x97: {  	s8 =	rddreg [dreg:$0x1b];
	[sflag:s10] =	ssyncadd.s32 $0xFFFFD800  }
0x98: {  	[tilespmem:s14], [sflag:$0x2] =	stream.indirect.gather [hbm4b:s2+s12], $0x80, s8, s12, $0xb8;
	[tilespmem:$0x1FC00] =	vst v63  }
0x99: {  	_ =	swait.ge [sflag:s19], $0x2800  }
0x9a: {  	[sflag:s19] =	ssyncset.done $0x0  }
0x9b: {  	s9 =	rddreg [dreg:$0x1c];
	[sflag:s19] =	ssyncadd.s32 $0xFFFFD800  }
0x9c: {  	[spmem:s3] =	stream.indirect.scatter.add.f32 [tilespmem:s15], [sflag:$0x5], $0x80, s9, s12, $0xb8;
	[tilespmem:$0x1FC00] =	vst v63  }
0x9d: {  	_ =	swait.ge [sflag:s10], $0x2800  }
0x9e: {  	[sflag:s10] =	ssyncset.done $0x0  }
0x9f: {  	s7 =	rddreg [dreg:$0x1d];
	[sflag:s10] =	ssyncadd.s32 $0xFFFFD800  }
0xa0: {  	[tilespmem:s15], [sflag:$0x3] =	stream.indirect.gather [hbm4b:s2+s12], $0x80, s7, s12, $0xb8;
	[tilespmem:$0x1FC00] =	vst v63  }
0xa1: {  	_ =	swait.ge [sflag:s20], $0x2800  }
0xa2: {  	[sflag:s20] =	ssyncset.done $0x0  }
0xa3: {  	s8 =	rddreg [dreg:$0x1e];
	[sflag:s20] =	ssyncadd.s32 $0xFFFFD800  }
0xa4: {  	[spmem:s3] =	stream.indirect.scatter.add.f32 [tilespmem:s16], [sflag:$0x5], $0x80, s8, s12, $0xb8;
	[tilespmem:$0x1FC00] =	vst v63  }
0xa5: {  	_ =	swait.ge [sflag:s10], $0x2800  }
0xa6: {  	[sflag:s10] =	ssyncset.done $0x0  }
0xa7: {  	s9 =	rddreg [dreg:$0x1f];
	[sflag:s10] =	ssyncadd.s32 $0xFFFFD800  }
0xa8: {  	[tilespmem:s16], [sflag:$0x4] =	stream.indirect.gather [hbm4b:s2+s12], $0x80, s9, s12, $0xb8;
	[tilespmem:$0x1FC00] =	vst v63  }
0xa9: {  	_ =	swait.ge [sflag:s17], $0x2800  }
0xaa: {  	s7 =	sld [smem:$0x7F3]  }
0xab: {  	[sflag:s17] =	ssyncset.done $0x0  }
0xac: {  	[sflag:s17] =	ssyncadd.s32 $0xFFFFD800  }
0xad: {  	[spmem:s3] =	stream.indirect.scatter.add.f32 [tilespmem:s13], [sflag:$0x5], $0x80, s7, s12, $0xb8;
	[tilespmem:$0x1FC00] =	vst v63  }
0xae: {  	_ =	swait.ge [sflag:s10], $0x2800  }
0xaf: {  	s8 =	sld [smem:$0x7F4]  }
0xb0: {  	[sflag:s10] =	ssyncset.done $0x0  }
0xb1: {  	[sflag:s10] =	ssyncadd.s32 $0xFFFFD800  }
0xb2: {  	[tilespmem:s13], [sflag:$0x1] =	stream.indirect.gather [hbm4b:s2+s12], $0x80, s8, s12, $0xb8;
	[tilespmem:$0x1FC00] =	vst v63  }
0xb3: {  	_ =	swait.ge [sflag:s18], $0x2800  }
0xb4: {  	s9 =	sld [smem:$0x7F5]  }
0xb5: {  	[sflag:s18] =	ssyncset.done $0x0  }
0xb6: {  	[sflag:s18] =	ssyncadd.s32 $0xFFFFD800  }
0xb7: {  	[spmem:s3] =	stream.indirect.scatter.add.f32 [tilespmem:s14], [sflag:$0x5], $0x80, s9, s12, $0xb8;
	[tilespmem:$0x1FC00] =	vst v63  }
0xb8: {  	_ =	swait.ge [sflag:s10], $0x2800  }
0xb9: {  	s7 =	sld [smem:$0x7F6]  }
0xba: {  	[sflag:s10] =	ssyncset.done $0x0  }
0xbb: {  	[sflag:s10] =	ssyncadd.s32 $0xFFFFD800  }
0xbc: {  	[tilespmem:s14], [sflag:$0x2] =	stream.indirect.gather [hbm4b:s2+s12], $0x80, s7, s12, $0xb8;
	[tilespmem:$0x1FC00] =	vst v63  }
0xbd: {  	_ =	swait.ge [sflag:s19], $0x2800  }
0xbe: {  	s8 =	sld [smem:$0x7F7]  }
0xbf: {  	[sflag:s19] =	ssyncset.done $0x0  }
0xc0: {  	[sflag:s19] =	ssyncadd.s32 $0xFFFFD800  }
0xc1: {  	[spmem:s3] =	stream.indirect.scatter.add.f32 [tilespmem:s15], [sflag:$0x5], $0x80, s8, s12, $0xb8;
	[tilespmem:$0x1FC00] =	vst v63  }
0xc2: {  	_ =	swait.ge [sflag:s10], $0x2800  }
0xc3: {  	s9 =	sld [smem:$0x7F8]  }
0xc4: {  	[sflag:s10] =	ssyncset.done $0x0  }
0xc5: {  	[sflag:s10] =	ssyncadd.s32 $0xFFFFD800  }
0xc6: {  	[tilespmem:s15], [sflag:$0x3] =	stream.indirect.gather [hbm4b:s2+s12], $0x80, s9, s12, $0xb8;
	[tilespmem:$0x1FC00] =	vst v63  }
0xc7: {  	_ =	swait.ge [sflag:s20], $0x2800  }
0xc8: {  	s7 =	sld [smem:$0x7F9]  }
0xc9: {  	[sflag:s20] =	ssyncset.done $0x0  }
0xca: {  	[sflag:s20] =	ssyncadd.s32 $0xFFFFD800  }
0xcb: {  	[spmem:s3] =	stream.indirect.scatter.add.f32 [tilespmem:s16], [sflag:$0x5], $0x80, s7, s12, $0xb8;
	[tilespmem:$0x1FC00] =	vst v63  }
0xcc: {  	_ =	swait.ge [sflag:s10], $0x2800  }
0xcd: {  	s8 =	sld [smem:$0x7FA]  }
0xce: {  	[sflag:s10] =	ssyncset.done $0x0  }
0xcf: {  	[sflag:s10] =	ssyncadd.s32 $0xFFFFD800  }
0xd0: {  	[tilespmem:s16], [sflag:$0x4] =	stream.indirect.gather [hbm4b:s2+s12], $0x80, s8, s12, $0xb8;
	[tilespmem:$0x1FC00] =	vst v63  }
0xd1: {  	_ =	swait.ge [sflag:s17], $0x2800  }
0xd2: {  	s9 =	sld [smem:$0x7FB]  }
0xd3: {  	[sflag:s17] =	ssyncset.done $0x0  }
0xd4: {  	[sflag:s17] =	ssyncadd.s32 $0xFFFFD800  }
0xd5: {  	[spmem:s3] =	stream.indirect.scatter.add.f32 [tilespmem:s13], [sflag:$0x5], $0x80, s9, s12, $0xb8;
	[tilespmem:$0x1FC00] =	vst v63  }
0xd6: {  	_ =	swait.ge [sflag:s10], $0x2800  }
0xd7: {  	[sflag:s10] =	ssyncset.done $0x0  }
0xd8: {  	[sflag:s10] =	ssyncadd.s32 $0xFFFFD800  }
0xd9: {  	[tilespmem:s13], [sflag:$0x1] =	stream.indirect.gather [hbm4b:s2+s12], $0x80, s21, s12, $0xb8;
	[tilespmem:$0x1FC00] =	vst v63  }
0xda: {  	_ =	swait.ge [sflag:s18], $0x2800  }
0xdb: {  	[sflag:s18] =	ssyncset.done $0x0  }
0xdc: {  	[sflag:s18] =	ssyncadd.s32 $0xFFFFD800  }
0xdd: {  	[spmem:s3] =	stream.indirect.scatter.add.f32 [tilespmem:s14], [sflag:$0x5], $0x80, s22, s12, $0xb8;
	[tilespmem:$0x1FC00] =	vst v63  }
0xde: {  	_ =	swait.ge [sflag:s10], $0x2800  }
0xdf: {  	[sflag:s10] =	ssyncset.done $0x0  }
0xe0: {  	[sflag:s10] =	ssyncadd.s32 $0xFFFFD800  }
0xe1: {  	[tilespmem:s14], [sflag:$0x2] =	stream.indirect.gather [hbm4b:s2+s12], $0x80, s23, s12, $0xb8;
	[tilespmem:$0x1FC00] =	vst v63  }
0xe2: {  	_ =	swait.ge [sflag:s19], $0x2800  }
0xe3: {  	[sflag:s19] =	ssyncset.done $0x0  }
0xe4: {  	[sflag:s19] =	ssyncadd.s32 $0xFFFFD800  }
0xe5: {  	[spmem:s3] =	stream.indirect.scatter.add.f32 [tilespmem:s15], [sflag:$0x5], $0x80, s24, s12, $0xb8;
	[tilespmem:$0x1FC00] =	vst v63  }
0xe6: {  	_ =	swait.ge [sflag:s10], $0x2800  }
0xe7: {  	[sflag:s10] =	ssyncset.done $0x0  }
0xe8: {  	[sflag:s10] =	ssyncadd.s32 $0xFFFFD800  }
0xe9: {  	[tilespmem:s15], [sflag:$0x3] =	stream.indirect.gather [hbm4b:s2+s12], $0x80, s25, s12, $0xb8;
	[tilespmem:$0x1FC00] =	vst v63  }
0xea: {  	_ =	swait.ge [sflag:s20], $0x2800  }
0xeb: {  	[sflag:s20] =	ssyncset.done $0x0  }
0xec: {  	[sflag:s20] =	ssyncadd.s32 $0xFFFFD800  }
0xed: {  	[spmem:s3] =	stream.indirect.scatter.add.f32 [tilespmem:s16], [sflag:$0x5], $0x80, s26, s12, $0xb8;
	[tilespmem:$0x1FC00] =	vst v63  }
0xee: {  	_ =	swait.ge [sflag:s10], $0x2800  }
0xef: {  	[sflag:s10] =	ssyncset.done $0x0  }
0xf0: {  	[sflag:s10] =	ssyncadd.s32 $0xFFFFD800  }
0xf1: {  	[tilespmem:s16], [sflag:$0x4] =	stream.indirect.gather [hbm4b:s2+s12], $0x80, s28, s12, $0xb8;
	[tilespmem:$0x1FC00] =	vst v63  }
0xf2: {  	_ =	swait.ge [sflag:s17], $0x2800  }
0xf3: {  	[sflag:s17] =	ssyncset.done $0x0  }
0xf4: {  	[sflag:s17] =	ssyncadd.s32 $0xFFFFD800  }
0xf5: {  	[spmem:s3] =	stream.indirect.scatter.add.f32 [tilespmem:s13], [sflag:$0x5], $0x80, s29, s12, $0xb8;
	[tilespmem:$0x1FC00] =	vst v63  }
0xf6: {  	_ =	swait.ge [sflag:s10], $0x2800  }
0xf7: {  	[sflag:s10] =	ssyncset.done $0x0  }
0xf8: {  	[sflag:s10] =	ssyncadd.s32 $0xFFFFD800  }
0xf9: {  	[tilespmem:s13], [sflag:$0x1] =	stream.indirect.gather [hbm4b:s2+s12], $0x80, s30, s12, $0xb8;
	[tilespmem:$0x1FC00] =	vst v63  }
0xfa: {  	_ =	swait.ge [sflag:s18], $0x2800  }
0xfb: {  	[sflag:s18] =	ssyncset.done $0x0  }
0xfc: {  	[sflag:s18] =	ssyncadd.s32 $0xFFFFD800  }
0xfd: {  	[spmem:s3] =	stream.indirect.scatter.add.f32 [tilespmem:s14], [sflag:$0x5], $0x80, s31, s12, $0xb8;
	[tilespmem:$0x1FC00] =	vst v63  }
0xfe: {  	_ =	swait.ge [sflag:s10], $0x2800  }
0xff: {  	[sflag:s10] =	ssyncset.done $0x0  }
0x100: {  	[sflag:s10] =	ssyncadd.s32 $0xFFFFD800  }
0x101: {  	_ =	swait.ge [sflag:s19], $0x2800  }
0x102: {  	[sflag:s19] =	ssyncset.done $0x0  }
0x103: {  	[sflag:s19] =	ssyncadd.s32 $0xFFFFD800  }
0x104: {  	[spmem:s3] =	stream.indirect.scatter.add.f32 [tilespmem:s15], [sflag:$0x5], $0x80, s1, s12, $0xb8;
	[tilespmem:$0x1FC00] =	vst v63  }
0x105: {  	_ =	swait.ge [sflag:s10], $0x2800  }
0x106: {  	[sflag:s10] =	ssyncset.done $0x0  }
0x107: {  	[sflag:s10] =	ssyncadd.s32 $0xFFFFD800  }
0x108: {  	_ =	swait.ge [sflag:s20], $0x2800  }
0x109: {  	[sflag:s20] =	ssyncset.done $0x0  }
0x10a: {  	[sflag:s20] =	ssyncadd.s32 $0xFFFFD800  }
0x10b: {  	[spmem:s3] =	stream.indirect.scatter.add.f32 [tilespmem:s16], [sflag:$0x5], $0x80, s0, s12, $0xb8;
	[tilespmem:$0x1FC00] =	vst v63  }
0x10c: {  	_ =	swait.ge [sflag:s10], $0x2800  }
0x10d: {  	[sflag:s10] =	ssyncset.done $0x0  }
0x10e: {  	[sflag:s10] =	ssyncadd.s32 $0xFFFFD800  }
0x10f: {  	_ =	swait.ge [sflag:s17], $0x2800  }
0x110: {  	[sflag:s17] =	ssyncset.done $0x0  }
0x111: {  	[sflag:s17] =	ssyncadd.s32 $0xFFFFD800  }
0x112: {  	[spmem:s3] =	stream.indirect.scatter.add.f32 [tilespmem:s13], [sflag:$0x5], $0x80, s5, s12, $0xb8;
	[tilespmem:$0x1FC00] =	vst v63  }
0x113: {  	s6 =	simm.s32 $0x400;
	_ =	swait.ge [sflag:s10], $0x2800  }
0x114: {  	s8 =	simm.s32 $0x200;
	s9 =	rddreg [dreg:$0x5];
	[sflag:s10] =	ssyncset.done $0x0  }
.LBB2_2:
0x115: {  	[sflag:s10] =	ssyncadd.s32 $0xFFFFD800;
	s9 =	sadd.s32 s8, s9  }
0x116: {  	[tilespmem:s4], [sflag:$0x5] =	stream.linear.gather [hbm4b:s9+s4], $0xC80, $0x38;
	[tilespmem:$0x1FC00] =	vst v63  }
0x117: {  	_ =	swait.ge [sflag:s10], $0xC80  }
0x118: {  	s9 =	rddreg [dreg:$0x4];
	[sflag:s10] =	ssyncset.done $0x0  }
0x119: {  	[sflag:s10] =	ssyncadd.s32 $0xFFFFF380;
	s9 =	sadd.s32 s8, s9  }
0x11a: {  	[tilespmem:s11], [sflag:$0x5] =	stream.linear.gather [hbm4b:s9+s4], $0xC80, $0x38;
	[tilespmem:$0x1FC00] =	vst v63  }
0x11b: {  	_ =	swait.ge [sflag:s10], $0xC80  }
0x11c: {  	[sflag:s10] =	ssyncset.done $0x0  }
0x11d: {  	s7 =	smov.u32 s6;
	[sflag:s10] =	ssyncadd.s32 $0xFFFFF380  }
0x11e: {  	[tilespmem:s13], [sflag:$0x1] =	stream.indirect.gather [hbm4b:s2+s12], $0x80, s4, s12, $0xb8;
	[tilespmem:$0x1FC00] =	vst v63  }
0x11f: {  	s8 =	smov.u32 s7;
	s7 =	rddreg [dreg:$0x6]  }
0x120: {  	[tilespmem:s14], [sflag:$0x2] =	stream.indirect.gather [hbm4b:s2+s12], $0x80, s7, s12, $0xb8;
	[tilespmem:$0x1FC00] =	vst v63  }
0x121: {  	s9 =	rddreg [dreg:$0x7]  }
0x122: {  	[tilespmem:s15], [sflag:$0x3] =	stream.indirect.gather [hbm4b:s2+s12], $0x80, s9, s12, $0xb8;
	[tilespmem:$0x1FC00] =	vst v63  }
0x123: {  	s7 =	rddreg [dreg:$0x8]  }
0x124: {  	[tilespmem:s16], [sflag:$0x4] =	stream.indirect.gather [hbm4b:s2+s12], $0x80, s7, s12, $0xb8;
	[tilespmem:$0x1FC00] =	vst v63  }
0x125: {  	_ =	swait.ge [sflag:s17], $0x2800  }
0x126: {  	[sflag:s17] =	ssyncset.done $0x0  }
0x127: {  	[sflag:s17] =	ssyncadd.s32 $0xFFFFD800  }
0x128: {  	[spmem:s3] =	stream.indirect.scatter.add.f32 [tilespmem:s13], [sflag:$0x5], $0x80, s11, s12, $0xb8;
	[tilespmem:$0x1FC00] =	vst v63  }
0x129: {  	_ =	swait.ge [sflag:s10], $0x2800  }
0x12a: {  	[sflag:s10] =	ssyncset.done $0x0  }
0x12b: {  	s9 =	rddreg [dreg:$0x9];
	[sflag:s10] =	ssyncadd.s32 $0xFFFFD800  }
0x12c: {  	[tilespmem:s13], [sflag:$0x1] =	stream.indirect.gather [hbm4b:s2+s12], $0x80, s9, s12, $0xb8;
	[tilespmem:$0x1FC00] =	vst v63  }
0x12d: {  	_ =	swait.ge [sflag:s18], $0x2800  }
0x12e: {  	[sflag:s18] =	ssyncset.done $0x0  }
0x12f: {  	s9 =	rddreg [dreg:$0xa];
	[sflag:s18] =	ssyncadd.s32 $0xFFFFD800  }
0x130: {  	[spmem:s3] =	stream.indirect.scatter.add.f32 [tilespmem:s14], [sflag:$0x5], $0x80, s9, s12, $0xb8;
	[tilespmem:$0x1FC00] =	vst v63  }
0x131: {  	_ =	swait.ge [sflag:s10], $0x2800  }
0x132: {  	[sflag:s10] =	ssyncset.done $0x0  }
0x133: {  	s9 =	rddreg [dreg:$0xb];
	[sflag:s10] =	ssyncadd.s32 $0xFFFFD800  }
0x134: {  	[tilespmem:s14], [sflag:$0x2] =	stream.indirect.gather [hbm4b:s2+s12], $0x80, s9, s12, $0xb8;
	[tilespmem:$0x1FC00] =	vst v63  }
0x135: {  	_ =	swait.ge [sflag:s19], $0x2800  }
0x136: {  	[sflag:s19] =	ssyncset.done $0x0  }
0x137: {  	s9 =	rddreg [dreg:$0xc];
	[sflag:s19] =	ssyncadd.s32 $0xFFFFD800  }
0x138: {  	[spmem:s3] =	stream.indirect.scatter.add.f32 [tilespmem:s15], [sflag:$0x5], $0x80, s9, s12, $0xb8;
	[tilespmem:$0x1FC00] =	vst v63  }
0x139: {  	_ =	swait.ge [sflag:s10], $0x2800  }
0x13a: {  	[sflag:s10] =	ssyncset.done $0x0  }
0x13b: {  	s9 =	rddreg [dreg:$0xd];
	[sflag:s10] =	ssyncadd.s32 $0xFFFFD800  }
0x13c: {  	[tilespmem:s15], [sflag:$0x3] =	stream.indirect.gather [hbm4b:s2+s12], $0x80, s9, s12, $0xb8;
	[tilespmem:$0x1FC00] =	vst v63  }
0x13d: {  	_ =	swait.ge [sflag:s20], $0x2800  }
0x13e: {  	[sflag:s20] =	ssyncset.done $0x0  }
0x13f: {  	s9 =	rddreg [dreg:$0xe];
	[sflag:s20] =	ssyncadd.s32 $0xFFFFD800  }
0x140: {  	[spmem:s3] =	stream.indirect.scatter.add.f32 [tilespmem:s16], [sflag:$0x5], $0x80, s9, s12, $0xb8;
	[tilespmem:$0x1FC00] =	vst v63  }
0x141: {  	_ =	swait.ge [sflag:s10], $0x2800  }
0x142: {  	[sflag:s10] =	ssyncset.done $0x0  }
0x143: {  	s9 =	rddreg [dreg:$0xf];
	[sflag:s10] =	ssyncadd.s32 $0xFFFFD800  }
0x144: {  	[tilespmem:s16], [sflag:$0x4] =	stream.indirect.gather [hbm4b:s2+s12], $0x80, s9, s12, $0xb8;
	[tilespmem:$0x1FC00] =	vst v63  }
0x145: {  	_ =	swait.ge [sflag:s17], $0x2800  }
0x146: {  	[sflag:s17] =	ssyncset.done $0x0  }
0x147: {  	s9 =	rddreg [dreg:$0x10];
	[sflag:s17] =	ssyncadd.s32 $0xFFFFD800  }
0x148: {  	[spmem:s3] =	stream.indirect.scatter.add.f32 [tilespmem:s13], [sflag:$0x5], $0x80, s9, s12, $0xb8;
	[tilespmem:$0x1FC00] =	vst v63  }
0x149: {  	_ =	swait.ge [sflag:s10], $0x2800  }
0x14a: {  	[sflag:s10] =	ssyncset.done $0x0  }
0x14b: {  	s9 =	rddreg [dreg:$0x11];
	[sflag:s10] =	ssyncadd.s32 $0xFFFFD800  }
0x14c: {  	[tilespmem:s13], [sflag:$0x1] =	stream.indirect.gather [hbm4b:s2+s12], $0x80, s9, s12, $0xb8;
	[tilespmem:$0x1FC00] =	vst v63  }
0x14d: {  	_ =	swait.ge [sflag:s18], $0x2800  }
0x14e: {  	[sflag:s18] =	ssyncset.done $0x0  }
0x14f: {  	s9 =	rddreg [dreg:$0x12];
	[sflag:s18] =	ssyncadd.s32 $0xFFFFD800  }
0x150: {  	[spmem:s3] =	stream.indirect.scatter.add.f32 [tilespmem:s14], [sflag:$0x5], $0x80, s9, s12, $0xb8;
	[tilespmem:$0x1FC00] =	vst v63  }
0x151: {  	_ =	swait.ge [sflag:s10], $0x2800  }
0x152: {  	[sflag:s10] =	ssyncset.done $0x0  }
0x153: {  	s9 =	rddreg [dreg:$0x13];
	[sflag:s10] =	ssyncadd.s32 $0xFFFFD800  }
0x154: {  	[tilespmem:s14], [sflag:$0x2] =	stream.indirect.gather [hbm4b:s2+s12], $0x80, s9, s12, $0xb8;
	[tilespmem:$0x1FC00] =	vst v63  }
0x155: {  	_ =	swait.ge [sflag:s19], $0x2800  }
0x156: {  	[sflag:s19] =	ssyncset.done $0x0  }
0x157: {  	s9 =	rddreg [dreg:$0x14];
	[sflag:s19] =	ssyncadd.s32 $0xFFFFD800  }
0x158: {  	[spmem:s3] =	stream.indirect.scatter.add.f32 [tilespmem:s15], [sflag:$0x5], $0x80, s9, s12, $0xb8;
	[tilespmem:$0x1FC00] =	vst v63  }
0x159: {  	_ =	swait.ge [sflag:s10], $0x2800  }
0x15a: {  	[sflag:s10] =	ssyncset.done $0x0  }
0x15b: {  	s9 =	rddreg [dreg:$0x15];
	[sflag:s10] =	ssyncadd.s32 $0xFFFFD800  }
0x15c: {  	[tilespmem:s15], [sflag:$0x3] =	stream.indirect.gather [hbm4b:s2+s12], $0x80, s9, s12, $0xb8;
	[tilespmem:$0x1FC00] =	vst v63  }
0x15d: {  	_ =	swait.ge [sflag:s20], $0x2800  }
0x15e: {  	[sflag:s20] =	ssyncset.done $0x0  }
0x15f: {  	s9 =	rddreg [dreg:$0x16];
	[sflag:s20] =	ssyncadd.s32 $0xFFFFD800  }
0x160: {  	[spmem:s3] =	stream.indirect.scatter.add.f32 [tilespmem:s16], [sflag:$0x5], $0x80, s9, s12, $0xb8;
	[tilespmem:$0x1FC00] =	vst v63  }
0x161: {  	_ =	swait.ge [sflag:s10], $0x2800  }
0x162: {  	[sflag:s10] =	ssyncset.done $0x0  }
0x163: {  	s9 =	rddreg [dreg:$0x17];
	[sflag:s10] =	ssyncadd.s32 $0xFFFFD800  }
0x164: {  	[tilespmem:s16], [sflag:$0x4] =	stream.indirect.gather [hbm4b:s2+s12], $0x80, s9, s12, $0xb8;
	[tilespmem:$0x1FC00] =	vst v63  }
0x165: {  	_ =	swait.ge [sflag:s17], $0x2800  }
0x166: {  	[sflag:s17] =	ssyncset.done $0x0  }
0x167: {  	s9 =	rddreg [dreg:$0x18];
	[sflag:s17] =	ssyncadd.s32 $0xFFFFD800  }
0x168: {  	[spmem:s3] =	stream.indirect.scatter.add.f32 [tilespmem:s13], [sflag:$0x5], $0x80, s9, s12, $0xb8;
	[tilespmem:$0x1FC00] =	vst v63  }
0x169: {  	_ =	swait.ge [sflag:s10], $0x2800  }
0x16a: {  	[sflag:s10] =	ssyncset.done $0x0  }
0x16b: {  	s9 =	rddreg [dreg:$0x19];
	[sflag:s10] =	ssyncadd.s32 $0xFFFFD800  }
0x16c: {  	[tilespmem:s13], [sflag:$0x1] =	stream.indirect.gather [hbm4b:s2+s12], $0x80, s9, s12, $0xb8;
	[tilespmem:$0x1FC00] =	vst v63  }
0x16d: {  	_ =	swait.ge [sflag:s18], $0x2800  }
0x16e: {  	[sflag:s18] =	ssyncset.done $0x0  }
0x16f: {  	s9 =	rddreg [dreg:$0x1a];
	[sflag:s18] =	ssyncadd.s32 $0xFFFFD800  }
0x170: {  	[spmem:s3] =	stream.indirect.scatter.add.f32 [tilespmem:s14], [sflag:$0x5], $0x80, s9, s12, $0xb8;
	[tilespmem:$0x1FC00] =	vst v63  }
0x171: {  	_ =	swait.ge [sflag:s10], $0x2800  }
0x172: {  	[sflag:s10] =	ssyncset.done $0x0  }
0x173: {  	s9 =	rddreg [dreg:$0x1b];
	[sflag:s10] =	ssyncadd.s32 $0xFFFFD800  }
0x174: {  	[tilespmem:s14], [sflag:$0x2] =	stream.indirect.gather [hbm4b:s2+s12], $0x80, s9, s12, $0xb8;
	[tilespmem:$0x1FC00] =	vst v63  }
0x175: {  	_ =	swait.ge [sflag:s19], $0x2800  }
0x176: {  	[sflag:s19] =	ssyncset.done $0x0  }
0x177: {  	s9 =	rddreg [dreg:$0x1c];
	[sflag:s19] =	ssyncadd.s32 $0xFFFFD800  }
0x178: {  	[spmem:s3] =	stream.indirect.scatter.add.f32 [tilespmem:s15], [sflag:$0x5], $0x80, s9, s12, $0xb8;
	[tilespmem:$0x1FC00] =	vst v63  }
0x179: {  	_ =	swait.ge [sflag:s10], $0x2800  }
0x17a: {  	[sflag:s10] =	ssyncset.done $0x0  }
0x17b: {  	s9 =	rddreg [dreg:$0x1d];
	[sflag:s10] =	ssyncadd.s32 $0xFFFFD800  }
0x17c: {  	[tilespmem:s15], [sflag:$0x3] =	stream.indirect.gather [hbm4b:s2+s12], $0x80, s9, s12, $0xb8;
	[tilespmem:$0x1FC00] =	vst v63  }
0x17d: {  	_ =	swait.ge [sflag:s20], $0x2800  }
0x17e: {  	[sflag:s20] =	ssyncset.done $0x0  }
0x17f: {  	s9 =	rddreg [dreg:$0x1e];
	[sflag:s20] =	ssyncadd.s32 $0xFFFFD800  }
0x180: {  	[spmem:s3] =	stream.indirect.scatter.add.f32 [tilespmem:s16], [sflag:$0x5], $0x80, s9, s12, $0xb8;
	[tilespmem:$0x1FC00] =	vst v63  }
0x181: {  	_ =	swait.ge [sflag:s10], $0x2800  }
0x182: {  	[sflag:s10] =	ssyncset.done $0x0  }
0x183: {  	s9 =	rddreg [dreg:$0x1f];
	[sflag:s10] =	ssyncadd.s32 $0xFFFFD800  }
0x184: {  	[tilespmem:s16], [sflag:$0x4] =	stream.indirect.gather [hbm4b:s2+s12], $0x80, s9, s12, $0xb8;
	[tilespmem:$0x1FC00] =	vst v63  }
0x185: {  	_ =	swait.ge [sflag:s17], $0x2800  }
0x186: {  	s9 =	sld [smem:$0x7F3]  }
0x187: {  	[sflag:s17] =	ssyncset.done $0x0  }
0x188: {  	[sflag:s17] =	ssyncadd.s32 $0xFFFFD800  }
0x189: {  	[spmem:s3] =	stream.indirect.scatter.add.f32 [tilespmem:s13], [sflag:$0x5], $0x80, s9, s12, $0xb8;
	[tilespmem:$0x1FC00] =	vst v63  }
0x18a: {  	_ =	swait.ge [sflag:s10], $0x2800  }
0x18b: {  	s9 =	sld [smem:$0x7F4]  }
0x18c: {  	[sflag:s10] =	ssyncset.done $0x0  }
0x18d: {  	[sflag:s10] =	ssyncadd.s32 $0xFFFFD800  }
0x18e: {  	[tilespmem:s13], [sflag:$0x1] =	stream.indirect.gather [hbm4b:s2+s12], $0x80, s9, s12, $0xb8;
	[tilespmem:$0x1FC00] =	vst v63  }
0x18f: {  	_ =	swait.ge [sflag:s18], $0x2800  }
0x190: {  	s9 =	sld [smem:$0x7F5]  }
0x191: {  	[sflag:s18] =	ssyncset.done $0x0  }
0x192: {  	[sflag:s18] =	ssyncadd.s32 $0xFFFFD800  }
0x193: {  	[spmem:s3] =	stream.indirect.scatter.add.f32 [tilespmem:s14], [sflag:$0x5], $0x80, s9, s12, $0xb8;
	[tilespmem:$0x1FC00] =	vst v63  }
0x194: {  	_ =	swait.ge [sflag:s10], $0x2800  }
0x195: {  	s9 =	sld [smem:$0x7F6]  }
0x196: {  	[sflag:s10] =	ssyncset.done $0x0  }
0x197: {  	[sflag:s10] =	ssyncadd.s32 $0xFFFFD800  }
0x198: {  	[tilespmem:s14], [sflag:$0x2] =	stream.indirect.gather [hbm4b:s2+s12], $0x80, s9, s12, $0xb8;
	[tilespmem:$0x1FC00] =	vst v63  }
0x199: {  	_ =	swait.ge [sflag:s19], $0x2800  }
0x19a: {  	s9 =	sld [smem:$0x7F7]  }
0x19b: {  	[sflag:s19] =	ssyncset.done $0x0  }
0x19c: {  	[sflag:s19] =	ssyncadd.s32 $0xFFFFD800  }
0x19d: {  	[spmem:s3] =	stream.indirect.scatter.add.f32 [tilespmem:s15], [sflag:$0x5], $0x80, s9, s12, $0xb8;
	[tilespmem:$0x1FC00] =	vst v63  }
0x19e: {  	_ =	swait.ge [sflag:s10], $0x2800  }
0x19f: {  	s9 =	sld [smem:$0x7F8]  }
0x1a0: {  	[sflag:s10] =	ssyncset.done $0x0  }
0x1a1: {  	[sflag:s10] =	ssyncadd.s32 $0xFFFFD800  }
0x1a2: {  	[tilespmem:s15], [sflag:$0x3] =	stream.indirect.gather [hbm4b:s2+s12], $0x80, s9, s12, $0xb8;
	[tilespmem:$0x1FC00] =	vst v63  }
0x1a3: {  	_ =	swait.ge [sflag:s20], $0x2800  }
0x1a4: {  	s9 =	sld [smem:$0x7F9]  }
0x1a5: {  	[sflag:s20] =	ssyncset.done $0x0  }
0x1a6: {  	[sflag:s20] =	ssyncadd.s32 $0xFFFFD800  }
0x1a7: {  	[spmem:s3] =	stream.indirect.scatter.add.f32 [tilespmem:s16], [sflag:$0x5], $0x80, s9, s12, $0xb8;
	[tilespmem:$0x1FC00] =	vst v63  }
0x1a8: {  	_ =	swait.ge [sflag:s10], $0x2800  }
0x1a9: {  	s9 =	sld [smem:$0x7FA]  }
0x1aa: {  	[sflag:s10] =	ssyncset.done $0x0  }
0x1ab: {  	[sflag:s10] =	ssyncadd.s32 $0xFFFFD800  }
0x1ac: {  	[tilespmem:s16], [sflag:$0x4] =	stream.indirect.gather [hbm4b:s2+s12], $0x80, s9, s12, $0xb8;
	[tilespmem:$0x1FC00] =	vst v63  }
0x1ad: {  	_ =	swait.ge [sflag:s17], $0x2800  }
0x1ae: {  	s9 =	sld [smem:$0x7FB]  }
0x1af: {  	[sflag:s17] =	ssyncset.done $0x0  }
0x1b0: {  	[sflag:s17] =	ssyncadd.s32 $0xFFFFD800  }
0x1b1: {  	[spmem:s3] =	stream.indirect.scatter.add.f32 [tilespmem:s13], [sflag:$0x5], $0x80, s9, s12, $0xb8;
	[tilespmem:$0x1FC00] =	vst v63  }
0x1b2: {  	_ =	swait.ge [sflag:s10], $0x2800  }
0x1b3: {  	[sflag:s10] =	ssyncset.done $0x0  }
0x1b4: {  	[sflag:s10] =	ssyncadd.s32 $0xFFFFD800  }
0x1b5: {  	[tilespmem:s13], [sflag:$0x1] =	stream.indirect.gather [hbm4b:s2+s12], $0x80, s21, s12, $0xb8;
	[tilespmem:$0x1FC00] =	vst v63  }
0x1b6: {  	_ =	swait.ge [sflag:s18], $0x2800  }
0x1b7: {  	[sflag:s18] =	ssyncset.done $0x0  }
0x1b8: {  	[sflag:s18] =	ssyncadd.s32 $0xFFFFD800  }
0x1b9: {  	[spmem:s3] =	stream.indirect.scatter.add.f32 [tilespmem:s14], [sflag:$0x5], $0x80, s22, s12, $0xb8;
	[tilespmem:$0x1FC00] =	vst v63  }
0x1ba: {  	_ =	swait.ge [sflag:s10], $0x2800  }
0x1bb: {  	[sflag:s10] =	ssyncset.done $0x0  }
0x1bc: {  	[sflag:s10] =	ssyncadd.s32 $0xFFFFD800  }
0x1bd: {  	[tilespmem:s14], [sflag:$0x2] =	stream.indirect.gather [hbm4b:s2+s12], $0x80, s23, s12, $0xb8;
	[tilespmem:$0x1FC00] =	vst v63  }
0x1be: {  	_ =	swait.ge [sflag:s19], $0x2800  }
0x1bf: {  	[sflag:s19] =	ssyncset.done $0x0  }
0x1c0: {  	[sflag:s19] =	ssyncadd.s32 $0xFFFFD800  }
0x1c1: {  	[spmem:s3] =	stream.indirect.scatter.add.f32 [tilespmem:s15], [sflag:$0x5], $0x80, s24, s12, $0xb8;
	[tilespmem:$0x1FC00] =	vst v63  }
0x1c2: {  	_ =	swait.ge [sflag:s10], $0x2800  }
0x1c3: {  	[sflag:s10] =	ssyncset.done $0x0  }
0x1c4: {  	[sflag:s10] =	ssyncadd.s32 $0xFFFFD800  }
0x1c5: {  	[tilespmem:s15], [sflag:$0x3] =	stream.indirect.gather [hbm4b:s2+s12], $0x80, s25, s12, $0xb8;
	[tilespmem:$0x1FC00] =	vst v63  }
0x1c6: {  	_ =	swait.ge [sflag:s20], $0x2800  }
0x1c7: {  	[sflag:s20] =	ssyncset.done $0x0  }
0x1c8: {  	[sflag:s20] =	ssyncadd.s32 $0xFFFFD800  }
0x1c9: {  	[spmem:s3] =	stream.indirect.scatter.add.f32 [tilespmem:s16], [sflag:$0x5], $0x80, s26, s12, $0xb8;
	[tilespmem:$0x1FC00] =	vst v63  }
0x1ca: {  	_ =	swait.ge [sflag:s10], $0x2800  }
0x1cb: {  	[sflag:s10] =	ssyncset.done $0x0  }
0x1cc: {  	[sflag:s10] =	ssyncadd.s32 $0xFFFFD800  }
0x1cd: {  	[tilespmem:s16], [sflag:$0x4] =	stream.indirect.gather [hbm4b:s2+s12], $0x80, s28, s12, $0xb8;
	[tilespmem:$0x1FC00] =	vst v63  }
0x1ce: {  	_ =	swait.ge [sflag:s17], $0x2800  }
0x1cf: {  	[sflag:s17] =	ssyncset.done $0x0  }
0x1d0: {  	[sflag:s17] =	ssyncadd.s32 $0xFFFFD800  }
0x1d1: {  	[spmem:s3] =	stream.indirect.scatter.add.f32 [tilespmem:s13], [sflag:$0x5], $0x80, s29, s12, $0xb8;
	[tilespmem:$0x1FC00] =	vst v63  }
0x1d2: {  	_ =	swait.ge [sflag:s10], $0x2800  }
0x1d3: {  	[sflag:s10] =	ssyncset.done $0x0  }
0x1d4: {  	[sflag:s10] =	ssyncadd.s32 $0xFFFFD800  }
0x1d5: {  	[tilespmem:s13], [sflag:$0x1] =	stream.indirect.gather [hbm4b:s2+s12], $0x80, s30, s12, $0xb8;
	[tilespmem:$0x1FC00] =	vst v63  }
0x1d6: {  	_ =	swait.ge [sflag:s18], $0x2800  }
0x1d7: {  	[sflag:s18] =	ssyncset.done $0x0  }
0x1d8: {  	[sflag:s18] =	ssyncadd.s32 $0xFFFFD800  }
0x1d9: {  	[spmem:s3] =	stream.indirect.scatter.add.f32 [tilespmem:s14], [sflag:$0x5], $0x80, s31, s12, $0xb8;
	[tilespmem:$0x1FC00] =	vst v63  }
0x1da: {  	_ =	swait.ge [sflag:s10], $0x2800  }
0x1db: {  	[sflag:s10] =	ssyncset.done $0x0  }
0x1dc: {  	[sflag:s10] =	ssyncadd.s32 $0xFFFFD800  }
0x1dd: {  	_ =	swait.ge [sflag:s19], $0x2800  }
0x1de: {  	[sflag:s19] =	ssyncset.done $0x0  }
0x1df: {  	[sflag:s19] =	ssyncadd.s32 $0xFFFFD800  }
0x1e0: {  	[spmem:s3] =	stream.indirect.scatter.add.f32 [tilespmem:s15], [sflag:$0x5], $0x80, s1, s12, $0xb8;
	[tilespmem:$0x1FC00] =	vst v63  }
0x1e1: {  	_ =	swait.ge [sflag:s10], $0x2800  }
0x1e2: {  	[sflag:s10] =	ssyncset.done $0x0  }
0x1e3: {  	[sflag:s10] =	ssyncadd.s32 $0xFFFFD800  }
0x1e4: {  	_ =	swait.ge [sflag:s20], $0x2800  }
0x1e5: {  	[sflag:s20] =	ssyncset.done $0x0  }
0x1e6: {  	[sflag:s20] =	ssyncadd.s32 $0xFFFFD800  }
0x1e7: {  	[spmem:s3] =	stream.indirect.scatter.add.f32 [tilespmem:s16], [sflag:$0x5], $0x80, s0, s12, $0xb8;
	[tilespmem:$0x1FC00] =	vst v63  }
0x1e8: {  	_ =	swait.ge [sflag:s10], $0x2800  }
0x1e9: {  	[sflag:s10] =	ssyncset.done $0x0  }
0x1ea: {  	[sflag:s10] =	ssyncadd.s32 $0xFFFFD800  }
0x1eb: {  	p0 =	sne.s32 s6, $0x800;
	_ =	swait.ge [sflag:s17], $0x2800  }
.Ltmp0:
0x1ec: {  	[sflag:s17] =	ssyncset.done $0x0;
	(pc) =	sbr.rel @p0 .LBB2_2-.Ltmp0, $4  }
0x1ed: {  	[sflag:s17] =	ssyncadd.s32 $0xFFFFD800  }
0x1ee: {  	[spmem:s3] =	stream.indirect.scatter.add.f32 [tilespmem:s13], [sflag:$0x5], $0x80, s5, s12, $0xb8;
	[tilespmem:$0x1FC00] =	vst v63  }
0x1ef: {  	_ =	swait.ge [sflag:s10], $0x2800  }
0x1f0: {  	s6 =	sadd.s32 $0x200, s6;
	s9 =	rddreg [dreg:$0x5];
	[sflag:s10] =	ssyncset.done $0x0  }
0x1f1: {  	[sflag:s10] =	ssyncadd.s32 $0xFFFFD800;
	s6 =	sadd.s32 s8, s9  }
0x1f2: {  	[tilespmem:s4], [sflag:$0x5] =	stream.linear.gather [hbm4b:s6+s4], $0xC80, $0x38;
	[tilespmem:$0x1FC00] =	vst v63  }
0x1f3: {  	_ =	swait.ge [sflag:s10], $0xC80  }
0x1f4: {  	s7 =	rddreg [dreg:$0x4];
	[sflag:s10] =	ssyncset.done $0x0  }
0x1f5: {  	[sflag:s10] =	ssyncadd.s32 $0xFFFFF380;
	s6 =	sadd.s32 s8, s7  }
0x1f6: {  	[tilespmem:s11], [sflag:$0x5] =	stream.linear.gather [hbm4b:s6+s4], $0xC80, $0x38;
	[tilespmem:$0x1FC00] =	vst v63  }
0x1f7: {  	_ =	swait.ge [sflag:s10], $0xC80  }
0x1f8: {  	[sflag:s10] =	ssyncset.done $0x0  }
0x1f9: {  	[sflag:s10] =	ssyncadd.s32 $0xFFFFF380  }
0x1fa: {  	[tilespmem:s13], [sflag:$0x1] =	stream.indirect.gather [hbm4b:s2+s12], $0x80, s4, s12, $0xb8;
	[tilespmem:$0x1FC00] =	vst v63  }
0x1fb: {  	s8 =	rddreg [dreg:$0x6]  }
0x1fc: {  	[tilespmem:s14], [sflag:$0x2] =	stream.indirect.gather [hbm4b:s2+s12], $0x80, s8, s12, $0xb8;
	[tilespmem:$0x1FC00] =	vst v63  }
0x1fd: {  	s7 =	rddreg [dreg:$0x7]  }
0x1fe: {  	[tilespmem:s15], [sflag:$0x3] =	stream.indirect.gather [hbm4b:s2+s12], $0x80, s7, s12, $0xb8;
	[tilespmem:$0x1FC00] =	vst v63  }
0x1ff: {  	s9 =	rddreg [dreg:$0x8]  }
0x200: {  	[tilespmem:s16], [sflag:$0x4] =	stream.indirect.gather [hbm4b:s2+s12], $0x80, s9, s12, $0xb8;
	[tilespmem:$0x1FC00] =	vst v63  }
0x201: {  	_ =	swait.ge [sflag:s17], $0x2800  }
0x202: {  	[sflag:s17] =	ssyncset.done $0x0  }
0x203: {  	[sflag:s17] =	ssyncadd.s32 $0xFFFFD800  }
0x204: {  	[spmem:s3] =	stream.indirect.scatter.add.f32 [tilespmem:s13], [sflag:$0x5], $0x80, s11, s12, $0xb8;
	[tilespmem:$0x1FC00] =	vst v63  }
0x205: {  	_ =	swait.ge [sflag:s10], $0x2800  }
0x206: {  	[sflag:s10] =	ssyncset.done $0x0  }
0x207: {  	s7 =	rddreg [dreg:$0x9];
	[sflag:s10] =	ssyncadd.s32 $0xFFFFD800  }
0x208: {  	[tilespmem:s13], [sflag:$0x1] =	stream.indirect.gather [hbm4b:s2+s12], $0x80, s7, s12, $0xb8;
	[tilespmem:$0x1FC00] =	vst v63  }
0x209: {  	_ =	swait.ge [sflag:s18], $0x2800  }
0x20a: {  	[sflag:s18] =	ssyncset.done $0x0  }
0x20b: {  	s8 =	rddreg [dreg:$0xa];
	[sflag:s18] =	ssyncadd.s32 $0xFFFFD800  }
0x20c: {  	[spmem:s3] =	stream.indirect.scatter.add.f32 [tilespmem:s14], [sflag:$0x5], $0x80, s8, s12, $0xb8;
	[tilespmem:$0x1FC00] =	vst v63  }
0x20d: {  	_ =	swait.ge [sflag:s10], $0x2800  }
0x20e: {  	[sflag:s10] =	ssyncset.done $0x0  }
0x20f: {  	s9 =	rddreg [dreg:$0xb];
	[sflag:s10] =	ssyncadd.s32 $0xFFFFD800  }
0x210: {  	[tilespmem:s14], [sflag:$0x2] =	stream.indirect.gather [hbm4b:s2+s12], $0x80, s9, s12, $0xb8;
	[tilespmem:$0x1FC00] =	vst v63  }
0x211: {  	_ =	swait.ge [sflag:s19], $0x2800  }
0x212: {  	[sflag:s19] =	ssyncset.done $0x0  }
0x213: {  	s7 =	rddreg [dreg:$0xc];
	[sflag:s19] =	ssyncadd.s32 $0xFFFFD800  }
0x214: {  	[spmem:s3] =	stream.indirect.scatter.add.f32 [tilespmem:s15], [sflag:$0x5], $0x80, s7, s12, $0xb8;
	[tilespmem:$0x1FC00] =	vst v63  }
0x215: {  	_ =	swait.ge [sflag:s10], $0x2800  }
0x216: {  	[sflag:s10] =	ssyncset.done $0x0  }
0x217: {  	s8 =	rddreg [dreg:$0xd];
	[sflag:s10] =	ssyncadd.s32 $0xFFFFD800  }
0x218: {  	[tilespmem:s15], [sflag:$0x3] =	stream.indirect.gather [hbm4b:s2+s12], $0x80, s8, s12, $0xb8;
	[tilespmem:$0x1FC00] =	vst v63  }
0x219: {  	_ =	swait.ge [sflag:s20], $0x2800  }
0x21a: {  	[sflag:s20] =	ssyncset.done $0x0  }
0x21b: {  	s9 =	rddreg [dreg:$0xe];
	[sflag:s20] =	ssyncadd.s32 $0xFFFFD800  }
0x21c: {  	[spmem:s3] =	stream.indirect.scatter.add.f32 [tilespmem:s16], [sflag:$0x5], $0x80, s9, s12, $0xb8;
	[tilespmem:$0x1FC00] =	vst v63  }
0x21d: {  	_ =	swait.ge [sflag:s10], $0x2800  }
0x21e: {  	[sflag:s10] =	ssyncset.done $0x0  }
0x21f: {  	s7 =	rddreg [dreg:$0xf];
	[sflag:s10] =	ssyncadd.s32 $0xFFFFD800  }
0x220: {  	[tilespmem:s16], [sflag:$0x4] =	stream.indirect.gather [hbm4b:s2+s12], $0x80, s7, s12, $0xb8;
	[tilespmem:$0x1FC00] =	vst v63  }
0x221: {  	_ =	swait.ge [sflag:s17], $0x2800  }
0x222: {  	[sflag:s17] =	ssyncset.done $0x0  }
0x223: {  	s8 =	rddreg [dreg:$0x10];
	[sflag:s17] =	ssyncadd.s32 $0xFFFFD800  }
0x224: {  	[spmem:s3] =	stream.indirect.scatter.add.f32 [tilespmem:s13], [sflag:$0x5], $0x80, s8, s12, $0xb8;
	[tilespmem:$0x1FC00] =	vst v63  }
0x225: {  	_ =	swait.ge [sflag:s10], $0x2800  }
0x226: {  	[sflag:s10] =	ssyncset.done $0x0  }
0x227: {  	s9 =	rddreg [dreg:$0x11];
	[sflag:s10] =	ssyncadd.s32 $0xFFFFD800  }
0x228: {  	[tilespmem:s13], [sflag:$0x1] =	stream.indirect.gather [hbm4b:s2+s12], $0x80, s9, s12, $0xb8;
	[tilespmem:$0x1FC00] =	vst v63  }
0x229: {  	_ =	swait.ge [sflag:s18], $0x2800  }
0x22a: {  	[sflag:s18] =	ssyncset.done $0x0  }
0x22b: {  	s7 =	rddreg [dreg:$0x12];
	[sflag:s18] =	ssyncadd.s32 $0xFFFFD800  }
0x22c: {  	[spmem:s3] =	stream.indirect.scatter.add.f32 [tilespmem:s14], [sflag:$0x5], $0x80, s7, s12, $0xb8;
	[tilespmem:$0x1FC00] =	vst v63  }
0x22d: {  	_ =	swait.ge [sflag:s10], $0x2800  }
0x22e: {  	[sflag:s10] =	ssyncset.done $0x0  }
0x22f: {  	s8 =	rddreg [dreg:$0x13];
	[sflag:s10] =	ssyncadd.s32 $0xFFFFD800  }
0x230: {  	[tilespmem:s14], [sflag:$0x2] =	stream.indirect.gather [hbm4b:s2+s12], $0x80, s8, s12, $0xb8;
	[tilespmem:$0x1FC00] =	vst v63  }
0x231: {  	_ =	swait.ge [sflag:s19], $0x2800  }
0x232: {  	[sflag:s19] =	ssyncset.done $0x0  }
0x233: {  	s9 =	rddreg [dreg:$0x14];
	[sflag:s19] =	ssyncadd.s32 $0xFFFFD800  }
0x234: {  	[spmem:s3] =	stream.indirect.scatter.add.f32 [tilespmem:s15], [sflag:$0x5], $0x80, s9, s12, $0xb8;
	[tilespmem:$0x1FC00] =	vst v63  }
0x235: {  	_ =	swait.ge [sflag:s10], $0x2800  }
0x236: {  	[sflag:s10] =	ssyncset.done $0x0  }
0x237: {  	s7 =	rddreg [dreg:$0x15];
	[sflag:s10] =	ssyncadd.s32 $0xFFFFD800  }
0x238: {  	[tilespmem:s15], [sflag:$0x3] =	stream.indirect.gather [hbm4b:s2+s12], $0x80, s7, s12, $0xb8;
	[tilespmem:$0x1FC00] =	vst v63  }
0x239: {  	_ =	swait.ge [sflag:s20], $0x2800  }
0x23a: {  	[sflag:s20] =	ssyncset.done $0x0  }
0x23b: {  	s8 =	rddreg [dreg:$0x16];
	[sflag:s20] =	ssyncadd.s32 $0xFFFFD800  }
0x23c: {  	[spmem:s3] =	stream.indirect.scatter.add.f32 [tilespmem:s16], [sflag:$0x5], $0x80, s8, s12, $0xb8;
	[tilespmem:$0x1FC00] =	vst v63  }
0x23d: {  	_ =	swait.ge [sflag:s10], $0x2800  }
0x23e: {  	[sflag:s10] =	ssyncset.done $0x0  }
0x23f: {  	s9 =	rddreg [dreg:$0x17];
	[sflag:s10] =	ssyncadd.s32 $0xFFFFD800  }
0x240: {  	[tilespmem:s16], [sflag:$0x4] =	stream.indirect.gather [hbm4b:s2+s12], $0x80, s9, s12, $0xb8;
	[tilespmem:$0x1FC00] =	vst v63  }
0x241: {  	_ =	swait.ge [sflag:s17], $0x2800  }
0x242: {  	[sflag:s17] =	ssyncset.done $0x0  }
0x243: {  	s7 =	rddreg [dreg:$0x18];
	[sflag:s17] =	ssyncadd.s32 $0xFFFFD800  }
0x244: {  	[spmem:s3] =	stream.indirect.scatter.add.f32 [tilespmem:s13], [sflag:$0x5], $0x80, s7, s12, $0xb8;
	[tilespmem:$0x1FC00] =	vst v63  }
0x245: {  	_ =	swait.ge [sflag:s10], $0x2800  }
0x246: {  	[sflag:s10] =	ssyncset.done $0x0  }
0x247: {  	s8 =	rddreg [dreg:$0x19];
	[sflag:s10] =	ssyncadd.s32 $0xFFFFD800  }
0x248: {  	[tilespmem:s13], [sflag:$0x1] =	stream.indirect.gather [hbm4b:s2+s12], $0x80, s8, s12, $0xb8;
	[tilespmem:$0x1FC00] =	vst v63  }
0x249: {  	_ =	swait.ge [sflag:s18], $0x2800  }
0x24a: {  	[sflag:s18] =	ssyncset.done $0x0  }
0x24b: {  	s9 =	rddreg [dreg:$0x1a];
	[sflag:s18] =	ssyncadd.s32 $0xFFFFD800  }
0x24c: {  	[spmem:s3] =	stream.indirect.scatter.add.f32 [tilespmem:s14], [sflag:$0x5], $0x80, s9, s12, $0xb8;
	[tilespmem:$0x1FC00] =	vst v63  }
0x24d: {  	_ =	swait.ge [sflag:s10], $0x2800  }
0x24e: {  	[sflag:s10] =	ssyncset.done $0x0  }
0x24f: {  	s7 =	rddreg [dreg:$0x1b];
	[sflag:s10] =	ssyncadd.s32 $0xFFFFD800  }
0x250: {  	[tilespmem:s14], [sflag:$0x2] =	stream.indirect.gather [hbm4b:s2+s12], $0x80, s7, s12, $0xb8;
	[tilespmem:$0x1FC00] =	vst v63  }
0x251: {  	_ =	swait.ge [sflag:s19], $0x2800  }
0x252: {  	[sflag:s19] =	ssyncset.done $0x0  }
0x253: {  	s8 =	rddreg [dreg:$0x1c];
	[sflag:s19] =	ssyncadd.s32 $0xFFFFD800  }
0x254: {  	[spmem:s3] =	stream.indirect.scatter.add.f32 [tilespmem:s15], [sflag:$0x5], $0x80, s8, s12, $0xb8;
	[tilespmem:$0x1FC00] =	vst v63  }
0x255: {  	_ =	swait.ge [sflag:s10], $0x2800  }
0x256: {  	[sflag:s10] =	ssyncset.done $0x0  }
0x257: {  	s9 =	rddreg [dreg:$0x1d];
	[sflag:s10] =	ssyncadd.s32 $0xFFFFD800  }
0x258: {  	[tilespmem:s15], [sflag:$0x3] =	stream.indirect.gather [hbm4b:s2+s12], $0x80, s9, s12, $0xb8;
	[tilespmem:$0x1FC00] =	vst v63  }
0x259: {  	_ =	swait.ge [sflag:s20], $0x2800  }
0x25a: {  	[sflag:s20] =	ssyncset.done $0x0  }
0x25b: {  	s7 =	rddreg [dreg:$0x1e];
	[sflag:s20] =	ssyncadd.s32 $0xFFFFD800  }
0x25c: {  	[spmem:s3] =	stream.indirect.scatter.add.f32 [tilespmem:s16], [sflag:$0x5], $0x80, s7, s12, $0xb8;
	[tilespmem:$0x1FC00] =	vst v63  }
0x25d: {  	_ =	swait.ge [sflag:s10], $0x2800  }
0x25e: {  	[sflag:s10] =	ssyncset.done $0x0  }
0x25f: {  	s8 =	rddreg [dreg:$0x1f];
	[sflag:s10] =	ssyncadd.s32 $0xFFFFD800  }
0x260: {  	[tilespmem:s16], [sflag:$0x4] =	stream.indirect.gather [hbm4b:s2+s12], $0x80, s8, s12, $0xb8;
	[tilespmem:$0x1FC00] =	vst v63  }
0x261: {  	_ =	swait.ge [sflag:s17], $0x2800  }
0x262: {  	s9 =	sld [smem:$0x7F3]  }
0x263: {  	[sflag:s17] =	ssyncset.done $0x0  }
0x264: {  	[sflag:s17] =	ssyncadd.s32 $0xFFFFD800  }
0x265: {  	[spmem:s3] =	stream.indirect.scatter.add.f32 [tilespmem:s13], [sflag:$0x5], $0x80, s9, s12, $0xb8;
	[tilespmem:$0x1FC00] =	vst v63  }
0x266: {  	_ =	swait.ge [sflag:s10], $0x2800  }
0x267: {  	s7 =	sld [smem:$0x7F4]  }
0x268: {  	[sflag:s10] =	ssyncset.done $0x0  }
0x269: {  	[sflag:s10] =	ssyncadd.s32 $0xFFFFD800  }
0x26a: {  	[tilespmem:s13], [sflag:$0x1] =	stream.indirect.gather [hbm4b:s2+s12], $0x80, s7, s12, $0xb8;
	[tilespmem:$0x1FC00] =	vst v63  }
0x26b: {  	_ =	swait.ge [sflag:s18], $0x2800  }
0x26c: {  	s8 =	sld [smem:$0x7F5]  }
0x26d: {  	[sflag:s18] =	ssyncset.done $0x0  }
0x26e: {  	[sflag:s18] =	ssyncadd.s32 $0xFFFFD800  }
0x26f: {  	[spmem:s3] =	stream.indirect.scatter.add.f32 [tilespmem:s14], [sflag:$0x5], $0x80, s8, s12, $0xb8;
	[tilespmem:$0x1FC00] =	vst v63  }
0x270: {  	_ =	swait.ge [sflag:s10], $0x2800  }
0x271: {  	s9 =	sld [smem:$0x7F6]  }
0x272: {  	[sflag:s10] =	ssyncset.done $0x0  }
0x273: {  	[sflag:s10] =	ssyncadd.s32 $0xFFFFD800  }
0x274: {  	[tilespmem:s14], [sflag:$0x2] =	stream.indirect.gather [hbm4b:s2+s12], $0x80, s9, s12, $0xb8;
	[tilespmem:$0x1FC00] =	vst v63  }
0x275: {  	_ =	swait.ge [sflag:s19], $0x2800  }
0x276: {  	s7 =	sld [smem:$0x7F7]  }
0x277: {  	[sflag:s19] =	ssyncset.done $0x0  }
0x278: {  	[sflag:s19] =	ssyncadd.s32 $0xFFFFD800  }
0x279: {  	[spmem:s3] =	stream.indirect.scatter.add.f32 [tilespmem:s15], [sflag:$0x5], $0x80, s7, s12, $0xb8;
	[tilespmem:$0x1FC00] =	vst v63  }
0x27a: {  	_ =	swait.ge [sflag:s10], $0x2800  }
0x27b: {  	s8 =	sld [smem:$0x7F8]  }
0x27c: {  	[sflag:s10] =	ssyncset.done $0x0  }
0x27d: {  	[sflag:s10] =	ssyncadd.s32 $0xFFFFD800  }
0x27e: {  	[tilespmem:s15], [sflag:$0x3] =	stream.indirect.gather [hbm4b:s2+s12], $0x80, s8, s12, $0xb8;
	[tilespmem:$0x1FC00] =	vst v63  }
0x27f: {  	_ =	swait.ge [sflag:s20], $0x2800  }
0x280: {  	s9 =	sld [smem:$0x7F9]  }
0x281: {  	[sflag:s20] =	ssyncset.done $0x0  }
0x282: {  	[sflag:s20] =	ssyncadd.s32 $0xFFFFD800  }
0x283: {  	[spmem:s3] =	stream.indirect.scatter.add.f32 [tilespmem:s16], [sflag:$0x5], $0x80, s9, s12, $0xb8;
	[tilespmem:$0x1FC00] =	vst v63  }
0x284: {  	_ =	swait.ge [sflag:s10], $0x2800  }
0x285: {  	s7 =	sld [smem:$0x7FA]  }
0x286: {  	[sflag:s10] =	ssyncset.done $0x0  }
0x287: {  	[sflag:s10] =	ssyncadd.s32 $0xFFFFD800  }
0x288: {  	[tilespmem:s16], [sflag:$0x4] =	stream.indirect.gather [hbm4b:s2+s12], $0x80, s7, s12, $0xb8;
	[tilespmem:$0x1FC00] =	vst v63  }
0x289: {  	_ =	swait.ge [sflag:s17], $0x2800  }
0x28a: {  	s8 =	sld [smem:$0x7FB]  }
0x28b: {  	[sflag:s17] =	ssyncset.done $0x0  }
0x28c: {  	[sflag:s17] =	ssyncadd.s32 $0xFFFFD800  }
0x28d: {  	[spmem:s3] =	stream.indirect.scatter.add.f32 [tilespmem:s13], [sflag:$0x5], $0x80, s8, s12, $0xb8;
	[tilespmem:$0x1FC00] =	vst v63  }
0x28e: {  	_ =	swait.ge [sflag:s10], $0x2800  }
0x28f: {  	[sflag:s10] =	ssyncset.done $0x0  }
0x290: {  	[sflag:s10] =	ssyncadd.s32 $0xFFFFD800  }
0x291: {  	[tilespmem:s13], [sflag:$0x1] =	stream.indirect.gather [hbm4b:s2+s12], $0x80, s21, s12, $0xb8;
	[tilespmem:$0x1FC00] =	vst v63  }
0x292: {  	_ =	swait.ge [sflag:s18], $0x2800  }
0x293: {  	[sflag:s18] =	ssyncset.done $0x0  }
0x294: {  	[sflag:s18] =	ssyncadd.s32 $0xFFFFD800  }
0x295: {  	[spmem:s3] =	stream.indirect.scatter.add.f32 [tilespmem:s14], [sflag:$0x5], $0x80, s22, s12, $0xb8;
	[tilespmem:$0x1FC00] =	vst v63  }
0x296: {  	_ =	swait.ge [sflag:s10], $0x2800  }
0x297: {  	[sflag:s10] =	ssyncset.done $0x0  }
0x298: {  	[sflag:s10] =	ssyncadd.s32 $0xFFFFD800  }
0x299: {  	[tilespmem:s14], [sflag:$0x2] =	stream.indirect.gather [hbm4b:s2+s12], $0x80, s23, s12, $0xb8;
	[tilespmem:$0x1FC00] =	vst v63  }
0x29a: {  	_ =	swait.ge [sflag:s19], $0x2800  }
0x29b: {  	[sflag:s19] =	ssyncset.done $0x0  }
0x29c: {  	[sflag:s19] =	ssyncadd.s32 $0xFFFFD800  }
0x29d: {  	[spmem:s3] =	stream.indirect.scatter.add.f32 [tilespmem:s15], [sflag:$0x5], $0x80, s24, s12, $0xb8;
	[tilespmem:$0x1FC00] =	vst v63  }
0x29e: {  	_ =	swait.ge [sflag:s10], $0x2800  }
0x29f: {  	[sflag:s10] =	ssyncset.done $0x0  }
0x2a0: {  	[sflag:s10] =	ssyncadd.s32 $0xFFFFD800  }
0x2a1: {  	[tilespmem:s15], [sflag:$0x3] =	stream.indirect.gather [hbm4b:s2+s12], $0x80, s25, s12, $0xb8;
	[tilespmem:$0x1FC00] =	vst v63  }
0x2a2: {  	_ =	swait.ge [sflag:s20], $0x2800  }
0x2a3: {  	[sflag:s20] =	ssyncset.done $0x0  }
0x2a4: {  	[sflag:s20] =	ssyncadd.s32 $0xFFFFD800  }
0x2a5: {  	[spmem:s3] =	stream.indirect.scatter.add.f32 [tilespmem:s16], [sflag:$0x5], $0x80, s26, s12, $0xb8;
	[tilespmem:$0x1FC00] =	vst v63  }
0x2a6: {  	_ =	swait.ge [sflag:s10], $0x2800  }
0x2a7: {  	[sflag:s10] =	ssyncset.done $0x0  }
0x2a8: {  	[sflag:s10] =	ssyncadd.s32 $0xFFFFD800  }
0x2a9: {  	[tilespmem:s16], [sflag:$0x4] =	stream.indirect.gather [hbm4b:s2+s12], $0x80, s28, s12, $0xb8;
	[tilespmem:$0x1FC00] =	vst v63  }
0x2aa: {  	_ =	swait.ge [sflag:s17], $0x2800  }
0x2ab: {  	[sflag:s17] =	ssyncset.done $0x0  }
0x2ac: {  	[sflag:s17] =	ssyncadd.s32 $0xFFFFD800  }
0x2ad: {  	[spmem:s3] =	stream.indirect.scatter.add.f32 [tilespmem:s13], [sflag:$0x5], $0x80, s29, s12, $0xb8;
	[tilespmem:$0x1FC00] =	vst v63  }
0x2ae: {  	_ =	swait.ge [sflag:s10], $0x2800  }
0x2af: {  	[sflag:s10] =	ssyncset.done $0x0  }
0x2b0: {  	[sflag:s10] =	ssyncadd.s32 $0xFFFFD800  }
0x2b1: {  	[tilespmem:s13], [sflag:$0x1] =	stream.indirect.gather [hbm4b:s2+s12], $0x80, s30, s12, $0xb8;
	[tilespmem:$0x1FC00] =	vst v63  }
0x2b2: {  	_ =	swait.ge [sflag:s18], $0x2800  }
0x2b3: {  	[sflag:s18] =	ssyncset.done $0x0  }
0x2b4: {  	[sflag:s18] =	ssyncadd.s32 $0xFFFFD800  }
0x2b5: {  	[spmem:s3] =	stream.indirect.scatter.add.f32 [tilespmem:s14], [sflag:$0x5], $0x80, s31, s12, $0xb8;
	[tilespmem:$0x1FC00] =	vst v63  }
0x2b6: {  	_ =	swait.ge [sflag:s10], $0x2800  }
0x2b7: {  	[sflag:s10] =	ssyncset.done $0x0  }
0x2b8: {  	[sflag:s10] =	ssyncadd.s32 $0xFFFFD800  }
0x2b9: {  	_ =	swait.ge [sflag:s19], $0x2800  }
0x2ba: {  	[sflag:s19] =	ssyncset.done $0x0  }
0x2bb: {  	[sflag:s19] =	ssyncadd.s32 $0xFFFFD800  }
0x2bc: {  	[spmem:s3] =	stream.indirect.scatter.add.f32 [tilespmem:s15], [sflag:$0x5], $0x80, s1, s12, $0xb8;
	[tilespmem:$0x1FC00] =	vst v63  }
0x2bd: {  	_ =	swait.ge [sflag:s10], $0x2800  }
0x2be: {  	[sflag:s10] =	ssyncset.done $0x0  }
0x2bf: {  	[sflag:s10] =	ssyncadd.s32 $0xFFFFD800  }
0x2c0: {  	_ =	swait.ge [sflag:s20], $0x2800  }
0x2c1: {  	[sflag:s20] =	ssyncset.done $0x0  }
0x2c2: {  	[sflag:s20] =	ssyncadd.s32 $0xFFFFD800  }
0x2c3: {  	[spmem:s3] =	stream.indirect.scatter.add.f32 [tilespmem:s16], [sflag:$0x5], $0x80, s0, s12, $0xb8;
	[tilespmem:$0x1FC00] =	vst v63  }
0x2c4: {  	_ =	swait.ge [sflag:s10], $0x2800  }
0x2c5: {  	[sflag:s10] =	ssyncset.done $0x0  }
0x2c6: {  	[sflag:s10] =	ssyncadd.s32 $0xFFFFD800  }
0x2c7: {  	_ =	swait.ge [sflag:s17], $0x2800  }
0x2c8: {  	[sflag:s17] =	ssyncset.done $0x0  }
0x2c9: {  	[sflag:s17] =	ssyncadd.s32 $0xFFFFD800  }
0x2ca: {  	[spmem:s3] =	stream.indirect.scatter.add.f32 [tilespmem:s13], [sflag:$0x5], $0x80, s5, s12, $0xb8;
	[tilespmem:$0x1FC00] =	vst v63  }
0x2cb: {  	_ =	swait.ge [sflag:s10], $0x2800  }
0x2cc: {  	[sflag:s10] =	ssyncset.done $0x0  }
0x2cd: {  	[sflag:s10] =	ssyncadd.s32 $0xFFFFD800  }
0x2ce: {  	[bflag:$0x0] =	sbarrier.arrive $0xFFFF  }
0x2cf: {  	s7 =	sld [smem:$0x7FC]  }
0x2d0: {  	s9 =	sld [smem:$0x7F1]  }
0x2d1: {  	s8 =	sld [smem:$0x7FD];
	_ =	sdelay $0x2  }
0x2d2: {  	[hbm:s9], [sflag:s7] =	dma.local [spmem:s8], $0x2780  }
0x2d3: {  	_ =	swait.ge [sflag:s10], $0x2780  }
0x2d4: {  	s6 =	sld [smem:$0x7EF];
	_ =	sdelay $0x2  }
0x2d5: {  	s9 =	sadd.s32 $0x1, s6;
	s6 =	sld [smem:$0x7F2];
	_ =	sdelay $0x2  }
0x2d6: {  	p0 =	sne.s32 s9, s6  }
.Ltmp1:
0x2d7: {  	_ = 	snop;
	(pc) =	sbr.rel @p0 .LBB2_1-.Ltmp1, $3  }
0x2d8: {  	_ =	sdelay $0x1  }
0x2d9: {  	[sflag:s10] =	ssyncset.done $0x0  }
0x2da: {  	[sflag:s10] =	ssyncadd.s32 $0xFFFFD880  }
0x2db: {  	_ =	sfence.sel $0x180000  }
0x2dc: {  	[bflag:$0x0] =	sbarrier.arrive $0xFFFF  }
0x2dd: {  	_ =	strace $0x9000004A  }
0x2de: {  	s0 =	stileid.u32;
	[bflag:$0x2] =	sbarrier.arrive $0xFFFF  }
0x2df: {  	p0 =	sne.s32 s0, $0x0;
	s0 =	rddreg [dreg:$0x3]  }
0x2e0: {  	s0 =	sadd.s32 @!p0 $0x100000, s0  }
0x2e1: {  	[sflag:s0] =	ssyncadd.tile.s32 @!p0 $0x1;
	_ =	shalt  }
.Lfunc_end2:
_tile_overlayer_lowered:
.L_overlay_start_2:
0x2e2: {  	(tag) =	ssettag $0x2  }
0x2e3: {  	s0 =	rddreg [dreg:$0x0];
	s2 =	stileid.u32  }
0x2e4: {  	s1 =	rddreg [dreg:$0x1];
	p0 =	sne.s32 s2, $0x0  }
0x2e5: {  	s3 =	rddreg [dreg:$0x2];
	[bflag:$0x3] =	sbarrier.arrive $0xFFFF;
	s2 =	simm.s32 @!p0 $0x1C05  }
0x2e6: {  	[timem:s3], [sflag:s2] =	dma.local @!p0 [hbm:s0], s1  }
0x2e7: {  	s0 =	simm.s32 @!p0 $0x5  }
0x2e8: {  	_ =	swait.ge @!p0 [sflag:s0], s1  }
0x2e9: {  	s1 =	ssub.s32 @!p0 $0x0, s1;
	[sflag:s0] =	ssyncset.done @!p0 $0x0  }
0x2ea: {  	[sflag:s0] =	ssyncadd.s32 @!p0 s1  }
0x2eb: {  	[bflag:$0x3] =	sbarrier.arrive $0xFFFF  }
0x2ec: {  	_ =	shalt  }

// kernel: kernel.14.cloned.1.call-start
scs
__scs_entry_jumppad:
0x0: {  	(pc) =	sbr.rel $0x88, $3  }
0x1: {  	(tag) =	ssettag $0x0;
	lr =	simm.s32 $0x1  }
0x2: {  	[smem:$0x3F99] =	sst lr;
	_ =	strace $0xD0000000  }
0x3: {  	_ = 	snop  }
0x4: {  	_ = 	snop  }
0x5: {  	_ = 	snop  }
0x6: {  	_ = 	snop  }
0x7: {  	_ = 	snop  }
__scs_overlays_trampoline_lowered:
0x8: {  	[smem:$0x3FA8] =	sst s0  }
0x9: {  	[smem:$0x3FA9] =	sst s1  }
0xa: {  	[smem:$0x3FAA] =	sst s2  }
0xb: {  	[smem:$0x3FAB] =	sst s3  }
0xc: {  	[smem:$0x3FAC] =	sst s4  }
0xd: {  	[smem:$0x3FAD] =	sst s5  }
0xe: {  	[smem:$0x3FAE] =	sst s6  }
0xf: {  	[smem:$0x3FAF] =	sst s7  }
0x10: {  	[smem:$0x3FB0] =	sst s8  }
0x11: {  	[smem:$0x3FB1] =	sst s9;
	s0 =	simm.s32 @!p0 $0x0  }
0x12: {  	s1 =	sld [smem:$0x3F97];
	s0 =	simm.s32 @p0 $0x1  }
0x13: {  	[smem:$0x3FB2] =	sst s0;
	s0 =	simm.s32 @!p1 $0x0  }
0x14: {  	s2 =	sld [smem:$0x3F96];
	s0 =	simm.s32 @p1 $0x1  }
0x15: {  	[smem:$0x3FB3] =	sst s0;
	s0 =	simm.s32 @!p2 $0x0  }
0x16: {  	s3 =	sld [smem:$0x3FDB];
	s0 =	simm.s32 @p2 $0x1  }
0x17: {  	s4 =	simm.s32 $0x1BF5;
	[smem:$0x3FB5] =	sst s0  }
0x18: {  	s0 =	sld [smem:$0x3F98];
	_ =	swait.ge [sflag:s4], $0x0  }
0x19: {  	s7 =	sld [smem:$0x3F99]  }
0x1a: {  	s8 =	sadd.s32 $0xFFFFE003, lr  }
0x1b: {  	s9 =	sadd.s32 $0xFFFFFEF7, lr;
	s5 =	simm.s32 $0xFFFFFFFF;
	p2 =	slt.u32 s8, $0xFFFFF086  }
0x1c: {  	p1 =	slt.u32 s9, $0xF7A;
	s5 =	simm.s32 @!p2 $0x0  }
0x1d: {  	s5 =	simm.s32 @p1 $0x1;
	p0 =	seq.s32 s7, s2  }
0x1e: {  	s7 =	smul.u32 @!p0 $0xF7A, s2;
	p2 =	seq.s32 @!p0 s5, $0x0  }
0x1f: {  	s9 =	smul.u32 $0xF7A, s1;
	s8 =	simm.s32 @!p0 $0x1BF5;
	p2 =	por !p2, p0  }
0x20: {  	[sflag:s8] =	ssyncset.s32 @!p0 $0xFFFFF086;
	s6 =	sadd.s32 @!p0 s3, s7;
	s7 =	simm.s32 @!p0 $0x108  }
0x21: {  	s3 =	sadd.s32 s3, s9;
	s6 =	sadd.s32 @!p0 $0x88, s6;
	s7 =	simm.s32 @p2 $0x1082  }
0x22: {  	[simem:s7], [sflag:s8] =	dma.local @!p0 [hbm:s6], $0xF7A  }
0x23: {  	s9 =	sor.u32 $0xD0000000, s2;
	s6 =	simm.s32 $0x108;
	_ =	swait.ge @!p0 [sflag:s8], $0x0  }
0x24: {  	s3 =	sadd.s32 $0x88, s3;
	s6 =	simm.s32 @!p1 $0x1082;
	[sflag:s4] =	ssyncset.s32 $0xFFFFF086  }
0x25: {  	[simem:s6], [sflag:s4] =	dma.local [hbm:s3], $0xF7A  }
0x26: {  	[smem:$0x3F99] =	sst s1;
	(tag) =	ssettag s2;
	_ =	strace s9  }
0x27: {  	s1 =	sld [smem:$0x3FA9]  }
0x28: {  	s2 =	sld [smem:$0x3FAA]  }
0x29: {  	s4 =	sld [smem:$0x3FAC]  }
0x2a: {  	p0 =	seq.s32 s5, $0x0;
	s5 =	sld [smem:$0x3FAD]  }
0x2b: {  	s6 =	sld [smem:$0x3FAE]  }
0x2c: {  	s7 =	sld [smem:$0x3FAF]  }
0x2d: {  	s3 =	simm.s32 $0x108;
	s8 =	sld [smem:$0x3FB0]  }
0x2e: {  	s3 =	simm.s32 @!p0 $0x1082;
	s9 =	sld [smem:$0x3FB1]  }
0x2f: {  	lr =	sadd.s32 s0, s3;
	s0 =	sld [smem:$0x3FA8]  }
0x30: {  	s3 =	sld [smem:$0x3FAB]  }
0x31: {  	[smem:$0x3FB4] =	sst s10  }
0x32: {  	s10 =	sld [smem:$0x3FB2];
	_ =	sdelay $0x3  }
0x33: {  	p0 =	seq.s32 s10, $0x1;
	s10 =	sld [smem:$0x3FB4];
	_ =	sdelay $0x3  }
0x34: {  	[smem:$0x3FB4] =	sst s10  }
0x35: {  	s10 =	sld [smem:$0x3FB3];
	_ =	sdelay $0x3  }
0x36: {  	p1 =	seq.s32 s10, $0x1;
	s10 =	sld [smem:$0x3FB4];
	_ =	sdelay $0x3  }
0x37: {  	[smem:$0x3FB4] =	sst s10  }
0x38: {  	s10 =	sld [smem:$0x3FB5]  }
0x39: {  	_ = 	snop;
	(pc) =	sbr.ind lr, $3  }
0x3a: {  	_ = 	snop  }
0x3b: {  	_ = 	snop  }
0x3c: {  	p2 =	seq.s32 s10, $0x1;
	s10 =	sld [smem:$0x3FB4]  }
0x3d: {  	_ =	shalt  }
0x3e: {  	_ =	shalt  }
0x3f: {  	_ =	shalt  }
0x40: {  	_ =	shalt  }
0x41: {  	_ =	shalt  }
0x42: {  	_ =	shalt  }
0x43: {  	_ =	shalt  }
0x44: {  	_ =	shalt  }
0x45: {  	_ =	shalt  }
0x46: {  	_ =	shalt  }
0x47: {  	_ =	shalt  }
0x48: {  	_ =	shalt  }
0x49: {  	_ =	shalt  }
0x4a: {  	_ =	shalt  }
0x4b: {  	_ =	shalt  }
0x4c: {  	_ =	shalt  }
0x4d: {  	_ =	shalt  }
0x4e: {  	_ =	shalt  }
0x4f: {  	_ =	shalt  }
0x50: {  	_ =	shalt  }
0x51: {  	_ =	shalt  }
0x52: {  	_ =	shalt  }
0x53: {  	_ =	shalt  }
0x54: {  	_ =	shalt  }
0x55: {  	_ =	shalt  }
0x56: {  	_ =	shalt  }
0x57: {  	_ =	shalt  }
0x58: {  	_ =	shalt  }
0x59: {  	_ =	shalt  }
0x5a: {  	_ =	shalt  }
0x5b: {  	_ =	shalt  }
0x5c: {  	_ =	shalt  }
0x5d: {  	_ =	shalt  }
0x5e: {  	_ =	shalt  }
0x5f: {  	_ =	shalt  }
0x60: {  	_ =	shalt  }
0x61: {  	_ =	shalt  }
0x62: {  	_ =	shalt  }
0x63: {  	_ =	shalt  }
0x64: {  	_ =	shalt  }
0x65: {  	_ =	shalt  }
0x66: {  	_ =	shalt  }
0x67: {  	_ =	shalt  }
0x68: {  	_ =	shalt  }
0x69: {  	_ =	shalt  }
0x6a: {  	_ =	shalt  }
0x6b: {  	_ =	shalt  }
0x6c: {  	_ =	shalt  }
0x6d: {  	_ =	shalt  }
0x6e: {  	_ =	shalt  }
0x6f: {  	_ =	shalt  }
0x70: {  	_ =	shalt  }
0x71: {  	_ =	shalt  }
0x72: {  	_ =	shalt  }
0x73: {  	_ =	shalt  }
0x74: {  	_ =	shalt  }
0x75: {  	_ =	shalt  }
0x76: {  	_ =	shalt  }
0x77: {  	_ =	shalt  }
0x78: {  	_ =	shalt  }
0x79: {  	_ =	shalt  }
0x7a: {  	_ =	shalt  }
0x7b: {  	_ =	shalt  }
0x7c: {  	_ =	shalt  }
0x7d: {  	_ =	shalt  }
0x7e: {  	_ =	shalt  }
0x7f: {  	_ =	shalt  }
0x80: {  	_ =	shalt  }
0x81: {  	_ =	shalt  }
0x82: {  	_ =	shalt  }
0x83: {  	_ =	shalt  }
0x84: {  	_ =	shalt  }
0x85: {  	_ =	shalt  }
0x86: {  	_ =	shalt  }
0x87: {  	_ =	shalt  }
.Lfunc_end0:
.L_simem_size_0:
called_computation.2_lowered:
.L_overlay_start_0:
0x88: {  	s2 =	sld [smem:$0x3FD9]  }
0x89: {  	s3 =	sld [smem:$0x3FFE];
	_ =	sdelay $0x1  }
0x8a: {  	s1 =	srdreg.scid  }
0x8b: {  	s0 =	sand.u32 $0x1, s1  }
0x8c: {  	s17 =	sshll.u32 s0, $0xA;
	s2 =	sadd.s32 s3, s2  }
0x8d: {  	s2 =	sadd.s32 s2, s17  }
0x8e: {  	[smem:$0x3FC0] =	sst s2  }
0x8f: {  	_ = 	snop  }
0x90: {  	s2 =	sld [smem:$0x3FD0];
	(tm) =	ssettm $0x1  }
0x91: {  	s18 =	sld [smem:$0x3FFB];
	_ =	sdelay $0x3  }
0x92: {  	_ =	strace s18  }
0x93: {  	s3 =	sld [smem:$0x3FFC];
	_ =	sdelay $0x3  }
0x94: {  	_ =	strace s3  }
0x95: {  	s3 =	sld [smem:$0x3FFD];
	_ =	sdelay $0x3  }
0x96: {  	_ =	strace s3  }
0x97: {  	_ =	strace $0x8FFFFFFF  }
0x98: {  	s19 =	sld [smem:$0x3FDB];
	_ =	sdelay $0x1  }
0x99: {  	s4 =	simm.s32 $_scs_section_size  }
0x9a: {  	s5 =	simm.s32 $_size__tile_overlayer_lowered;
	s6 =	simm.s32 $_tile_overlayer_lowered  }
0x9b: {  	s22 =	simm.s32 $0x1BFF;
	s21 =	sshll.u32 s6, $0x1;
	s3 =	sadd.s32 s4, s19  }
0x9c: {  	s7 =	simm.s32 $0x0;
	s20 =	sshll.u32 s5, $0x1;
	s5 =	sadd.s32 s21, s3  }
0x9d: {  	[timem:s7], [sflag:s22] =	dma.local [hbm:s5], s20  }
0x9e: {  	_ =	swait.ge [sflag:s22], s20  }
0x9f: {  	s4 =	ssub.s32 $0x0, s20;
	[sflag:s22] =	ssyncset.done $0x0  }
0xa0: {  	[sflag:s22] =	ssyncadd.s32 s4;
	_ =	sdelay $0x1  }
0xa1: {  	s23 =	simm.s32 $0x1B8B  }
0xa2: {  	_ =	swait.ge [sflag:s23], $0x1  }
0xa3: {  	[sflag:s23] =	ssyncset.done $0x0  }
0xa4: {  	s25 =	simm.s32 $0x1B8E;
	s24 =	sld [smem:$0x3FFE];
	[sflag:s23] =	ssyncadd.s32 $0xFFFFFFFF  }
0xa5: {  	s26 =	simm.s32 $execute0_lowered;
	[smem:$0x3FD2] =	sst s25  }
0xa6: {  	s5 =	sshll.u32 s26, $0x1;
	_ =	strace $0x8000004C;
	[dreg:$0x1] =	wrdreg $0xFFFFFFFF  }
0xa7: {  	s28 =	simm.s32 $_size_execute0_lowered;
	s3 =	sadd.s32 s3, s5;
	[dreg:$0x0] =	wrdreg $0x0  }
0xa8: {  	s5 =	sshll.u32 s28, $0x1;
	[dreg:$0x2] =	wrdreg s3  }
0xa9: {  	[dreg:$0x3] =	wrdreg s5  }
0xaa: {  	[dreg:$0x4] =	wrdreg $0xC0  }
0xab: {  	_ =	task [dreg:s7], $0x5FFFF  }
0xac: {  	[dreg:$0x1] =	wrdreg $0xFFFFFFFF  }
0xad: {  	[dreg:$0x0] =	wrdreg $0x60  }
0xae: {  	[dreg:$0x2] =	wrdreg s2  }
0xaf: {  	[dreg:$0x3] =	wrdreg s24  }
0xb0: {  	[dreg:$0x4] =	wrdreg $0xC0000  }
0xb1: {  	[dreg:$0x5] =	wrdreg $0x9  }
0xb2: {  	_ =	task.clear_ibuf [dreg:s7], $0x6FFFF;
	_ =	strace $0x9000004C  }
0xb3: {  	s29 =	simm.s32 $0x9;
	_ =	strace $0x8000004E  }
0xb4: {  	_ =	swait.ge [sflag:s29], $0x1  }
0xb5: {  	[sflag:s29] =	ssyncadd.s32 $0xFFFFFFFF  }
0xb6: {  	_ =	strace $0x9000004E  }
0xb7: {  	_ =	sfence  }
0xb8: {  	s30 =	sld [smem:$0x0];
	_ =	sdelay $0x2  }
0xb9: {  	s31 =	sshll.u32 s1, $0xD;
	s1 =	sshrl.u32 s1, $0x2  }
0xba: {  	s3 =	sand.u32 $0x4000, s31;
	s1 =	sadd.s32 s1, s30  }
0xbb: {  	s0 =	sor.u32 s3, s0;
	s1 =	sshll.u32 s1, $0x11  }
0xbc: {  	s0 =	sor.u32 s1, s0  }
0xbd: {  	s0 =	sadd.s32 $0x8F2B, s0  }
0xbe: {  	[sflag:s0] =	ssyncadd.remote.s32 $0x1  }
0xbf: {  	_ =	sfence.sel $0xFFFF  }
0xc0: {  	[dreg:$0x0] =	wrdreg $0xFFFFFFFF;
	(pc) =	sbr.abs _section_cstart, $3  }
0xc1: {  	[dreg:$0x1] =	wrdreg $0xFFFFFFFF  }
0xc2: {  	_ =	task.clear_ibuf [dreg:s7], $0x2FFFF;
	_ =	strace $0x9FFFFFFF  }
0xc3: {  	(tm) =	ssettm $0x7FFFFFFF  }
tec
execute0_lowered:
.L_overlay_start_1:
0x0: {  	(tag) =	ssettag $0x1  }
0x1: {  	s0 =	srdreg.scid;
	s9 =	stileid.u32  }
0x2: {  	s0 =	sand.u32 $0x1, s0;
	s1 =	smul.u32 $0xA000, s9  }
0x3: {  	s2 =	rddreg [dreg:$0x0];
	s4 =	smul.u32 $0x5000, s0  }
0x4: {  	s5 =	rddreg [dreg:$0x1]  }
0x5: {  	s3 =	rddreg [dreg:$0x2];
	s1 =	sadd.s32 s4, s1;
	s4 =	simm.s32 $0x0  }
0x6: {  	s22 =	simm.s32 $0x80;
	[smem:$0x7FF] =	sst s4  }
0x7: {  	s23 =	simm.s32 $0x100;
	_ =	strace $0x8000004D;
	[dreg:$0x6] =	wrdreg s22  }
0x8: {  	s24 =	simm.s32 $0x180;
	[dreg:$0x7] =	wrdreg s23  }
0x9: {  	s25 =	simm.s32 $0x200;
	s10 =	simm.s32 $0x1080;
	[dreg:$0x8] =	wrdreg s24  }
0xa: {  	s11 =	simm.s32 $0x280;
	s12 =	simm.s32 $0x1100;
	[dreg:$0x9] =	wrdreg s25  }
0xb: {  	s13 =	simm.s32 $0x300;
	s14 =	simm.s32 $0x1180;
	[dreg:$0xa] =	wrdreg s10  }
0xc: {  	s15 =	simm.s32 $0x380;
	s16 =	simm.s32 $0x1200;
	[dreg:$0xb] =	wrdreg s11  }
0xd: {  	s17 =	simm.s32 $0x400;
	s18 =	simm.s32 $0x1280;
	[dreg:$0xc] =	wrdreg s12  }
0xe: {  	s20 =	simm.s32 $0x480;
	s28 =	simm.s32 $0xB80;
	[dreg:$0xd] =	wrdreg s13  }
0xf: {  	s29 =	simm.s32 $0x1A00;
	s26 =	smul.u32 $0x13C00, s9;
	[dreg:$0xe] =	wrdreg s14  }
0x10: {  	s30 =	simm.s32 $0xC00;
	s21 =	smul.u32 $0x4F000, s9;
	[dreg:$0xf] =	wrdreg s15  }
0x11: {  	s31 =	simm.s32 $0x1A80;
	s8 =	smul.u32 $0x13C000, s0;
	[dreg:$0x10] =	wrdreg s16  }
0x12: {  	s0 =	ssub.s32 $0x2, s0;
	s7 =	sshrl.u32 s26, $0x3;
	[dreg:$0x11] =	wrdreg s17  }
0x13: {  	s19 =	sshrl.u32 s0, $0x1;
	s7 =	sadd.s32 s7, s5;
	[dreg:$0x12] =	wrdreg s18  }
0x14: {  	s0 =	ssub.s32 s0, s19;
	s7 =	sadd.s32 $0x2AE00, s7;
	[dreg:$0x13] =	wrdreg s20  }
0x15: {  	s1 =	sshrl.u32 s1, $0x3;
	s0 =	smax.u32 s0, $0x1;
	[smem:$0x7F0] =	sst s7  }
0x16: {  	s19 =	simm.s32 $0x800;
	s1 =	sadd.s32 s1, s5;
	[smem:$0x7F2] =	sst s0  }
0x17: {  	s22 =	simm.s32 $0x1300;
	s23 =	simm.s32 $0x500;
	[smem:$0x7F4] =	sst s19  }
0x18: {  	s24 =	sshrl.u32 s21, $0x2;
	s25 =	simm.s32 $0x1380;
	[dreg:$0x14] =	wrdreg s22  }
0x19: {  	s10 =	sshll.u32 s9, $0x6;
	s11 =	simm.s32 $0x600;
	[dreg:$0x15] =	wrdreg s23  }
0x1a: {  	s12 =	simm.s32 $0x1480;
	s13 =	simm.s32 $0x680;
	[dreg:$0x16] =	wrdreg s25  }
0x1b: {  	s14 =	simm.s32 $0x1500;
	s15 =	simm.s32 $0x700;
	[dreg:$0x19] =	wrdreg s11  }
0x1c: {  	s16 =	simm.s32 $0x1580;
	s17 =	simm.s32 $0x780;
	[dreg:$0x1a] =	wrdreg s12  }
0x1d: {  	s18 =	simm.s32 $0x1600;
	s20 =	simm.s32 $0x1680;
	[dreg:$0x1b] =	wrdreg s13  }
0x1e: {  	s21 =	simm.s32 $0x880;
	s19 =	simm.s32 $0x3;
	[dreg:$0x1c] =	wrdreg s14  }
0x1f: {  	s0 =	simm.s32 $0x1B80;
	s9 =	simm.s32 $0x0;
	[dreg:$0x1d] =	wrdreg s15  }
0x20: {  	s6 =	sadd.s32 $0x2E00, s1;
	s1 =	sadd.s32 $0x16E00, s1;
	[dreg:$0x1e] =	wrdreg s16  }
0x21: {  	s7 =	sor.u32 $0x1C05, s10;
	s10 =	simm.s32 $0x5;
	[dreg:$0x1f] =	wrdreg s17  }
0x22: {  	s11 =	simm.s32 $0x1000;
	s12 =	simm.s32 $0x50;
	[smem:$0x7F3] =	sst s18  }
0x23: {  	s13 =	simm.s32 $0x2000;
	s14 =	simm.s32 $0x4800;
	[smem:$0x7F5] =	sst s20  }
0x24: {  	s15 =	simm.s32 $0x7000;
	s16 =	simm.s32 $0x9800;
	[smem:$0x7F6] =	sst s21  }
0x25: {  	s22 =	simm.s32 $0x1700;
	s17 =	simm.s32 $0x1;
	[dreg:$0x4] =	wrdreg s6  }
0x26: {  	s23 =	simm.s32 $0x900;
	s18 =	simm.s32 $0x2;
	[dreg:$0x5] =	wrdreg s1  }
0x27: {  	s25 =	simm.s32 $0x980;
	s20 =	simm.s32 $0x4;
	[smem:$0x7F7] =	sst s22  }
0x28: {  	s21 =	simm.s32 $0xA00;
	s6 =	sadd.s32 s26, s8;
	[smem:$0x7F8] =	sst s23  }
0x29: {  	s26 =	simm.s32 $0x580;
	s8 =	simm.s32 $0x1400;
	[smem:$0x7FA] =	sst s25  }
0x2a: {  	s22 =	simm.s32 $0x1880;
	s23 =	simm.s32 $0xA80;
	[smem:$0x7FC] =	sst s7  }
0x2b: {  	s25 =	simm.s32 $0xB00;
	s6 =	sshrl.u32 s6, $0x3;
	[dreg:$0x17] =	wrdreg s26  }
0x2c: {  	[dreg:$0x18] =	wrdreg s8;
	s26 =	simm.s32 $0x1800;
	s5 =	sadd.s32 s6, s5  }
0x2d: {  	s6 =	sadd.s32 s24, s3;
	s24 =	simm.s32 $0x1780;
	[smem:$0x7FB] =	sst s26  }
0x2e: {  	s1 =	simm.s32 $0x1B00;
	s5 =	sadd.s32 $0x52600, s5;
	[smem:$0x7F9] =	sst s24  }
0x2f: {  	s26 =	simm.s32 $0x1980;
	s8 =	sshrl.u32 s6, $0x3;
	[smem:$0x7F1] =	sst s5  }
0x30: {  	s24 =	simm.s32 $0x1900;
	s5 =	simm.s32 $0x1C00;
	[smem:$0x7FD] =	sst s8  }
.LBB2_1:
0x31: {  	s6 =	sld [smem:$0x7F0];
	_ =	sdelay $0x1  }
0x32: {  	[smem:$0x7EF] =	sst s9  }
0x33: {  	[spmem:s8], [sflag:s7] =	dma.local [hbm:s6], $0x2780  }
0x34: {  	_ =	swait.ge [sflag:s10], $0x2780  }
0x35: {  	[sflag:s10] =	ssyncset.done $0x0  }
0x36: {  	[sflag:s10] =	ssyncadd.s32 $0xFFFFD880  }
0x37: {  	[bflag:$0x0] =	sbarrier.arrive $0xFFFF  }
0x38: {  	s9 =	rddreg [dreg:$0x5]  }
0x39: {  	s6 =	sadd.s32 $0x0, s9  }
0x3a: {  	[tilespmem:s4], [sflag:$0x5] =	stream.linear.gather [hbm4b:s6+s4], $0xC80, $0x38;
	[tilespmem:$0x1FC00] =	vst v63  }
0x3b: {  	_ =	swait.ge [sflag:s10], $0xC80  }
0x3c: {  	s7 =	rddreg [dreg:$0x4];
	[sflag:s10] =	ssyncset.done $0x0  }
0x3d: {  	[sflag:s10] =	ssyncadd.s32 $0xFFFFF380;
	s6 =	sadd.s32 $0x0, s7  }
0x3e: {  	[tilespmem:s11], [sflag:$0x5] =	stream.linear.gather [hbm4b:s6+s4], $0xC80, $0x38;
	[tilespmem:$0x1FC00] =	vst v63  }
0x3f: {  	_ =	swait.ge [sflag:s10], $0xC80  }
0x40: {  	[sflag:s10] =	ssyncset.done $0x0  }
0x41: {  	[sflag:s10] =	ssyncadd.s32 $0xFFFFF380  }
0x42: {  	[tilespmem:s13], [sflag:$0x1] =	stream.indirect.gather [hbm4b:s2+s12], $0x80, s4, s12, $0xb8;
	[tilespmem:$0x1FC00] =	vst v63  }
0x43: {  	s8 =	rddreg [dreg:$0x6]  }
0x44: {  	[tilespmem:s14], [sflag:$0x2] =	stream.indirect.gather [hbm4b:s2+s12], $0x80, s8, s12, $0xb8;
	[tilespmem:$0x1FC00] =	vst v63  }
0x45: {  	s9 =	rddreg [dreg:$0x7]  }
0x46: {  	[tilespmem:s15], [sflag:$0x3] =	stream.indirect.gather [hbm4b:s2+s12], $0x80, s9, s12, $0xb8;
	[tilespmem:$0x1FC00] =	vst v63  }
0x47: {  	s7 =	rddreg [dreg:$0x8]  }
0x48: {  	[tilespmem:s16], [sflag:$0x4] =	stream.indirect.gather [hbm4b:s2+s12], $0x80, s7, s12, $0xb8;
	[tilespmem:$0x1FC00] =	vst v63  }
0x49: {  	_ =	swait.ge [sflag:s17], $0x2800  }
0x4a: {  	[sflag:s17] =	ssyncset.done $0x0  }
0x4b: {  	[sflag:s17] =	ssyncadd.s32 $0xFFFFD800  }
0x4c: {  	[spmem:s3] =	stream.indirect.scatter.add.f32 [tilespmem:s13], [sflag:$0x5], $0x80, s11, s12, $0xb8;
	[tilespmem:$0x1FC00] =	vst v63  }
0x4d: {  	_ =	swait.ge [sflag:s10], $0x2800  }
0x4e: {  	[sflag:s10] =	ssyncset.done $0x0  }
0x4f: {  	s8 =	rddreg [dreg:$0x9];
	[sflag:s10] =	ssyncadd.s32 $0xFFFFD800  }
0x50: {  	[tilespmem:s13], [sflag:$0x1] =	stream.indirect.gather [hbm4b:s2+s12], $0x80, s8, s12, $0xb8;
	[tilespmem:$0x1FC00] =	vst v63  }
0x51: {  	_ =	swait.ge [sflag:s18], $0x2800  }
0x52: {  	[sflag:s18] =	ssyncset.done $0x0  }
0x53: {  	s9 =	rddreg [dreg:$0xa];
	[sflag:s18] =	ssyncadd.s32 $0xFFFFD800  }
0x54: {  	[spmem:s3] =	stream.indirect.scatter.add.f32 [tilespmem:s14], [sflag:$0x5], $0x80, s9, s12, $0xb8;
	[tilespmem:$0x1FC00] =	vst v63  }
0x55: {  	_ =	swait.ge [sflag:s10], $0x2800  }
0x56: {  	[sflag:s10] =	ssyncset.done $0x0  }
0x57: {  	s7 =	rddreg [dreg:$0xb];
	[sflag:s10] =	ssyncadd.s32 $0xFFFFD800  }
0x58: {  	[tilespmem:s14], [sflag:$0x2] =	stream.indirect.gather [hbm4b:s2+s12], $0x80, s7, s12, $0xb8;
	[tilespmem:$0x1FC00] =	vst v63  }
0x59: {  	_ =	swait.ge [sflag:s19], $0x2800  }
0x5a: {  	[sflag:s19] =	ssyncset.done $0x0  }
0x5b: {  	s8 =	rddreg [dreg:$0xc];
	[sflag:s19] =	ssyncadd.s32 $0xFFFFD800  }
0x5c: {  	[spmem:s3] =	stream.indirect.scatter.add.f32 [tilespmem:s15], [sflag:$0x5], $0x80, s8, s12, $0xb8;
	[tilespmem:$0x1FC00] =	vst v63  }
0x5d: {  	_ =	swait.ge [sflag:s10], $0x2800  }
0x5e: {  	[sflag:s10] =	ssyncset.done $0x0  }
0x5f: {  	s9 =	rddreg [dreg:$0xd];
	[sflag:s10] =	ssyncadd.s32 $0xFFFFD800  }
0x60: {  	[tilespmem:s15], [sflag:$0x3] =	stream.indirect.gather [hbm4b:s2+s12], $0x80, s9, s12, $0xb8;
	[tilespmem:$0x1FC00] =	vst v63  }
0x61: {  	_ =	swait.ge [sflag:s20], $0x2800  }
0x62: {  	[sflag:s20] =	ssyncset.done $0x0  }
0x63: {  	s7 =	rddreg [dreg:$0xe];
	[sflag:s20] =	ssyncadd.s32 $0xFFFFD800  }
0x64: {  	[spmem:s3] =	stream.indirect.scatter.add.f32 [tilespmem:s16], [sflag:$0x5], $0x80, s7, s12, $0xb8;
	[tilespmem:$0x1FC00] =	vst v63  }
0x65: {  	_ =	swait.ge [sflag:s10], $0x2800  }
0x66: {  	[sflag:s10] =	ssyncset.done $0x0  }
0x67: {  	s8 =	rddreg [dreg:$0xf];
	[sflag:s10] =	ssyncadd.s32 $0xFFFFD800  }
0x68: {  	[tilespmem:s16], [sflag:$0x4] =	stream.indirect.gather [hbm4b:s2+s12], $0x80, s8, s12, $0xb8;
	[tilespmem:$0x1FC00] =	vst v63  }
0x69: {  	_ =	swait.ge [sflag:s17], $0x2800  }
0x6a: {  	[sflag:s17] =	ssyncset.done $0x0  }
0x6b: {  	s9 =	rddreg [dreg:$0x10];
	[sflag:s17] =	ssyncadd.s32 $0xFFFFD800  }
0x6c: {  	[spmem:s3] =	stream.indirect.scatter.add.f32 [tilespmem:s13], [sflag:$0x5], $0x80, s9, s12, $0xb8;
	[tilespmem:$0x1FC00] =	vst v63  }
0x6d: {  	_ =	swait.ge [sflag:s10], $0x2800  }
0x6e: {  	[sflag:s10] =	ssyncset.done $0x0  }
0x6f: {  	s7 =	rddreg [dreg:$0x11];
	[sflag:s10] =	ssyncadd.s32 $0xFFFFD800  }
0x70: {  	[tilespmem:s13], [sflag:$0x1] =	stream.indirect.gather [hbm4b:s2+s12], $0x80, s7, s12, $0xb8;
	[tilespmem:$0x1FC00] =	vst v63  }
0x71: {  	_ =	swait.ge [sflag:s18], $0x2800  }
0x72: {  	[sflag:s18] =	ssyncset.done $0x0  }
0x73: {  	s8 =	rddreg [dreg:$0x12];
	[sflag:s18] =	ssyncadd.s32 $0xFFFFD800  }
0x74: {  	[spmem:s3] =	stream.indirect.scatter.add.f32 [tilespmem:s14], [sflag:$0x5], $0x80, s8, s12, $0xb8;
	[tilespmem:$0x1FC00] =	vst v63  }
0x75: {  	_ =	swait.ge [sflag:s10], $0x2800  }
0x76: {  	[sflag:s10] =	ssyncset.done $0x0  }
0x77: {  	s9 =	rddreg [dreg:$0x13];
	[sflag:s10] =	ssyncadd.s32 $0xFFFFD800  }
0x78: {  	[tilespmem:s14], [sflag:$0x2] =	stream.indirect.gather [hbm4b:s2+s12], $0x80, s9, s12, $0xb8;
	[tilespmem:$0x1FC00] =	vst v63  }
0x79: {  	_ =	swait.ge [sflag:s19], $0x2800  }
0x7a: {  	[sflag:s19] =	ssyncset.done $0x0  }
0x7b: {  	s7 =	rddreg [dreg:$0x14];
	[sflag:s19] =	ssyncadd.s32 $0xFFFFD800  }
0x7c: {  	[spmem:s3] =	stream.indirect.scatter.add.f32 [tilespmem:s15], [sflag:$0x5], $0x80, s7, s12, $0xb8;
	[tilespmem:$0x1FC00] =	vst v63  }
0x7d: {  	_ =	swait.ge [sflag:s10], $0x2800  }
0x7e: {  	[sflag:s10] =	ssyncset.done $0x0  }
0x7f: {  	s8 =	rddreg [dreg:$0x15];
	[sflag:s10] =	ssyncadd.s32 $0xFFFFD800  }
0x80: {  	[tilespmem:s15], [sflag:$0x3] =	stream.indirect.gather [hbm4b:s2+s12], $0x80, s8, s12, $0xb8;
	[tilespmem:$0x1FC00] =	vst v63  }
0x81: {  	_ =	swait.ge [sflag:s20], $0x2800  }
0x82: {  	[sflag:s20] =	ssyncset.done $0x0  }
0x83: {  	s9 =	rddreg [dreg:$0x16];
	[sflag:s20] =	ssyncadd.s32 $0xFFFFD800  }
0x84: {  	[spmem:s3] =	stream.indirect.scatter.add.f32 [tilespmem:s16], [sflag:$0x5], $0x80, s9, s12, $0xb8;
	[tilespmem:$0x1FC00] =	vst v63  }
0x85: {  	_ =	swait.ge [sflag:s10], $0x2800  }
0x86: {  	[sflag:s10] =	ssyncset.done $0x0  }
0x87: {  	s7 =	rddreg [dreg:$0x17];
	[sflag:s10] =	ssyncadd.s32 $0xFFFFD800  }
0x88: {  	[tilespmem:s16], [sflag:$0x4] =	stream.indirect.gather [hbm4b:s2+s12], $0x80, s7, s12, $0xb8;
	[tilespmem:$0x1FC00] =	vst v63  }
0x89: {  	_ =	swait.ge [sflag:s17], $0x2800  }
0x8a: {  	[sflag:s17] =	ssyncset.done $0x0  }
0x8b: {  	s8 =	rddreg [dreg:$0x18];
	[sflag:s17] =	ssyncadd.s32 $0xFFFFD800  }
0x8c: {  	[spmem:s3] =	stream.indirect.scatter.add.f32 [tilespmem:s13], [sflag:$0x5], $0x80, s8, s12, $0xb8;
	[tilespmem:$0x1FC00] =	vst v63  }
0x8d: {  	_ =	swait.ge [sflag:s10], $0x2800  }
0x8e: {  	[sflag:s10] =	ssyncset.done $0x0  }
0x8f: {  	s9 =	rddreg [dreg:$0x19];
	[sflag:s10] =	ssyncadd.s32 $0xFFFFD800  }
0x90: {  	[tilespmem:s13], [sflag:$0x1] =	stream.indirect.gather [hbm4b:s2+s12], $0x80, s9, s12, $0xb8;
	[tilespmem:$0x1FC00] =	vst v63  }
0x91: {  	_ =	swait.ge [sflag:s18], $0x2800  }
0x92: {  	[sflag:s18] =	ssyncset.done $0x0  }
0x93: {  	s7 =	rddreg [dreg:$0x1a];
	[sflag:s18] =	ssyncadd.s32 $0xFFFFD800  }
0x94: {  	[spmem:s3] =	stream.indirect.scatter.add.f32 [tilespmem:s14], [sflag:$0x5], $0x80, s7, s12, $0xb8;
	[tilespmem:$0x1FC00] =	vst v63  }
0x95: {  	_ =	swait.ge [sflag:s10], $0x2800  }
0x96: {  	[sflag:s10] =	ssyncset.done $0x0  }
0x97: {  	s8 =	rddreg [dreg:$0x1b];
	[sflag:s10] =	ssyncadd.s32 $0xFFFFD800  }
0x98: {  	[tilespmem:s14], [sflag:$0x2] =	stream.indirect.gather [hbm4b:s2+s12], $0x80, s8, s12, $0xb8;
	[tilespmem:$0x1FC00] =	vst v63  }
0x99: {  	_ =	swait.ge [sflag:s19], $0x2800  }
0x9a: {  	[sflag:s19] =	ssyncset.done $0x0  }
0x9b: {  	s9 =	rddreg [dreg:$0x1c];
	[sflag:s19] =	ssyncadd.s32 $0xFFFFD800  }
0x9c: {  	[spmem:s3] =	stream.indirect.scatter.add.f32 [tilespmem:s15], [sflag:$0x5], $0x80, s9, s12, $0xb8;
	[tilespmem:$0x1FC00] =	vst v63  }
0x9d: {  	_ =	swait.ge [sflag:s10], $0x2800  }
0x9e: {  	[sflag:s10] =	ssyncset.done $0x0  }
0x9f: {  	s7 =	rddreg [dreg:$0x1d];
	[sflag:s10] =	ssyncadd.s32 $0xFFFFD800  }
0xa0: {  	[tilespmem:s15], [sflag:$0x3] =	stream.indirect.gather [hbm4b:s2+s12], $0x80, s7, s12, $0xb8;
	[tilespmem:$0x1FC00] =	vst v63  }
0xa1: {  	_ =	swait.ge [sflag:s20], $0x2800  }
0xa2: {  	[sflag:s20] =	ssyncset.done $0x0  }
0xa3: {  	s8 =	rddreg [dreg:$0x1e];
	[sflag:s20] =	ssyncadd.s32 $0xFFFFD800  }
0xa4: {  	[spmem:s3] =	stream.indirect.scatter.add.f32 [tilespmem:s16], [sflag:$0x5], $0x80, s8, s12, $0xb8;
	[tilespmem:$0x1FC00] =	vst v63  }
0xa5: {  	_ =	swait.ge [sflag:s10], $0x2800  }
0xa6: {  	[sflag:s10] =	ssyncset.done $0x0  }
0xa7: {  	s9 =	rddreg [dreg:$0x1f];
	[sflag:s10] =	ssyncadd.s32 $0xFFFFD800  }
0xa8: {  	[tilespmem:s16], [sflag:$0x4] =	stream.indirect.gather [hbm4b:s2+s12], $0x80, s9, s12, $0xb8;
	[tilespmem:$0x1FC00] =	vst v63  }
0xa9: {  	_ =	swait.ge [sflag:s17], $0x2800  }
0xaa: {  	s7 =	sld [smem:$0x7F3]  }
0xab: {  	[sflag:s17] =	ssyncset.done $0x0  }
0xac: {  	[sflag:s17] =	ssyncadd.s32 $0xFFFFD800  }
0xad: {  	[spmem:s3] =	stream.indirect.scatter.add.f32 [tilespmem:s13], [sflag:$0x5], $0x80, s7, s12, $0xb8;
	[tilespmem:$0x1FC00] =	vst v63  }
0xae: {  	_ =	swait.ge [sflag:s10], $0x2800  }
0xaf: {  	s8 =	sld [smem:$0x7F4]  }
0xb0: {  	[sflag:s10] =	ssyncset.done $0x0  }
0xb1: {  	[sflag:s10] =	ssyncadd.s32 $0xFFFFD800  }
0xb2: {  	[tilespmem:s13], [sflag:$0x1] =	stream.indirect.gather [hbm4b:s2+s12], $0x80, s8, s12, $0xb8;
	[tilespmem:$0x1FC00] =	vst v63  }
0xb3: {  	_ =	swait.ge [sflag:s18], $0x2800  }
0xb4: {  	s9 =	sld [smem:$0x7F5]  }
0xb5: {  	[sflag:s18] =	ssyncset.done $0x0  }
0xb6: {  	[sflag:s18] =	ssyncadd.s32 $0xFFFFD800  }
0xb7: {  	[spmem:s3] =	stream.indirect.scatter.add.f32 [tilespmem:s14], [sflag:$0x5], $0x80, s9, s12, $0xb8;
	[tilespmem:$0x1FC00] =	vst v63  }
0xb8: {  	_ =	swait.ge [sflag:s10], $0x2800  }
0xb9: {  	s7 =	sld [smem:$0x7F6]  }
0xba: {  	[sflag:s10] =	ssyncset.done $0x0  }
0xbb: {  	[sflag:s10] =	ssyncadd.s32 $0xFFFFD800  }
0xbc: {  	[tilespmem:s14], [sflag:$0x2] =	stream.indirect.gather [hbm4b:s2+s12], $0x80, s7, s12, $0xb8;
	[tilespmem:$0x1FC00] =	vst v63  }
0xbd: {  	_ =	swait.ge [sflag:s19], $0x2800  }
0xbe: {  	s8 =	sld [smem:$0x7F7]  }
0xbf: {  	[sflag:s19] =	ssyncset.done $0x0  }
0xc0: {  	[sflag:s19] =	ssyncadd.s32 $0xFFFFD800  }
0xc1: {  	[spmem:s3] =	stream.indirect.scatter.add.f32 [tilespmem:s15], [sflag:$0x5], $0x80, s8, s12, $0xb8;
	[tilespmem:$0x1FC00] =	vst v63  }
0xc2: {  	_ =	swait.ge [sflag:s10], $0x2800  }
0xc3: {  	s9 =	sld [smem:$0x7F8]  }
0xc4: {  	[sflag:s10] =	ssyncset.done $0x0  }
0xc5: {  	[sflag:s10] =	ssyncadd.s32 $0xFFFFD800  }
0xc6: {  	[tilespmem:s15], [sflag:$0x3] =	stream.indirect.gather [hbm4b:s2+s12], $0x80, s9, s12, $0xb8;
	[tilespmem:$0x1FC00] =	vst v63  }
0xc7: {  	_ =	swait.ge [sflag:s20], $0x2800  }
0xc8: {  	s7 =	sld [smem:$0x7F9]  }
0xc9: {  	[sflag:s20] =	ssyncset.done $0x0  }
0xca: {  	[sflag:s20] =	ssyncadd.s32 $0xFFFFD800  }
0xcb: {  	[spmem:s3] =	stream.indirect.scatter.add.f32 [tilespmem:s16], [sflag:$0x5], $0x80, s7, s12, $0xb8;
	[tilespmem:$0x1FC00] =	vst v63  }
0xcc: {  	_ =	swait.ge [sflag:s10], $0x2800  }
0xcd: {  	s8 =	sld [smem:$0x7FA]  }
0xce: {  	[sflag:s10] =	ssyncset.done $0x0  }
0xcf: {  	[sflag:s10] =	ssyncadd.s32 $0xFFFFD800  }
0xd0: {  	[tilespmem:s16], [sflag:$0x4] =	stream.indirect.gather [hbm4b:s2+s12], $0x80, s8, s12, $0xb8;
	[tilespmem:$0x1FC00] =	vst v63  }
0xd1: {  	_ =	swait.ge [sflag:s17], $0x2800  }
0xd2: {  	s9 =	sld [smem:$0x7FB]  }
0xd3: {  	[sflag:s17] =	ssyncset.done $0x0  }
0xd4: {  	[sflag:s17] =	ssyncadd.s32 $0xFFFFD800  }
0xd5: {  	[spmem:s3] =	stream.indirect.scatter.add.f32 [tilespmem:s13], [sflag:$0x5], $0x80, s9, s12, $0xb8;
	[tilespmem:$0x1FC00] =	vst v63  }
0xd6: {  	_ =	swait.ge [sflag:s10], $0x2800  }
0xd7: {  	[sflag:s10] =	ssyncset.done $0x0  }
0xd8: {  	[sflag:s10] =	ssyncadd.s32 $0xFFFFD800  }
0xd9: {  	[tilespmem:s13], [sflag:$0x1] =	stream.indirect.gather [hbm4b:s2+s12], $0x80, s21, s12, $0xb8;
	[tilespmem:$0x1FC00] =	vst v63  }
0xda: {  	_ =	swait.ge [sflag:s18], $0x2800  }
0xdb: {  	[sflag:s18] =	ssyncset.done $0x0  }
0xdc: {  	[sflag:s18] =	ssyncadd.s32 $0xFFFFD800  }
0xdd: {  	[spmem:s3] =	stream.indirect.scatter.add.f32 [tilespmem:s14], [sflag:$0x5], $0x80, s22, s12, $0xb8;
	[tilespmem:$0x1FC00] =	vst v63  }
0xde: {  	_ =	swait.ge [sflag:s10], $0x2800  }
0xdf: {  	[sflag:s10] =	ssyncset.done $0x0  }
0xe0: {  	[sflag:s10] =	ssyncadd.s32 $0xFFFFD800  }
0xe1: {  	[tilespmem:s14], [sflag:$0x2] =	stream.indirect.gather [hbm4b:s2+s12], $0x80, s23, s12, $0xb8;
	[tilespmem:$0x1FC00] =	vst v63  }
0xe2: {  	_ =	swait.ge [sflag:s19], $0x2800  }
0xe3: {  	[sflag:s19] =	ssyncset.done $0x0  }
0xe4: {  	[sflag:s19] =	ssyncadd.s32 $0xFFFFD800  }
0xe5: {  	[spmem:s3] =	stream.indirect.scatter.add.f32 [tilespmem:s15], [sflag:$0x5], $0x80, s24, s12, $0xb8;
	[tilespmem:$0x1FC00] =	vst v63  }
0xe6: {  	_ =	swait.ge [sflag:s10], $0x2800  }
0xe7: {  	[sflag:s10] =	ssyncset.done $0x0  }
0xe8: {  	[sflag:s10] =	ssyncadd.s32 $0xFFFFD800  }
0xe9: {  	[tilespmem:s15], [sflag:$0x3] =	stream.indirect.gather [hbm4b:s2+s12], $0x80, s25, s12, $0xb8;
	[tilespmem:$0x1FC00] =	vst v63  }
0xea: {  	_ =	swait.ge [sflag:s20], $0x2800  }
0xeb: {  	[sflag:s20] =	ssyncset.done $0x0  }
0xec: {  	[sflag:s20] =	ssyncadd.s32 $0xFFFFD800  }
0xed: {  	[spmem:s3] =	stream.indirect.scatter.add.f32 [tilespmem:s16], [sflag:$0x5], $0x80, s26, s12, $0xb8;
	[tilespmem:$0x1FC00] =	vst v63  }
0xee: {  	_ =	swait.ge [sflag:s10], $0x2800  }
0xef: {  	[sflag:s10] =	ssyncset.done $0x0  }
0xf0: {  	[sflag:s10] =	ssyncadd.s32 $0xFFFFD800  }
0xf1: {  	[tilespmem:s16], [sflag:$0x4] =	stream.indirect.gather [hbm4b:s2+s12], $0x80, s28, s12, $0xb8;
	[tilespmem:$0x1FC00] =	vst v63  }
0xf2: {  	_ =	swait.ge [sflag:s17], $0x2800  }
0xf3: {  	[sflag:s17] =	ssyncset.done $0x0  }
0xf4: {  	[sflag:s17] =	ssyncadd.s32 $0xFFFFD800  }
0xf5: {  	[spmem:s3] =	stream.indirect.scatter.add.f32 [tilespmem:s13], [sflag:$0x5], $0x80, s29, s12, $0xb8;
	[tilespmem:$0x1FC00] =	vst v63  }
0xf6: {  	_ =	swait.ge [sflag:s10], $0x2800  }
0xf7: {  	[sflag:s10] =	ssyncset.done $0x0  }
0xf8: {  	[sflag:s10] =	ssyncadd.s32 $0xFFFFD800  }
0xf9: {  	[tilespmem:s13], [sflag:$0x1] =	stream.indirect.gather [hbm4b:s2+s12], $0x80, s30, s12, $0xb8;
	[tilespmem:$0x1FC00] =	vst v63  }
0xfa: {  	_ =	swait.ge [sflag:s18], $0x2800  }
0xfb: {  	[sflag:s18] =	ssyncset.done $0x0  }
0xfc: {  	[sflag:s18] =	ssyncadd.s32 $0xFFFFD800  }
0xfd: {  	[spmem:s3] =	stream.indirect.scatter.add.f32 [tilespmem:s14], [sflag:$0x5], $0x80, s31, s12, $0xb8;
	[tilespmem:$0x1FC00] =	vst v63  }
0xfe: {  	_ =	swait.ge [sflag:s10], $0x2800  }
0xff: {  	[sflag:s10] =	ssyncset.done $0x0  }
0x100: {  	[sflag:s10] =	ssyncadd.s32 $0xFFFFD800  }
0x101: {  	_ =	swait.ge [sflag:s19], $0x2800  }
0x102: {  	[sflag:s19] =	ssyncset.done $0x0  }
0x103: {  	[sflag:s19] =	ssyncadd.s32 $0xFFFFD800  }
0x104: {  	[spmem:s3] =	stream.indirect.scatter.add.f32 [tilespmem:s15], [sflag:$0x5], $0x80, s1, s12, $0xb8;
	[tilespmem:$0x1FC00] =	vst v63  }
0x105: {  	_ =	swait.ge [sflag:s10], $0x2800  }
0x106: {  	[sflag:s10] =	ssyncset.done $0x0  }
0x107: {  	[sflag:s10] =	ssyncadd.s32 $0xFFFFD800  }
0x108: {  	_ =	swait.ge [sflag:s20], $0x2800  }
0x109: {  	[sflag:s20] =	ssyncset.done $0x0  }
0x10a: {  	[sflag:s20] =	ssyncadd.s32 $0xFFFFD800  }
0x10b: {  	[spmem:s3] =	stream.indirect.scatter.add.f32 [tilespmem:s16], [sflag:$0x5], $0x80, s0, s12, $0xb8;
	[tilespmem:$0x1FC00] =	vst v63  }
0x10c: {  	_ =	swait.ge [sflag:s10], $0x2800  }
0x10d: {  	[sflag:s10] =	ssyncset.done $0x0  }
0x10e: {  	[sflag:s10] =	ssyncadd.s32 $0xFFFFD800  }
0x10f: {  	_ =	swait.ge [sflag:s17], $0x2800  }
0x110: {  	[sflag:s17] =	ssyncset.done $0x0  }
0x111: {  	[sflag:s17] =	ssyncadd.s32 $0xFFFFD800  }
0x112: {  	[spmem:s3] =	stream.indirect.scatter.add.f32 [tilespmem:s13], [sflag:$0x5], $0x80, s5, s12, $0xb8;
	[tilespmem:$0x1FC00] =	vst v63  }
0x113: {  	s6 =	simm.s32 $0x400;
	_ =	swait.ge [sflag:s10], $0x2800  }
0x114: {  	s8 =	simm.s32 $0x200;
	s9 =	rddreg [dreg:$0x5];
	[sflag:s10] =	ssyncset.done $0x0  }
.LBB2_2:
0x115: {  	[sflag:s10] =	ssyncadd.s32 $0xFFFFD800;
	s9 =	sadd.s32 s8, s9  }
0x116: {  	[tilespmem:s4], [sflag:$0x5] =	stream.linear.gather [hbm4b:s9+s4], $0xC80, $0x38;
	[tilespmem:$0x1FC00] =	vst v63  }
0x117: {  	_ =	swait.ge [sflag:s10], $0xC80  }
0x118: {  	s9 =	rddreg [dreg:$0x4];
	[sflag:s10] =	ssyncset.done $0x0  }
0x119: {  	[sflag:s10] =	ssyncadd.s32 $0xFFFFF380;
	s9 =	sadd.s32 s8, s9  }
0x11a: {  	[tilespmem:s11], [sflag:$0x5] =	stream.linear.gather [hbm4b:s9+s4], $0xC80, $0x38;
	[tilespmem:$0x1FC00] =	vst v63  }
0x11b: {  	_ =	swait.ge [sflag:s10], $0xC80  }
0x11c: {  	[sflag:s10] =	ssyncset.done $0x0  }
0x11d: {  	s7 =	smov.u32 s6;
	[sflag:s10] =	ssyncadd.s32 $0xFFFFF380  }
0x11e: {  	[tilespmem:s13], [sflag:$0x1] =	stream.indirect.gather [hbm4b:s2+s12], $0x80, s4, s12, $0xb8;
	[tilespmem:$0x1FC00] =	vst v63  }
0x11f: {  	s8 =	smov.u32 s7;
	s7 =	rddreg [dreg:$0x6]  }
0x120: {  	[tilespmem:s14], [sflag:$0x2] =	stream.indirect.gather [hbm4b:s2+s12], $0x80, s7, s12, $0xb8;
	[tilespmem:$0x1FC00] =	vst v63  }
0x121: {  	s9 =	rddreg [dreg:$0x7]  }
0x122: {  	[tilespmem:s15], [sflag:$0x3] =	stream.indirect.gather [hbm4b:s2+s12], $0x80, s9, s12, $0xb8;
	[tilespmem:$0x1FC00] =	vst v63  }
0x123: {  	s7 =	rddreg [dreg:$0x8]  }
0x124: {  	[tilespmem:s16], [sflag:$0x4] =	stream.indirect.gather [hbm4b:s2+s12], $0x80, s7, s12, $0xb8;
	[tilespmem:$0x1FC00] =	vst v63  }
0x125: {  	_ =	swait.ge [sflag:s17], $0x2800  }
0x126: {  	[sflag:s17] =	ssyncset.done $0x0  }
0x127: {  	[sflag:s17] =	ssyncadd.s32 $0xFFFFD800  }
0x128: {  	[spmem:s3] =	stream.indirect.scatter.add.f32 [tilespmem:s13], [sflag:$0x5], $0x80, s11, s12, $0xb8;
	[tilespmem:$0x1FC00] =	vst v63  }
0x129: {  	_ =	swait.ge [sflag:s10], $0x2800  }
0x12a: {  	[sflag:s10] =	ssyncset.done $0x0  }
0x12b: {  	s9 =	rddreg [dreg:$0x9];
	[sflag:s10] =	ssyncadd.s32 $0xFFFFD800  }
0x12c: {  	[tilespmem:s13], [sflag:$0x1] =	stream.indirect.gather [hbm4b:s2+s12], $0x80, s9, s12, $0xb8;
	[tilespmem:$0x1FC00] =	vst v63  }
0x12d: {  	_ =	swait.ge [sflag:s18], $0x2800  }
0x12e: {  	[sflag:s18] =	ssyncset.done $0x0  }
0x12f: {  	s9 =	rddreg [dreg:$0xa];
	[sflag:s18] =	ssyncadd.s32 $0xFFFFD800  }
0x130: {  	[spmem:s3] =	stream.indirect.scatter.add.f32 [tilespmem:s14], [sflag:$0x5], $0x80, s9, s12, $0xb8;
	[tilespmem:$0x1FC00] =	vst v63  }
0x131: {  	_ =	swait.ge [sflag:s10], $0x2800  }
0x132: {  	[sflag:s10] =	ssyncset.done $0x0  }
0x133: {  	s9 =	rddreg [dreg:$0xb];
	[sflag:s10] =	ssyncadd.s32 $0xFFFFD800  }
0x134: {  	[tilespmem:s14], [sflag:$0x2] =	stream.indirect.gather [hbm4b:s2+s12], $0x80, s9, s12, $0xb8;
	[tilespmem:$0x1FC00] =	vst v63  }
0x135: {  	_ =	swait.ge [sflag:s19], $0x2800  }
0x136: {  	[sflag:s19] =	ssyncset.done $0x0  }
0x137: {  	s9 =	rddreg [dreg:$0xc];
	[sflag:s19] =	ssyncadd.s32 $0xFFFFD800  }
0x138: {  	[spmem:s3] =	stream.indirect.scatter.add.f32 [tilespmem:s15], [sflag:$0x5], $0x80, s9, s12, $0xb8;
	[tilespmem:$0x1FC00] =	vst v63  }
0x139: {  	_ =	swait.ge [sflag:s10], $0x2800  }
0x13a: {  	[sflag:s10] =	ssyncset.done $0x0  }
0x13b: {  	s9 =	rddreg [dreg:$0xd];
	[sflag:s10] =	ssyncadd.s32 $0xFFFFD800  }
0x13c: {  	[tilespmem:s15], [sflag:$0x3] =	stream.indirect.gather [hbm4b:s2+s12], $0x80, s9, s12, $0xb8;
	[tilespmem:$0x1FC00] =	vst v63  }
0x13d: {  	_ =	swait.ge [sflag:s20], $0x2800  }
0x13e: {  	[sflag:s20] =	ssyncset.done $0x0  }
0x13f: {  	s9 =	rddreg [dreg:$0xe];
	[sflag:s20] =	ssyncadd.s32 $0xFFFFD800  }
0x140: {  	[spmem:s3] =	stream.indirect.scatter.add.f32 [tilespmem:s16], [sflag:$0x5], $0x80, s9, s12, $0xb8;
	[tilespmem:$0x1FC00] =	vst v63  }
0x141: {  	_ =	swait.ge [sflag:s10], $0x2800  }
0x142: {  	[sflag:s10] =	ssyncset.done $0x0  }
0x143: {  	s9 =	rddreg [dreg:$0xf];
	[sflag:s10] =	ssyncadd.s32 $0xFFFFD800  }
0x144: {  	[tilespmem:s16], [sflag:$0x4] =	stream.indirect.gather [hbm4b:s2+s12], $0x80, s9, s12, $0xb8;
	[tilespmem:$0x1FC00] =	vst v63  }
0x145: {  	_ =	swait.ge [sflag:s17], $0x2800  }
0x146: {  	[sflag:s17] =	ssyncset.done $0x0  }
0x147: {  	s9 =	rddreg [dreg:$0x10];
	[sflag:s17] =	ssyncadd.s32 $0xFFFFD800  }
0x148: {  	[spmem:s3] =	stream.indirect.scatter.add.f32 [tilespmem:s13], [sflag:$0x5], $0x80, s9, s12, $0xb8;
	[tilespmem:$0x1FC00] =	vst v63  }
0x149: {  	_ =	swait.ge [sflag:s10], $0x2800  }
0x14a: {  	[sflag:s10] =	ssyncset.done $0x0  }
0x14b: {  	s9 =	rddreg [dreg:$0x11];
	[sflag:s10] =	ssyncadd.s32 $0xFFFFD800  }
0x14c: {  	[tilespmem:s13], [sflag:$0x1] =	stream.indirect.gather [hbm4b:s2+s12], $0x80, s9, s12, $0xb8;
	[tilespmem:$0x1FC00] =	vst v63  }
0x14d: {  	_ =	swait.ge [sflag:s18], $0x2800  }
0x14e: {  	[sflag:s18] =	ssyncset.done $0x0  }
0x14f: {  	s9 =	rddreg [dreg:$0x12];
	[sflag:s18] =	ssyncadd.s32 $0xFFFFD800  }
0x150: {  	[spmem:s3] =	stream.indirect.scatter.add.f32 [tilespmem:s14], [sflag:$0x5], $0x80, s9, s12, $0xb8;
	[tilespmem:$0x1FC00] =	vst v63  }
0x151: {  	_ =	swait.ge [sflag:s10], $0x2800  }
0x152: {  	[sflag:s10] =	ssyncset.done $0x0  }
0x153: {  	s9 =	rddreg [dreg:$0x13];
	[sflag:s10] =	ssyncadd.s32 $0xFFFFD800  }
0x154: {  	[tilespmem:s14], [sflag:$0x2] =	stream.indirect.gather [hbm4b:s2+s12], $0x80, s9, s12, $0xb8;
	[tilespmem:$0x1FC00] =	vst v63  }
0x155: {  	_ =	swait.ge [sflag:s19], $0x2800  }
0x156: {  	[sflag:s19] =	ssyncset.done $0x0  }
0x157: {  	s9 =	rddreg [dreg:$0x14];
	[sflag:s19] =	ssyncadd.s32 $0xFFFFD800  }
0x158: {  	[spmem:s3] =	stream.indirect.scatter.add.f32 [tilespmem:s15], [sflag:$0x5], $0x80, s9, s12, $0xb8;
	[tilespmem:$0x1FC00] =	vst v63  }
0x159: {  	_ =	swait.ge [sflag:s10], $0x2800  }
0x15a: {  	[sflag:s10] =	ssyncset.done $0x0  }
0x15b: {  	s9 =	rddreg [dreg:$0x15];
	[sflag:s10] =	ssyncadd.s32 $0xFFFFD800  }
0x15c: {  	[tilespmem:s15], [sflag:$0x3] =	stream.indirect.gather [hbm4b:s2+s12], $0x80, s9, s12, $0xb8;
	[tilespmem:$0x1FC00] =	vst v63  }
0x15d: {  	_ =	swait.ge [sflag:s20], $0x2800  }
0x15e: {  	[sflag:s20] =	ssyncset.done $0x0  }
0x15f: {  	s9 =	rddreg [dreg:$0x16];
	[sflag:s20] =	ssyncadd.s32 $0xFFFFD800  }
0x160: {  	[spmem:s3] =	stream.indirect.scatter.add.f32 [tilespmem:s16], [sflag:$0x5], $0x80, s9, s12, $0xb8;
	[tilespmem:$0x1FC00] =	vst v63  }
0x161: {  	_ =	swait.ge [sflag:s10], $0x2800  }
0x162: {  	[sflag:s10] =	ssyncset.done $0x0  }
0x163: {  	s9 =	rddreg [dreg:$0x17];
	[sflag:s10] =	ssyncadd.s32 $0xFFFFD800  }
0x164: {  	[tilespmem:s16], [sflag:$0x4] =	stream.indirect.gather [hbm4b:s2+s12], $0x80, s9, s12, $0xb8;
	[tilespmem:$0x1FC00] =	vst v63  }
0x165: {  	_ =	swait.ge [sflag:s17], $0x2800  }
0x166: {  	[sflag:s17] =	ssyncset.done $0x0  }
0x167: {  	s9 =	rddreg [dreg:$0x18];
	[sflag:s17] =	ssyncadd.s32 $0xFFFFD800  }
0x168: {  	[spmem:s3] =	stream.indirect.scatter.add.f32 [tilespmem:s13], [sflag:$0x5], $0x80, s9, s12, $0xb8;
	[tilespmem:$0x1FC00] =	vst v63  }
0x169: {  	_ =	swait.ge [sflag:s10], $0x2800  }
0x16a: {  	[sflag:s10] =	ssyncset.done $0x0  }
0x16b: {  	s9 =	rddreg [dreg:$0x19];
	[sflag:s10] =	ssyncadd.s32 $0xFFFFD800  }
0x16c: {  	[tilespmem:s13], [sflag:$0x1] =	stream.indirect.gather [hbm4b:s2+s12], $0x80, s9, s12, $0xb8;
	[tilespmem:$0x1FC00] =	vst v63  }
0x16d: {  	_ =	swait.ge [sflag:s18], $0x2800  }
0x16e: {  	[sflag:s18] =	ssyncset.done $0x0  }
0x16f: {  	s9 =	rddreg [dreg:$0x1a];
	[sflag:s18] =	ssyncadd.s32 $0xFFFFD800  }
0x170: {  	[spmem:s3] =	stream.indirect.scatter.add.f32 [tilespmem:s14], [sflag:$0x5], $0x80, s9, s12, $0xb8;
	[tilespmem:$0x1FC00] =	vst v63  }
0x171: {  	_ =	swait.ge [sflag:s10], $0x2800  }
0x172: {  	[sflag:s10] =	ssyncset.done $0x0  }
0x173: {  	s9 =	rddreg [dreg:$0x1b];
	[sflag:s10] =	ssyncadd.s32 $0xFFFFD800  }
0x174: {  	[tilespmem:s14], [sflag:$0x2] =	stream.indirect.gather [hbm4b:s2+s12], $0x80, s9, s12, $0xb8;
	[tilespmem:$0x1FC00] =	vst v63  }
0x175: {  	_ =	swait.ge [sflag:s19], $0x2800  }
0x176: {  	[sflag:s19] =	ssyncset.done $0x0  }
0x177: {  	s9 =	rddreg [dreg:$0x1c];
	[sflag:s19] =	ssyncadd.s32 $0xFFFFD800  }
0x178: {  	[spmem:s3] =	stream.indirect.scatter.add.f32 [tilespmem:s15], [sflag:$0x5], $0x80, s9, s12, $0xb8;
	[tilespmem:$0x1FC00] =	vst v63  }
0x179: {  	_ =	swait.ge [sflag:s10], $0x2800  }
0x17a: {  	[sflag:s10] =	ssyncset.done $0x0  }
0x17b: {  	s9 =	rddreg [dreg:$0x1d];
	[sflag:s10] =	ssyncadd.s32 $0xFFFFD800  }
0x17c: {  	[tilespmem:s15], [sflag:$0x3] =	stream.indirect.gather [hbm4b:s2+s12], $0x80, s9, s12, $0xb8;
	[tilespmem:$0x1FC00] =	vst v63  }
0x17d: {  	_ =	swait.ge [sflag:s20], $0x2800  }
0x17e: {  	[sflag:s20] =	ssyncset.done $0x0  }
0x17f: {  	s9 =	rddreg [dreg:$0x1e];
	[sflag:s20] =	ssyncadd.s32 $0xFFFFD800  }
0x180: {  	[spmem:s3] =	stream.indirect.scatter.add.f32 [tilespmem:s16], [sflag:$0x5], $0x80, s9, s12, $0xb8;
	[tilespmem:$0x1FC00] =	vst v63  }
0x181: {  	_ =	swait.ge [sflag:s10], $0x2800  }
0x182: {  	[sflag:s10] =	ssyncset.done $0x0  }
0x183: {  	s9 =	rddreg [dreg:$0x1f];
	[sflag:s10] =	ssyncadd.s32 $0xFFFFD800  }
0x184: {  	[tilespmem:s16], [sflag:$0x4] =	stream.indirect.gather [hbm4b:s2+s12], $0x80, s9, s12, $0xb8;
	[tilespmem:$0x1FC00] =	vst v63  }
0x185: {  	_ =	swait.ge [sflag:s17], $0x2800  }
0x186: {  	s9 =	sld [smem:$0x7F3]  }
0x187: {  	[sflag:s17] =	ssyncset.done $0x0  }
0x188: {  	[sflag:s17] =	ssyncadd.s32 $0xFFFFD800  }
0x189: {  	[spmem:s3] =	stream.indirect.scatter.add.f32 [tilespmem:s13], [sflag:$0x5], $0x80, s9, s12, $0xb8;
	[tilespmem:$0x1FC00] =	vst v63  }
0x18a: {  	_ =	swait.ge [sflag:s10], $0x2800  }
0x18b: {  	s9 =	sld [smem:$0x7F4]  }
0x18c: {  	[sflag:s10] =	ssyncset.done $0x0  }
0x18d: {  	[sflag:s10] =	ssyncadd.s32 $0xFFFFD800  }
0x18e: {  	[tilespmem:s13], [sflag:$0x1] =	stream.indirect.gather [hbm4b:s2+s12], $0x80, s9, s12, $0xb8;
	[tilespmem:$0x1FC00] =	vst v63  }
0x18f: {  	_ =	swait.ge [sflag:s18], $0x2800  }
0x190: {  	s9 =	sld [smem:$0x7F5]  }
0x191: {  	[sflag:s18] =	ssyncset.done $0x0  }
0x192: {  	[sflag:s18] =	ssyncadd.s32 $0xFFFFD800  }
0x193: {  	[spmem:s3] =	stream.indirect.scatter.add.f32 [tilespmem:s14], [sflag:$0x5], $0x80, s9, s12, $0xb8;
	[tilespmem:$0x1FC00] =	vst v63  }
0x194: {  	_ =	swait.ge [sflag:s10], $0x2800  }
0x195: {  	s9 =	sld [smem:$0x7F6]  }
0x196: {  	[sflag:s10] =	ssyncset.done $0x0  }
0x197: {  	[sflag:s10] =	ssyncadd.s32 $0xFFFFD800  }
0x198: {  	[tilespmem:s14], [sflag:$0x2] =	stream.indirect.gather [hbm4b:s2+s12], $0x80, s9, s12, $0xb8;
	[tilespmem:$0x1FC00] =	vst v63  }
0x199: {  	_ =	swait.ge [sflag:s19], $0x2800  }
0x19a: {  	s9 =	sld [smem:$0x7F7]  }
0x19b: {  	[sflag:s19] =	ssyncset.done $0x0  }
0x19c: {  	[sflag:s19] =	ssyncadd.s32 $0xFFFFD800  }
0x19d: {  	[spmem:s3] =	stream.indirect.scatter.add.f32 [tilespmem:s15], [sflag:$0x5], $0x80, s9, s12, $0xb8;
	[tilespmem:$0x1FC00] =	vst v63  }
0x19e: {  	_ =	swait.ge [sflag:s10], $0x2800  }
0x19f: {  	s9 =	sld [smem:$0x7F8]  }
0x1a0: {  	[sflag:s10] =	ssyncset.done $0x0  }
0x1a1: {  	[sflag:s10] =	ssyncadd.s32 $0xFFFFD800  }
0x1a2: {  	[tilespmem:s15], [sflag:$0x3] =	stream.indirect.gather [hbm4b:s2+s12], $0x80, s9, s12, $0xb8;
	[tilespmem:$0x1FC00] =	vst v63  }
0x1a3: {  	_ =	swait.ge [sflag:s20], $0x2800  }
0x1a4: {  	s9 =	sld [smem:$0x7F9]  }
0x1a5: {  	[sflag:s20] =	ssyncset.done $0x0  }
0x1a6: {  	[sflag:s20] =	ssyncadd.s32 $0xFFFFD800  }
0x1a7: {  	[spmem:s3] =	stream.indirect.scatter.add.f32 [tilespmem:s16], [sflag:$0x5], $0x80, s9, s12, $0xb8;
	[tilespmem:$0x1FC00] =	vst v63  }
0x1a8: {  	_ =	swait.ge [sflag:s10], $0x2800  }
0x1a9: {  	s9 =	sld [smem:$0x7FA]  }
0x1aa: {  	[sflag:s10] =	ssyncset.done $0x0  }
0x1ab: {  	[sflag:s10] =	ssyncadd.s32 $0xFFFFD800  }
0x1ac: {  	[tilespmem:s16], [sflag:$0x4] =	stream.indirect.gather [hbm4b:s2+s12], $0x80, s9, s12, $0xb8;
	[tilespmem:$0x1FC00] =	vst v63  }
0x1ad: {  	_ =	swait.ge [sflag:s17], $0x2800  }
0x1ae: {  	s9 =	sld [smem:$0x7FB]  }
0x1af: {  	[sflag:s17] =	ssyncset.done $0x0  }
0x1b0: {  	[sflag:s17] =	ssyncadd.s32 $0xFFFFD800  }
0x1b1: {  	[spmem:s3] =	stream.indirect.scatter.add.f32 [tilespmem:s13], [sflag:$0x5], $0x80, s9, s12, $0xb8;
	[tilespmem:$0x1FC00] =	vst v63  }
0x1b2: {  	_ =	swait.ge [sflag:s10], $0x2800  }
0x1b3: {  	[sflag:s10] =	ssyncset.done $0x0  }
0x1b4: {  	[sflag:s10] =	ssyncadd.s32 $0xFFFFD800  }
0x1b5: {  	[tilespmem:s13], [sflag:$0x1] =	stream.indirect.gather [hbm4b:s2+s12], $0x80, s21, s12, $0xb8;
	[tilespmem:$0x1FC00] =	vst v63  }
0x1b6: {  	_ =	swait.ge [sflag:s18], $0x2800  }
0x1b7: {  	[sflag:s18] =	ssyncset.done $0x0  }
0x1b8: {  	[sflag:s18] =	ssyncadd.s32 $0xFFFFD800  }
0x1b9: {  	[spmem:s3] =	stream.indirect.scatter.add.f32 [tilespmem:s14], [sflag:$0x5], $0x80, s22, s12, $0xb8;
	[tilespmem:$0x1FC00] =	vst v63  }
0x1ba: {  	_ =	swait.ge [sflag:s10], $0x2800  }
0x1bb: {  	[sflag:s10] =	ssyncset.done $0x0  }
0x1bc: {  	[sflag:s10] =	ssyncadd.s32 $0xFFFFD800  }
0x1bd: {  	[tilespmem:s14], [sflag:$0x2] =	stream.indirect.gather [hbm4b:s2+s12], $0x80, s23, s12, $0xb8;
	[tilespmem:$0x1FC00] =	vst v63  }
0x1be: {  	_ =	swait.ge [sflag:s19], $0x2800  }
0x1bf: {  	[sflag:s19] =	ssyncset.done $0x0  }
0x1c0: {  	[sflag:s19] =	ssyncadd.s32 $0xFFFFD800  }
0x1c1: {  	[spmem:s3] =	stream.indirect.scatter.add.f32 [tilespmem:s15], [sflag:$0x5], $0x80, s24, s12, $0xb8;
	[tilespmem:$0x1FC00] =	vst v63  }
0x1c2: {  	_ =	swait.ge [sflag:s10], $0x2800  }
0x1c3: {  	[sflag:s10] =	ssyncset.done $0x0  }
0x1c4: {  	[sflag:s10] =	ssyncadd.s32 $0xFFFFD800  }
0x1c5: {  	[tilespmem:s15], [sflag:$0x3] =	stream.indirect.gather [hbm4b:s2+s12], $0x80, s25, s12, $0xb8;
	[tilespmem:$0x1FC00] =	vst v63  }
0x1c6: {  	_ =	swait.ge [sflag:s20], $0x2800  }
0x1c7: {  	[sflag:s20] =	ssyncset.done $0x0  }
0x1c8: {  	[sflag:s20] =	ssyncadd.s32 $0xFFFFD800  }
0x1c9: {  	[spmem:s3] =	stream.indirect.scatter.add.f32 [tilespmem:s16], [sflag:$0x5], $0x80, s26, s12, $0xb8;
	[tilespmem:$0x1FC00] =	vst v63  }
0x1ca: {  	_ =	swait.ge [sflag:s10], $0x2800  }
0x1cb: {  	[sflag:s10] =	ssyncset.done $0x0  }
0x1cc: {  	[sflag:s10] =	ssyncadd.s32 $0xFFFFD800  }
0x1cd: {  	[tilespmem:s16], [sflag:$0x4] =	stream.indirect.gather [hbm4b:s2+s12], $0x80, s28, s12, $0xb8;
	[tilespmem:$0x1FC00] =	vst v63  }
0x1ce: {  	_ =	swait.ge [sflag:s17], $0x2800  }
0x1cf: {  	[sflag:s17] =	ssyncset.done $0x0  }
0x1d0: {  	[sflag:s17] =	ssyncadd.s32 $0xFFFFD800  }
0x1d1: {  	[spmem:s3] =	stream.indirect.scatter.add.f32 [tilespmem:s13], [sflag:$0x5], $0x80, s29, s12, $0xb8;
	[tilespmem:$0x1FC00] =	vst v63  }
0x1d2: {  	_ =	swait.ge [sflag:s10], $0x2800  }
0x1d3: {  	[sflag:s10] =	ssyncset.done $0x0  }
0x1d4: {  	[sflag:s10] =	ssyncadd.s32 $0xFFFFD800  }
0x1d5: {  	[tilespmem:s13], [sflag:$0x1] =	stream.indirect.gather [hbm4b:s2+s12], $0x80, s30, s12, $0xb8;
	[tilespmem:$0x1FC00] =	vst v63  }
0x1d6: {  	_ =	swait.ge [sflag:s18], $0x2800  }
0x1d7: {  	[sflag:s18] =	ssyncset.done $0x0  }
0x1d8: {  	[sflag:s18] =	ssyncadd.s32 $0xFFFFD800  }
0x1d9: {  	[spmem:s3] =	stream.indirect.scatter.add.f32 [tilespmem:s14], [sflag:$0x5], $0x80, s31, s12, $0xb8;
	[tilespmem:$0x1FC00] =	vst v63  }
0x1da: {  	_ =	swait.ge [sflag:s10], $0x2800  }
0x1db: {  	[sflag:s10] =	ssyncset.done $0x0  }
0x1dc: {  	[sflag:s10] =	ssyncadd.s32 $0xFFFFD800  }
0x1dd: {  	_ =	swait.ge [sflag:s19], $0x2800  }
0x1de: {  	[sflag:s19] =	ssyncset.done $0x0  }
0x1df: {  	[sflag:s19] =	ssyncadd.s32 $0xFFFFD800  }
0x1e0: {  	[spmem:s3] =	stream.indirect.scatter.add.f32 [tilespmem:s15], [sflag:$0x5], $0x80, s1, s12, $0xb8;
	[tilespmem:$0x1FC00] =	vst v63  }
0x1e1: {  	_ =	swait.ge [sflag:s10], $0x2800  }
0x1e2: {  	[sflag:s10] =	ssyncset.done $0x0  }
0x1e3: {  	[sflag:s10] =	ssyncadd.s32 $0xFFFFD800  }
0x1e4: {  	_ =	swait.ge [sflag:s20], $0x2800  }
0x1e5: {  	[sflag:s20] =	ssyncset.done $0x0  }
0x1e6: {  	[sflag:s20] =	ssyncadd.s32 $0xFFFFD800  }
0x1e7: {  	[spmem:s3] =	stream.indirect.scatter.add.f32 [tilespmem:s16], [sflag:$0x5], $0x80, s0, s12, $0xb8;
	[tilespmem:$0x1FC00] =	vst v63  }
0x1e8: {  	_ =	swait.ge [sflag:s10], $0x2800  }
0x1e9: {  	[sflag:s10] =	ssyncset.done $0x0  }
0x1ea: {  	[sflag:s10] =	ssyncadd.s32 $0xFFFFD800  }
0x1eb: {  	p0 =	sne.s32 s6, $0x800;
	_ =	swait.ge [sflag:s17], $0x2800  }
.Ltmp0:
0x1ec: {  	[sflag:s17] =	ssyncset.done $0x0;
	(pc) =	sbr.rel @p0 .LBB2_2-.Ltmp0, $4  }
0x1ed: {  	[sflag:s17] =	ssyncadd.s32 $0xFFFFD800  }
0x1ee: {  	[spmem:s3] =	stream.indirect.scatter.add.f32 [tilespmem:s13], [sflag:$0x5], $0x80, s5, s12, $0xb8;
	[tilespmem:$0x1FC00] =	vst v63  }
0x1ef: {  	_ =	swait.ge [sflag:s10], $0x2800  }
0x1f0: {  	s6 =	sadd.s32 $0x200, s6;
	s9 =	rddreg [dreg:$0x5];
	[sflag:s10] =	ssyncset.done $0x0  }
0x1f1: {  	[sflag:s10] =	ssyncadd.s32 $0xFFFFD800;
	s6 =	sadd.s32 s8, s9  }
0x1f2: {  	[tilespmem:s4], [sflag:$0x5] =	stream.linear.gather [hbm4b:s6+s4], $0xC80, $0x38;
	[tilespmem:$0x1FC00] =	vst v63  }
0x1f3: {  	_ =	swait.ge [sflag:s10], $0xC80  }
0x1f4: {  	s7 =	rddreg [dreg:$0x4];
	[sflag:s10] =	ssyncset.done $0x0  }
0x1f5: {  	[sflag:s10] =	ssyncadd.s32 $0xFFFFF380;
	s6 =	sadd.s32 s8, s7  }
0x1f6: {  	[tilespmem:s11], [sflag:$0x5] =	stream.linear.gather [hbm4b:s6+s4], $0xC80, $0x38;
	[tilespmem:$0x1FC00] =	vst v63  }
0x1f7: {  	_ =	swait.ge [sflag:s10], $0xC80  }
0x1f8: {  	[sflag:s10] =	ssyncset.done $0x0  }
0x1f9: {  	[sflag:s10] =	ssyncadd.s32 $0xFFFFF380  }
0x1fa: {  	[tilespmem:s13], [sflag:$0x1] =	stream.indirect.gather [hbm4b:s2+s12], $0x80, s4, s12, $0xb8;
	[tilespmem:$0x1FC00] =	vst v63  }
0x1fb: {  	s8 =	rddreg [dreg:$0x6]  }
0x1fc: {  	[tilespmem:s14], [sflag:$0x2] =	stream.indirect.gather [hbm4b:s2+s12], $0x80, s8, s12, $0xb8;
	[tilespmem:$0x1FC00] =	vst v63  }
0x1fd: {  	s7 =	rddreg [dreg:$0x7]  }
0x1fe: {  	[tilespmem:s15], [sflag:$0x3] =	stream.indirect.gather [hbm4b:s2+s12], $0x80, s7, s12, $0xb8;
	[tilespmem:$0x1FC00] =	vst v63  }
0x1ff: {  	s9 =	rddreg [dreg:$0x8]  }
0x200: {  	[tilespmem:s16], [sflag:$0x4] =	stream.indirect.gather [hbm4b:s2+s12], $0x80, s9, s12, $0xb8;
	[tilespmem:$0x1FC00] =	vst v63  }
0x201: {  	_ =	swait.ge [sflag:s17], $0x2800  }
0x202: {  	[sflag:s17] =	ssyncset.done $0x0  }
0x203: {  	[sflag:s17] =	ssyncadd.s32 $0xFFFFD800  }
0x204: {  	[spmem:s3] =	stream.indirect.scatter.add.f32 [tilespmem:s13], [sflag:$0x5], $0x80, s11, s12, $0xb8;
	[tilespmem:$0x1FC00] =	vst v63  }
0x205: {  	_ =	swait.ge [sflag:s10], $0x2800  }
0x206: {  	[sflag:s10] =	ssyncset.done $0x0  }
0x207: {  	s7 =	rddreg [dreg:$0x9];
	[sflag:s10] =	ssyncadd.s32 $0xFFFFD800  }
0x208: {  	[tilespmem:s13], [sflag:$0x1] =	stream.indirect.gather [hbm4b:s2+s12], $0x80, s7, s12, $0xb8;
	[tilespmem:$0x1FC00] =	vst v63  }
0x209: {  	_ =	swait.ge [sflag:s18], $0x2800  }
0x20a: {  	[sflag:s18] =	ssyncset.done $0x0  }
0x20b: {  	s8 =	rddreg [dreg:$0xa];
	[sflag:s18] =	ssyncadd.s32 $0xFFFFD800  }
0x20c: {  	[spmem:s3] =	stream.indirect.scatter.add.f32 [tilespmem:s14], [sflag:$0x5], $0x80, s8, s12, $0xb8;
	[tilespmem:$0x1FC00] =	vst v63  }
0x20d: {  	_ =	swait.ge [sflag:s10], $0x2800  }
0x20e: {  	[sflag:s10] =	ssyncset.done $0x0  }
0x20f: {  	s9 =	rddreg [dreg:$0xb];
	[sflag:s10] =	ssyncadd.s32 $0xFFFFD800  }
0x210: {  	[tilespmem:s14], [sflag:$0x2] =	stream.indirect.gather [hbm4b:s2+s12], $0x80, s9, s12, $0xb8;
	[tilespmem:$0x1FC00] =	vst v63  }
0x211: {  	_ =	swait.ge [sflag:s19], $0x2800  }
0x212: {  	[sflag:s19] =	ssyncset.done $0x0  }
0x213: {  	s7 =	rddreg [dreg:$0xc];
	[sflag:s19] =	ssyncadd.s32 $0xFFFFD800  }
0x214: {  	[spmem:s3] =	stream.indirect.scatter.add.f32 [tilespmem:s15], [sflag:$0x5], $0x80, s7, s12, $0xb8;
	[tilespmem:$0x1FC00] =	vst v63  }
0x215: {  	_ =	swait.ge [sflag:s10], $0x2800  }
0x216: {  	[sflag:s10] =	ssyncset.done $0x0  }
0x217: {  	s8 =	rddreg [dreg:$0xd];
	[sflag:s10] =	ssyncadd.s32 $0xFFFFD800  }
0x218: {  	[tilespmem:s15], [sflag:$0x3] =	stream.indirect.gather [hbm4b:s2+s12], $0x80, s8, s12, $0xb8;
	[tilespmem:$0x1FC00] =	vst v63  }
0x219: {  	_ =	swait.ge [sflag:s20], $0x2800  }
0x21a: {  	[sflag:s20] =	ssyncset.done $0x0  }
0x21b: {  	s9 =	rddreg [dreg:$0xe];
	[sflag:s20] =	ssyncadd.s32 $0xFFFFD800  }
0x21c: {  	[spmem:s3] =	stream.indirect.scatter.add.f32 [tilespmem:s16], [sflag:$0x5], $0x80, s9, s12, $0xb8;
	[tilespmem:$0x1FC00] =	vst v63  }
0x21d: {  	_ =	swait.ge [sflag:s10], $0x2800  }
0x21e: {  	[sflag:s10] =	ssyncset.done $0x0  }
0x21f: {  	s7 =	rddreg [dreg:$0xf];
	[sflag:s10] =	ssyncadd.s32 $0xFFFFD800  }
0x220: {  	[tilespmem:s16], [sflag:$0x4] =	stream.indirect.gather [hbm4b:s2+s12], $0x80, s7, s12, $0xb8;
	[tilespmem:$0x1FC00] =	vst v63  }
0x221: {  	_ =	swait.ge [sflag:s17], $0x2800  }
0x222: {  	[sflag:s17] =	ssyncset.done $0x0  }
0x223: {  	s8 =	rddreg [dreg:$0x10];
	[sflag:s17] =	ssyncadd.s32 $0xFFFFD800  }
0x224: {  	[spmem:s3] =	stream.indirect.scatter.add.f32 [tilespmem:s13], [sflag:$0x5], $0x80, s8, s12, $0xb8;
	[tilespmem:$0x1FC00] =	vst v63  }
0x225: {  	_ =	swait.ge [sflag:s10], $0x2800  }
0x226: {  	[sflag:s10] =	ssyncset.done $0x0  }
0x227: {  	s9 =	rddreg [dreg:$0x11];
	[sflag:s10] =	ssyncadd.s32 $0xFFFFD800  }
0x228: {  	[tilespmem:s13], [sflag:$0x1] =	stream.indirect.gather [hbm4b:s2+s12], $0x80, s9, s12, $0xb8;
	[tilespmem:$0x1FC00] =	vst v63  }
0x229: {  	_ =	swait.ge [sflag:s18], $0x2800  }
0x22a: {  	[sflag:s18] =	ssyncset.done $0x0  }
0x22b: {  	s7 =	rddreg [dreg:$0x12];
	[sflag:s18] =	ssyncadd.s32 $0xFFFFD800  }
0x22c: {  	[spmem:s3] =	stream.indirect.scatter.add.f32 [tilespmem:s14], [sflag:$0x5], $0x80, s7, s12, $0xb8;
	[tilespmem:$0x1FC00] =	vst v63  }
0x22d: {  	_ =	swait.ge [sflag:s10], $0x2800  }
0x22e: {  	[sflag:s10] =	ssyncset.done $0x0  }
0x22f: {  	s8 =	rddreg [dreg:$0x13];
	[sflag:s10] =	ssyncadd.s32 $0xFFFFD800  }
0x230: {  	[tilespmem:s14], [sflag:$0x2] =	stream.indirect.gather [hbm4b:s2+s12], $0x80, s8, s12, $0xb8;
	[tilespmem:$0x1FC00] =	vst v63  }
0x231: {  	_ =	swait.ge [sflag:s19], $0x2800  }
0x232: {  	[sflag:s19] =	ssyncset.done $0x0  }
0x233: {  	s9 =	rddreg [dreg:$0x14];
	[sflag:s19] =	ssyncadd.s32 $0xFFFFD800  }
0x234: {  	[spmem:s3] =	stream.indirect.scatter.add.f32 [tilespmem:s15], [sflag:$0x5], $0x80, s9, s12, $0xb8;
	[tilespmem:$0x1FC00] =	vst v63  }
0x235: {  	_ =	swait.ge [sflag:s10], $0x2800  }
0x236: {  	[sflag:s10] =	ssyncset.done $0x0  }
0x237: {  	s7 =	rddreg [dreg:$0x15];
	[sflag:s10] =	ssyncadd.s32 $0xFFFFD800  }
0x238: {  	[tilespmem:s15], [sflag:$0x3] =	stream.indirect.gather [hbm4b:s2+s12], $0x80, s7, s12, $0xb8;
	[tilespmem:$0x1FC00] =	vst v63  }
0x239: {  	_ =	swait.ge [sflag:s20], $0x2800  }
0x23a: {  	[sflag:s20] =	ssyncset.done $0x0  }
0x23b: {  	s8 =	rddreg [dreg:$0x16];
	[sflag:s20] =	ssyncadd.s32 $0xFFFFD800  }
0x23c: {  	[spmem:s3] =	stream.indirect.scatter.add.f32 [tilespmem:s16], [sflag:$0x5], $0x80, s8, s12, $0xb8;
	[tilespmem:$0x1FC00] =	vst v63  }
0x23d: {  	_ =	swait.ge [sflag:s10], $0x2800  }
0x23e: {  	[sflag:s10] =	ssyncset.done $0x0  }
0x23f: {  	s9 =	rddreg [dreg:$0x17];
	[sflag:s10] =	ssyncadd.s32 $0xFFFFD800  }
0x240: {  	[tilespmem:s16], [sflag:$0x4] =	stream.indirect.gather [hbm4b:s2+s12], $0x80, s9, s12, $0xb8;
	[tilespmem:$0x1FC00] =	vst v63  }
0x241: {  	_ =	swait.ge [sflag:s17], $0x2800  }
0x242: {  	[sflag:s17] =	ssyncset.done $0x0  }
0x243: {  	s7 =	rddreg [dreg:$0x18];
	[sflag:s17] =	ssyncadd.s32 $0xFFFFD800  }
0x244: {  	[spmem:s3] =	stream.indirect.scatter.add.f32 [tilespmem:s13], [sflag:$0x5], $0x80, s7, s12, $0xb8;
	[tilespmem:$0x1FC00] =	vst v63  }
0x245: {  	_ =	swait.ge [sflag:s10], $0x2800  }
0x246: {  	[sflag:s10] =	ssyncset.done $0x0  }
0x247: {  	s8 =	rddreg [dreg:$0x19];
	[sflag:s10] =	ssyncadd.s32 $0xFFFFD800  }
0x248: {  	[tilespmem:s13], [sflag:$0x1] =	stream.indirect.gather [hbm4b:s2+s12], $0x80, s8, s12, $0xb8;
	[tilespmem:$0x1FC00] =	vst v63  }
0x249: {  	_ =	swait.ge [sflag:s18], $0x2800  }
0x24a: {  	[sflag:s18] =	ssyncset.done $0x0  }
0x24b: {  	s9 =	rddreg [dreg:$0x1a];
	[sflag:s18] =	ssyncadd.s32 $0xFFFFD800  }
0x24c: {  	[spmem:s3] =	stream.indirect.scatter.add.f32 [tilespmem:s14], [sflag:$0x5], $0x80, s9, s12, $0xb8;
	[tilespmem:$0x1FC00] =	vst v63  }
0x24d: {  	_ =	swait.ge [sflag:s10], $0x2800  }
0x24e: {  	[sflag:s10] =	ssyncset.done $0x0  }
0x24f: {  	s7 =	rddreg [dreg:$0x1b];
	[sflag:s10] =	ssyncadd.s32 $0xFFFFD800  }
0x250: {  	[tilespmem:s14], [sflag:$0x2] =	stream.indirect.gather [hbm4b:s2+s12], $0x80, s7, s12, $0xb8;
	[tilespmem:$0x1FC00] =	vst v63  }
0x251: {  	_ =	swait.ge [sflag:s19], $0x2800  }
0x252: {  	[sflag:s19] =	ssyncset.done $0x0  }
0x253: {  	s8 =	rddreg [dreg:$0x1c];
	[sflag:s19] =	ssyncadd.s32 $0xFFFFD800  }
0x254: {  	[spmem:s3] =	stream.indirect.scatter.add.f32 [tilespmem:s15], [sflag:$0x5], $0x80, s8, s12, $0xb8;
	[tilespmem:$0x1FC00] =	vst v63  }
0x255: {  	_ =	swait.ge [sflag:s10], $0x2800  }
0x256: {  	[sflag:s10] =	ssyncset.done $0x0  }
0x257: {  	s9 =	rddreg [dreg:$0x1d];
	[sflag:s10] =	ssyncadd.s32 $0xFFFFD800  }
0x258: {  	[tilespmem:s15], [sflag:$0x3] =	stream.indirect.gather [hbm4b:s2+s12], $0x80, s9, s12, $0xb8;
	[tilespmem:$0x1FC00] =	vst v63  }
0x259: {  	_ =	swait.ge [sflag:s20], $0x2800  }
0x25a: {  	[sflag:s20] =	ssyncset.done $0x0  }
0x25b: {  	s7 =	rddreg [dreg:$0x1e];
	[sflag:s20] =	ssyncadd.s32 $0xFFFFD800  }
0x25c: {  	[spmem:s3] =	stream.indirect.scatter.add.f32 [tilespmem:s16], [sflag:$0x5], $0x80, s7, s12, $0xb8;
	[tilespmem:$0x1FC00] =	vst v63  }
0x25d: {  	_ =	swait.ge [sflag:s10], $0x2800  }
0x25e: {  	[sflag:s10] =	ssyncset.done $0x0  }
0x25f: {  	s8 =	rddreg [dreg:$0x1f];
	[sflag:s10] =	ssyncadd.s32 $0xFFFFD800  }
0x260: {  	[tilespmem:s16], [sflag:$0x4] =	stream.indirect.gather [hbm4b:s2+s12], $0x80, s8, s12, $0xb8;
	[tilespmem:$0x1FC00] =	vst v63  }
0x261: {  	_ =	swait.ge [sflag:s17], $0x2800  }
0x262: {  	s9 =	sld [smem:$0x7F3]  }
0x263: {  	[sflag:s17] =	ssyncset.done $0x0  }
0x264: {  	[sflag:s17] =	ssyncadd.s32 $0xFFFFD800  }
0x265: {  	[spmem:s3] =	stream.indirect.scatter.add.f32 [tilespmem:s13], [sflag:$0x5], $0x80, s9, s12, $0xb8;
	[tilespmem:$0x1FC00] =	vst v63  }
0x266: {  	_ =	swait.ge [sflag:s10], $0x2800  }
0x267: {  	s7 =	sld [smem:$0x7F4]  }
0x268: {  	[sflag:s10] =	ssyncset.done $0x0  }
0x269: {  	[sflag:s10] =	ssyncadd.s32 $0xFFFFD800  }
0x26a: {  	[tilespmem:s13], [sflag:$0x1] =	stream.indirect.gather [hbm4b:s2+s12], $0x80, s7, s12, $0xb8;
	[tilespmem:$0x1FC00] =	vst v63  }
0x26b: {  	_ =	swait.ge [sflag:s18], $0x2800  }
0x26c: {  	s8 =	sld [smem:$0x7F5]  }
0x26d: {  	[sflag:s18] =	ssyncset.done $0x0  }
0x26e: {  	[sflag:s18] =	ssyncadd.s32 $0xFFFFD800  }
0x26f: {  	[spmem:s3] =	stream.indirect.scatter.add.f32 [tilespmem:s14], [sflag:$0x5], $0x80, s8, s12, $0xb8;
	[tilespmem:$0x1FC00] =	vst v63  }
0x270: {  	_ =	swait.ge [sflag:s10], $0x2800  }
0x271: {  	s9 =	sld [smem:$0x7F6]  }
0x272: {  	[sflag:s10] =	ssyncset.done $0x0  }
0x273: {  	[sflag:s10] =	ssyncadd.s32 $0xFFFFD800  }
0x274: {  	[tilespmem:s14], [sflag:$0x2] =	stream.indirect.gather [hbm4b:s2+s12], $0x80, s9, s12, $0xb8;
	[tilespmem:$0x1FC00] =	vst v63  }
0x275: {  	_ =	swait.ge [sflag:s19], $0x2800  }
0x276: {  	s7 =	sld [smem:$0x7F7]  }
0x277: {  	[sflag:s19] =	ssyncset.done $0x0  }
0x278: {  	[sflag:s19] =	ssyncadd.s32 $0xFFFFD800  }
0x279: {  	[spmem:s3] =	stream.indirect.scatter.add.f32 [tilespmem:s15], [sflag:$0x5], $0x80, s7, s12, $0xb8;
	[tilespmem:$0x1FC00] =	vst v63  }
0x27a: {  	_ =	swait.ge [sflag:s10], $0x2800  }
0x27b: {  	s8 =	sld [smem:$0x7F8]  }
0x27c: {  	[sflag:s10] =	ssyncset.done $0x0  }
0x27d: {  	[sflag:s10] =	ssyncadd.s32 $0xFFFFD800  }
0x27e: {  	[tilespmem:s15], [sflag:$0x3] =	stream.indirect.gather [hbm4b:s2+s12], $0x80, s8, s12, $0xb8;
	[tilespmem:$0x1FC00] =	vst v63  }
0x27f: {  	_ =	swait.ge [sflag:s20], $0x2800  }
0x280: {  	s9 =	sld [smem:$0x7F9]  }
0x281: {  	[sflag:s20] =	ssyncset.done $0x0  }
0x282: {  	[sflag:s20] =	ssyncadd.s32 $0xFFFFD800  }
0x283: {  	[spmem:s3] =	stream.indirect.scatter.add.f32 [tilespmem:s16], [sflag:$0x5], $0x80, s9, s12, $0xb8;
	[tilespmem:$0x1FC00] =	vst v63  }
0x284: {  	_ =	swait.ge [sflag:s10], $0x2800  }
0x285: {  	s7 =	sld [smem:$0x7FA]  }
0x286: {  	[sflag:s10] =	ssyncset.done $0x0  }
0x287: {  	[sflag:s10] =	ssyncadd.s32 $0xFFFFD800  }
0x288: {  	[tilespmem:s16], [sflag:$0x4] =	stream.indirect.gather [hbm4b:s2+s12], $0x80, s7, s12, $0xb8;
	[tilespmem:$0x1FC00] =	vst v63  }
0x289: {  	_ =	swait.ge [sflag:s17], $0x2800  }
0x28a: {  	s8 =	sld [smem:$0x7FB]  }
0x28b: {  	[sflag:s17] =	ssyncset.done $0x0  }
0x28c: {  	[sflag:s17] =	ssyncadd.s32 $0xFFFFD800  }
0x28d: {  	[spmem:s3] =	stream.indirect.scatter.add.f32 [tilespmem:s13], [sflag:$0x5], $0x80, s8, s12, $0xb8;
	[tilespmem:$0x1FC00] =	vst v63  }
0x28e: {  	_ =	swait.ge [sflag:s10], $0x2800  }
0x28f: {  	[sflag:s10] =	ssyncset.done $0x0  }
0x290: {  	[sflag:s10] =	ssyncadd.s32 $0xFFFFD800  }
0x291: {  	[tilespmem:s13], [sflag:$0x1] =	stream.indirect.gather [hbm4b:s2+s12], $0x80, s21, s12, $0xb8;
	[tilespmem:$0x1FC00] =	vst v63  }
0x292: {  	_ =	swait.ge [sflag:s18], $0x2800  }
0x293: {  	[sflag:s18] =	ssyncset.done $0x0  }
0x294: {  	[sflag:s18] =	ssyncadd.s32 $0xFFFFD800  }
0x295: {  	[spmem:s3] =	stream.indirect.scatter.add.f32 [tilespmem:s14], [sflag:$0x5], $0x80, s22, s12, $0xb8;
	[tilespmem:$0x1FC00] =	vst v63  }
0x296: {  	_ =	swait.ge [sflag:s10], $0x2800  }
0x297: {  	[sflag:s10] =	ssyncset.done $0x0  }
0x298: {  	[sflag:s10] =	ssyncadd.s32 $0xFFFFD800  }
0x299: {  	[tilespmem:s14], [sflag:$0x2] =	stream.indirect.gather [hbm4b:s2+s12], $0x80, s23, s12, $0xb8;
	[tilespmem:$0x1FC00] =	vst v63  }
0x29a: {  	_ =	swait.ge [sflag:s19], $0x2800  }
0x29b: {  	[sflag:s19] =	ssyncset.done $0x0  }
0x29c: {  	[sflag:s19] =	ssyncadd.s32 $0xFFFFD800  }
0x29d: {  	[spmem:s3] =	stream.indirect.scatter.add.f32 [tilespmem:s15], [sflag:$0x5], $0x80, s24, s12, $0xb8;
	[tilespmem:$0x1FC00] =	vst v63  }
0x29e: {  	_ =	swait.ge [sflag:s10], $0x2800  }
0x29f: {  	[sflag:s10] =	ssyncset.done $0x0  }
0x2a0: {  	[sflag:s10] =	ssyncadd.s32 $0xFFFFD800  }
0x2a1: {  	[tilespmem:s15], [sflag:$0x3] =	stream.indirect.gather [hbm4b:s2+s12], $0x80, s25, s12, $0xb8;
	[tilespmem:$0x1FC00] =	vst v63  }
0x2a2: {  	_ =	swait.ge [sflag:s20], $0x2800  }
0x2a3: {  	[sflag:s20] =	ssyncset.done $0x0  }
0x2a4: {  	[sflag:s20] =	ssyncadd.s32 $0xFFFFD800  }
0x2a5: {  	[spmem:s3] =	stream.indirect.scatter.add.f32 [tilespmem:s16], [sflag:$0x5], $0x80, s26, s12, $0xb8;
	[tilespmem:$0x1FC00] =	vst v63  }
0x2a6: {  	_ =	swait.ge [sflag:s10], $0x2800  }
0x2a7: {  	[sflag:s10] =	ssyncset.done $0x0  }
0x2a8: {  	[sflag:s10] =	ssyncadd.s32 $0xFFFFD800  }
0x2a9: {  	[tilespmem:s16], [sflag:$0x4] =	stream.indirect.gather [hbm4b:s2+s12], $0x80, s28, s12, $0xb8;
	[tilespmem:$0x1FC00] =	vst v63  }
0x2aa: {  	_ =	swait.ge [sflag:s17], $0x2800  }
0x2ab: {  	[sflag:s17] =	ssyncset.done $0x0  }
0x2ac: {  	[sflag:s17] =	ssyncadd.s32 $0xFFFFD800  }
0x2ad: {  	[spmem:s3] =	stream.indirect.scatter.add.f32 [tilespmem:s13], [sflag:$0x5], $0x80, s29, s12, $0xb8;
	[tilespmem:$0x1FC00] =	vst v63  }
0x2ae: {  	_ =	swait.ge [sflag:s10], $0x2800  }
0x2af: {  	[sflag:s10] =	ssyncset.done $0x0  }
0x2b0: {  	[sflag:s10] =	ssyncadd.s32 $0xFFFFD800  }
0x2b1: {  	[tilespmem:s13], [sflag:$0x1] =	stream.indirect.gather [hbm4b:s2+s12], $0x80, s30, s12, $0xb8;
	[tilespmem:$0x1FC00] =	vst v63  }
0x2b2: {  	_ =	swait.ge [sflag:s18], $0x2800  }
0x2b3: {  	[sflag:s18] =	ssyncset.done $0x0  }
0x2b4: {  	[sflag:s18] =	ssyncadd.s32 $0xFFFFD800  }
0x2b5: {  	[spmem:s3] =	stream.indirect.scatter.add.f32 [tilespmem:s14], [sflag:$0x5], $0x80, s31, s12, $0xb8;
	[tilespmem:$0x1FC00] =	vst v63  }
0x2b6: {  	_ =	swait.ge [sflag:s10], $0x2800  }
0x2b7: {  	[sflag:s10] =	ssyncset.done $0x0  }
0x2b8: {  	[sflag:s10] =	ssyncadd.s32 $0xFFFFD800  }
0x2b9: {  	_ =	swait.ge [sflag:s19], $0x2800  }
0x2ba: {  	[sflag:s19] =	ssyncset.done $0x0  }
0x2bb: {  	[sflag:s19] =	ssyncadd.s32 $0xFFFFD800  }
0x2bc: {  	[spmem:s3] =	stream.indirect.scatter.add.f32 [tilespmem:s15], [sflag:$0x5], $0x80, s1, s12, $0xb8;
	[tilespmem:$0x1FC00] =	vst v63  }
0x2bd: {  	_ =	swait.ge [sflag:s10], $0x2800  }
0x2be: {  	[sflag:s10] =	ssyncset.done $0x0  }
0x2bf: {  	[sflag:s10] =	ssyncadd.s32 $0xFFFFD800  }
0x2c0: {  	_ =	swait.ge [sflag:s20], $0x2800  }
0x2c1: {  	[sflag:s20] =	ssyncset.done $0x0  }
0x2c2: {  	[sflag:s20] =	ssyncadd.s32 $0xFFFFD800  }
0x2c3: {  	[spmem:s3] =	stream.indirect.scatter.add.f32 [tilespmem:s16], [sflag:$0x5], $0x80, s0, s12, $0xb8;
	[tilespmem:$0x1FC00] =	vst v63  }
0x2c4: {  	_ =	swait.ge [sflag:s10], $0x2800  }
0x2c5: {  	[sflag:s10] =	ssyncset.done $0x0  }
0x2c6: {  	[sflag:s10] =	ssyncadd.s32 $0xFFFFD800  }
0x2c7: {  	_ =	swait.ge [sflag:s17], $0x2800  }
0x2c8: {  	[sflag:s17] =	ssyncset.done $0x0  }
0x2c9: {  	[sflag:s17] =	ssyncadd.s32 $0xFFFFD800  }
0x2ca: {  	[spmem:s3] =	stream.indirect.scatter.add.f32 [tilespmem:s13], [sflag:$0x5], $0x80, s5, s12, $0xb8;
	[tilespmem:$0x1FC00] =	vst v63  }
0x2cb: {  	_ =	swait.ge [sflag:s10], $0x2800  }
0x2cc: {  	[sflag:s10] =	ssyncset.done $0x0  }
0x2cd: {  	[sflag:s10] =	ssyncadd.s32 $0xFFFFD800  }
0x2ce: {  	[bflag:$0x0] =	sbarrier.arrive $0xFFFF  }
0x2cf: {  	s7 =	sld [smem:$0x7FC]  }
0x2d0: {  	s9 =	sld [smem:$0x7F1]  }
0x2d1: {  	s8 =	sld [smem:$0x7FD];
	_ =	sdelay $0x2  }
0x2d2: {  	[hbm:s9], [sflag:s7] =	dma.local [spmem:s8], $0x2780  }
0x2d3: {  	_ =	swait.ge [sflag:s10], $0x2780  }
0x2d4: {  	s6 =	sld [smem:$0x7EF];
	_ =	sdelay $0x2  }
0x2d5: {  	s9 =	sadd.s32 $0x1, s6;
	s6 =	sld [smem:$0x7F2];
	_ =	sdelay $0x2  }
0x2d6: {  	p0 =	sne.s32 s9, s6  }
.Ltmp1:
0x2d7: {  	_ = 	snop;
	(pc) =	sbr.rel @p0 .LBB2_1-.Ltmp1, $3  }
0x2d8: {  	_ =	sdelay $0x1  }
0x2d9: {  	[sflag:s10] =	ssyncset.done $0x0  }
0x2da: {  	[sflag:s10] =	ssyncadd.s32 $0xFFFFD880  }
0x2db: {  	_ =	sfence.sel $0x180000  }
0x2dc: {  	[bflag:$0x0] =	sbarrier.arrive $0xFFFF  }
0x2dd: {  	_ =	strace $0x9000004D  }
0x2de: {  	s0 =	stileid.u32;
	[bflag:$0x2] =	sbarrier.arrive $0xFFFF  }
0x2df: {  	p0 =	sne.s32 s0, $0x0;
	s0 =	rddreg [dreg:$0x3]  }
0x2e0: {  	s0 =	sadd.s32 @!p0 $0x100000, s0  }
0x2e1: {  	[sflag:s0] =	ssyncadd.tile.s32 @!p0 $0x1;
	_ =	shalt  }
.Lfunc_end2:
_tile_overlayer_lowered:
.L_overlay_start_2:
0x2e2: {  	(tag) =	ssettag $0x2  }
0x2e3: {  	s0 =	rddreg [dreg:$0x0];
	s2 =	stileid.u32  }
0x2e4: {  	s1 =	rddreg [dreg:$0x1];
	p0 =	sne.s32 s2, $0x0  }
0x2e5: {  	s3 =	rddreg [dreg:$0x2];
	[bflag:$0x3] =	sbarrier.arrive $0xFFFF;
	s2 =	simm.s32 @!p0 $0x1C05  }
0x2e6: {  	[timem:s3], [sflag:s2] =	dma.local @!p0 [hbm:s0], s1  }
0x2e7: {  	s0 =	simm.s32 @!p0 $0x5  }
0x2e8: {  	_ =	swait.ge @!p0 [sflag:s0], s1  }
0x2e9: {  	s1 =	ssub.s32 @!p0 $0x0, s1;
	[sflag:s0] =	ssyncset.done @!p0 $0x0  }
0x2ea: {  	[sflag:s0] =	ssyncadd.s32 @!p0 s1  }
0x2eb: {  	[bflag:$0x3] =	sbarrier.arrive $0xFFFF  }
0x2ec: {  	_ =	shalt  }

// kernel: kernel.8.cloned.1.call-start
scs
__scs_entry_jumppad:
0x0: {  	(pc) =	sbr.rel $0x88, $3  }
0x1: {  	(tag) =	ssettag $0x0;
	lr =	simm.s32 $0x1  }
0x2: {  	[smem:$0x3F99] =	sst lr;
	_ =	strace $0xD0000000  }
0x3: {  	_ = 	snop  }
0x4: {  	_ = 	snop  }
0x5: {  	_ = 	snop  }
0x6: {  	_ = 	snop  }
0x7: {  	_ = 	snop  }
__scs_overlays_trampoline_lowered:
0x8: {  	[smem:$0x3FA8] =	sst s0  }
0x9: {  	[smem:$0x3FA9] =	sst s1  }
0xa: {  	[smem:$0x3FAA] =	sst s2  }
0xb: {  	[smem:$0x3FAB] =	sst s3  }
0xc: {  	[smem:$0x3FAC] =	sst s4  }
0xd: {  	[smem:$0x3FAD] =	sst s5  }
0xe: {  	[smem:$0x3FAE] =	sst s6  }
0xf: {  	[smem:$0x3FAF] =	sst s7  }
0x10: {  	[smem:$0x3FB0] =	sst s8  }
0x11: {  	[smem:$0x3FB1] =	sst s9;
	s0 =	simm.s32 @!p0 $0x0  }
0x12: {  	s1 =	sld [smem:$0x3F97];
	s0 =	simm.s32 @p0 $0x1  }
0x13: {  	[smem:$0x3FB2] =	sst s0;
	s0 =	simm.s32 @!p1 $0x0  }
0x14: {  	s2 =	sld [smem:$0x3F96];
	s0 =	simm.s32 @p1 $0x1  }
0x15: {  	[smem:$0x3FB3] =	sst s0;
	s0 =	simm.s32 @!p2 $0x0  }
0x16: {  	s3 =	sld [smem:$0x3FDB];
	s0 =	simm.s32 @p2 $0x1  }
0x17: {  	s4 =	simm.s32 $0x1BF5;
	[smem:$0x3FB5] =	sst s0  }
0x18: {  	s0 =	sld [smem:$0x3F98];
	_ =	swait.ge [sflag:s4], $0x0  }
0x19: {  	s7 =	sld [smem:$0x3F99]  }
0x1a: {  	s8 =	sadd.s32 $0xFFFFE003, lr  }
0x1b: {  	s9 =	sadd.s32 $0xFFFFFEF7, lr;
	s5 =	simm.s32 $0xFFFFFFFF;
	p2 =	slt.u32 s8, $0xFFFFF086  }
0x1c: {  	p1 =	slt.u32 s9, $0xF7A;
	s5 =	simm.s32 @!p2 $0x0  }
0x1d: {  	s5 =	simm.s32 @p1 $0x1;
	p0 =	seq.s32 s7, s2  }
0x1e: {  	s7 =	smul.u32 @!p0 $0xF7A, s2;
	p2 =	seq.s32 @!p0 s5, $0x0  }
0x1f: {  	s9 =	smul.u32 $0xF7A, s1;
	s8 =	simm.s32 @!p0 $0x1BF5;
	p2 =	por !p2, p0  }
0x20: {  	[sflag:s8] =	ssyncset.s32 @!p0 $0xFFFFF086;
	s6 =	sadd.s32 @!p0 s3, s7;
	s7 =	simm.s32 @!p0 $0x108  }
0x21: {  	s3 =	sadd.s32 s3, s9;
	s6 =	sadd.s32 @!p0 $0x88, s6;
	s7 =	simm.s32 @p2 $0x1082  }
0x22: {  	[simem:s7], [sflag:s8] =	dma.local @!p0 [hbm:s6], $0xF7A  }
0x23: {  	s9 =	sor.u32 $0xD0000000, s2;
	s6 =	simm.s32 $0x108;
	_ =	swait.ge @!p0 [sflag:s8], $0x0  }
0x24: {  	s3 =	sadd.s32 $0x88, s3;
	s6 =	simm.s32 @!p1 $0x1082;
	[sflag:s4] =	ssyncset.s32 $0xFFFFF086  }
0x25: {  	[simem:s6], [sflag:s4] =	dma.local [hbm:s3], $0xF7A  }
0x26: {  	[smem:$0x3F99] =	sst s1;
	(tag) =	ssettag s2;
	_ =	strace s9  }
0x27: {  	s1 =	sld [smem:$0x3FA9]  }
0x28: {  	s2 =	sld [smem:$0x3FAA]  }
0x29: {  	s4 =	sld [smem:$0x3FAC]  }
0x2a: {  	p0 =	seq.s32 s5, $0x0;
	s5 =	sld [smem:$0x3FAD]  }
0x2b: {  	s6 =	sld [smem:$0x3FAE]  }
0x2c: {  	s7 =	sld [smem:$0x3FAF]  }
0x2d: {  	s3 =	simm.s32 $0x108;
	s8 =	sld [smem:$0x3FB0]  }
0x2e: {  	s3 =	simm.s32 @!p0 $0x1082;
	s9 =	sld [smem:$0x3FB1]  }
0x2f: {  	lr =	sadd.s32 s0, s3;
	s0 =	sld [smem:$0x3FA8]  }
0x30: {  	s3 =	sld [smem:$0x3FAB]  }
0x31: {  	[smem:$0x3FB4] =	sst s10  }
0x32: {  	s10 =	sld [smem:$0x3FB2];
	_ =	sdelay $0x3  }
0x33: {  	p0 =	seq.s32 s10, $0x1;
	s10 =	sld [smem:$0x3FB4];
	_ =	sdelay $0x3  }
0x34: {  	[smem:$0x3FB4] =	sst s10  }
0x35: {  	s10 =	sld [smem:$0x3FB3];
	_ =	sdelay $0x3  }
0x36: {  	p1 =	seq.s32 s10, $0x1;
	s10 =	sld [smem:$0x3FB4];
	_ =	sdelay $0x3  }
0x37: {  	[smem:$0x3FB4] =	sst s10  }
0x38: {  	s10 =	sld [smem:$0x3FB5]  }
0x39: {  	_ = 	snop;
	(pc) =	sbr.ind lr, $3  }
0x3a: {  	_ = 	snop  }
0x3b: {  	_ = 	snop  }
0x3c: {  	p2 =	seq.s32 s10, $0x1;
	s10 =	sld [smem:$0x3FB4]  }
0x3d: {  	_ =	shalt  }
0x3e: {  	_ =	shalt  }
0x3f: {  	_ =	shalt  }
0x40: {  	_ =	shalt  }
0x41: {  	_ =	shalt  }
0x42: {  	_ =	shalt  }
0x43: {  	_ =	shalt  }
0x44: {  	_ =	shalt  }
0x45: {  	_ =	shalt  }
0x46: {  	_ =	shalt  }
0x47: {  	_ =	shalt  }
0x48: {  	_ =	shalt  }
0x49: {  	_ =	shalt  }
0x4a: {  	_ =	shalt  }
0x4b: {  	_ =	shalt  }
0x4c: {  	_ =	shalt  }
0x4d: {  	_ =	shalt  }
0x4e: {  	_ =	shalt  }
0x4f: {  	_ =	shalt  }
0x50: {  	_ =	shalt  }
0x51: {  	_ =	shalt  }
0x52: {  	_ =	shalt  }
0x53: {  	_ =	shalt  }
0x54: {  	_ =	shalt  }
0x55: {  	_ =	shalt  }
0x56: {  	_ =	shalt  }
0x57: {  	_ =	shalt  }
0x58: {  	_ =	shalt  }
0x59: {  	_ =	shalt  }
0x5a: {  	_ =	shalt  }
0x5b: {  	_ =	shalt  }
0x5c: {  	_ =	shalt  }
0x5d: {  	_ =	shalt  }
0x5e: {  	_ =	shalt  }
0x5f: {  	_ =	shalt  }
0x60: {  	_ =	shalt  }
0x61: {  	_ =	shalt  }
0x62: {  	_ =	shalt  }
0x63: {  	_ =	shalt  }
0x64: {  	_ =	shalt  }
0x65: {  	_ =	shalt  }
0x66: {  	_ =	shalt  }
0x67: {  	_ =	shalt  }
0x68: {  	_ =	shalt  }
0x69: {  	_ =	shalt  }
0x6a: {  	_ =	shalt  }
0x6b: {  	_ =	shalt  }
0x6c: {  	_ =	shalt  }
0x6d: {  	_ =	shalt  }
0x6e: {  	_ =	shalt  }
0x6f: {  	_ =	shalt  }
0x70: {  	_ =	shalt  }
0x71: {  	_ =	shalt  }
0x72: {  	_ =	shalt  }
0x73: {  	_ =	shalt  }
0x74: {  	_ =	shalt  }
0x75: {  	_ =	shalt  }
0x76: {  	_ =	shalt  }
0x77: {  	_ =	shalt  }
0x78: {  	_ =	shalt  }
0x79: {  	_ =	shalt  }
0x7a: {  	_ =	shalt  }
0x7b: {  	_ =	shalt  }
0x7c: {  	_ =	shalt  }
0x7d: {  	_ =	shalt  }
0x7e: {  	_ =	shalt  }
0x7f: {  	_ =	shalt  }
0x80: {  	_ =	shalt  }
0x81: {  	_ =	shalt  }
0x82: {  	_ =	shalt  }
0x83: {  	_ =	shalt  }
0x84: {  	_ =	shalt  }
0x85: {  	_ =	shalt  }
0x86: {  	_ =	shalt  }
0x87: {  	_ =	shalt  }
.Lfunc_end0:
.L_simem_size_0:
called_computation_lowered:
.L_overlay_start_0:
0x88: {  	s2 =	sld [smem:$0x3FD9]  }
0x89: {  	s3 =	sld [smem:$0x3FFE];
	_ =	sdelay $0x1  }
0x8a: {  	s1 =	srdreg.scid  }
0x8b: {  	s0 =	sand.u32 $0x1, s1  }
0x8c: {  	s17 =	sshll.u32 s0, $0xA;
	s2 =	sadd.s32 s3, s2  }
0x8d: {  	s2 =	sadd.s32 s2, s17  }
0x8e: {  	[smem:$0x3FC0] =	sst s2  }
0x8f: {  	_ = 	snop  }
0x90: {  	s2 =	sld [smem:$0x3FD0];
	(tm) =	ssettm $0x1  }
0x91: {  	s18 =	sld [smem:$0x3FFB];
	_ =	sdelay $0x3  }
0x92: {  	_ =	strace s18  }
0x93: {  	s3 =	sld [smem:$0x3FFC];
	_ =	sdelay $0x3  }
0x94: {  	_ =	strace s3  }
0x95: {  	s3 =	sld [smem:$0x3FFD];
	_ =	sdelay $0x3  }
0x96: {  	_ =	strace s3  }
0x97: {  	_ =	strace $0x8FFFFFFF  }
0x98: {  	s19 =	sld [smem:$0x3FDB];
	_ =	sdelay $0x1  }
0x99: {  	s4 =	simm.s32 $_scs_section_size  }
0x9a: {  	s5 =	simm.s32 $_size__tile_overlayer_lowered;
	s6 =	simm.s32 $_tile_overlayer_lowered  }
0x9b: {  	s22 =	simm.s32 $0x1BFF;
	s21 =	sshll.u32 s6, $0x1;
	s3 =	sadd.s32 s4, s19  }
0x9c: {  	s7 =	simm.s32 $0x0;
	s20 =	sshll.u32 s5, $0x1;
	s5 =	sadd.s32 s21, s3  }
0x9d: {  	[timem:s7], [sflag:s22] =	dma.local [hbm:s5], s20  }
0x9e: {  	_ =	swait.ge [sflag:s22], s20  }
0x9f: {  	s4 =	ssub.s32 $0x0, s20;
	[sflag:s22] =	ssyncset.done $0x0  }
0xa0: {  	[sflag:s22] =	ssyncadd.s32 s4;
	_ =	sdelay $0x1  }
0xa1: {  	s23 =	simm.s32 $0x1B8B  }
0xa2: {  	_ =	swait.ge [sflag:s23], $0x1  }
0xa3: {  	[sflag:s23] =	ssyncset.done $0x0  }
0xa4: {  	s25 =	simm.s32 $0x1B8E;
	s24 =	sld [smem:$0x3FFE];
	[sflag:s23] =	ssyncadd.s32 $0xFFFFFFFF  }
0xa5: {  	s26 =	simm.s32 $execute0_lowered;
	[smem:$0x3FD2] =	sst s25  }
0xa6: {  	s5 =	sshll.u32 s26, $0x1;
	_ =	strace $0x80000046;
	[dreg:$0x1] =	wrdreg $0xFFFFFFFF  }
0xa7: {  	s28 =	simm.s32 $_size_execute0_lowered;
	s3 =	sadd.s32 s3, s5;
	[dreg:$0x0] =	wrdreg $0x0  }
0xa8: {  	s5 =	sshll.u32 s28, $0x1;
	[dreg:$0x2] =	wrdreg s3  }
0xa9: {  	[dreg:$0x3] =	wrdreg s5  }
0xaa: {  	[dreg:$0x4] =	wrdreg $0xC0  }
0xab: {  	_ =	task [dreg:s7], $0x5FFFF  }
0xac: {  	[dreg:$0x1] =	wrdreg $0xFFFFFFFF  }
0xad: {  	[dreg:$0x0] =	wrdreg $0x60  }
0xae: {  	[dreg:$0x2] =	wrdreg s2  }
0xaf: {  	[dreg:$0x3] =	wrdreg s24  }
0xb0: {  	[dreg:$0x4] =	wrdreg $0x7A000  }
0xb1: {  	[dreg:$0x5] =	wrdreg $0x9  }
0xb2: {  	_ =	task.clear_ibuf [dreg:s7], $0x6FFFF;
	_ =	strace $0x90000046  }
0xb3: {  	s29 =	simm.s32 $0x9;
	_ =	strace $0x80000048  }
0xb4: {  	_ =	swait.ge [sflag:s29], $0x1  }
0xb5: {  	[sflag:s29] =	ssyncadd.s32 $0xFFFFFFFF  }
0xb6: {  	_ =	strace $0x90000048  }
0xb7: {  	_ =	sfence  }
0xb8: {  	s30 =	sld [smem:$0x0];
	_ =	sdelay $0x2  }
0xb9: {  	s31 =	sshll.u32 s1, $0xD;
	s1 =	sshrl.u32 s1, $0x2  }
0xba: {  	s3 =	sand.u32 $0x4000, s31;
	s1 =	sadd.s32 s1, s30  }
0xbb: {  	s0 =	sor.u32 s3, s0;
	s1 =	sshll.u32 s1, $0x11  }
0xbc: {  	s0 =	sor.u32 s1, s0  }
0xbd: {  	s0 =	sadd.s32 $0x8F2B, s0  }
0xbe: {  	[sflag:s0] =	ssyncadd.remote.s32 $0x1  }
0xbf: {  	_ =	sfence.sel $0xFFFF  }
0xc0: {  	[dreg:$0x0] =	wrdreg $0xFFFFFFFF;
	(pc) =	sbr.abs _section_cstart, $3  }
0xc1: {  	[dreg:$0x1] =	wrdreg $0xFFFFFFFF  }
0xc2: {  	_ =	task.clear_ibuf [dreg:s7], $0x2FFFF;
	_ =	strace $0x9FFFFFFF  }
0xc3: {  	(tm) =	ssettm $0x7FFFFFFF  }
tec
execute0_lowered:
.L_overlay_start_1:
0x0: {  	(tag) =	ssettag $0x1  }
0x1: {  	s4 =	rddreg [dreg:$0x0]  }
0x2: {  	s5 =	rddreg [dreg:$0x1]  }
0x3: {  	s6 =	rddreg [dreg:$0x2]  }
0x4: {  	s0 =	rddreg [dreg:$0x3]  }
0x5: {  	s3 =	srdreg.scid;
	s1 =	stileid.u32;
	s2 =	simm.s32 $0x0  }
0x6: {  	s13 =	simm.s32 $0x1400;
	s14 =	simm.s32 $0x14000;
	s15 =	simm.s32 $0x4F80  }
0x7: {  	s16 =	simm.s32 $0x100;
	s17 =	simm.s32 $0x7780;
	s18 =	simm.s32 $0x0  }
0x8: {  	s7 =	sand.u32 $0x1, s3;
	s24 =	smul.u32 $0x500, s1;
	[smem:$0x7FF] =	sst s2  }
0x9: {  	s3 =	sadd.s32 $0x1E00, s5;
	s10 =	sshrl.u32 s1, $0x2;
	s26 =	sshll.u32 s1, $0x8  }
0xa: {  	s11 =	sshrl.u32 s1, $0x3;
	s30 =	smul.u32 $0x5000, s1;
	s31 =	sshll.u32 s1, $0x7  }
0xb: {  	s8 =	sshll.u32 s7, $0x7;
	_ =	strace $0x80000047;
	s25 =	smul.u32 $0x13C00, s10  }
0xc: {  	s7 =	ssub.s32 $0x2, s7;
	s10 =	sand.u32 $0x300, s26;
	s28 =	smul.u32 $0x50000, s11  }
0xd: {  	s11 =	simm.s32 $0x80;
	s9 =	sor.u32 s8, s24;
	s12 =	sshrl.u32 s7, $0x1  }
0xe: {  	s9 =	sshrl.u32 s9, $0x3;
	s29 =	ssub.s32 s7, s12;
	s7 =	sshrl.u32 s30, $0x2  }
0xf: {  	s12 =	simm.s32 $0x400;
	s9 =	sadd.s32 s9, s5;
	s5 =	sor.u32 s25, s10  }
0x10: {  	s10 =	sshrl.u32 s28, $0x2;
	s5 =	sor.u32 s8, s5;
	s8 =	sand.u32 $0x380, s31  }
0x11: {  	s10 =	sadd.s32 s10, s6;
	s6 =	sadd.s32 s7, s6;
	s5 =	sshrl.u32 s5, $0x3  }
0x12: {  	s7 =	sadd.s32 $0x2400, s9;
	s9 =	simm.s32 $0x2780;
	s4 =	sadd.s32 s4, s5  }
0x13: {  	v0 =	vimm.f32 $1.000000000e+00;
	s5 =	sadd.s32 s8, s10;
	s8 =	smax.u32 s29, $0x1;
	s10 =	simm.s32 $0x1  }
.LBB2_1:
0x14: {  	[tilespmem:s9], [sflag:$0x1] =	stream.linear.gather [hbm4b:s3+s2], $0x2800, $0x38;
	[tilespmem:$0xA200] =	vst v63  }
0x15: {  	_ =	swait.ge [sflag:s10], $0x2800  }
0x16: {  	[sflag:s10] =	ssyncset.done $0x0  }
0x17: {  	[sflag:s10] =	ssyncadd.s32 $0xFFFFD800  }
0x18: {  	[tilespmem:s2], [sflag:$0x1] =	stream.strided.gather [hbm4b:s4+s11], $0x2780, s12, s11, $0x38;
	[tilespmem:$0xA200] =	vst v63  }
0x19: {  	_ =	swait.ge [sflag:s10], $0x2780  }
0x1a: {  	[sflag:s10] =	ssyncset.done $0x0  }
0x1b: {  	s20 =	simm.s32 $0x0;
	s19 =	simm.s32 $0x40;
	[sflag:s10] =	ssyncadd.s32 $0xFFFFD880  }
.LBB2_2:
0x1c: {  	p0 =	sne.s32 s19, $0x9C00;
	v1 =	vld [tilespmem:s20+$0x0];
	_ =	sdelay $0x3  }
.Ltmp0:
0x1d: {  	(pc) =	sbr.rel @p0 .LBB2_2-.Ltmp0, $2  }
0x1e: {  	_ =	sdelay $0x2  }
0x1f: {  	s20 =	sshra.s32 s19, $0x2;
	s19 =	sadd.s32 $0x40, s19;
	[tilespmem:v1+s9+$0x0] =	vst.idx.add.f32.msk $0xffff, v0  }
0x20: {  	v1 =	vld [tilespmem:s20+$0x0];
	_ =	sdelay $0x7  }
0x21: {  	[tilespmem:v1+s9+$0x0] =	vst.idx.add.f32.msk $0xffff, v0  }
0x22: {  	[spmem:s5] =	stream.strided.scatter [tilespmem:s9], [sflag:$0x1], $0x2800, s12, s11, $0x38;
	[tilespmem:$0xA200] =	vst v63  }
0x23: {  	_ =	swait.ge [sflag:s10], $0x2800  }
0x24: {  	[sflag:s10] =	ssyncset.done $0x0  }
0x25: {  	[sflag:s10] =	ssyncadd.s32 $0xFFFFD800  }
0x26: {  	[bflag:$0x0] =	sbarrier.arrive $0xFFFF  }
0x27: {  	[tilespmem:s15], [sflag:$0x1] =	stream.strided.gather [spmem:s6], $0x2800, s14, s13, $0x38;
	[tilespmem:$0xA200] =	vst v63  }
0x28: {  	s19 =	simm.s32 $0x0;
	_ =	swait.ge [sflag:s10], $0x2800  }
0x29: {  	s30 =	sand.u32 $0x70, s19;
	s19 =	sand.u32 $0x1C00, s19;
	[sflag:s10] =	ssyncset.done $0x0  }
0x2a: {  	s19 =	sor.u32 s30, s19;
	[sflag:s10] =	ssyncadd.s32 $0xFFFFD800  }
0x2b: {  	v1 =	vld [tilespmem:s19+$0x5000]  }
0x2c: {  	v2 =	vld [tilespmem:s19+$0x4F80];
	_ =	sdelay $0x1  }
0x2d: {  	v3 =	vld [tilespmem:s19+$0x5080];
	_ =	sdelay $0x1  }
0x2e: {  	v4 =	vld [tilespmem:s19+$0x5100]  }
0x2f: {  	v1 =	vadd.f32 v1, v2  }
0x30: {  	v2 =	vld [tilespmem:s19+$0x5180]  }
0x31: {  	v1 =	vadd.f32 v3, v1  }
0x32: {  	v3 =	vld [tilespmem:s19+$0x5200]  }
0x33: {  	v1 =	vadd.f32 v4, v1  }
0x34: {  	v60 =	vld [tilespmem:s19+$0x5280]  }
0x35: {  	v1 =	vadd.f32 v2, v1  }
0x36: {  	v2 =	vld [tilespmem:s19+$0x5300]  }
0x37: {  	v1 =	vadd.f32 v3, v1  }
0x38: {  	v3 =	vld [tilespmem:s19+$0x6380]  }
0x39: {  	v1 =	vadd.f32 v60, v1  }
0x3a: {  	v61 =	vld [tilespmem:s19+$0x6400]  }
0x3b: {  	v1 =	vadd.f32 v2, v1  }
0x3c: {  	v2 =	vld [tilespmem:s19+$0x6480]  }
0x3d: {  	v1 =	vadd.f32 v3, v1  }
0x3e: {  	v3 =	vld [tilespmem:s19+$0x6500]  }
0x3f: {  	v1 =	vadd.f32 v61, v1  }
0x40: {  	v62 =	vld [tilespmem:s19+$0x6580]  }
0x41: {  	v1 =	vadd.f32 v2, v1  }
0x42: {  	v2 =	vld [tilespmem:s19+$0x6600]  }
0x43: {  	v1 =	vadd.f32 v3, v1  }
0x44: {  	v3 =	vld [tilespmem:s19+$0x6680]  }
0x45: {  	v1 =	vadd.f32 v62, v1  }
0x46: {  	v63 =	vld [tilespmem:s19+$0x6700]  }
0x47: {  	v1 =	vadd.f32 v2, v1;
	_ =	sdelay $0x1  }
0x48: {  	v1 =	vadd.f32 v3, v1;
	_ =	sdelay $0x1  }
0x49: {  	s31 =	simm.s32 $0x10;
	s21 =	simm.s32 $0x80;
	v1 =	vadd.f32 v63, v1  }
0x4a: {  	s20 =	sand.u32 $0x70, s31;
	s22 =	sand.u32 $0x1C00, s21;
	s19 =	simm.s32 $0x7780  }
0x4b: {  	s20 =	sor.u32 s20, s22;
	s22 =	simm.s32 $0x20;
	[tilespmem:s19+$0x0] =	vst v1  }
.LBB2_4:
0x4c: {  	p0 =	sne.s32 s22, $0x270;
	v1 =	vld [tilespmem:s20+$0x5000]  }
0x4d: {  	v2 =	vld [tilespmem:s20+$0x4F80];
	_ =	sdelay $0x1  }
0x4e: {  	v3 =	vld [tilespmem:s20+$0x5080];
	_ =	sdelay $0x1  }
0x4f: {  	v4 =	vld [tilespmem:s20+$0x5100]  }
0x50: {  	v1 =	vadd.f32 v1, v2  }
0x51: {  	v2 =	vld [tilespmem:s20+$0x5180]  }
0x52: {  	v1 =	vadd.f32 v3, v1  }
0x53: {  	v3 =	vld [tilespmem:s20+$0x5200]  }
0x54: {  	v1 =	vadd.f32 v4, v1  }
0x55: {  	v4 =	vld [tilespmem:s20+$0x5280]  }
0x56: {  	v1 =	vadd.f32 v2, v1  }
0x57: {  	v2 =	vld [tilespmem:s20+$0x5300]  }
0x58: {  	v1 =	vadd.f32 v3, v1  }
0x59: {  	v3 =	vld [tilespmem:s20+$0x6380]  }
0x5a: {  	v1 =	vadd.f32 v4, v1  }
0x5b: {  	v4 =	vld [tilespmem:s20+$0x6400]  }
0x5c: {  	v1 =	vadd.f32 v2, v1  }
0x5d: {  	v2 =	vld [tilespmem:s20+$0x6480]  }
0x5e: {  	v1 =	vadd.f32 v3, v1  }
0x5f: {  	v3 =	vld [tilespmem:s20+$0x6500]  }
0x60: {  	v1 =	vadd.f32 v4, v1  }
0x61: {  	v4 =	vld [tilespmem:s20+$0x6580]  }
0x62: {  	v1 =	vadd.f32 v2, v1  }
0x63: {  	v2 =	vld [tilespmem:s20+$0x6600]  }
0x64: {  	v1 =	vadd.f32 v3, v1  }
0x65: {  	v3 =	vld [tilespmem:s20+$0x6680]  }
0x66: {  	v1 =	vadd.f32 v4, v1  }
0x67: {  	v4 =	vld [tilespmem:s20+$0x6700]  }
0x68: {  	v1 =	vadd.f32 v2, v1;
	_ =	sdelay $0x1  }
.Ltmp1:
0x69: {  	v1 =	vadd.f32 v3, v1;
	(pc) =	sbr.rel @p0 .LBB2_4-.Ltmp1, $4  }
0x6a: {  	_ = 	snop  }
0x6b: {  	s21 =	sadd.s32 $0x80, s21;
	v1 =	vadd.f32 v4, v1  }
0x6c: {  	s19 =	sadd.s32 $0x10, s19;
	s23 =	sand.u32 $0x1C00, s21;
	s20 =	sand.u32 $0x70, s22  }
0x6d: {  	s22 =	sadd.s32 $0x10, s22;
	s20 =	sor.u32 s20, s23;
	[tilespmem:s19+$0x0] =	vst v1  }
0x6e: {  	v1 =	vld [tilespmem:s20+$0x5000]  }
0x6f: {  	v2 =	vld [tilespmem:s20+$0x4F80];
	_ =	sdelay $0x1  }
0x70: {  	v3 =	vld [tilespmem:s20+$0x5080];
	_ =	sdelay $0x1  }
0x71: {  	v4 =	vld [tilespmem:s20+$0x5100]  }
0x72: {  	v1 =	vadd.f32 v1, v2  }
0x73: {  	v2 =	vld [tilespmem:s20+$0x5180]  }
0x74: {  	v1 =	vadd.f32 v3, v1  }
0x75: {  	v3 =	vld [tilespmem:s20+$0x5200]  }
0x76: {  	v1 =	vadd.f32 v4, v1  }
0x77: {  	v60 =	vld [tilespmem:s20+$0x5280]  }
0x78: {  	v1 =	vadd.f32 v2, v1  }
0x79: {  	v2 =	vld [tilespmem:s20+$0x5300]  }
0x7a: {  	v1 =	vadd.f32 v3, v1  }
0x7b: {  	v3 =	vld [tilespmem:s20+$0x6380]  }
0x7c: {  	v1 =	vadd.f32 v60, v1  }
0x7d: {  	v61 =	vld [tilespmem:s20+$0x6400]  }
0x7e: {  	v1 =	vadd.f32 v2, v1  }
0x7f: {  	v2 =	vld [tilespmem:s20+$0x6480]  }
0x80: {  	v1 =	vadd.f32 v3, v1  }
0x81: {  	v3 =	vld [tilespmem:s20+$0x6500]  }
0x82: {  	v1 =	vadd.f32 v61, v1  }
0x83: {  	v62 =	vld [tilespmem:s20+$0x6580]  }
0x84: {  	v1 =	vadd.f32 v2, v1  }
0x85: {  	v2 =	vld [tilespmem:s20+$0x6600]  }
0x86: {  	v1 =	vadd.f32 v3, v1  }
0x87: {  	v3 =	vld [tilespmem:s20+$0x6680]  }
0x88: {  	v1 =	vadd.f32 v62, v1  }
0x89: {  	v63 =	vld [tilespmem:s20+$0x6700]  }
0x8a: {  	v1 =	vadd.f32 v2, v1;
	_ =	sdelay $0x1  }
0x8b: {  	v1 =	vadd.f32 v3, v1;
	_ =	sdelay $0x1  }
0x8c: {  	s18 =	sadd.s32 $0x1, s18;
	v1 =	vadd.f32 v63, v1  }
0x8d: {  	s19 =	sadd.s32 $0x10, s19;
	p0 =	sne.s32 s18, s8  }
.Ltmp2:
0x8e: {  	[tilespmem:s19+$0x0] =	vst v1;
	(pc) =	sbr.rel @p0 .LBB2_1-.Ltmp2, $4  }
0x8f: {  	[hbm4b:s7+s11] =	stream.strided.scatter [tilespmem:s17], [sflag:$0x1], $0x280, s16, s11, $0x38;
	[tilespmem:$0xA200] =	vst v63  }
0x90: {  	_ =	swait.ge [sflag:s10], $0x280  }
0x91: {  	[sflag:s10] =	ssyncset.done $0x0  }
0x92: {  	[sflag:s10] =	ssyncadd.s32 $0xFFFFFD80  }
0x93: {  	_ =	sfence.sel $0x180000  }
0x94: {  	[bflag:$0x0] =	sbarrier.arrive $0xFFFF  }
0x95: {  	p0 =	sne.s32 s1, $0x0;
	_ =	strace $0x90000047  }
0x96: {  	s0 =	sadd.s32 @!p0 $0x100000, s0;
	[bflag:$0x2] =	sbarrier.arrive $0xFFFF  }
0x97: {  	[sflag:s0] =	ssyncadd.tile.s32 @!p0 $0x1;
	_ =	shalt  }
.Lfunc_end2:
_tile_overlayer_lowered:
.L_overlay_start_2:
0x98: {  	(tag) =	ssettag $0x2  }
0x99: {  	s0 =	rddreg [dreg:$0x0];
	s2 =	stileid.u32  }
0x9a: {  	s1 =	rddreg [dreg:$0x1];
	p0 =	sne.s32 s2, $0x0  }
0x9b: {  	s3 =	rddreg [dreg:$0x2];
	[bflag:$0x3] =	sbarrier.arrive $0xFFFF;
	s2 =	simm.s32 @!p0 $0x1C01  }
0x9c: {  	[timem:s3], [sflag:s2] =	dma.local @!p0 [hbm:s0], s1  }
0x9d: {  	s0 =	simm.s32 @!p0 $0x1  }
0x9e: {  	_ =	swait.ge @!p0 [sflag:s0], s1  }
0x9f: {  	s1 =	ssub.s32 @!p0 $0x0, s1;
	[sflag:s0] =	ssyncset.done @!p0 $0x0  }
0xa0: {  	[sflag:s0] =	ssyncadd.s32 @!p0 s1  }
0xa1: {  	[bflag:$0x3] =	sbarrier.arrive $0xFFFF  }
0xa2: {  	_ =	shalt  }

</sc_bundles>
